<compile_context>
chip_gen: v7x
topology: tpu7x:2x2x1
jax: 0.10.2.dev20260603
libtpu: 0.0.44.dev20260713+nightly
codegen_flags: <defaults>
</compile_context>

<pallas_src>
import jax
import jax.numpy as jnp
from jax import lax
from jax.experimental import pallas as pl
from jax.experimental.pallas import tpu as pltpu
from jax.experimental.pallas import tpu_sc as plsc

N = 10000
D = 128
E = 320000

NC = 2
NS = 16
NW = NC * NS
EPW = E // NW
CH = 128
NB = EPW // CH
TAIL = EPW - NB * CH
RPT = 640
NPAD = RPT * NS


def _make_sc_agg(with_deg: bool):
    mesh = plsc.VectorSubcoreMesh(core_axis_name="c", subcore_axis_name="s")
    out_type = [jax.ShapeDtypeStruct((NC, NPAD, D), jnp.float32)]
    scratch_types = (
        [pltpu.VMEM((CH,), jnp.int32)] * 3
        + [pltpu.VMEM((CH,), jnp.int32)] * 3
        + [pltpu.VMEM((CH, D), jnp.float32)] * 2
        + [pltpu.VMEM((TAIL,), jnp.int32)] * 2
        + [pltpu.VMEM((TAIL, D), jnp.float32)]
        + [pltpu.VMEM_SHARED((NPAD, D), jnp.float32)]
        + [pltpu.SemaphoreType.DMA] * 11
    )
    if with_deg:
        out_type.append(jax.ShapeDtypeStruct((NW, NPAD), jnp.float32))
        scratch_types = scratch_types + [pltpu.VMEM((NPAD,), jnp.float32)]

    def body(*refs):
        if with_deg:
            (feats, srcr, dstr, zfeat, agg_out, deg_out, *rest) = refs
        else:
            (feats, srcr, dstr, zfeat, agg_out, *rest) = refs
        (s0, s1, s2, d0, d1, d2, r0_, r1_, sidxT, didxT, rowsT, agg_sh,
         sg0, sg1, ss0, ss1, si0, si1, si2, sd0, sd1, sd2, sT,
         *degrest) = rest
        sx = (s0, s1, s2)
        dx = (d0, d1, d2)
        rx = (r0_, r1_)
        sg = (sg0, sg1)
        ss = (ss0, ss1)
        si = (si0, si1, si2)
        sd = (sd0, sd1, sd2)
        deg_v = degrest[0] if with_deg else None
        c = lax.axis_index("c")
        s = lax.axis_index("s")
        wid = s * NC + c
        base = wid * EPW
        r0 = s * RPT

        pltpu.sync_copy(zfeat.at[pl.ds(r0, RPT)], agg_sh.at[pl.ds(r0, RPT)])
        if with_deg:
            def zdeg(j, carry):
                deg_v[pl.ds(j * 16, 16)] = jnp.zeros((16,), jnp.float32)
                return carry

            lax.fori_loop(0, NPAD // 16, zdeg, 0)
        plsc.subcore_barrier()

        ones16 = jnp.full((16,), 1.0, jnp.float32)

        def start_idx(ck, b):
            off = jnp.minimum(base + ck * CH, E - CH)
            pltpu.async_copy(srcr.at[pl.ds(off, CH)], sx[b], si[b])
            pltpu.async_copy(dstr.at[pl.ds(off, CH)], dx[b], sd[b])

        def wait_idx(b):
            pltpu.make_async_copy(srcr.at[pl.ds(0, CH)], sx[b], si[b]).wait()
            pltpu.make_async_copy(dstr.at[pl.ds(0, CH)], dx[b], sd[b]).wait()

        def wait_rows_bytes(b, sem):
            pltpu.make_async_copy(zfeat.at[pl.ds(0, CH)], rx[b], sem).wait()

        def deg_update(b):
            if with_deg:
                for j in range(CH // 16):
                    dv = dx[b][pl.ds(j * 16, 16)]
                    plsc.addupdate_scatter(deg_v, [dv], ones16)

        def step(ck, br, bi, first=False):
            br1 = 1 - br
            bi1 = (bi + 1) % 3
            bi2 = (bi + 2) % 3
            wait_rows_bytes(br, sg[br])
            pltpu.async_copy(rx[br], agg_sh.at[dx[bi]], ss[br], add=True)
            if not first:
                wait_rows_bytes(br1, ss[br1])
            wait_idx(bi1)
            pltpu.async_copy(feats.at[sx[bi1]], rx[br1], sg[br1])
            deg_update(bi)
            start_idx(ck + 2, bi2)

        start_idx(0, 0)
        wait_idx(0)
        pltpu.async_copy(feats.at[sx[0]], rx[0], sg[0])
        start_idx(1, 1)

        step(0, 0, 0, first=True)
        for q in range(1, 6):
            step(q, q % 2, q % 3)

        def six(p, carry):
            ck = 6 * p + 6
            for q in range(6):
                step(ck + q, q % 2, q % 3)
            return carry

        lax.fori_loop(0, (NB - 6) // 6, six, 0)

        wait_rows_bytes(NB % 2, sg[NB % 2])
        wait_rows_bytes((NB - 1) % 2, ss[(NB - 1) % 2])
        wait_idx((NB + 1) % 3)

        offT = base + NB * CH
        pltpu.sync_copy(srcr.at[pl.ds(offT, TAIL)], sidxT)
        pltpu.sync_copy(dstr.at[pl.ds(offT, TAIL)], didxT)
        pltpu.async_copy(feats.at[sidxT], rowsT, sT).wait()
        pltpu.sync_copy(rowsT, agg_sh.at[didxT], add=True)
        if with_deg:
            plsc.addupdate_scatter(deg_v, [didxT[...]], ones16)

        plsc.subcore_barrier()

        pltpu.sync_copy(agg_sh.at[pl.ds(r0, RPT)], agg_out.at[c, pl.ds(r0, RPT)])
        if with_deg:
            pltpu.sync_copy(deg_v, deg_out.at[wid])

    return pl.kernel(
        body, out_type=out_type, mesh=mesh, scratch_types=scratch_types,
        compiler_params=pltpu.CompilerParams(needs_layout_passes=False))


_sc_agg_deg = _make_sc_agg(with_deg=True)
_sc_agg = _make_sc_agg(with_deg=False)

BR = 1024


def _tc_self(h, W_self, b):
    def body(h_ref, ws_ref, b_ref, out_ref):
        out_ref[...] = jnp.dot(
            h_ref[...], ws_ref[...], preferred_element_type=jnp.float32
        ) + b_ref[...]

    return pl.pallas_call(
        body,
        grid=(NPAD // BR,),
        in_specs=[
            pl.BlockSpec((BR, D), lambda i: (i, 0)),
            pl.BlockSpec((D, D), lambda i: (0, 0)),
            pl.BlockSpec((1, D), lambda i: (0, 0)),
        ],
        out_specs=pl.BlockSpec((BR, D), lambda i: (i, 0)),
        out_shape=jax.ShapeDtypeStruct((N, D), jnp.float32),
    )(h, W_self, b.reshape(1, D))


def _tc_combine(hs, aggp, degp, W_neigh):
    def body(hs_ref, aggp_ref, degp_ref, wn_ref, out_ref):
        agg = aggp_ref[0] + aggp_ref[1]
        deg = jnp.sum(degp_ref[...], axis=0)
        hn = agg * (1.0 / jnp.maximum(deg, 1.0))[:, None]
        out_ref[...] = hs_ref[...] + jnp.dot(
            hn, wn_ref[...], preferred_element_type=jnp.float32)

    return pl.pallas_call(
        body,
        grid=(NPAD // BR,),
        in_specs=[
            pl.BlockSpec((BR, D), lambda i: (i, 0)),
            pl.BlockSpec((NC, BR, D), lambda i: (0, i, 0)),
            pl.BlockSpec((NW, BR), lambda i: (0, i)),
            pl.BlockSpec((D, D), lambda i: (0, 0)),
        ],
        out_specs=pl.BlockSpec((BR, D), lambda i: (i, 0)),
        out_shape=jax.ShapeDtypeStruct((N, D), jnp.float32),
    )(hs, aggp, degp, W_neigh)


def kernel(feats, edge_index, W_self1, W_neigh1, b1, W_self2, W_neigh2, b2):
    src = edge_index[0].astype(jnp.int32)
    dst = edge_index[1].astype(jnp.int32)
    zfeat = jnp.zeros((NPAD, D), jnp.float32)

    aggp1, degp = _sc_agg_deg(feats, src, dst, zfeat)
    hs1 = _tc_self(feats, W_self1, b1)
    h1 = _tc_combine(hs1, aggp1, degp, W_neigh1)
    (aggp2,) = _sc_agg(h1, src, dst, zfeat)
    hs2 = _tc_self(h1, W_self2, b2)
    return _tc_combine(hs2, aggp2, degp, W_neigh2)

# --- scband reference (transcript-rebuilt; emitter-appended) ---
"""Pipeline reference for scband-graph-sage-50792283243093 (READ-ONLY COPY).

The authoritative reference and input builder live on the scoring server;
editing this copy changes nothing except your own understanding.
"""

import jax, jax.numpy as jnp
import numpy as np

N = 10000
E = 320000
D = 128


def setup_inputs(seed: int = 0) -> dict:
    key = jax.random.key(seed)
    ks = jax.random.split(key, 10)
    feats = jax.random.normal(ks[0], (N, D), dtype=jnp.float32)
    src = jax.random.randint(ks[1], (E,), 0, N, dtype=jnp.int64)
    dst = jax.random.randint(ks[2], (E,), 0, N, dtype=jnp.int64)
    edge_index = jnp.stack([src, dst], axis=0)
    s = 1.0 / np.sqrt(D)
    W_self1 = jax.random.uniform(ks[3], (D, D), jnp.float32, -s, s)
    W_neigh1 = jax.random.uniform(ks[4], (D, D), jnp.float32, -s, s)
    b1 = jnp.zeros((D,), jnp.float32)
    W_self2 = jax.random.uniform(ks[5], (D, D), jnp.float32, -s, s)
    W_neigh2 = jax.random.uniform(ks[6], (D, D), jnp.float32, -s, s)
    b2 = jnp.zeros((D,), jnp.float32)
    return {"feats": feats, "edge_index": edge_index,
            "W_self1": W_self1, "W_neigh1": W_neigh1, "b1": b1,
            "W_self2": W_self2, "W_neigh2": W_neigh2, "b2": b2}


def _sage_conv(h, src, dst, n_nodes, W_self, W_neigh, b):
    # DGL SAGEConv with 'mean' aggregator:
    #   h_neigh = mean over incoming-edge messages; rst = fc_self(h) + fc_neigh(h_neigh) + bias
    msg = jnp.take(h, src, axis=0)                                  # gather [E, D]
    agg = jax.ops.segment_sum(msg, dst, num_segments=n_nodes)      # scatter-add [N, D]
    deg = jax.ops.segment_sum(jnp.ones((msg.shape[0],), h.dtype), dst, num_segments=n_nodes)
    h_neigh = agg / jnp.maximum(deg, 1.0)[:, None]
    return h @ W_self + h_neigh @ W_neigh + b


def reference(feats, edge_index, W_self1, W_neigh1, b1, W_self2, W_neigh2, b2):
    n_nodes = feats.shape[0]
    src = edge_index[0]
    dst = edge_index[1]
    # norm_nodes=None -> GraphNorm is identity; activation=None; edge_weight=None
    h = _sage_conv(feats, src, dst, n_nodes, W_self1, W_neigh1, b1)
    h = _sage_conv(h, src, dst, n_nodes, W_self2, W_neigh2, b2)
    return h

if __name__ == "__main__":
    import jax
    _d = setup_inputs()
    print(jax.jit(kernel)(*tuple(_d.values())))

</pallas_src>

<mosaic_0001>
#map = affine_map<(d0, d1) -> (0, 0)>
#map1 = affine_map<(d0, d1) -> (0)>
#map2 = affine_map<(d0, d1) -> (0, 0, 0)>
module attributes {stable_mosaic.version = 14 : i64} {
  func.func @body(%arg0: i32, %arg1: i32, %arg2: memref<10000x128xf32, #tpu.memory_space<hbm>>, %arg3: memref<320000xi32, #tpu.memory_space<hbm>>, %arg4: memref<320000xi32, #tpu.memory_space<hbm>>, %arg5: memref<10240x128xf32, #tpu.memory_space<hbm>>, %arg6: memref<2x10240x128xf32, #tpu.memory_space<hbm>>, %arg7: memref<128xi32, #tpu.memory_space<vmem>>, %arg8: memref<128xi32, #tpu.memory_space<vmem>>, %arg9: memref<128xi32, #tpu.memory_space<vmem>>, %arg10: memref<128xi32, #tpu.memory_space<vmem>>, %arg11: memref<128xi32, #tpu.memory_space<vmem>>, %arg12: memref<128xi32, #tpu.memory_space<vmem>>, %arg13: memref<128x128xf32, #tpu.memory_space<vmem>>, %arg14: memref<128x128xf32, #tpu.memory_space<vmem>>, %arg15: memref<16xi32, #tpu.memory_space<vmem>>, %arg16: memref<16xi32, #tpu.memory_space<vmem>>, %arg17: memref<16x128xf32, #tpu.memory_space<vmem>>, %arg18: memref<10240x128xf32, #tpu.memory_space<vmem_shared>>, %arg19: memref<!tpu.dma_semaphore, #tpu.memory_space<semaphore_mem>>, %arg20: memref<!tpu.dma_semaphore, #tpu.memory_space<semaphore_mem>>, %arg21: memref<!tpu.dma_semaphore, #tpu.memory_space<semaphore_mem>>, %arg22: memref<!tpu.dma_semaphore, #tpu.memory_space<semaphore_mem>>, %arg23: memref<!tpu.dma_semaphore, #tpu.memory_space<semaphore_mem>>, %arg24: memref<!tpu.dma_semaphore, #tpu.memory_space<semaphore_mem>>, %arg25: memref<!tpu.dma_semaphore, #tpu.memory_space<semaphore_mem>>, %arg26: memref<!tpu.dma_semaphore, #tpu.memory_space<semaphore_mem>>, %arg27: memref<!tpu.dma_semaphore, #tpu.memory_space<semaphore_mem>>, %arg28: memref<!tpu.dma_semaphore, #tpu.memory_space<semaphore_mem>>, %arg29: memref<!tpu.dma_semaphore, #tpu.memory_space<semaphore_mem>>) attributes {dimension_semantics = [#tpu.dimension_semantics<core_parallel>, #tpu.dimension_semantics<subcore_parallel>], iteration_bounds = array<i64: 2, 16>, scalar_prefetch = 0 : i64, scratch_operands = 23 : i64, tpu.core_type = #tpu.core_type<sc_vector_subcore>, window_params = [{transform_indices = #map}, {transform_indices = #map1}, {transform_indices = #map1}, {transform_indices = #map}, {transform_indices = #map2}]} {
    %mul3A = arith.constant 2 : i32
    %mul3A_0 = arith.muli %arg1, %mul3A : i32
    %add3A = arith.addi %mul3A_0, %arg0 : i32
    %mul3A_1 = arith.constant 10000 : i32
    %mul3A_2 = arith.muli %add3A, %mul3A_1 : i32
    %mul3A_3 = arith.constant 640 : i32
    %mul3A_4 = arith.muli %arg1, %mul3A_3 : i32
    "tpu.region"() ({
      %run_scoped3A = tpu.sem_alloc : memref<!tpu.dma_semaphore, #tpu.memory_space<semaphore_mem>>
      %dma_start3A_262 = arith.constant 0 : i32
      %dma_start3A_263 = tpu.memref_slice %arg18[%mul3A_4, %dma_start3A_262] : memref<10240x128xf32, #tpu.memory_space<vmem_shared>> -> memref<640x128xf32, #tpu.memory_space<vmem_shared>>
      %dma_start3A_264 = arith.constant 0 : i32
      %dma_start3A_265 = tpu.memref_slice %arg5[%mul3A_4, %dma_start3A_264] : memref<10240x128xf32, #tpu.memory_space<hbm>> -> memref<640x128xf32, #tpu.memory_space<hbm>>
      tpu.enqueue_dma source(%dma_start3A_265 : memref<640x128xf32, #tpu.memory_space<hbm>>) target(%dma_start3A_263 : memref<640x128xf32, #tpu.memory_space<vmem_shared>>) target_semaphore(%run_scoped3A : memref<!tpu.dma_semaphore, #tpu.memory_space<semaphore_mem>>)
      %dma_wait3A_266 = arith.constant 0 : i32
      %dma_wait3A_267 = tpu.memref_slice %arg18[%mul3A_4, %dma_wait3A_266] : memref<10240x128xf32, #tpu.memory_space<vmem_shared>> -> memref<640x128xf32, #tpu.memory_space<vmem_shared>>
      %dma_wait3A_268 = arith.constant 0 : i32
      %dma_wait3A_269 = tpu.memref_slice %arg5[%mul3A_4, %dma_wait3A_268] : memref<10240x128xf32, #tpu.memory_space<hbm>> -> memref<640x128xf32, #tpu.memory_space<hbm>>
      tpu.wait_dma2 semaphore(%run_scoped3A : memref<!tpu.dma_semaphore, #tpu.memory_space<semaphore_mem>>) src(%dma_wait3A_269 : memref<640x128xf32, #tpu.memory_space<hbm>>) dst(%dma_wait3A_267 : memref<640x128xf32, #tpu.memory_space<vmem_shared>>)
      tpu.yield
    }) : () -> ()
    %barrier3A = arith.constant 0 : index
    tpu.barrier barrier_id(%barrier3A)
    %broadcast_in_dim3A = arith.constant 1.000000e+00 : f32
    %broadcast_in_dim3A_5 = vector.broadcast %broadcast_in_dim3A : f32 to vector<16xf32>
    %add3A_6 = arith.constant 0 : i32
    %add3A_7 = arith.addi %mul3A_2, %add3A_6 : i32
    %min3A = arith.constant 319872 : i32
    %min3A_8 = arith.minsi %add3A_7, %min3A : i32
    %dma_start3A = tpu.memref_slice %arg3[%min3A_8] : memref<320000xi32, #tpu.memory_space<hbm>> -> memref<128xi32, #tpu.memory_space<hbm>>
    %dma_start3A_9 = tpu.memref_slice %arg3[%min3A_8] : memref<320000xi32, #tpu.memory_space<hbm>> -> memref<128xi32, #tpu.memory_space<hbm>>
    tpu.enqueue_dma source(%dma_start3A_9 : memref<128xi32, #tpu.memory_space<hbm>>) target(%arg7 : memref<128xi32, #tpu.memory_space<vmem>>) target_semaphore(%arg23 : memref<!tpu.dma_semaphore, #tpu.memory_space<semaphore_mem>>)
    %dma_start3A_10 = tpu.memref_slice %arg4[%min3A_8] : memref<320000xi32, #tpu.memory_space<hbm>> -> memref<128xi32, #tpu.memory_space<hbm>>
    %dma_start3A_11 = tpu.memref_slice %arg4[%min3A_8] : memref<320000xi32, #tpu.memory_space<hbm>> -> memref<128xi32, #tpu.memory_space<hbm>>
    tpu.enqueue_dma source(%dma_start3A_11 : memref<128xi32, #tpu.memory_space<hbm>>) target(%arg10 : memref<128xi32, #tpu.memory_space<vmem>>) target_semaphore(%arg26 : memref<!tpu.dma_semaphore, #tpu.memory_space<semaphore_mem>>)
    %dma_wait3A = arith.constant 0 : i32
    %dma_wait3A_12 = tpu.memref_slice %arg3[%dma_wait3A] : memref<320000xi32, #tpu.memory_space<hbm>> -> memref<128xi32, #tpu.memory_space<hbm>>
    %dma_wait3A_13 = arith.constant 0 : i32
    %dma_wait3A_14 = tpu.memref_slice %arg3[%dma_wait3A_13] : memref<320000xi32, #tpu.memory_space<hbm>> -> memref<128xi32, #tpu.memory_space<hbm>>
    tpu.wait_dma2 semaphore(%arg23 : memref<!tpu.dma_semaphore, #tpu.memory_space<semaphore_mem>>) src(%dma_wait3A_14 : memref<128xi32, #tpu.memory_space<hbm>>) dst(%arg7 : memref<128xi32, #tpu.memory_space<vmem>>)
    %dma_wait3A_15 = arith.constant 0 : i32
    %dma_wait3A_16 = tpu.memref_slice %arg4[%dma_wait3A_15] : memref<320000xi32, #tpu.memory_space<hbm>> -> memref<128xi32, #tpu.memory_space<hbm>>
    %dma_wait3A_17 = arith.constant 0 : i32
    %dma_wait3A_18 = tpu.memref_slice %arg4[%dma_wait3A_17] : memref<320000xi32, #tpu.memory_space<hbm>> -> memref<128xi32, #tpu.memory_space<hbm>>
    tpu.wait_dma2 semaphore(%arg26 : memref<!tpu.dma_semaphore, #tpu.memory_space<semaphore_mem>>) src(%dma_wait3A_18 : memref<128xi32, #tpu.memory_space<hbm>>) dst(%arg10 : memref<128xi32, #tpu.memory_space<vmem>>)
    %dma_start3A_19 = arith.constant 0 : i32
    %dma_start3A_20 = arith.constant 0 : i32
    %dma_start3A_21 = tpu.memref_slice %arg2[%dma_start3A_19, %dma_start3A_20] : memref<10000x128xf32, #tpu.memory_space<hbm>> -> memref<10000x128xf32, #tpu.memory_space<hbm>>
    tpu.enqueue_indirect_dma source(%dma_start3A_21 : memref<10000x128xf32, #tpu.memory_space<hbm>>) target(%arg13 : memref<128x128xf32, #tpu.memory_space<vmem>>) offsets(%arg7 : memref<128xi32, #tpu.memory_space<vmem>>) semaphore(%arg19 : memref<!tpu.dma_semaphore, #tpu.memory_space<semaphore_mem>>)
    %add3A_22 = arith.constant 128 : i32
    %add3A_23 = arith.addi %mul3A_2, %add3A_22 : i32
    %min3A_24 = arith.constant 319872 : i32
    %min3A_25 = arith.minsi %add3A_23, %min3A_24 : i32
    %dma_start3A_26 = tpu.memref_slice %arg3[%min3A_25] : memref<320000xi32, #tpu.memory_space<hbm>> -> memref<128xi32, #tpu.memory_space<hbm>>
    %dma_start3A_27 = tpu.memref_slice %arg3[%min3A_25] : memref<320000xi32, #tpu.memory_space<hbm>> -> memref<128xi32, #tpu.memory_space<hbm>>
    tpu.enqueue_dma source(%dma_start3A_27 : memref<128xi32, #tpu.memory_space<hbm>>) target(%arg8 : memref<128xi32, #tpu.memory_space<vmem>>) target_semaphore(%arg24 : memref<!tpu.dma_semaphore, #tpu.memory_space<semaphore_mem>>)
    %dma_start3A_28 = tpu.memref_slice %arg4[%min3A_25] : memref<320000xi32, #tpu.memory_space<hbm>> -> memref<128xi32, #tpu.memory_space<hbm>>
    %dma_start3A_29 = tpu.memref_slice %arg4[%min3A_25] : memref<320000xi32, #tpu.memory_space<hbm>> -> memref<128xi32, #tpu.memory_space<hbm>>
    tpu.enqueue_dma source(%dma_start3A_29 : memref<128xi32, #tpu.memory_space<hbm>>) target(%arg11 : memref<128xi32, #tpu.memory_space<vmem>>) target_semaphore(%arg27 : memref<!tpu.dma_semaphore, #tpu.memory_space<semaphore_mem>>)
    %dma_wait3A_30 = arith.constant 0 : i32
    %dma_wait3A_31 = arith.constant 0 : i32
    %dma_wait3A_32 = tpu.memref_slice %arg5[%dma_wait3A_30, %dma_wait3A_31] : memref<10240x128xf32, #tpu.memory_space<hbm>> -> memref<128x128xf32, #tpu.memory_space<hbm>>
    %dma_wait3A_33 = arith.constant 0 : i32
    %dma_wait3A_34 = arith.constant 0 : i32
    %dma_wait3A_35 = tpu.memref_slice %arg5[%dma_wait3A_33, %dma_wait3A_34] : memref<10240x128xf32, #tpu.memory_space<hbm>> -> memref<128x128xf32, #tpu.memory_space<hbm>>
    tpu.wait_dma2 semaphore(%arg19 : memref<!tpu.dma_semaphore, #tpu.memory_space<semaphore_mem>>) src(%dma_wait3A_35 : memref<128x128xf32, #tpu.memory_space<hbm>>) dst(%arg13 : memref<128x128xf32, #tpu.memory_space<vmem>>)
    %dma_start3A_36 = arith.constant 0 : i32
    %dma_start3A_37 = arith.constant 0 : i32
    %dma_start3A_38 = tpu.memref_slice %arg18[%dma_start3A_36, %dma_start3A_37] : memref<10240x128xf32, #tpu.memory_space<vmem_shared>> -> memref<10240x128xf32, #tpu.memory_space<vmem_shared>>
    tpu.enqueue_indirect_dma source(%arg13 : memref<128x128xf32, #tpu.memory_space<vmem>>) target(%dma_start3A_38 : memref<10240x128xf32, #tpu.memory_space<vmem_shared>>) offsets(%arg10 : memref<128xi32, #tpu.memory_space<vmem>>) semaphore(%arg21 : memref<!tpu.dma_semaphore, #tpu.memory_space<semaphore_mem>>) {add = true}
    %dma_wait3A_39 = arith.constant 0 : i32
    %dma_wait3A_40 = tpu.memref_slice %arg3[%dma_wait3A_39] : memref<320000xi32, #tpu.memory_space<hbm>> -> memref<128xi32, #tpu.memory_space<hbm>>
    %dma_wait3A_41 = arith.constant 0 : i32
    %dma_wait3A_42 = tpu.memref_slice %arg3[%dma_wait3A_41] : memref<320000xi32, #tpu.memory_space<hbm>> -> memref<128xi32, #tpu.memory_space<hbm>>
    tpu.wait_dma2 semaphore(%arg24 : memref<!tpu.dma_semaphore, #tpu.memory_space<semaphore_mem>>) src(%dma_wait3A_42 : memref<128xi32, #tpu.memory_space<hbm>>) dst(%arg8 : memref<128xi32, #tpu.memory_space<vmem>>)
    %dma_wait3A_43 = arith.constant 0 : i32
    %dma_wait3A_44 = tpu.memref_slice %arg4[%dma_wait3A_43] : memref<320000xi32, #tpu.memory_space<hbm>> -> memref<128xi32, #tpu.memory_space<hbm>>
    %dma_wait3A_45 = arith.constant 0 : i32
    %dma_wait3A_46 = tpu.memref_slice %arg4[%dma_wait3A_45] : memref<320000xi32, #tpu.memory_space<hbm>> -> memref<128xi32, #tpu.memory_space<hbm>>
    tpu.wait_dma2 semaphore(%arg27 : memref<!tpu.dma_semaphore, #tpu.memory_space<semaphore_mem>>) src(%dma_wait3A_46 : memref<128xi32, #tpu.memory_space<hbm>>) dst(%arg11 : memref<128xi32, #tpu.memory_space<vmem>>)
    %dma_start3A_47 = arith.constant 0 : i32
    %dma_start3A_48 = arith.constant 0 : i32
    %dma_start3A_49 = tpu.memref_slice %arg2[%dma_start3A_47, %dma_start3A_48] : memref<10000x128xf32, #tpu.memory_space<hbm>> -> memref<10000x128xf32, #tpu.memory_space<hbm>>
    tpu.enqueue_indirect_dma source(%dma_start3A_49 : memref<10000x128xf32, #tpu.memory_space<hbm>>) target(%arg14 : memref<128x128xf32, #tpu.memory_space<vmem>>) offsets(%arg8 : memref<128xi32, #tpu.memory_space<vmem>>) semaphore(%arg20 : memref<!tpu.dma_semaphore, #tpu.memory_space<semaphore_mem>>)
    %add3A_50 = arith.constant 256 : i32
    %add3A_51 = arith.addi %mul3A_2, %add3A_50 : i32
    %min3A_52 = arith.constant 319872 : i32
    %min3A_53 = arith.minsi %add3A_51, %min3A_52 : i32
    %dma_start3A_54 = tpu.memref_slice %arg3[%min3A_53] : memref<320000xi32, #tpu.memory_space<hbm>> -> memref<128xi32, #tpu.memory_space<hbm>>
    %dma_start3A_55 = tpu.memref_slice %arg3[%min3A_53] : memref<320000xi32, #tpu.memory_space<hbm>> -> memref<128xi32, #tpu.memory_space<hbm>>
    tpu.enqueue_dma source(%dma_start3A_55 : memref<128xi32, #tpu.memory_space<hbm>>) target(%arg9 : memref<128xi32, #tpu.memory_space<vmem>>) target_semaphore(%arg25 : memref<!tpu.dma_semaphore, #tpu.memory_space<semaphore_mem>>)
    %dma_start3A_56 = tpu.memref_slice %arg4[%min3A_53] : memref<320000xi32, #tpu.memory_space<hbm>> -> memref<128xi32, #tpu.memory_space<hbm>>
    %dma_start3A_57 = tpu.memref_slice %arg4[%min3A_53] : memref<320000xi32, #tpu.memory_space<hbm>> -> memref<128xi32, #tpu.memory_space<hbm>>
    tpu.enqueue_dma source(%dma_start3A_57 : memref<128xi32, #tpu.memory_space<hbm>>) target(%arg12 : memref<128xi32, #tpu.memory_space<vmem>>) target_semaphore(%arg28 : memref<!tpu.dma_semaphore, #tpu.memory_space<semaphore_mem>>)
    %dma_wait3A_58 = arith.constant 0 : i32
    %dma_wait3A_59 = arith.constant 0 : i32
    %dma_wait3A_60 = tpu.memref_slice %arg5[%dma_wait3A_58, %dma_wait3A_59] : memref<10240x128xf32, #tpu.memory_space<hbm>> -> memref<128x128xf32, #tpu.memory_space<hbm>>
    %dma_wait3A_61 = arith.constant 0 : i32
    %dma_wait3A_62 = arith.constant 0 : i32
    %dma_wait3A_63 = tpu.memref_slice %arg5[%dma_wait3A_61, %dma_wait3A_62] : memref<10240x128xf32, #tpu.memory_space<hbm>> -> memref<128x128xf32, #tpu.memory_space<hbm>>
    tpu.wait_dma2 semaphore(%arg20 : memref<!tpu.dma_semaphore, #tpu.memory_space<semaphore_mem>>) src(%dma_wait3A_63 : memref<128x128xf32, #tpu.memory_space<hbm>>) dst(%arg14 : memref<128x128xf32, #tpu.memory_space<vmem>>)
    %dma_start3A_64 = arith.constant 0 : i32
    %dma_start3A_65 = arith.constant 0 : i32
    %dma_start3A_66 = tpu.memref_slice %arg18[%dma_start3A_64, %dma_start3A_65] : memref<10240x128xf32, #tpu.memory_space<vmem_shared>> -> memref<10240x128xf32, #tpu.memory_space<vmem_shared>>
    tpu.enqueue_indirect_dma source(%arg14 : memref<128x128xf32, #tpu.memory_space<vmem>>) target(%dma_start3A_66 : memref<10240x128xf32, #tpu.memory_space<vmem_shared>>) offsets(%arg11 : memref<128xi32, #tpu.memory_space<vmem>>) semaphore(%arg22 : memref<!tpu.dma_semaphore, #tpu.memory_space<semaphore_mem>>) {add = true}
    %dma_wait3A_67 = arith.constant 0 : i32
    %dma_wait3A_68 = arith.constant 0 : i32
    %dma_wait3A_69 = tpu.memref_slice %arg5[%dma_wait3A_67, %dma_wait3A_68] : memref<10240x128xf32, #tpu.memory_space<hbm>> -> memref<128x128xf32, #tpu.memory_space<hbm>>
    %dma_wait3A_70 = arith.constant 0 : i32
    %dma_wait3A_71 = arith.constant 0 : i32
    %dma_wait3A_72 = tpu.memref_slice %arg5[%dma_wait3A_70, %dma_wait3A_71] : memref<10240x128xf32, #tpu.memory_space<hbm>> -> memref<128x128xf32, #tpu.memory_space<hbm>>
    tpu.wait_dma2 semaphore(%arg21 : memref<!tpu.dma_semaphore, #tpu.memory_space<semaphore_mem>>) src(%dma_wait3A_72 : memref<128x128xf32, #tpu.memory_space<hbm>>) dst(%arg13 : memref<128x128xf32, #tpu.memory_space<vmem>>)
    %dma_wait3A_73 = arith.constant 0 : i32
    %dma_wait3A_74 = tpu.memref_slice %arg3[%dma_wait3A_73] : memref<320000xi32, #tpu.memory_space<hbm>> -> memref<128xi32, #tpu.memory_space<hbm>>
    %dma_wait3A_75 = arith.constant 0 : i32
    %dma_wait3A_76 = tpu.memref_slice %arg3[%dma_wait3A_75] : memref<320000xi32, #tpu.memory_space<hbm>> -> memref<128xi32, #tpu.memory_space<hbm>>
    tpu.wait_dma2 semaphore(%arg25 : memref<!tpu.dma_semaphore, #tpu.memory_space<semaphore_mem>>) src(%dma_wait3A_76 : memref<128xi32, #tpu.memory_space<hbm>>) dst(%arg9 : memref<128xi32, #tpu.memory_space<vmem>>)
    %dma_wait3A_77 = arith.constant 0 : i32
    %dma_wait3A_78 = tpu.memref_slice %arg4[%dma_wait3A_77] : memref<320000xi32, #tpu.memory_space<hbm>> -> memref<128xi32, #tpu.memory_space<hbm>>
    %dma_wait3A_79 = arith.constant 0 : i32
    %dma_wait3A_80 = tpu.memref_slice %arg4[%dma_wait3A_79] : memref<320000xi32, #tpu.memory_space<hbm>> -> memref<128xi32, #tpu.memory_space<hbm>>
    tpu.wait_dma2 semaphore(%arg28 : memref<!tpu.dma_semaphore, #tpu.memory_space<semaphore_mem>>) src(%dma_wait3A_80 : memref<128xi32, #tpu.memory_space<hbm>>) dst(%arg12 : memref<128xi32, #tpu.memory_space<vmem>>)
    %dma_start3A_81 = arith.constant 0 : i32
    %dma_start3A_82 = arith.constant 0 : i32
    %dma_start3A_83 = tpu.memref_slice %arg2[%dma_start3A_81, %dma_start3A_82] : memref<10000x128xf32, #tpu.memory_space<hbm>> -> memref<10000x128xf32, #tpu.memory_space<hbm>>
    tpu.enqueue_indirect_dma source(%dma_start3A_83 : memref<10000x128xf32, #tpu.memory_space<hbm>>) target(%arg13 : memref<128x128xf32, #tpu.memory_space<vmem>>) offsets(%arg9 : memref<128xi32, #tpu.memory_space<vmem>>) semaphore(%arg19 : memref<!tpu.dma_semaphore, #tpu.memory_space<semaphore_mem>>)
    %add3A_84 = arith.constant 384 : i32
    %add3A_85 = arith.addi %mul3A_2, %add3A_84 : i32
    %min3A_86 = arith.constant 319872 : i32
    %min3A_87 = arith.minsi %add3A_85, %min3A_86 : i32
    %dma_start3A_88 = tpu.memref_slice %arg3[%min3A_87] : memref<320000xi32, #tpu.memory_space<hbm>> -> memref<128xi32, #tpu.memory_space<hbm>>
    %dma_start3A_89 = tpu.memref_slice %arg3[%min3A_87] : memref<320000xi32, #tpu.memory_space<hbm>> -> memref<128xi32, #tpu.memory_space<hbm>>
    tpu.enqueue_dma source(%dma_start3A_89 : memref<128xi32, #tpu.memory_space<hbm>>) target(%arg7 : memref<128xi32, #tpu.memory_space<vmem>>) target_semaphore(%arg23 : memref<!tpu.dma_semaphore, #tpu.memory_space<semaphore_mem>>)
    %dma_start3A_90 = tpu.memref_slice %arg4[%min3A_87] : memref<320000xi32, #tpu.memory_space<hbm>> -> memref<128xi32, #tpu.memory_space<hbm>>
    %dma_start3A_91 = tpu.memref_slice %arg4[%min3A_87] : memref<320000xi32, #tpu.memory_space<hbm>> -> memref<128xi32, #tpu.memory_space<hbm>>
    tpu.enqueue_dma source(%dma_start3A_91 : memref<128xi32, #tpu.memory_space<hbm>>) target(%arg10 : memref<128xi32, #tpu.memory_space<vmem>>) target_semaphore(%arg26 : memref<!tpu.dma_semaphore, #tpu.memory_space<semaphore_mem>>)
    %dma_wait3A_92 = arith.constant 0 : i32
    %dma_wait3A_93 = arith.constant 0 : i32
    %dma_wait3A_94 = tpu.memref_slice %arg5[%dma_wait3A_92, %dma_wait3A_93] : memref<10240x128xf32, #tpu.memory_space<hbm>> -> memref<128x128xf32, #tpu.memory_space<hbm>>
    %dma_wait3A_95 = arith.constant 0 : i32
    %dma_wait3A_96 = arith.constant 0 : i32
    %dma_wait3A_97 = tpu.memref_slice %arg5[%dma_wait3A_95, %dma_wait3A_96] : memref<10240x128xf32, #tpu.memory_space<hbm>> -> memref<128x128xf32, #tpu.memory_space<hbm>>
    tpu.wait_dma2 semaphore(%arg19 : memref<!tpu.dma_semaphore, #tpu.memory_space<semaphore_mem>>) src(%dma_wait3A_97 : memref<128x128xf32, #tpu.memory_space<hbm>>) dst(%arg13 : memref<128x128xf32, #tpu.memory_space<vmem>>)
    %dma_start3A_98 = arith.constant 0 : i32
    %dma_start3A_99 = arith.constant 0 : i32
    %dma_start3A_100 = tpu.memref_slice %arg18[%dma_start3A_98, %dma_start3A_99] : memref<10240x128xf32, #tpu.memory_space<vmem_shared>> -> memref<10240x128xf32, #tpu.memory_space<vmem_shared>>
    tpu.enqueue_indirect_dma source(%arg13 : memref<128x128xf32, #tpu.memory_space<vmem>>) target(%dma_start3A_100 : memref<10240x128xf32, #tpu.memory_space<vmem_shared>>) offsets(%arg12 : memref<128xi32, #tpu.memory_space<vmem>>) semaphore(%arg21 : memref<!tpu.dma_semaphore, #tpu.memory_space<semaphore_mem>>) {add = true}
    %dma_wait3A_101 = arith.constant 0 : i32
    %dma_wait3A_102 = arith.constant 0 : i32
    %dma_wait3A_103 = tpu.memref_slice %arg5[%dma_wait3A_101, %dma_wait3A_102] : memref<10240x128xf32, #tpu.memory_space<hbm>> -> memref<128x128xf32, #tpu.memory_space<hbm>>
    %dma_wait3A_104 = arith.constant 0 : i32
    %dma_wait3A_105 = arith.constant 0 : i32
    %dma_wait3A_106 = tpu.memref_slice %arg5[%dma_wait3A_104, %dma_wait3A_105] : memref<10240x128xf32, #tpu.memory_space<hbm>> -> memref<128x128xf32, #tpu.memory_space<hbm>>
    tpu.wait_dma2 semaphore(%arg22 : memref<!tpu.dma_semaphore, #tpu.memory_space<semaphore_mem>>) src(%dma_wait3A_106 : memref<128x128xf32, #tpu.memory_space<hbm>>) dst(%arg14 : memref<128x128xf32, #tpu.memory_space<vmem>>)
    %dma_wait3A_107 = arith.constant 0 : i32
    %dma_wait3A_108 = tpu.memref_slice %arg3[%dma_wait3A_107] : memref<320000xi32, #tpu.memory_space<hbm>> -> memref<128xi32, #tpu.memory_space<hbm>>
    %dma_wait3A_109 = arith.constant 0 : i32
    %dma_wait3A_110 = tpu.memref_slice %arg3[%dma_wait3A_109] : memref<320000xi32, #tpu.memory_space<hbm>> -> memref<128xi32, #tpu.memory_space<hbm>>
    tpu.wait_dma2 semaphore(%arg23 : memref<!tpu.dma_semaphore, #tpu.memory_space<semaphore_mem>>) src(%dma_wait3A_110 : memref<128xi32, #tpu.memory_space<hbm>>) dst(%arg7 : memref<128xi32, #tpu.memory_space<vmem>>)
    %dma_wait3A_111 = arith.constant 0 : i32
    %dma_wait3A_112 = tpu.memref_slice %arg4[%dma_wait3A_111] : memref<320000xi32, #tpu.memory_space<hbm>> -> memref<128xi32, #tpu.memory_space<hbm>>
    %dma_wait3A_113 = arith.constant 0 : i32
    %dma_wait3A_114 = tpu.memref_slice %arg4[%dma_wait3A_113] : memref<320000xi32, #tpu.memory_space<hbm>> -> memref<128xi32, #tpu.memory_space<hbm>>
    tpu.wait_dma2 semaphore(%arg26 : memref<!tpu.dma_semaphore, #tpu.memory_space<semaphore_mem>>) src(%dma_wait3A_114 : memref<128xi32, #tpu.memory_space<hbm>>) dst(%arg10 : memref<128xi32, #tpu.memory_space<vmem>>)
    %dma_start3A_115 = arith.constant 0 : i32
    %dma_start3A_116 = arith.constant 0 : i32
    %dma_start3A_117 = tpu.memref_slice %arg2[%dma_start3A_115, %dma_start3A_116] : memref<10000x128xf32, #tpu.memory_space<hbm>> -> memref<10000x128xf32, #tpu.memory_space<hbm>>
    tpu.enqueue_indirect_dma source(%dma_start3A_117 : memref<10000x128xf32, #tpu.memory_space<hbm>>) target(%arg14 : memref<128x128xf32, #tpu.memory_space<vmem>>) offsets(%arg7 : memref<128xi32, #tpu.memory_space<vmem>>) semaphore(%arg20 : memref<!tpu.dma_semaphore, #tpu.memory_space<semaphore_mem>>)
    %add3A_118 = arith.constant 512 : i32
    %add3A_119 = arith.addi %mul3A_2, %add3A_118 : i32
    %min3A_120 = arith.constant 319872 : i32
    %min3A_121 = arith.minsi %add3A_119, %min3A_120 : i32
    %dma_start3A_122 = tpu.memref_slice %arg3[%min3A_121] : memref<320000xi32, #tpu.memory_space<hbm>> -> memref<128xi32, #tpu.memory_space<hbm>>
    %dma_start3A_123 = tpu.memref_slice %arg3[%min3A_121] : memref<320000xi32, #tpu.memory_space<hbm>> -> memref<128xi32, #tpu.memory_space<hbm>>
    tpu.enqueue_dma source(%dma_start3A_123 : memref<128xi32, #tpu.memory_space<hbm>>) target(%arg8 : memref<128xi32, #tpu.memory_space<vmem>>) target_semaphore(%arg24 : memref<!tpu.dma_semaphore, #tpu.memory_space<semaphore_mem>>)
    %dma_start3A_124 = tpu.memref_slice %arg4[%min3A_121] : memref<320000xi32, #tpu.memory_space<hbm>> -> memref<128xi32, #tpu.memory_space<hbm>>
    %dma_start3A_125 = tpu.memref_slice %arg4[%min3A_121] : memref<320000xi32, #tpu.memory_space<hbm>> -> memref<128xi32, #tpu.memory_space<hbm>>
    tpu.enqueue_dma source(%dma_start3A_125 : memref<128xi32, #tpu.memory_space<hbm>>) target(%arg11 : memref<128xi32, #tpu.memory_space<vmem>>) target_semaphore(%arg27 : memref<!tpu.dma_semaphore, #tpu.memory_space<semaphore_mem>>)
    %dma_wait3A_126 = arith.constant 0 : i32
    %dma_wait3A_127 = arith.constant 0 : i32
    %dma_wait3A_128 = tpu.memref_slice %arg5[%dma_wait3A_126, %dma_wait3A_127] : memref<10240x128xf32, #tpu.memory_space<hbm>> -> memref<128x128xf32, #tpu.memory_space<hbm>>
    %dma_wait3A_129 = arith.constant 0 : i32
    %dma_wait3A_130 = arith.constant 0 : i32
    %dma_wait3A_131 = tpu.memref_slice %arg5[%dma_wait3A_129, %dma_wait3A_130] : memref<10240x128xf32, #tpu.memory_space<hbm>> -> memref<128x128xf32, #tpu.memory_space<hbm>>
    tpu.wait_dma2 semaphore(%arg20 : memref<!tpu.dma_semaphore, #tpu.memory_space<semaphore_mem>>) src(%dma_wait3A_131 : memref<128x128xf32, #tpu.memory_space<hbm>>) dst(%arg14 : memref<128x128xf32, #tpu.memory_space<vmem>>)
    %dma_start3A_132 = arith.constant 0 : i32
    %dma_start3A_133 = arith.constant 0 : i32
    %dma_start3A_134 = tpu.memref_slice %arg18[%dma_start3A_132, %dma_start3A_133] : memref<10240x128xf32, #tpu.memory_space<vmem_shared>> -> memref<10240x128xf32, #tpu.memory_space<vmem_shared>>
    tpu.enqueue_indirect_dma source(%arg14 : memref<128x128xf32, #tpu.memory_space<vmem>>) target(%dma_start3A_134 : memref<10240x128xf32, #tpu.memory_space<vmem_shared>>) offsets(%arg10 : memref<128xi32, #tpu.memory_space<vmem>>) semaphore(%arg22 : memref<!tpu.dma_semaphore, #tpu.memory_space<semaphore_mem>>) {add = true}
    %dma_wait3A_135 = arith.constant 0 : i32
    %dma_wait3A_136 = arith.constant 0 : i32
    %dma_wait3A_137 = tpu.memref_slice %arg5[%dma_wait3A_135, %dma_wait3A_136] : memref<10240x128xf32, #tpu.memory_space<hbm>> -> memref<128x128xf32, #tpu.memory_space<hbm>>
    %dma_wait3A_138 = arith.constant 0 : i32
    %dma_wait3A_139 = arith.constant 0 : i32
    %dma_wait3A_140 = tpu.memref_slice %arg5[%dma_wait3A_138, %dma_wait3A_139] : memref<10240x128xf32, #tpu.memory_space<hbm>> -> memref<128x128xf32, #tpu.memory_space<hbm>>
    tpu.wait_dma2 semaphore(%arg21 : memref<!tpu.dma_semaphore, #tpu.memory_space<semaphore_mem>>) src(%dma_wait3A_140 : memref<128x128xf32, #tpu.memory_space<hbm>>) dst(%arg13 : memref<128x128xf32, #tpu.memory_space<vmem>>)
    %dma_wait3A_141 = arith.constant 0 : i32
    %dma_wait3A_142 = tpu.memref_slice %arg3[%dma_wait3A_141] : memref<320000xi32, #tpu.memory_space<hbm>> -> memref<128xi32, #tpu.memory_space<hbm>>
    %dma_wait3A_143 = arith.constant 0 : i32
    %dma_wait3A_144 = tpu.memref_slice %arg3[%dma_wait3A_143] : memref<320000xi32, #tpu.memory_space<hbm>> -> memref<128xi32, #tpu.memory_space<hbm>>
    tpu.wait_dma2 semaphore(%arg24 : memref<!tpu.dma_semaphore, #tpu.memory_space<semaphore_mem>>) src(%dma_wait3A_144 : memref<128xi32, #tpu.memory_space<hbm>>) dst(%arg8 : memref<128xi32, #tpu.memory_space<vmem>>)
    %dma_wait3A_145 = arith.constant 0 : i32
    %dma_wait3A_146 = tpu.memref_slice %arg4[%dma_wait3A_145] : memref<320000xi32, #tpu.memory_space<hbm>> -> memref<128xi32, #tpu.memory_space<hbm>>
    %dma_wait3A_147 = arith.constant 0 : i32
    %dma_wait3A_148 = tpu.memref_slice %arg4[%dma_wait3A_147] : memref<320000xi32, #tpu.memory_space<hbm>> -> memref<128xi32, #tpu.memory_space<hbm>>
    tpu.wait_dma2 semaphore(%arg27 : memref<!tpu.dma_semaphore, #tpu.memory_space<semaphore_mem>>) src(%dma_wait3A_148 : memref<128xi32, #tpu.memory_space<hbm>>) dst(%arg11 : memref<128xi32, #tpu.memory_space<vmem>>)
    %dma_start3A_149 = arith.constant 0 : i32
    %dma_start3A_150 = arith.constant 0 : i32
    %dma_start3A_151 = tpu.memref_slice %arg2[%dma_start3A_149, %dma_start3A_150] : memref<10000x128xf32, #tpu.memory_space<hbm>> -> memref<10000x128xf32, #tpu.memory_space<hbm>>
    tpu.enqueue_indirect_dma source(%dma_start3A_151 : memref<10000x128xf32, #tpu.memory_space<hbm>>) target(%arg13 : memref<128x128xf32, #tpu.memory_space<vmem>>) offsets(%arg8 : memref<128xi32, #tpu.memory_space<vmem>>) semaphore(%arg19 : memref<!tpu.dma_semaphore, #tpu.memory_space<semaphore_mem>>)
    %add3A_152 = arith.constant 640 : i32
    %add3A_153 = arith.addi %mul3A_2, %add3A_152 : i32
    %min3A_154 = arith.constant 319872 : i32
    %min3A_155 = arith.minsi %add3A_153, %min3A_154 : i32
    %dma_start3A_156 = tpu.memref_slice %arg3[%min3A_155] : memref<320000xi32, #tpu.memory_space<hbm>> -> memref<128xi32, #tpu.memory_space<hbm>>
    %dma_start3A_157 = tpu.memref_slice %arg3[%min3A_155] : memref<320000xi32, #tpu.memory_space<hbm>> -> memref<128xi32, #tpu.memory_space<hbm>>
    tpu.enqueue_dma source(%dma_start3A_157 : memref<128xi32, #tpu.memory_space<hbm>>) target(%arg9 : memref<128xi32, #tpu.memory_space<vmem>>) target_semaphore(%arg25 : memref<!tpu.dma_semaphore, #tpu.memory_space<semaphore_mem>>)
    %dma_start3A_158 = tpu.memref_slice %arg4[%min3A_155] : memref<320000xi32, #tpu.memory_space<hbm>> -> memref<128xi32, #tpu.memory_space<hbm>>
    %dma_start3A_159 = tpu.memref_slice %arg4[%min3A_155] : memref<320000xi32, #tpu.memory_space<hbm>> -> memref<128xi32, #tpu.memory_space<hbm>>
    tpu.enqueue_dma source(%dma_start3A_159 : memref<128xi32, #tpu.memory_space<hbm>>) target(%arg12 : memref<128xi32, #tpu.memory_space<vmem>>) target_semaphore(%arg28 : memref<!tpu.dma_semaphore, #tpu.memory_space<semaphore_mem>>)
    %dma_wait3A_160 = arith.constant 0 : i32
    %dma_wait3A_161 = arith.constant 0 : i32
    %dma_wait3A_162 = tpu.memref_slice %arg5[%dma_wait3A_160, %dma_wait3A_161] : memref<10240x128xf32, #tpu.memory_space<hbm>> -> memref<128x128xf32, #tpu.memory_space<hbm>>
    %dma_wait3A_163 = arith.constant 0 : i32
    %dma_wait3A_164 = arith.constant 0 : i32
    %dma_wait3A_165 = tpu.memref_slice %arg5[%dma_wait3A_163, %dma_wait3A_164] : memref<10240x128xf32, #tpu.memory_space<hbm>> -> memref<128x128xf32, #tpu.memory_space<hbm>>
    tpu.wait_dma2 semaphore(%arg19 : memref<!tpu.dma_semaphore, #tpu.memory_space<semaphore_mem>>) src(%dma_wait3A_165 : memref<128x128xf32, #tpu.memory_space<hbm>>) dst(%arg13 : memref<128x128xf32, #tpu.memory_space<vmem>>)
    %dma_start3A_166 = arith.constant 0 : i32
    %dma_start3A_167 = arith.constant 0 : i32
    %dma_start3A_168 = tpu.memref_slice %arg18[%dma_start3A_166, %dma_start3A_167] : memref<10240x128xf32, #tpu.memory_space<vmem_shared>> -> memref<10240x128xf32, #tpu.memory_space<vmem_shared>>
    tpu.enqueue_indirect_dma source(%arg13 : memref<128x128xf32, #tpu.memory_space<vmem>>) target(%dma_start3A_168 : memref<10240x128xf32, #tpu.memory_space<vmem_shared>>) offsets(%arg11 : memref<128xi32, #tpu.memory_space<vmem>>) semaphore(%arg21 : memref<!tpu.dma_semaphore, #tpu.memory_space<semaphore_mem>>) {add = true}
    %dma_wait3A_169 = arith.constant 0 : i32
    %dma_wait3A_170 = arith.constant 0 : i32
    %dma_wait3A_171 = tpu.memref_slice %arg5[%dma_wait3A_169, %dma_wait3A_170] : memref<10240x128xf32, #tpu.memory_space<hbm>> -> memref<128x128xf32, #tpu.memory_space<hbm>>
    %dma_wait3A_172 = arith.constant 0 : i32
    %dma_wait3A_173 = arith.constant 0 : i32
    %dma_wait3A_174 = tpu.memref_slice %arg5[%dma_wait3A_172, %dma_wait3A_173] : memref<10240x128xf32, #tpu.memory_space<hbm>> -> memref<128x128xf32, #tpu.memory_space<hbm>>
    tpu.wait_dma2 semaphore(%arg22 : memref<!tpu.dma_semaphore, #tpu.memory_space<semaphore_mem>>) src(%dma_wait3A_174 : memref<128x128xf32, #tpu.memory_space<hbm>>) dst(%arg14 : memref<128x128xf32, #tpu.memory_space<vmem>>)
    %dma_wait3A_175 = arith.constant 0 : i32
    %dma_wait3A_176 = tpu.memref_slice %arg3[%dma_wait3A_175] : memref<320000xi32, #tpu.memory_space<hbm>> -> memref<128xi32, #tpu.memory_space<hbm>>
    %dma_wait3A_177 = arith.constant 0 : i32
    %dma_wait3A_178 = tpu.memref_slice %arg3[%dma_wait3A_177] : memref<320000xi32, #tpu.memory_space<hbm>> -> memref<128xi32, #tpu.memory_space<hbm>>
    tpu.wait_dma2 semaphore(%arg25 : memref<!tpu.dma_semaphore, #tpu.memory_space<semaphore_mem>>) src(%dma_wait3A_178 : memref<128xi32, #tpu.memory_space<hbm>>) dst(%arg9 : memref<128xi32, #tpu.memory_space<vmem>>)
    %dma_wait3A_179 = arith.constant 0 : i32
    %dma_wait3A_180 = tpu.memref_slice %arg4[%dma_wait3A_179] : memref<320000xi32, #tpu.memory_space<hbm>> -> memref<128xi32, #tpu.memory_space<hbm>>
    %dma_wait3A_181 = arith.constant 0 : i32
    %dma_wait3A_182 = tpu.memref_slice %arg4[%dma_wait3A_181] : memref<320000xi32, #tpu.memory_space<hbm>> -> memref<128xi32, #tpu.memory_space<hbm>>
    tpu.wait_dma2 semaphore(%arg28 : memref<!tpu.dma_semaphore, #tpu.memory_space<semaphore_mem>>) src(%dma_wait3A_182 : memref<128xi32, #tpu.memory_space<hbm>>) dst(%arg12 : memref<128xi32, #tpu.memory_space<vmem>>)
    %dma_start3A_183 = arith.constant 0 : i32
    %dma_start3A_184 = arith.constant 0 : i32
    %dma_start3A_185 = tpu.memref_slice %arg2[%dma_start3A_183, %dma_start3A_184] : memref<10000x128xf32, #tpu.memory_space<hbm>> -> memref<10000x128xf32, #tpu.memory_space<hbm>>
    tpu.enqueue_indirect_dma source(%dma_start3A_185 : memref<10000x128xf32, #tpu.memory_space<hbm>>) target(%arg14 : memref<128x128xf32, #tpu.memory_space<vmem>>) offsets(%arg9 : memref<128xi32, #tpu.memory_space<vmem>>) semaphore(%arg20 : memref<!tpu.dma_semaphore, #tpu.memory_space<semaphore_mem>>)
    %add3A_186 = arith.constant 768 : i32
    %add3A_187 = arith.addi %mul3A_2, %add3A_186 : i32
    %min3A_188 = arith.constant 319872 : i32
    %min3A_189 = arith.minsi %add3A_187, %min3A_188 : i32
    %dma_start3A_190 = tpu.memref_slice %arg3[%min3A_189] : memref<320000xi32, #tpu.memory_space<hbm>> -> memref<128xi32, #tpu.memory_space<hbm>>
    %dma_start3A_191 = tpu.memref_slice %arg3[%min3A_189] : memref<320000xi32, #tpu.memory_space<hbm>> -> memref<128xi32, #tpu.memory_space<hbm>>
    tpu.enqueue_dma source(%dma_start3A_191 : memref<128xi32, #tpu.memory_space<hbm>>) target(%arg7 : memref<128xi32, #tpu.memory_space<vmem>>) target_semaphore(%arg23 : memref<!tpu.dma_semaphore, #tpu.memory_space<semaphore_mem>>)
    %dma_start3A_192 = tpu.memref_slice %arg4[%min3A_189] : memref<320000xi32, #tpu.memory_space<hbm>> -> memref<128xi32, #tpu.memory_space<hbm>>
    %dma_start3A_193 = tpu.memref_slice %arg4[%min3A_189] : memref<320000xi32, #tpu.memory_space<hbm>> -> memref<128xi32, #tpu.memory_space<hbm>>
    tpu.enqueue_dma source(%dma_start3A_193 : memref<128xi32, #tpu.memory_space<hbm>>) target(%arg10 : memref<128xi32, #tpu.memory_space<vmem>>) target_semaphore(%arg26 : memref<!tpu.dma_semaphore, #tpu.memory_space<semaphore_mem>>)
    %dma_wait3A_194 = arith.constant 0 : i32
    %dma_wait3A_195 = arith.constant 0 : i32
    %dma_wait3A_196 = tpu.memref_slice %arg5[%dma_wait3A_194, %dma_wait3A_195] : memref<10240x128xf32, #tpu.memory_space<hbm>> -> memref<128x128xf32, #tpu.memory_space<hbm>>
    %dma_wait3A_197 = arith.constant 0 : i32
    %dma_wait3A_198 = arith.constant 0 : i32
    %dma_wait3A_199 = tpu.memref_slice %arg5[%dma_wait3A_197, %dma_wait3A_198] : memref<10240x128xf32, #tpu.memory_space<hbm>> -> memref<128x128xf32, #tpu.memory_space<hbm>>
    tpu.wait_dma2 semaphore(%arg20 : memref<!tpu.dma_semaphore, #tpu.memory_space<semaphore_mem>>) src(%dma_wait3A_199 : memref<128x128xf32, #tpu.memory_space<hbm>>) dst(%arg14 : memref<128x128xf32, #tpu.memory_space<vmem>>)
    %dma_start3A_200 = arith.constant 0 : i32
    %dma_start3A_201 = arith.constant 0 : i32
    %dma_start3A_202 = tpu.memref_slice %arg18[%dma_start3A_200, %dma_start3A_201] : memref<10240x128xf32, #tpu.memory_space<vmem_shared>> -> memref<10240x128xf32, #tpu.memory_space<vmem_shared>>
    tpu.enqueue_indirect_dma source(%arg14 : memref<128x128xf32, #tpu.memory_space<vmem>>) target(%dma_start3A_202 : memref<10240x128xf32, #tpu.memory_space<vmem_shared>>) offsets(%arg12 : memref<128xi32, #tpu.memory_space<vmem>>) semaphore(%arg22 : memref<!tpu.dma_semaphore, #tpu.memory_space<semaphore_mem>>) {add = true}
    %dma_wait3A_203 = arith.constant 0 : i32
    %dma_wait3A_204 = arith.constant 0 : i32
    %dma_wait3A_205 = tpu.memref_slice %arg5[%dma_wait3A_203, %dma_wait3A_204] : memref<10240x128xf32, #tpu.memory_space<hbm>> -> memref<128x128xf32, #tpu.memory_space<hbm>>
    %dma_wait3A_206 = arith.constant 0 : i32
    %dma_wait3A_207 = arith.constant 0 : i32
    %dma_wait3A_208 = tpu.memref_slice %arg5[%dma_wait3A_206, %dma_wait3A_207] : memref<10240x128xf32, #tpu.memory_space<hbm>> -> memref<128x128xf32, #tpu.memory_space<hbm>>
    tpu.wait_dma2 semaphore(%arg21 : memref<!tpu.dma_semaphore, #tpu.memory_space<semaphore_mem>>) src(%dma_wait3A_208 : memref<128x128xf32, #tpu.memory_space<hbm>>) dst(%arg13 : memref<128x128xf32, #tpu.memory_space<vmem>>)
    %dma_wait3A_209 = arith.constant 0 : i32
    %dma_wait3A_210 = tpu.memref_slice %arg3[%dma_wait3A_209] : memref<320000xi32, #tpu.memory_space<hbm>> -> memref<128xi32, #tpu.memory_space<hbm>>
    %dma_wait3A_211 = arith.constant 0 : i32
    %dma_wait3A_212 = tpu.memref_slice %arg3[%dma_wait3A_211] : memref<320000xi32, #tpu.memory_space<hbm>> -> memref<128xi32, #tpu.memory_space<hbm>>
    tpu.wait_dma2 semaphore(%arg23 : memref<!tpu.dma_semaphore, #tpu.memory_space<semaphore_mem>>) src(%dma_wait3A_212 : memref<128xi32, #tpu.memory_space<hbm>>) dst(%arg7 : memref<128xi32, #tpu.memory_space<vmem>>)
    %dma_wait3A_213 = arith.constant 0 : i32
    %dma_wait3A_214 = tpu.memref_slice %arg4[%dma_wait3A_213] : memref<320000xi32, #tpu.memory_space<hbm>> -> memref<128xi32, #tpu.memory_space<hbm>>
    %dma_wait3A_215 = arith.constant 0 : i32
    %dma_wait3A_216 = tpu.memref_slice %arg4[%dma_wait3A_215] : memref<320000xi32, #tpu.memory_space<hbm>> -> memref<128xi32, #tpu.memory_space<hbm>>
    tpu.wait_dma2 semaphore(%arg26 : memref<!tpu.dma_semaphore, #tpu.memory_space<semaphore_mem>>) src(%dma_wait3A_216 : memref<128xi32, #tpu.memory_space<hbm>>) dst(%arg10 : memref<128xi32, #tpu.memory_space<vmem>>)
    %dma_start3A_217 = arith.constant 0 : i32
    %dma_start3A_218 = arith.constant 0 : i32
    %dma_start3A_219 = tpu.memref_slice %arg2[%dma_start3A_217, %dma_start3A_218] : memref<10000x128xf32, #tpu.memory_space<hbm>> -> memref<10000x128xf32, #tpu.memory_space<hbm>>
    tpu.enqueue_indirect_dma source(%dma_start3A_219 : memref<10000x128xf32, #tpu.memory_space<hbm>>) target(%arg13 : memref<128x128xf32, #tpu.memory_space<vmem>>) offsets(%arg7 : memref<128xi32, #tpu.memory_space<vmem>>) semaphore(%arg19 : memref<!tpu.dma_semaphore, #tpu.memory_space<semaphore_mem>>)
    %add3A_220 = arith.constant 896 : i32
    %add3A_221 = arith.addi %mul3A_2, %add3A_220 : i32
    %min3A_222 = arith.constant 319872 : i32
    %min3A_223 = arith.minsi %add3A_221, %min3A_222 : i32
    %dma_start3A_224 = tpu.memref_slice %arg3[%min3A_223] : memref<320000xi32, #tpu.memory_space<hbm>> -> memref<128xi32, #tpu.memory_space<hbm>>
    %dma_start3A_225 = tpu.memref_slice %arg3[%min3A_223] : memref<320000xi32, #tpu.memory_space<hbm>> -> memref<128xi32, #tpu.memory_space<hbm>>
    tpu.enqueue_dma source(%dma_start3A_225 : memref<128xi32, #tpu.memory_space<hbm>>) target(%arg8 : memref<128xi32, #tpu.memory_space<vmem>>) target_semaphore(%arg24 : memref<!tpu.dma_semaphore, #tpu.memory_space<semaphore_mem>>)
    %dma_start3A_226 = tpu.memref_slice %arg4[%min3A_223] : memref<320000xi32, #tpu.memory_space<hbm>> -> memref<128xi32, #tpu.memory_space<hbm>>
    %dma_start3A_227 = tpu.memref_slice %arg4[%min3A_223] : memref<320000xi32, #tpu.memory_space<hbm>> -> memref<128xi32, #tpu.memory_space<hbm>>
    tpu.enqueue_dma source(%dma_start3A_227 : memref<128xi32, #tpu.memory_space<hbm>>) target(%arg11 : memref<128xi32, #tpu.memory_space<vmem>>) target_semaphore(%arg27 : memref<!tpu.dma_semaphore, #tpu.memory_space<semaphore_mem>>)
    %scan3A = arith.constant 0 : i32
    %scan3A_228 = arith.constant 0 : i32
    %scan3A_229 = arith.constant 12 : i32
    %scan3A_230 = arith.addi %scan3A_228, %scan3A_229 : i32
    %scan3A_231 = arith.constant 1 : i32
    scf.for %scan3A_262 = %scan3A_228 to %scan3A_230 step %scan3A_231  : i32 {
      %mul3A_263 = arith.constant 6 : i32
      %mul3A_264 = arith.muli %mul3A_263, %scan3A_262 : i32
      %add3A_265 = arith.constant 6 : i32
      %add3A_266 = arith.addi %mul3A_264, %add3A_265 : i32
      %add3A_267 = arith.constant 0 : i32
      %add3A_268 = arith.addi %add3A_266, %add3A_267 : i32
      %dma_wait3A_269 = arith.constant 0 : i32
      %dma_wait3A_270 = arith.constant 0 : i32
      %dma_wait3A_271 = tpu.memref_slice %arg5[%dma_wait3A_269, %dma_wait3A_270] : memref<10240x128xf32, #tpu.memory_space<hbm>> -> memref<128x128xf32, #tpu.memory_space<hbm>>
      %dma_wait3A_272 = arith.constant 0 : i32
      %dma_wait3A_273 = arith.constant 0 : i32
      %dma_wait3A_274 = tpu.memref_slice %arg5[%dma_wait3A_272, %dma_wait3A_273] : memref<10240x128xf32, #tpu.memory_space<hbm>> -> memref<128x128xf32, #tpu.memory_space<hbm>>
      tpu.wait_dma2 semaphore(%arg19 : memref<!tpu.dma_semaphore, #tpu.memory_space<semaphore_mem>>) src(%dma_wait3A_274 : memref<128x128xf32, #tpu.memory_space<hbm>>) dst(%arg13 : memref<128x128xf32, #tpu.memory_space<vmem>>)
      %dma_start3A_275 = arith.constant 0 : i32
      %dma_start3A_276 = arith.constant 0 : i32
      %dma_start3A_277 = tpu.memref_slice %arg18[%dma_start3A_275, %dma_start3A_276] : memref<10240x128xf32, #tpu.memory_space<vmem_shared>> -> memref<10240x128xf32, #tpu.memory_space<vmem_shared>>
      tpu.enqueue_indirect_dma source(%arg13 : memref<128x128xf32, #tpu.memory_space<vmem>>) target(%dma_start3A_277 : memref<10240x128xf32, #tpu.memory_space<vmem_shared>>) offsets(%arg10 : memref<128xi32, #tpu.memory_space<vmem>>) semaphore(%arg21 : memref<!tpu.dma_semaphore, #tpu.memory_space<semaphore_mem>>) {add = true}
      %dma_wait3A_278 = arith.constant 0 : i32
      %dma_wait3A_279 = arith.constant 0 : i32
      %dma_wait3A_280 = tpu.memref_slice %arg5[%dma_wait3A_278, %dma_wait3A_279] : memref<10240x128xf32, #tpu.memory_space<hbm>> -> memref<128x128xf32, #tpu.memory_space<hbm>>
      %dma_wait3A_281 = arith.constant 0 : i32
      %dma_wait3A_282 = arith.constant 0 : i32
      %dma_wait3A_283 = tpu.memref_slice %arg5[%dma_wait3A_281, %dma_wait3A_282] : memref<10240x128xf32, #tpu.memory_space<hbm>> -> memref<128x128xf32, #tpu.memory_space<hbm>>
      tpu.wait_dma2 semaphore(%arg22 : memref<!tpu.dma_semaphore, #tpu.memory_space<semaphore_mem>>) src(%dma_wait3A_283 : memref<128x128xf32, #tpu.memory_space<hbm>>) dst(%arg14 : memref<128x128xf32, #tpu.memory_space<vmem>>)
      %dma_wait3A_284 = arith.constant 0 : i32
      %dma_wait3A_285 = tpu.memref_slice %arg3[%dma_wait3A_284] : memref<320000xi32, #tpu.memory_space<hbm>> -> memref<128xi32, #tpu.memory_space<hbm>>
      %dma_wait3A_286 = arith.constant 0 : i32
      %dma_wait3A_287 = tpu.memref_slice %arg3[%dma_wait3A_286] : memref<320000xi32, #tpu.memory_space<hbm>> -> memref<128xi32, #tpu.memory_space<hbm>>
      tpu.wait_dma2 semaphore(%arg24 : memref<!tpu.dma_semaphore, #tpu.memory_space<semaphore_mem>>) src(%dma_wait3A_287 : memref<128xi32, #tpu.memory_space<hbm>>) dst(%arg8 : memref<128xi32, #tpu.memory_space<vmem>>)
      %dma_wait3A_288 = arith.constant 0 : i32
      %dma_wait3A_289 = tpu.memref_slice %arg4[%dma_wait3A_288] : memref<320000xi32, #tpu.memory_space<hbm>> -> memref<128xi32, #tpu.memory_space<hbm>>
      %dma_wait3A_290 = arith.constant 0 : i32
      %dma_wait3A_291 = tpu.memref_slice %arg4[%dma_wait3A_290] : memref<320000xi32, #tpu.memory_space<hbm>> -> memref<128xi32, #tpu.memory_space<hbm>>
      tpu.wait_dma2 semaphore(%arg27 : memref<!tpu.dma_semaphore, #tpu.memory_space<semaphore_mem>>) src(%dma_wait3A_291 : memref<128xi32, #tpu.memory_space<hbm>>) dst(%arg11 : memref<128xi32, #tpu.memory_space<vmem>>)
      %dma_start3A_292 = arith.constant 0 : i32
      %dma_start3A_293 = arith.constant 0 : i32
      %dma_start3A_294 = tpu.memref_slice %arg2[%dma_start3A_292, %dma_start3A_293] : memref<10000x128xf32, #tpu.memory_space<hbm>> -> memref<10000x128xf32, #tpu.memory_space<hbm>>
      tpu.enqueue_indirect_dma source(%dma_start3A_294 : memref<10000x128xf32, #tpu.memory_space<hbm>>) target(%arg14 : memref<128x128xf32, #tpu.memory_space<vmem>>) offsets(%arg8 : memref<128xi32, #tpu.memory_space<vmem>>) semaphore(%arg20 : memref<!tpu.dma_semaphore, #tpu.memory_space<semaphore_mem>>)
      %add3A_295 = arith.constant 2 : i32
      %add3A_296 = arith.addi %add3A_268, %add3A_295 : i32
      %mul3A_297 = arith.constant 128 : i32
      %mul3A_298 = arith.muli %add3A_296, %mul3A_297 : i32
      %add3A_299 = arith.addi %mul3A_2, %mul3A_298 : i32
      %min3A_300 = arith.constant 319872 : i32
      %min3A_301 = arith.minsi %add3A_299, %min3A_300 : i32
      %dma_start3A_302 = tpu.memref_slice %arg3[%min3A_301] : memref<320000xi32, #tpu.memory_space<hbm>> -> memref<128xi32, #tpu.memory_space<hbm>>
      %dma_start3A_303 = tpu.memref_slice %arg3[%min3A_301] : memref<320000xi32, #tpu.memory_space<hbm>> -> memref<128xi32, #tpu.memory_space<hbm>>
      tpu.enqueue_dma source(%dma_start3A_303 : memref<128xi32, #tpu.memory_space<hbm>>) target(%arg9 : memref<128xi32, #tpu.memory_space<vmem>>) target_semaphore(%arg25 : memref<!tpu.dma_semaphore, #tpu.memory_space<semaphore_mem>>)
      %dma_start3A_304 = tpu.memref_slice %arg4[%min3A_301] : memref<320000xi32, #tpu.memory_space<hbm>> -> memref<128xi32, #tpu.memory_space<hbm>>
      %dma_start3A_305 = tpu.memref_slice %arg4[%min3A_301] : memref<320000xi32, #tpu.memory_space<hbm>> -> memref<128xi32, #tpu.memory_space<hbm>>
      tpu.enqueue_dma source(%dma_start3A_305 : memref<128xi32, #tpu.memory_space<hbm>>) target(%arg12 : memref<128xi32, #tpu.memory_space<vmem>>) target_semaphore(%arg28 : memref<!tpu.dma_semaphore, #tpu.memory_space<semaphore_mem>>)
      %add3A_306 = arith.constant 1 : i32
      %add3A_307 = arith.addi %add3A_266, %add3A_306 : i32
      %dma_wait3A_308 = arith.constant 0 : i32
      %dma_wait3A_309 = arith.constant 0 : i32
      %dma_wait3A_310 = tpu.memref_slice %arg5[%dma_wait3A_308, %dma_wait3A_309] : memref<10240x128xf32, #tpu.memory_space<hbm>> -> memref<128x128xf32, #tpu.memory_space<hbm>>
      %dma_wait3A_311 = arith.constant 0 : i32
      %dma_wait3A_312 = arith.constant 0 : i32
      %dma_wait3A_313 = tpu.memref_slice %arg5[%dma_wait3A_311, %dma_wait3A_312] : memref<10240x128xf32, #tpu.memory_space<hbm>> -> memref<128x128xf32, #tpu.memory_space<hbm>>
      tpu.wait_dma2 semaphore(%arg20 : memref<!tpu.dma_semaphore, #tpu.memory_space<semaphore_mem>>) src(%dma_wait3A_313 : memref<128x128xf32, #tpu.memory_space<hbm>>) dst(%arg14 : memref<128x128xf32, #tpu.memory_space<vmem>>)
      %dma_start3A_314 = arith.constant 0 : i32
      %dma_start3A_315 = arith.constant 0 : i32
      %dma_start3A_316 = tpu.memref_slice %arg18[%dma_start3A_314, %dma_start3A_315] : memref<10240x128xf32, #tpu.memory_space<vmem_shared>> -> memref<10240x128xf32, #tpu.memory_space<vmem_shared>>
      tpu.enqueue_indirect_dma source(%arg14 : memref<128x128xf32, #tpu.memory_space<vmem>>) target(%dma_start3A_316 : memref<10240x128xf32, #tpu.memory_space<vmem_shared>>) offsets(%arg11 : memref<128xi32, #tpu.memory_space<vmem>>) semaphore(%arg22 : memref<!tpu.dma_semaphore, #tpu.memory_space<semaphore_mem>>) {add = true}
      %dma_wait3A_317 = arith.constant 0 : i32
      %dma_wait3A_318 = arith.constant 0 : i32
      %dma_wait3A_319 = tpu.memref_slice %arg5[%dma_wait3A_317, %dma_wait3A_318] : memref<10240x128xf32, #tpu.memory_space<hbm>> -> memref<128x128xf32, #tpu.memory_space<hbm>>
      %dma_wait3A_320 = arith.constant 0 : i32
      %dma_wait3A_321 = arith.constant 0 : i32
      %dma_wait3A_322 = tpu.memref_slice %arg5[%dma_wait3A_320, %dma_wait3A_321] : memref<10240x128xf32, #tpu.memory_space<hbm>> -> memref<128x128xf32, #tpu.memory_space<hbm>>
      tpu.wait_dma2 semaphore(%arg21 : memref<!tpu.dma_semaphore, #tpu.memory_space<semaphore_mem>>) src(%dma_wait3A_322 : memref<128x128xf32, #tpu.memory_space<hbm>>) dst(%arg13 : memref<128x128xf32, #tpu.memory_space<vmem>>)
      %dma_wait3A_323 = arith.constant 0 : i32
      %dma_wait3A_324 = tpu.memref_slice %arg3[%dma_wait3A_323] : memref<320000xi32, #tpu.memory_space<hbm>> -> memref<128xi32, #tpu.memory_space<hbm>>
      %dma_wait3A_325 = arith.constant 0 : i32
      %dma_wait3A_326 = tpu.memref_slice %arg3[%dma_wait3A_325] : memref<320000xi32, #tpu.memory_space<hbm>> -> memref<128xi32, #tpu.memory_space<hbm>>
      tpu.wait_dma2 semaphore(%arg25 : memref<!tpu.dma_semaphore, #tpu.memory_space<semaphore_mem>>) src(%dma_wait3A_326 : memref<128xi32, #tpu.memory_space<hbm>>) dst(%arg9 : memref<128xi32, #tpu.memory_space<vmem>>)
      %dma_wait3A_327 = arith.constant 0 : i32
      %dma_wait3A_328 = tpu.memref_slice %arg4[%dma_wait3A_327] : memref<320000xi32, #tpu.memory_space<hbm>> -> memref<128xi32, #tpu.memory_space<hbm>>
      %dma_wait3A_329 = arith.constant 0 : i32
      %dma_wait3A_330 = tpu.memref_slice %arg4[%dma_wait3A_329] : memref<320000xi32, #tpu.memory_space<hbm>> -> memref<128xi32, #tpu.memory_space<hbm>>
      tpu.wait_dma2 semaphore(%arg28 : memref<!tpu.dma_semaphore, #tpu.memory_space<semaphore_mem>>) src(%dma_wait3A_330 : memref<128xi32, #tpu.memory_space<hbm>>) dst(%arg12 : memref<128xi32, #tpu.memory_space<vmem>>)
      %dma_start3A_331 = arith.constant 0 : i32
      %dma_start3A_332 = arith.constant 0 : i32
      %dma_start3A_333 = tpu.memref_slice %arg2[%dma_start3A_331, %dma_start3A_332] : memref<10000x128xf32, #tpu.memory_space<hbm>> -> memref<10000x128xf32, #tpu.memory_space<hbm>>
      tpu.enqueue_indirect_dma source(%dma_start3A_333 : memref<10000x128xf32, #tpu.memory_space<hbm>>) target(%arg13 : memref<128x128xf32, #tpu.memory_space<vmem>>) offsets(%arg9 : memref<128xi32, #tpu.memory_space<vmem>>) semaphore(%arg19 : memref<!tpu.dma_semaphore, #tpu.memory_space<semaphore_mem>>)
      %add3A_334 = arith.constant 2 : i32
      %add3A_335 = arith.addi %add3A_307, %add3A_334 : i32
      %mul3A_336 = arith.constant 128 : i32
      %mul3A_337 = arith.muli %add3A_335, %mul3A_336 : i32
      %add3A_338 = arith.addi %mul3A_2, %mul3A_337 : i32
      %min3A_339 = arith.constant 319872 : i32
      %min3A_340 = arith.minsi %add3A_338, %min3A_339 : i32
      %dma_start3A_341 = tpu.memref_slice %arg3[%min3A_340] : memref<320000xi32, #tpu.memory_space<hbm>> -> memref<128xi32, #tpu.memory_space<hbm>>
      %dma_start3A_342 = tpu.memref_slice %arg3[%min3A_340] : memref<320000xi32, #tpu.memory_space<hbm>> -> memref<128xi32, #tpu.memory_space<hbm>>
      tpu.enqueue_dma source(%dma_start3A_342 : memref<128xi32, #tpu.memory_space<hbm>>) target(%arg7 : memref<128xi32, #tpu.memory_space<vmem>>) target_semaphore(%arg23 : memref<!tpu.dma_semaphore, #tpu.memory_space<semaphore_mem>>)
      %dma_start3A_343 = tpu.memref_slice %arg4[%min3A_340] : memref<320000xi32, #tpu.memory_space<hbm>> -> memref<128xi32, #tpu.memory_space<hbm>>
      %dma_start3A_344 = tpu.memref_slice %arg4[%min3A_340] : memref<320000xi32, #tpu.memory_space<hbm>> -> memref<128xi32, #tpu.memory_space<hbm>>
      tpu.enqueue_dma source(%dma_start3A_344 : memref<128xi32, #tpu.memory_space<hbm>>) target(%arg10 : memref<128xi32, #tpu.memory_space<vmem>>) target_semaphore(%arg26 : memref<!tpu.dma_semaphore, #tpu.memory_space<semaphore_mem>>)
      %add3A_345 = arith.constant 2 : i32
      %add3A_346 = arith.addi %add3A_266, %add3A_345 : i32
      %dma_wait3A_347 = arith.constant 0 : i32
      %dma_wait3A_348 = arith.constant 0 : i32
      %dma_wait3A_349 = tpu.memref_slice %arg5[%dma_wait3A_347, %dma_wait3A_348] : memref<10240x128xf32, #tpu.memory_space<hbm>> -> memref<128x128xf32, #tpu.memory_space<hbm>>
      %dma_wait3A_350 = arith.constant 0 : i32
      %dma_wait3A_351 = arith.constant 0 : i32
      %dma_wait3A_352 = tpu.memref_slice %arg5[%dma_wait3A_350, %dma_wait3A_351] : memref<10240x128xf32, #tpu.memory_space<hbm>> -> memref<128x128xf32, #tpu.memory_space<hbm>>
      tpu.wait_dma2 semaphore(%arg19 : memref<!tpu.dma_semaphore, #tpu.memory_space<semaphore_mem>>) src(%dma_wait3A_352 : memref<128x128xf32, #tpu.memory_space<hbm>>) dst(%arg13 : memref<128x128xf32, #tpu.memory_space<vmem>>)
      %dma_start3A_353 = arith.constant 0 : i32
      %dma_start3A_354 = arith.constant 0 : i32
      %dma_start3A_355 = tpu.memref_slice %arg18[%dma_start3A_353, %dma_start3A_354] : memref<10240x128xf32, #tpu.memory_space<vmem_shared>> -> memref<10240x128xf32, #tpu.memory_space<vmem_shared>>
      tpu.enqueue_indirect_dma source(%arg13 : memref<128x128xf32, #tpu.memory_space<vmem>>) target(%dma_start3A_355 : memref<10240x128xf32, #tpu.memory_space<vmem_shared>>) offsets(%arg12 : memref<128xi32, #tpu.memory_space<vmem>>) semaphore(%arg21 : memref<!tpu.dma_semaphore, #tpu.memory_space<semaphore_mem>>) {add = true}
      %dma_wait3A_356 = arith.constant 0 : i32
      %dma_wait3A_357 = arith.constant 0 : i32
      %dma_wait3A_358 = tpu.memref_slice %arg5[%dma_wait3A_356, %dma_wait3A_357] : memref<10240x128xf32, #tpu.memory_space<hbm>> -> memref<128x128xf32, #tpu.memory_space<hbm>>
      %dma_wait3A_359 = arith.constant 0 : i32
      %dma_wait3A_360 = arith.constant 0 : i32
      %dma_wait3A_361 = tpu.memref_slice %arg5[%dma_wait3A_359, %dma_wait3A_360] : memref<10240x128xf32, #tpu.memory_space<hbm>> -> memref<128x128xf32, #tpu.memory_space<hbm>>
      tpu.wait_dma2 semaphore(%arg22 : memref<!tpu.dma_semaphore, #tpu.memory_space<semaphore_mem>>) src(%dma_wait3A_361 : memref<128x128xf32, #tpu.memory_space<hbm>>) dst(%arg14 : memref<128x128xf32, #tpu.memory_space<vmem>>)
      %dma_wait3A_362 = arith.constant 0 : i32
      %dma_wait3A_363 = tpu.memref_slice %arg3[%dma_wait3A_362] : memref<320000xi32, #tpu.memory_space<hbm>> -> memref<128xi32, #tpu.memory_space<hbm>>
      %dma_wait3A_364 = arith.constant 0 : i32
      %dma_wait3A_365 = tpu.memref_slice %arg3[%dma_wait3A_364] : memref<320000xi32, #tpu.memory_space<hbm>> -> memref<128xi32, #tpu.memory_space<hbm>>
      tpu.wait_dma2 semaphore(%arg23 : memref<!tpu.dma_semaphore, #tpu.memory_space<semaphore_mem>>) src(%dma_wait3A_365 : memref<128xi32, #tpu.memory_space<hbm>>) dst(%arg7 : memref<128xi32, #tpu.memory_space<vmem>>)
      %dma_wait3A_366 = arith.constant 0 : i32
      %dma_wait3A_367 = tpu.memref_slice %arg4[%dma_wait3A_366] : memref<320000xi32, #tpu.memory_space<hbm>> -> memref<128xi32, #tpu.memory_space<hbm>>
      %dma_wait3A_368 = arith.constant 0 : i32
      %dma_wait3A_369 = tpu.memref_slice %arg4[%dma_wait3A_368] : memref<320000xi32, #tpu.memory_space<hbm>> -> memref<128xi32, #tpu.memory_space<hbm>>
      tpu.wait_dma2 semaphore(%arg26 : memref<!tpu.dma_semaphore, #tpu.memory_space<semaphore_mem>>) src(%dma_wait3A_369 : memref<128xi32, #tpu.memory_space<hbm>>) dst(%arg10 : memref<128xi32, #tpu.memory_space<vmem>>)
      %dma_start3A_370 = arith.constant 0 : i32
      %dma_start3A_371 = arith.constant 0 : i32
      %dma_start3A_372 = tpu.memref_slice %arg2[%dma_start3A_370, %dma_start3A_371] : memref<10000x128xf32, #tpu.memory_space<hbm>> -> memref<10000x128xf32, #tpu.memory_space<hbm>>
      tpu.enqueue_indirect_dma source(%dma_start3A_372 : memref<10000x128xf32, #tpu.memory_space<hbm>>) target(%arg14 : memref<128x128xf32, #tpu.memory_space<vmem>>) offsets(%arg7 : memref<128xi32, #tpu.memory_space<vmem>>) semaphore(%arg20 : memref<!tpu.dma_semaphore, #tpu.memory_space<semaphore_mem>>)
      %add3A_373 = arith.constant 2 : i32
      %add3A_374 = arith.addi %add3A_346, %add3A_373 : i32
      %mul3A_375 = arith.constant 128 : i32
      %mul3A_376 = arith.muli %add3A_374, %mul3A_375 : i32
      %add3A_377 = arith.addi %mul3A_2, %mul3A_376 : i32
      %min3A_378 = arith.constant 319872 : i32
      %min3A_379 = arith.minsi %add3A_377, %min3A_378 : i32
      %dma_start3A_380 = tpu.memref_slice %arg3[%min3A_379] : memref<320000xi32, #tpu.memory_space<hbm>> -> memref<128xi32, #tpu.memory_space<hbm>>
      %dma_start3A_381 = tpu.memref_slice %arg3[%min3A_379] : memref<320000xi32, #tpu.memory_space<hbm>> -> memref<128xi32, #tpu.memory_space<hbm>>
      tpu.enqueue_dma source(%dma_start3A_381 : memref<128xi32, #tpu.memory_space<hbm>>) target(%arg8 : memref<128xi32, #tpu.memory_space<vmem>>) target_semaphore(%arg24 : memref<!tpu.dma_semaphore, #tpu.memory_space<semaphore_mem>>)
      %dma_start3A_382 = tpu.memref_slice %arg4[%min3A_379] : memref<320000xi32, #tpu.memory_space<hbm>> -> memref<128xi32, #tpu.memory_space<hbm>>
      %dma_start3A_383 = tpu.memref_slice %arg4[%min3A_379] : memref<320000xi32, #tpu.memory_space<hbm>> -> memref<128xi32, #tpu.memory_space<hbm>>
      tpu.enqueue_dma source(%dma_start3A_383 : memref<128xi32, #tpu.memory_space<hbm>>) target(%arg11 : memref<128xi32, #tpu.memory_space<vmem>>) target_semaphore(%arg27 : memref<!tpu.dma_semaphore, #tpu.memory_space<semaphore_mem>>)
      %add3A_384 = arith.constant 3 : i32
      %add3A_385 = arith.addi %add3A_266, %add3A_384 : i32
      %dma_wait3A_386 = arith.constant 0 : i32
      %dma_wait3A_387 = arith.constant 0 : i32
      %dma_wait3A_388 = tpu.memref_slice %arg5[%dma_wait3A_386, %dma_wait3A_387] : memref<10240x128xf32, #tpu.memory_space<hbm>> -> memref<128x128xf32, #tpu.memory_space<hbm>>
      %dma_wait3A_389 = arith.constant 0 : i32
      %dma_wait3A_390 = arith.constant 0 : i32
      %dma_wait3A_391 = tpu.memref_slice %arg5[%dma_wait3A_389, %dma_wait3A_390] : memref<10240x128xf32, #tpu.memory_space<hbm>> -> memref<128x128xf32, #tpu.memory_space<hbm>>
      tpu.wait_dma2 semaphore(%arg20 : memref<!tpu.dma_semaphore, #tpu.memory_space<semaphore_mem>>) src(%dma_wait3A_391 : memref<128x128xf32, #tpu.memory_space<hbm>>) dst(%arg14 : memref<128x128xf32, #tpu.memory_space<vmem>>)
      %dma_start3A_392 = arith.constant 0 : i32
      %dma_start3A_393 = arith.constant 0 : i32
      %dma_start3A_394 = tpu.memref_slice %arg18[%dma_start3A_392, %dma_start3A_393] : memref<10240x128xf32, #tpu.memory_space<vmem_shared>> -> memref<10240x128xf32, #tpu.memory_space<vmem_shared>>
      tpu.enqueue_indirect_dma source(%arg14 : memref<128x128xf32, #tpu.memory_space<vmem>>) target(%dma_start3A_394 : memref<10240x128xf32, #tpu.memory_space<vmem_shared>>) offsets(%arg10 : memref<128xi32, #tpu.memory_space<vmem>>) semaphore(%arg22 : memref<!tpu.dma_semaphore, #tpu.memory_space<semaphore_mem>>) {add = true}
      %dma_wait3A_395 = arith.constant 0 : i32
      %dma_wait3A_396 = arith.constant 0 : i32
      %dma_wait3A_397 = tpu.memref_slice %arg5[%dma_wait3A_395, %dma_wait3A_396] : memref<10240x128xf32, #tpu.memory_space<hbm>> -> memref<128x128xf32, #tpu.memory_space<hbm>>
      %dma_wait3A_398 = arith.constant 0 : i32
      %dma_wait3A_399 = arith.constant 0 : i32
      %dma_wait3A_400 = tpu.memref_slice %arg5[%dma_wait3A_398, %dma_wait3A_399] : memref<10240x128xf32, #tpu.memory_space<hbm>> -> memref<128x128xf32, #tpu.memory_space<hbm>>
      tpu.wait_dma2 semaphore(%arg21 : memref<!tpu.dma_semaphore, #tpu.memory_space<semaphore_mem>>) src(%dma_wait3A_400 : memref<128x128xf32, #tpu.memory_space<hbm>>) dst(%arg13 : memref<128x128xf32, #tpu.memory_space<vmem>>)
      %dma_wait3A_401 = arith.constant 0 : i32
      %dma_wait3A_402 = tpu.memref_slice %arg3[%dma_wait3A_401] : memref<320000xi32, #tpu.memory_space<hbm>> -> memref<128xi32, #tpu.memory_space<hbm>>
      %dma_wait3A_403 = arith.constant 0 : i32
      %dma_wait3A_404 = tpu.memref_slice %arg3[%dma_wait3A_403] : memref<320000xi32, #tpu.memory_space<hbm>> -> memref<128xi32, #tpu.memory_space<hbm>>
      tpu.wait_dma2 semaphore(%arg24 : memref<!tpu.dma_semaphore, #tpu.memory_space<semaphore_mem>>) src(%dma_wait3A_404 : memref<128xi32, #tpu.memory_space<hbm>>) dst(%arg8 : memref<128xi32, #tpu.memory_space<vmem>>)
      %dma_wait3A_405 = arith.constant 0 : i32
      %dma_wait3A_406 = tpu.memref_slice %arg4[%dma_wait3A_405] : memref<320000xi32, #tpu.memory_space<hbm>> -> memref<128xi32, #tpu.memory_space<hbm>>
      %dma_wait3A_407 = arith.constant 0 : i32
      %dma_wait3A_408 = tpu.memref_slice %arg4[%dma_wait3A_407] : memref<320000xi32, #tpu.memory_space<hbm>> -> memref<128xi32, #tpu.memory_space<hbm>>
      tpu.wait_dma2 semaphore(%arg27 : memref<!tpu.dma_semaphore, #tpu.memory_space<semaphore_mem>>) src(%dma_wait3A_408 : memref<128xi32, #tpu.memory_space<hbm>>) dst(%arg11 : memref<128xi32, #tpu.memory_space<vmem>>)
      %dma_start3A_409 = arith.constant 0 : i32
      %dma_start3A_410 = arith.constant 0 : i32
      %dma_start3A_411 = tpu.memref_slice %arg2[%dma_start3A_409, %dma_start3A_410] : memref<10000x128xf32, #tpu.memory_space<hbm>> -> memref<10000x128xf32, #tpu.memory_space<hbm>>
      tpu.enqueue_indirect_dma source(%dma_start3A_411 : memref<10000x128xf32, #tpu.memory_space<hbm>>) target(%arg13 : memref<128x128xf32, #tpu.memory_space<vmem>>) offsets(%arg8 : memref<128xi32, #tpu.memory_space<vmem>>) semaphore(%arg19 : memref<!tpu.dma_semaphore, #tpu.memory_space<semaphore_mem>>)
      %add3A_412 = arith.constant 2 : i32
      %add3A_413 = arith.addi %add3A_385, %add3A_412 : i32
      %mul3A_414 = arith.constant 128 : i32
      %mul3A_415 = arith.muli %add3A_413, %mul3A_414 : i32
      %add3A_416 = arith.addi %mul3A_2, %mul3A_415 : i32
      %min3A_417 = arith.constant 319872 : i32
      %min3A_418 = arith.minsi %add3A_416, %min3A_417 : i32
      %dma_start3A_419 = tpu.memref_slice %arg3[%min3A_418] : memref<320000xi32, #tpu.memory_space<hbm>> -> memref<128xi32, #tpu.memory_space<hbm>>
      %dma_start3A_420 = tpu.memref_slice %arg3[%min3A_418] : memref<320000xi32, #tpu.memory_space<hbm>> -> memref<128xi32, #tpu.memory_space<hbm>>
      tpu.enqueue_dma source(%dma_start3A_420 : memref<128xi32, #tpu.memory_space<hbm>>) target(%arg9 : memref<128xi32, #tpu.memory_space<vmem>>) target_semaphore(%arg25 : memref<!tpu.dma_semaphore, #tpu.memory_space<semaphore_mem>>)
      %dma_start3A_421 = tpu.memref_slice %arg4[%min3A_418] : memref<320000xi32, #tpu.memory_space<hbm>> -> memref<128xi32, #tpu.memory_space<hbm>>
      %dma_start3A_422 = tpu.memref_slice %arg4[%min3A_418] : memref<320000xi32, #tpu.memory_space<hbm>> -> memref<128xi32, #tpu.memory_space<hbm>>
      tpu.enqueue_dma source(%dma_start3A_422 : memref<128xi32, #tpu.memory_space<hbm>>) target(%arg12 : memref<128xi32, #tpu.memory_space<vmem>>) target_semaphore(%arg28 : memref<!tpu.dma_semaphore, #tpu.memory_space<semaphore_mem>>)
      %add3A_423 = arith.constant 4 : i32
      %add3A_424 = arith.addi %add3A_266, %add3A_423 : i32
      %dma_wait3A_425 = arith.constant 0 : i32
      %dma_wait3A_426 = arith.constant 0 : i32
      %dma_wait3A_427 = tpu.memref_slice %arg5[%dma_wait3A_425, %dma_wait3A_426] : memref<10240x128xf32, #tpu.memory_space<hbm>> -> memref<128x128xf32, #tpu.memory_space<hbm>>
      %dma_wait3A_428 = arith.constant 0 : i32
      %dma_wait3A_429 = arith.constant 0 : i32
      %dma_wait3A_430 = tpu.memref_slice %arg5[%dma_wait3A_428, %dma_wait3A_429] : memref<10240x128xf32, #tpu.memory_space<hbm>> -> memref<128x128xf32, #tpu.memory_space<hbm>>
      tpu.wait_dma2 semaphore(%arg19 : memref<!tpu.dma_semaphore, #tpu.memory_space<semaphore_mem>>) src(%dma_wait3A_430 : memref<128x128xf32, #tpu.memory_space<hbm>>) dst(%arg13 : memref<128x128xf32, #tpu.memory_space<vmem>>)
      %dma_start3A_431 = arith.constant 0 : i32
      %dma_start3A_432 = arith.constant 0 : i32
      %dma_start3A_433 = tpu.memref_slice %arg18[%dma_start3A_431, %dma_start3A_432] : memref<10240x128xf32, #tpu.memory_space<vmem_shared>> -> memref<10240x128xf32, #tpu.memory_space<vmem_shared>>
      tpu.enqueue_indirect_dma source(%arg13 : memref<128x128xf32, #tpu.memory_space<vmem>>) target(%dma_start3A_433 : memref<10240x128xf32, #tpu.memory_space<vmem_shared>>) offsets(%arg11 : memref<128xi32, #tpu.memory_space<vmem>>) semaphore(%arg21 : memref<!tpu.dma_semaphore, #tpu.memory_space<semaphore_mem>>) {add = true}
      %dma_wait3A_434 = arith.constant 0 : i32
      %dma_wait3A_435 = arith.constant 0 : i32
      %dma_wait3A_436 = tpu.memref_slice %arg5[%dma_wait3A_434, %dma_wait3A_435] : memref<10240x128xf32, #tpu.memory_space<hbm>> -> memref<128x128xf32, #tpu.memory_space<hbm>>
      %dma_wait3A_437 = arith.constant 0 : i32
      %dma_wait3A_438 = arith.constant 0 : i32
      %dma_wait3A_439 = tpu.memref_slice %arg5[%dma_wait3A_437, %dma_wait3A_438] : memref<10240x128xf32, #tpu.memory_space<hbm>> -> memref<128x128xf32, #tpu.memory_space<hbm>>
      tpu.wait_dma2 semaphore(%arg22 : memref<!tpu.dma_semaphore, #tpu.memory_space<semaphore_mem>>) src(%dma_wait3A_439 : memref<128x128xf32, #tpu.memory_space<hbm>>) dst(%arg14 : memref<128x128xf32, #tpu.memory_space<vmem>>)
      %dma_wait3A_440 = arith.constant 0 : i32
      %dma_wait3A_441 = tpu.memref_slice %arg3[%dma_wait3A_440] : memref<320000xi32, #tpu.memory_space<hbm>> -> memref<128xi32, #tpu.memory_space<hbm>>
      %dma_wait3A_442 = arith.constant 0 : i32
      %dma_wait3A_443 = tpu.memref_slice %arg3[%dma_wait3A_442] : memref<320000xi32, #tpu.memory_space<hbm>> -> memref<128xi32, #tpu.memory_space<hbm>>
      tpu.wait_dma2 semaphore(%arg25 : memref<!tpu.dma_semaphore, #tpu.memory_space<semaphore_mem>>) src(%dma_wait3A_443 : memref<128xi32, #tpu.memory_space<hbm>>) dst(%arg9 : memref<128xi32, #tpu.memory_space<vmem>>)
      %dma_wait3A_444 = arith.constant 0 : i32
      %dma_wait3A_445 = tpu.memref_slice %arg4[%dma_wait3A_444] : memref<320000xi32, #tpu.memory_space<hbm>> -> memref<128xi32, #tpu.memory_space<hbm>>
      %dma_wait3A_446 = arith.constant 0 : i32
      %dma_wait3A_447 = tpu.memref_slice %arg4[%dma_wait3A_446] : memref<320000xi32, #tpu.memory_space<hbm>> -> memref<128xi32, #tpu.memory_space<hbm>>
      tpu.wait_dma2 semaphore(%arg28 : memref<!tpu.dma_semaphore, #tpu.memory_space<semaphore_mem>>) src(%dma_wait3A_447 : memref<128xi32, #tpu.memory_space<hbm>>) dst(%arg12 : memref<128xi32, #tpu.memory_space<vmem>>)
      %dma_start3A_448 = arith.constant 0 : i32
      %dma_start3A_449 = arith.constant 0 : i32
      %dma_start3A_450 = tpu.memref_slice %arg2[%dma_start3A_448, %dma_start3A_449] : memref<10000x128xf32, #tpu.memory_space<hbm>> -> memref<10000x128xf32, #tpu.memory_space<hbm>>
      tpu.enqueue_indirect_dma source(%dma_start3A_450 : memref<10000x128xf32, #tpu.memory_space<hbm>>) target(%arg14 : memref<128x128xf32, #tpu.memory_space<vmem>>) offsets(%arg9 : memref<128xi32, #tpu.memory_space<vmem>>) semaphore(%arg20 : memref<!tpu.dma_semaphore, #tpu.memory_space<semaphore_mem>>)
      %add3A_451 = arith.constant 2 : i32
      %add3A_452 = arith.addi %add3A_424, %add3A_451 : i32
      %mul3A_453 = arith.constant 128 : i32
      %mul3A_454 = arith.muli %add3A_452, %mul3A_453 : i32
      %add3A_455 = arith.addi %mul3A_2, %mul3A_454 : i32
      %min3A_456 = arith.constant 319872 : i32
      %min3A_457 = arith.minsi %add3A_455, %min3A_456 : i32
      %dma_start3A_458 = tpu.memref_slice %arg3[%min3A_457] : memref<320000xi32, #tpu.memory_space<hbm>> -> memref<128xi32, #tpu.memory_space<hbm>>
      %dma_start3A_459 = tpu.memref_slice %arg3[%min3A_457] : memref<320000xi32, #tpu.memory_space<hbm>> -> memref<128xi32, #tpu.memory_space<hbm>>
      tpu.enqueue_dma source(%dma_start3A_459 : memref<128xi32, #tpu.memory_space<hbm>>) target(%arg7 : memref<128xi32, #tpu.memory_space<vmem>>) target_semaphore(%arg23 : memref<!tpu.dma_semaphore, #tpu.memory_space<semaphore_mem>>)
      %dma_start3A_460 = tpu.memref_slice %arg4[%min3A_457] : memref<320000xi32, #tpu.memory_space<hbm>> -> memref<128xi32, #tpu.memory_space<hbm>>
      %dma_start3A_461 = tpu.memref_slice %arg4[%min3A_457] : memref<320000xi32, #tpu.memory_space<hbm>> -> memref<128xi32, #tpu.memory_space<hbm>>
      tpu.enqueue_dma source(%dma_start3A_461 : memref<128xi32, #tpu.memory_space<hbm>>) target(%arg10 : memref<128xi32, #tpu.memory_space<vmem>>) target_semaphore(%arg26 : memref<!tpu.dma_semaphore, #tpu.memory_space<semaphore_mem>>)
      %add3A_462 = arith.constant 5 : i32
      %add3A_463 = arith.addi %add3A_266, %add3A_462 : i32
      %dma_wait3A_464 = arith.constant 0 : i32
      %dma_wait3A_465 = arith.constant 0 : i32
      %dma_wait3A_466 = tpu.memref_slice %arg5[%dma_wait3A_464, %dma_wait3A_465] : memref<10240x128xf32, #tpu.memory_space<hbm>> -> memref<128x128xf32, #tpu.memory_space<hbm>>
      %dma_wait3A_467 = arith.constant 0 : i32
      %dma_wait3A_468 = arith.constant 0 : i32
      %dma_wait3A_469 = tpu.memref_slice %arg5[%dma_wait3A_467, %dma_wait3A_468] : memref<10240x128xf32, #tpu.memory_space<hbm>> -> memref<128x128xf32, #tpu.memory_space<hbm>>
      tpu.wait_dma2 semaphore(%arg20 : memref<!tpu.dma_semaphore, #tpu.memory_space<semaphore_mem>>) src(%dma_wait3A_469 : memref<128x128xf32, #tpu.memory_space<hbm>>) dst(%arg14 : memref<128x128xf32, #tpu.memory_space<vmem>>)
      %dma_start3A_470 = arith.constant 0 : i32
      %dma_start3A_471 = arith.constant 0 : i32
      %dma_start3A_472 = tpu.memref_slice %arg18[%dma_start3A_470, %dma_start3A_471] : memref<10240x128xf32, #tpu.memory_space<vmem_shared>> -> memref<10240x128xf32, #tpu.memory_space<vmem_shared>>
      tpu.enqueue_indirect_dma source(%arg14 : memref<128x128xf32, #tpu.memory_space<vmem>>) target(%dma_start3A_472 : memref<10240x128xf32, #tpu.memory_space<vmem_shared>>) offsets(%arg12 : memref<128xi32, #tpu.memory_space<vmem>>) semaphore(%arg22 : memref<!tpu.dma_semaphore, #tpu.memory_space<semaphore_mem>>) {add = true}
      %dma_wait3A_473 = arith.constant 0 : i32
      %dma_wait3A_474 = arith.constant 0 : i32
      %dma_wait3A_475 = tpu.memref_slice %arg5[%dma_wait3A_473, %dma_wait3A_474] : memref<10240x128xf32, #tpu.memory_space<hbm>> -> memref<128x128xf32, #tpu.memory_space<hbm>>
      %dma_wait3A_476 = arith.constant 0 : i32
      %dma_wait3A_477 = arith.constant 0 : i32
      %dma_wait3A_478 = tpu.memref_slice %arg5[%dma_wait3A_476, %dma_wait3A_477] : memref<10240x128xf32, #tpu.memory_space<hbm>> -> memref<128x128xf32, #tpu.memory_space<hbm>>
      tpu.wait_dma2 semaphore(%arg21 : memref<!tpu.dma_semaphore, #tpu.memory_space<semaphore_mem>>) src(%dma_wait3A_478 : memref<128x128xf32, #tpu.memory_space<hbm>>) dst(%arg13 : memref<128x128xf32, #tpu.memory_space<vmem>>)
      %dma_wait3A_479 = arith.constant 0 : i32
      %dma_wait3A_480 = tpu.memref_slice %arg3[%dma_wait3A_479] : memref<320000xi32, #tpu.memory_space<hbm>> -> memref<128xi32, #tpu.memory_space<hbm>>
      %dma_wait3A_481 = arith.constant 0 : i32
      %dma_wait3A_482 = tpu.memref_slice %arg3[%dma_wait3A_481] : memref<320000xi32, #tpu.memory_space<hbm>> -> memref<128xi32, #tpu.memory_space<hbm>>
      tpu.wait_dma2 semaphore(%arg23 : memref<!tpu.dma_semaphore, #tpu.memory_space<semaphore_mem>>) src(%dma_wait3A_482 : memref<128xi32, #tpu.memory_space<hbm>>) dst(%arg7 : memref<128xi32, #tpu.memory_space<vmem>>)
      %dma_wait3A_483 = arith.constant 0 : i32
      %dma_wait3A_484 = tpu.memref_slice %arg4[%dma_wait3A_483] : memref<320000xi32, #tpu.memory_space<hbm>> -> memref<128xi32, #tpu.memory_space<hbm>>
      %dma_wait3A_485 = arith.constant 0 : i32
      %dma_wait3A_486 = tpu.memref_slice %arg4[%dma_wait3A_485] : memref<320000xi32, #tpu.memory_space<hbm>> -> memref<128xi32, #tpu.memory_space<hbm>>
      tpu.wait_dma2 semaphore(%arg26 : memref<!tpu.dma_semaphore, #tpu.memory_space<semaphore_mem>>) src(%dma_wait3A_486 : memref<128xi32, #tpu.memory_space<hbm>>) dst(%arg10 : memref<128xi32, #tpu.memory_space<vmem>>)
      %dma_start3A_487 = arith.constant 0 : i32
      %dma_start3A_488 = arith.constant 0 : i32
      %dma_start3A_489 = tpu.memref_slice %arg2[%dma_start3A_487, %dma_start3A_488] : memref<10000x128xf32, #tpu.memory_space<hbm>> -> memref<10000x128xf32, #tpu.memory_space<hbm>>
      tpu.enqueue_indirect_dma source(%dma_start3A_489 : memref<10000x128xf32, #tpu.memory_space<hbm>>) target(%arg13 : memref<128x128xf32, #tpu.memory_space<vmem>>) offsets(%arg7 : memref<128xi32, #tpu.memory_space<vmem>>) semaphore(%arg19 : memref<!tpu.dma_semaphore, #tpu.memory_space<semaphore_mem>>)
      %add3A_490 = arith.constant 2 : i32
      %add3A_491 = arith.addi %add3A_463, %add3A_490 : i32
      %mul3A_492 = arith.constant 128 : i32
      %mul3A_493 = arith.muli %add3A_491, %mul3A_492 : i32
      %add3A_494 = arith.addi %mul3A_2, %mul3A_493 : i32
      %min3A_495 = arith.constant 319872 : i32
      %min3A_496 = arith.minsi %add3A_494, %min3A_495 : i32
      %dma_start3A_497 = tpu.memref_slice %arg3[%min3A_496] : memref<320000xi32, #tpu.memory_space<hbm>> -> memref<128xi32, #tpu.memory_space<hbm>>
      %dma_start3A_498 = tpu.memref_slice %arg3[%min3A_496] : memref<320000xi32, #tpu.memory_space<hbm>> -> memref<128xi32, #tpu.memory_space<hbm>>
      tpu.enqueue_dma source(%dma_start3A_498 : memref<128xi32, #tpu.memory_space<hbm>>) target(%arg8 : memref<128xi32, #tpu.memory_space<vmem>>) target_semaphore(%arg24 : memref<!tpu.dma_semaphore, #tpu.memory_space<semaphore_mem>>)
      %dma_start3A_499 = tpu.memref_slice %arg4[%min3A_496] : memref<320000xi32, #tpu.memory_space<hbm>> -> memref<128xi32, #tpu.memory_space<hbm>>
      %dma_start3A_500 = tpu.memref_slice %arg4[%min3A_496] : memref<320000xi32, #tpu.memory_space<hbm>> -> memref<128xi32, #tpu.memory_space<hbm>>
      tpu.enqueue_dma source(%dma_start3A_500 : memref<128xi32, #tpu.memory_space<hbm>>) target(%arg11 : memref<128xi32, #tpu.memory_space<vmem>>) target_semaphore(%arg27 : memref<!tpu.dma_semaphore, #tpu.memory_space<semaphore_mem>>)
    }
    %scan3A_232 = arith.constant 12 : i32
    %dma_wait3A_233 = arith.constant 0 : i32
    %dma_wait3A_234 = arith.constant 0 : i32
    %dma_wait3A_235 = tpu.memref_slice %arg5[%dma_wait3A_233, %dma_wait3A_234] : memref<10240x128xf32, #tpu.memory_space<hbm>> -> memref<128x128xf32, #tpu.memory_space<hbm>>
    %dma_wait3A_236 = arith.constant 0 : i32
    %dma_wait3A_237 = arith.constant 0 : i32
    %dma_wait3A_238 = tpu.memref_slice %arg5[%dma_wait3A_236, %dma_wait3A_237] : memref<10240x128xf32, #tpu.memory_space<hbm>> -> memref<128x128xf32, #tpu.memory_space<hbm>>
    tpu.wait_dma2 semaphore(%arg19 : memref<!tpu.dma_semaphore, #tpu.memory_space<semaphore_mem>>) src(%dma_wait3A_238 : memref<128x128xf32, #tpu.memory_space<hbm>>) dst(%arg13 : memref<128x128xf32, #tpu.memory_space<vmem>>)
    %dma_wait3A_239 = arith.constant 0 : i32
    %dma_wait3A_240 = arith.constant 0 : i32
    %dma_wait3A_241 = tpu.memref_slice %arg5[%dma_wait3A_239, %dma_wait3A_240] : memref<10240x128xf32, #tpu.memory_space<hbm>> -> memref<128x128xf32, #tpu.memory_space<hbm>>
    %dma_wait3A_242 = arith.constant 0 : i32
    %dma_wait3A_243 = arith.constant 0 : i32
    %dma_wait3A_244 = tpu.memref_slice %arg5[%dma_wait3A_242, %dma_wait3A_243] : memref<10240x128xf32, #tpu.memory_space<hbm>> -> memref<128x128xf32, #tpu.memory_space<hbm>>
    tpu.wait_dma2 semaphore(%arg22 : memref<!tpu.dma_semaphore, #tpu.memory_space<semaphore_mem>>) src(%dma_wait3A_244 : memref<128x128xf32, #tpu.memory_space<hbm>>) dst(%arg14 : memref<128x128xf32, #tpu.memory_space<vmem>>)
    %dma_wait3A_245 = arith.constant 0 : i32
    %dma_wait3A_246 = tpu.memref_slice %arg3[%dma_wait3A_245] : memref<320000xi32, #tpu.memory_space<hbm>> -> memref<128xi32, #tpu.memory_space<hbm>>
    %dma_wait3A_247 = arith.constant 0 : i32
    %dma_wait3A_248 = tpu.memref_slice %arg3[%dma_wait3A_247] : memref<320000xi32, #tpu.memory_space<hbm>> -> memref<128xi32, #tpu.memory_space<hbm>>
    tpu.wait_dma2 semaphore(%arg24 : memref<!tpu.dma_semaphore, #tpu.memory_space<semaphore_mem>>) src(%dma_wait3A_248 : memref<128xi32, #tpu.memory_space<hbm>>) dst(%arg8 : memref<128xi32, #tpu.memory_space<vmem>>)
    %dma_wait3A_249 = arith.constant 0 : i32
    %dma_wait3A_250 = tpu.memref_slice %arg4[%dma_wait3A_249] : memref<320000xi32, #tpu.memory_space<hbm>> -> memref<128xi32, #tpu.memory_space<hbm>>
    %dma_wait3A_251 = arith.constant 0 : i32
    %dma_wait3A_252 = tpu.memref_slice %arg4[%dma_wait3A_251] : memref<320000xi32, #tpu.memory_space<hbm>> -> memref<128xi32, #tpu.memory_space<hbm>>
    tpu.wait_dma2 semaphore(%arg27 : memref<!tpu.dma_semaphore, #tpu.memory_space<semaphore_mem>>) src(%dma_wait3A_252 : memref<128xi32, #tpu.memory_space<hbm>>) dst(%arg11 : memref<128xi32, #tpu.memory_space<vmem>>)
    %add3A_253 = arith.constant 9984 : i32
    %add3A_254 = arith.addi %mul3A_2, %add3A_253 : i32
    "tpu.region"() ({
      %run_scoped3A = tpu.sem_alloc : memref<!tpu.dma_semaphore, #tpu.memory_space<semaphore_mem>>
      %dma_start3A_262 = tpu.memref_slice %arg3[%add3A_254] : memref<320000xi32, #tpu.memory_space<hbm>> -> memref<16xi32, #tpu.memory_space<hbm>>
      %dma_start3A_263 = tpu.memref_slice %arg3[%add3A_254] : memref<320000xi32, #tpu.memory_space<hbm>> -> memref<16xi32, #tpu.memory_space<hbm>>
      tpu.enqueue_dma source(%dma_start3A_263 : memref<16xi32, #tpu.memory_space<hbm>>) target(%arg15 : memref<16xi32, #tpu.memory_space<vmem>>) target_semaphore(%run_scoped3A : memref<!tpu.dma_semaphore, #tpu.memory_space<semaphore_mem>>)
      %dma_wait3A_264 = tpu.memref_slice %arg3[%add3A_254] : memref<320000xi32, #tpu.memory_space<hbm>> -> memref<16xi32, #tpu.memory_space<hbm>>
      %dma_wait3A_265 = tpu.memref_slice %arg3[%add3A_254] : memref<320000xi32, #tpu.memory_space<hbm>> -> memref<16xi32, #tpu.memory_space<hbm>>
      tpu.wait_dma2 semaphore(%run_scoped3A : memref<!tpu.dma_semaphore, #tpu.memory_space<semaphore_mem>>) src(%dma_wait3A_265 : memref<16xi32, #tpu.memory_space<hbm>>) dst(%arg15 : memref<16xi32, #tpu.memory_space<vmem>>)
      tpu.yield
    }) : () -> ()
    "tpu.region"() ({
      %run_scoped3A = tpu.sem_alloc : memref<!tpu.dma_semaphore, #tpu.memory_space<semaphore_mem>>
      %dma_start3A_262 = tpu.memref_slice %arg4[%add3A_254] : memref<320000xi32, #tpu.memory_space<hbm>> -> memref<16xi32, #tpu.memory_space<hbm>>
      %dma_start3A_263 = tpu.memref_slice %arg4[%add3A_254] : memref<320000xi32, #tpu.memory_space<hbm>> -> memref<16xi32, #tpu.memory_space<hbm>>
      tpu.enqueue_dma source(%dma_start3A_263 : memref<16xi32, #tpu.memory_space<hbm>>) target(%arg16 : memref<16xi32, #tpu.memory_space<vmem>>) target_semaphore(%run_scoped3A : memref<!tpu.dma_semaphore, #tpu.memory_space<semaphore_mem>>)
      %dma_wait3A_264 = tpu.memref_slice %arg4[%add3A_254] : memref<320000xi32, #tpu.memory_space<hbm>> -> memref<16xi32, #tpu.memory_space<hbm>>
      %dma_wait3A_265 = tpu.memref_slice %arg4[%add3A_254] : memref<320000xi32, #tpu.memory_space<hbm>> -> memref<16xi32, #tpu.memory_space<hbm>>
      tpu.wait_dma2 semaphore(%run_scoped3A : memref<!tpu.dma_semaphore, #tpu.memory_space<semaphore_mem>>) src(%dma_wait3A_265 : memref<16xi32, #tpu.memory_space<hbm>>) dst(%arg16 : memref<16xi32, #tpu.memory_space<vmem>>)
      tpu.yield
    }) : () -> ()
    %dma_start3A_255 = arith.constant 0 : i32
    %dma_start3A_256 = arith.constant 0 : i32
    %dma_start3A_257 = tpu.memref_slice %arg2[%dma_start3A_255, %dma_start3A_256] : memref<10000x128xf32, #tpu.memory_space<hbm>> -> memref<10000x128xf32, #tpu.memory_space<hbm>>
    tpu.enqueue_indirect_dma source(%dma_start3A_257 : memref<10000x128xf32, #tpu.memory_space<hbm>>) target(%arg17 : memref<16x128xf32, #tpu.memory_space<vmem>>) offsets(%arg15 : memref<16xi32, #tpu.memory_space<vmem>>) semaphore(%arg29 : memref<!tpu.dma_semaphore, #tpu.memory_space<semaphore_mem>>)
    %dma_wait3A_258 = arith.constant 0 : i32
    %dma_wait3A_259 = arith.constant 0 : i32
    %dma_wait3A_260 = tpu.memref_slice %arg2[%dma_wait3A_258, %dma_wait3A_259] : memref<10000x128xf32, #tpu.memory_space<hbm>> -> memref<10000x128xf32, #tpu.memory_space<hbm>>
    tpu.wait_indirect_dma semaphore(%arg29 : memref<!tpu.dma_semaphore, #tpu.memory_space<semaphore_mem>>) src(%dma_wait3A_260 : memref<10000x128xf32, #tpu.memory_space<hbm>>) dst(%arg17 : memref<16x128xf32, #tpu.memory_space<vmem>>)
    "tpu.region"() ({
      %run_scoped3A = tpu.sem_alloc : memref<!tpu.dma_semaphore, #tpu.memory_space<semaphore_mem>>
      %dma_start3A_262 = arith.constant 0 : i32
      %dma_start3A_263 = arith.constant 0 : i32
      %dma_start3A_264 = tpu.memref_slice %arg18[%dma_start3A_262, %dma_start3A_263] : memref<10240x128xf32, #tpu.memory_space<vmem_shared>> -> memref<10240x128xf32, #tpu.memory_space<vmem_shared>>
      tpu.enqueue_indirect_dma source(%arg17 : memref<16x128xf32, #tpu.memory_space<vmem>>) target(%dma_start3A_264 : memref<10240x128xf32, #tpu.memory_space<vmem_shared>>) offsets(%arg16 : memref<16xi32, #tpu.memory_space<vmem>>) semaphore(%run_scoped3A : memref<!tpu.dma_semaphore, #tpu.memory_space<semaphore_mem>>) {add = true}
      %dma_wait3A_265 = arith.constant 0 : i32
      %dma_wait3A_266 = arith.constant 0 : i32
      %dma_wait3A_267 = tpu.memref_slice %arg18[%dma_wait3A_265, %dma_wait3A_266] : memref<10240x128xf32, #tpu.memory_space<vmem_shared>> -> memref<10240x128xf32, #tpu.memory_space<vmem_shared>>
      tpu.wait_indirect_dma semaphore(%run_scoped3A : memref<!tpu.dma_semaphore, #tpu.memory_space<semaphore_mem>>) src(%arg17 : memref<16x128xf32, #tpu.memory_space<vmem>>) dst(%dma_wait3A_267 : memref<10240x128xf32, #tpu.memory_space<vmem_shared>>)
      tpu.yield
    }) : () -> ()
    %barrier3A_261 = arith.constant 0 : index
    tpu.barrier barrier_id(%barrier3A_261)
    "tpu.region"() ({
      %run_scoped3A = tpu.sem_alloc : memref<!tpu.dma_semaphore, #tpu.memory_space<semaphore_mem>>
      %dma_start3A_262 = arith.constant 0 : i32
      %dma_start3A_263 = tpu.memref_slice %arg6[%arg0, %mul3A_4, %dma_start3A_262] : memref<2x10240x128xf32, #tpu.memory_space<hbm>> -> memref<1x640x128xf32, #tpu.memory_space<hbm>>
      %dma_start3A_264 = tpu.memref_squeeze %dma_start3A_263 : memref<1x640x128xf32, #tpu.memory_space<hbm>> -> memref<640x128xf32, #tpu.memory_space<hbm>>
      %dma_start3A_265 = arith.constant 0 : i32
      %dma_start3A_266 = tpu.memref_slice %arg18[%mul3A_4, %dma_start3A_265] : memref<10240x128xf32, #tpu.memory_space<vmem_shared>> -> memref<640x128xf32, #tpu.memory_space<vmem_shared>>
      tpu.enqueue_dma source(%dma_start3A_266 : memref<640x128xf32, #tpu.memory_space<vmem_shared>>) target(%dma_start3A_264 : memref<640x128xf32, #tpu.memory_space<hbm>>) target_semaphore(%run_scoped3A : memref<!tpu.dma_semaphore, #tpu.memory_space<semaphore_mem>>)
      %dma_wait3A_267 = arith.constant 0 : i32
      %dma_wait3A_268 = tpu.memref_slice %arg6[%arg0, %mul3A_4, %dma_wait3A_267] : memref<2x10240x128xf32, #tpu.memory_space<hbm>> -> memref<1x640x128xf32, #tpu.memory_space<hbm>>
      %dma_wait3A_269 = tpu.memref_squeeze %dma_wait3A_268 : memref<1x640x128xf32, #tpu.memory_space<hbm>> -> memref<640x128xf32, #tpu.memory_space<hbm>>
      %dma_wait3A_270 = arith.constant 0 : i32
      %dma_wait3A_271 = tpu.memref_slice %arg18[%mul3A_4, %dma_wait3A_270] : memref<10240x128xf32, #tpu.memory_space<vmem_shared>> -> memref<640x128xf32, #tpu.memory_space<vmem_shared>>
      tpu.wait_dma2 semaphore(%run_scoped3A : memref<!tpu.dma_semaphore, #tpu.memory_space<semaphore_mem>>) src(%dma_wait3A_271 : memref<640x128xf32, #tpu.memory_space<vmem_shared>>) dst(%dma_wait3A_269 : memref<640x128xf32, #tpu.memory_space<hbm>>)
      tpu.yield
    }) : () -> ()
    return
  }
}

#map = affine_map<(d0, d1) -> (0, 0)>
#map1 = affine_map<(d0, d1) -> (0)>
#map2 = affine_map<(d0, d1) -> (0, 0, 0)>
module attributes {stable_mosaic.version = 14 : i64} {
  func.func @body(%arg0: i32, %arg1: i32, %arg2: memref<10000x128xf32, #tpu.memory_space<hbm>>, %arg3: memref<320000xi32, #tpu.memory_space<hbm>>, %arg4: memref<320000xi32, #tpu.memory_space<hbm>>, %arg5: memref<10240x128xf32, #tpu.memory_space<hbm>>, %arg6: memref<2x10240x128xf32, #tpu.memory_space<hbm>>, %arg7: memref<32x10240xf32, #tpu.memory_space<hbm>>, %arg8: memref<128xi32, #tpu.memory_space<vmem>>, %arg9: memref<128xi32, #tpu.memory_space<vmem>>, %arg10: memref<128xi32, #tpu.memory_space<vmem>>, %arg11: memref<128xi32, #tpu.memory_space<vmem>>, %arg12: memref<128xi32, #tpu.memory_space<vmem>>, %arg13: memref<128xi32, #tpu.memory_space<vmem>>, %arg14: memref<128x128xf32, #tpu.memory_space<vmem>>, %arg15: memref<128x128xf32, #tpu.memory_space<vmem>>, %arg16: memref<16xi32, #tpu.memory_space<vmem>>, %arg17: memref<16xi32, #tpu.memory_space<vmem>>, %arg18: memref<16x128xf32, #tpu.memory_space<vmem>>, %arg19: memref<10240x128xf32, #tpu.memory_space<vmem_shared>>, %arg20: memref<!tpu.dma_semaphore, #tpu.memory_space<semaphore_mem>>, %arg21: memref<!tpu.dma_semaphore, #tpu.memory_space<semaphore_mem>>, %arg22: memref<!tpu.dma_semaphore, #tpu.memory_space<semaphore_mem>>, %arg23: memref<!tpu.dma_semaphore, #tpu.memory_space<semaphore_mem>>, %arg24: memref<!tpu.dma_semaphore, #tpu.memory_space<semaphore_mem>>, %arg25: memref<!tpu.dma_semaphore, #tpu.memory_space<semaphore_mem>>, %arg26: memref<!tpu.dma_semaphore, #tpu.memory_space<semaphore_mem>>, %arg27: memref<!tpu.dma_semaphore, #tpu.memory_space<semaphore_mem>>, %arg28: memref<!tpu.dma_semaphore, #tpu.memory_space<semaphore_mem>>, %arg29: memref<!tpu.dma_semaphore, #tpu.memory_space<semaphore_mem>>, %arg30: memref<!tpu.dma_semaphore, #tpu.memory_space<semaphore_mem>>, %arg31: memref<10240xf32, #tpu.memory_space<vmem>>) attributes {dimension_semantics = [#tpu.dimension_semantics<core_parallel>, #tpu.dimension_semantics<subcore_parallel>], iteration_bounds = array<i64: 2, 16>, scalar_prefetch = 0 : i64, scratch_operands = 24 : i64, tpu.core_type = #tpu.core_type<sc_vector_subcore>, window_params = [{transform_indices = #map}, {transform_indices = #map1}, {transform_indices = #map1}, {transform_indices = #map}, {transform_indices = #map2}, {transform_indices = #map}]} {
    %mul3A = arith.constant 2 : i32
    %mul3A_0 = arith.muli %arg1, %mul3A : i32
    %add3A = arith.addi %mul3A_0, %arg0 : i32
    %mul3A_1 = arith.constant 10000 : i32
    %mul3A_2 = arith.muli %add3A, %mul3A_1 : i32
    %mul3A_3 = arith.constant 640 : i32
    %mul3A_4 = arith.muli %arg1, %mul3A_3 : i32
    "tpu.region"() ({
      %run_scoped3A = tpu.sem_alloc : memref<!tpu.dma_semaphore, #tpu.memory_space<semaphore_mem>>
      %dma_start3A_365 = arith.constant 0 : i32
      %dma_start3A_366 = tpu.memref_slice %arg19[%mul3A_4, %dma_start3A_365] : memref<10240x128xf32, #tpu.memory_space<vmem_shared>> -> memref<640x128xf32, #tpu.memory_space<vmem_shared>>
      %dma_start3A_367 = arith.constant 0 : i32
      %dma_start3A_368 = tpu.memref_slice %arg5[%mul3A_4, %dma_start3A_367] : memref<10240x128xf32, #tpu.memory_space<hbm>> -> memref<640x128xf32, #tpu.memory_space<hbm>>
      tpu.enqueue_dma source(%dma_start3A_368 : memref<640x128xf32, #tpu.memory_space<hbm>>) target(%dma_start3A_366 : memref<640x128xf32, #tpu.memory_space<vmem_shared>>) target_semaphore(%run_scoped3A : memref<!tpu.dma_semaphore, #tpu.memory_space<semaphore_mem>>)
      %dma_wait3A_369 = arith.constant 0 : i32
      %dma_wait3A_370 = tpu.memref_slice %arg19[%mul3A_4, %dma_wait3A_369] : memref<10240x128xf32, #tpu.memory_space<vmem_shared>> -> memref<640x128xf32, #tpu.memory_space<vmem_shared>>
      %dma_wait3A_371 = arith.constant 0 : i32
      %dma_wait3A_372 = tpu.memref_slice %arg5[%mul3A_4, %dma_wait3A_371] : memref<10240x128xf32, #tpu.memory_space<hbm>> -> memref<640x128xf32, #tpu.memory_space<hbm>>
      tpu.wait_dma2 semaphore(%run_scoped3A : memref<!tpu.dma_semaphore, #tpu.memory_space<semaphore_mem>>) src(%dma_wait3A_372 : memref<640x128xf32, #tpu.memory_space<hbm>>) dst(%dma_wait3A_370 : memref<640x128xf32, #tpu.memory_space<vmem_shared>>)
      tpu.yield
    }) : () -> ()
    %scan3A = arith.constant 0 : i32
    %scan3A_5 = arith.constant 0 : i32
    %scan3A_6 = arith.constant 640 : i32
    %scan3A_7 = arith.addi %scan3A_5, %scan3A_6 : i32
    %scan3A_8 = arith.constant 1 : i32
    scf.for %scan3A_365 = %scan3A_5 to %scan3A_7 step %scan3A_8  : i32 {
      %broadcast_in_dim3A_366 = arith.constant 0.000000e+00 : f32
      %broadcast_in_dim3A_367 = vector.broadcast %broadcast_in_dim3A_366 : f32 to vector<16xf32>
      %mul3A_368 = arith.constant 16 : i32
      %mul3A_369 = arith.muli %scan3A_365, %mul3A_368 : i32
      %swap3A = arith.index_cast %mul3A_369 : i32 to index
      %swap3A_370 = tpu.vector_load %arg31[%swap3A] {strides = array<i32>} : memref<10240xf32, #tpu.memory_space<vmem>>, vector<16xf32>,
      tpu.vector_store %arg31[%swap3A], %broadcast_in_dim3A_367 {strides = array<i32>} : memref<10240xf32, #tpu.memory_space<vmem>>, vector<16xf32>,
    }
    %scan3A_9 = arith.constant 640 : i32
    %barrier3A = arith.constant 0 : index
    tpu.barrier barrier_id(%barrier3A)
    %broadcast_in_dim3A = arith.constant 1.000000e+00 : f32
    %broadcast_in_dim3A_10 = vector.broadcast %broadcast_in_dim3A : f32 to vector<16xf32>
    %add3A_11 = arith.constant 0 : i32
    %add3A_12 = arith.addi %mul3A_2, %add3A_11 : i32
    %min3A = arith.constant 319872 : i32
    %min3A_13 = arith.minsi %add3A_12, %min3A : i32
    %dma_start3A = tpu.memref_slice %arg3[%min3A_13] : memref<320000xi32, #tpu.memory_space<hbm>> -> memref<128xi32, #tpu.memory_space<hbm>>
    %dma_start3A_14 = tpu.memref_slice %arg3[%min3A_13] : memref<320000xi32, #tpu.memory_space<hbm>> -> memref<128xi32, #tpu.memory_space<hbm>>
    tpu.enqueue_dma source(%dma_start3A_14 : memref<128xi32, #tpu.memory_space<hbm>>) target(%arg8 : memref<128xi32, #tpu.memory_space<vmem>>) target_semaphore(%arg24 : memref<!tpu.dma_semaphore, #tpu.memory_space<semaphore_mem>>)
    %dma_start3A_15 = tpu.memref_slice %arg4[%min3A_13] : memref<320000xi32, #tpu.memory_space<hbm>> -> memref<128xi32, #tpu.memory_space<hbm>>
    %dma_start3A_16 = tpu.memref_slice %arg4[%min3A_13] : memref<320000xi32, #tpu.memory_space<hbm>> -> memref<128xi32, #tpu.memory_space<hbm>>
    tpu.enqueue_dma source(%dma_start3A_16 : memref<128xi32, #tpu.memory_space<hbm>>) target(%arg11 : memref<128xi32, #tpu.memory_space<vmem>>) target_semaphore(%arg27 : memref<!tpu.dma_semaphore, #tpu.memory_space<semaphore_mem>>)
    %dma_wait3A = arith.constant 0 : i32
    %dma_wait3A_17 = tpu.memref_slice %arg3[%dma_wait3A] : memref<320000xi32, #tpu.memory_space<hbm>> -> memref<128xi32, #tpu.memory_space<hbm>>
    %dma_wait3A_18 = arith.constant 0 : i32
    %dma_wait3A_19 = tpu.memref_slice %arg3[%dma_wait3A_18] : memref<320000xi32, #tpu.memory_space<hbm>> -> memref<128xi32, #tpu.memory_space<hbm>>
    tpu.wait_dma2 semaphore(%arg24 : memref<!tpu.dma_semaphore, #tpu.memory_space<semaphore_mem>>) src(%dma_wait3A_19 : memref<128xi32, #tpu.memory_space<hbm>>) dst(%arg8 : memref<128xi32, #tpu.memory_space<vmem>>)
    %dma_wait3A_20 = arith.constant 0 : i32
    %dma_wait3A_21 = tpu.memref_slice %arg4[%dma_wait3A_20] : memref<320000xi32, #tpu.memory_space<hbm>> -> memref<128xi32, #tpu.memory_space<hbm>>
    %dma_wait3A_22 = arith.constant 0 : i32
    %dma_wait3A_23 = tpu.memref_slice %arg4[%dma_wait3A_22] : memref<320000xi32, #tpu.memory_space<hbm>> -> memref<128xi32, #tpu.memory_space<hbm>>
    tpu.wait_dma2 semaphore(%arg27 : memref<!tpu.dma_semaphore, #tpu.memory_space<semaphore_mem>>) src(%dma_wait3A_23 : memref<128xi32, #tpu.memory_space<hbm>>) dst(%arg11 : memref<128xi32, #tpu.memory_space<vmem>>)
    %dma_start3A_24 = arith.constant 0 : i32
    %dma_start3A_25 = arith.constant 0 : i32
    %dma_start3A_26 = tpu.memref_slice %arg2[%dma_start3A_24, %dma_start3A_25] : memref<10000x128xf32, #tpu.memory_space<hbm>> -> memref<10000x128xf32, #tpu.memory_space<hbm>>
    tpu.enqueue_indirect_dma source(%dma_start3A_26 : memref<10000x128xf32, #tpu.memory_space<hbm>>) target(%arg14 : memref<128x128xf32, #tpu.memory_space<vmem>>) offsets(%arg8 : memref<128xi32, #tpu.memory_space<vmem>>) semaphore(%arg20 : memref<!tpu.dma_semaphore, #tpu.memory_space<semaphore_mem>>)
    %add3A_27 = arith.constant 128 : i32
    %add3A_28 = arith.addi %mul3A_2, %add3A_27 : i32
    %min3A_29 = arith.constant 319872 : i32
    %min3A_30 = arith.minsi %add3A_28, %min3A_29 : i32
    %dma_start3A_31 = tpu.memref_slice %arg3[%min3A_30] : memref<320000xi32, #tpu.memory_space<hbm>> -> memref<128xi32, #tpu.memory_space<hbm>>
    %dma_start3A_32 = tpu.memref_slice %arg3[%min3A_30] : memref<320000xi32, #tpu.memory_space<hbm>> -> memref<128xi32, #tpu.memory_space<hbm>>
    tpu.enqueue_dma source(%dma_start3A_32 : memref<128xi32, #tpu.memory_space<hbm>>) target(%arg9 : memref<128xi32, #tpu.memory_space<vmem>>) target_semaphore(%arg25 : memref<!tpu.dma_semaphore, #tpu.memory_space<semaphore_mem>>)
    %dma_start3A_33 = tpu.memref_slice %arg4[%min3A_30] : memref<320000xi32, #tpu.memory_space<hbm>> -> memref<128xi32, #tpu.memory_space<hbm>>
    %dma_start3A_34 = tpu.memref_slice %arg4[%min3A_30] : memref<320000xi32, #tpu.memory_space<hbm>> -> memref<128xi32, #tpu.memory_space<hbm>>
    tpu.enqueue_dma source(%dma_start3A_34 : memref<128xi32, #tpu.memory_space<hbm>>) target(%arg12 : memref<128xi32, #tpu.memory_space<vmem>>) target_semaphore(%arg28 : memref<!tpu.dma_semaphore, #tpu.memory_space<semaphore_mem>>)
    %dma_wait3A_35 = arith.constant 0 : i32
    %dma_wait3A_36 = arith.constant 0 : i32
    %dma_wait3A_37 = tpu.memref_slice %arg5[%dma_wait3A_35, %dma_wait3A_36] : memref<10240x128xf32, #tpu.memory_space<hbm>> -> memref<128x128xf32, #tpu.memory_space<hbm>>
    %dma_wait3A_38 = arith.constant 0 : i32
    %dma_wait3A_39 = arith.constant 0 : i32
    %dma_wait3A_40 = tpu.memref_slice %arg5[%dma_wait3A_38, %dma_wait3A_39] : memref<10240x128xf32, #tpu.memory_space<hbm>> -> memref<128x128xf32, #tpu.memory_space<hbm>>
    tpu.wait_dma2 semaphore(%arg20 : memref<!tpu.dma_semaphore, #tpu.memory_space<semaphore_mem>>) src(%dma_wait3A_40 : memref<128x128xf32, #tpu.memory_space<hbm>>) dst(%arg14 : memref<128x128xf32, #tpu.memory_space<vmem>>)
    %dma_start3A_41 = arith.constant 0 : i32
    %dma_start3A_42 = arith.constant 0 : i32
    %dma_start3A_43 = tpu.memref_slice %arg19[%dma_start3A_41, %dma_start3A_42] : memref<10240x128xf32, #tpu.memory_space<vmem_shared>> -> memref<10240x128xf32, #tpu.memory_space<vmem_shared>>
    tpu.enqueue_indirect_dma source(%arg14 : memref<128x128xf32, #tpu.memory_space<vmem>>) target(%dma_start3A_43 : memref<10240x128xf32, #tpu.memory_space<vmem_shared>>) offsets(%arg11 : memref<128xi32, #tpu.memory_space<vmem>>) semaphore(%arg22 : memref<!tpu.dma_semaphore, #tpu.memory_space<semaphore_mem>>) {add = true}
    %dma_wait3A_44 = arith.constant 0 : i32
    %dma_wait3A_45 = tpu.memref_slice %arg3[%dma_wait3A_44] : memref<320000xi32, #tpu.memory_space<hbm>> -> memref<128xi32, #tpu.memory_space<hbm>>
    %dma_wait3A_46 = arith.constant 0 : i32
    %dma_wait3A_47 = tpu.memref_slice %arg3[%dma_wait3A_46] : memref<320000xi32, #tpu.memory_space<hbm>> -> memref<128xi32, #tpu.memory_space<hbm>>
    tpu.wait_dma2 semaphore(%arg25 : memref<!tpu.dma_semaphore, #tpu.memory_space<semaphore_mem>>) src(%dma_wait3A_47 : memref<128xi32, #tpu.memory_space<hbm>>) dst(%arg9 : memref<128xi32, #tpu.memory_space<vmem>>)
    %dma_wait3A_48 = arith.constant 0 : i32
    %dma_wait3A_49 = tpu.memref_slice %arg4[%dma_wait3A_48] : memref<320000xi32, #tpu.memory_space<hbm>> -> memref<128xi32, #tpu.memory_space<hbm>>
    %dma_wait3A_50 = arith.constant 0 : i32
    %dma_wait3A_51 = tpu.memref_slice %arg4[%dma_wait3A_50] : memref<320000xi32, #tpu.memory_space<hbm>> -> memref<128xi32, #tpu.memory_space<hbm>>
    tpu.wait_dma2 semaphore(%arg28 : memref<!tpu.dma_semaphore, #tpu.memory_space<semaphore_mem>>) src(%dma_wait3A_51 : memref<128xi32, #tpu.memory_space<hbm>>) dst(%arg12 : memref<128xi32, #tpu.memory_space<vmem>>)
    %dma_start3A_52 = arith.constant 0 : i32
    %dma_start3A_53 = arith.constant 0 : i32
    %dma_start3A_54 = tpu.memref_slice %arg2[%dma_start3A_52, %dma_start3A_53] : memref<10000x128xf32, #tpu.memory_space<hbm>> -> memref<10000x128xf32, #tpu.memory_space<hbm>>
    tpu.enqueue_indirect_dma source(%dma_start3A_54 : memref<10000x128xf32, #tpu.memory_space<hbm>>) target(%arg15 : memref<128x128xf32, #tpu.memory_space<vmem>>) offsets(%arg9 : memref<128xi32, #tpu.memory_space<vmem>>) semaphore(%arg21 : memref<!tpu.dma_semaphore, #tpu.memory_space<semaphore_mem>>)
    %get3A = arith.constant 0 : index
    %get3A_55 = tpu.vector_load %arg11[%get3A] {strides = array<i32>} : memref<128xi32, #tpu.memory_space<vmem>>, vector<16xi32>,
    tpu.vector_store_idx %arg31[%get3A_55], %broadcast_in_dim3A_10 {add = true} : memref<10240xf32, #tpu.memory_space<vmem>>[vector<16xi32>], vector<16xf32>,
    %get3A_56 = arith.constant 16 : index
    %get3A_57 = tpu.vector_load %arg11[%get3A_56] {strides = array<i32>} : memref<128xi32, #tpu.memory_space<vmem>>, vector<16xi32>,
    tpu.vector_store_idx %arg31[%get3A_57], %broadcast_in_dim3A_10 {add = true} : memref<10240xf32, #tpu.memory_space<vmem>>[vector<16xi32>], vector<16xf32>,
    %get3A_58 = arith.constant 32 : index
    %get3A_59 = tpu.vector_load %arg11[%get3A_58] {strides = array<i32>} : memref<128xi32, #tpu.memory_space<vmem>>, vector<16xi32>,
    tpu.vector_store_idx %arg31[%get3A_59], %broadcast_in_dim3A_10 {add = true} : memref<10240xf32, #tpu.memory_space<vmem>>[vector<16xi32>], vector<16xf32>,
    %get3A_60 = arith.constant 48 : index
    %get3A_61 = tpu.vector_load %arg11[%get3A_60] {strides = array<i32>} : memref<128xi32, #tpu.memory_space<vmem>>, vector<16xi32>,
    tpu.vector_store_idx %arg31[%get3A_61], %broadcast_in_dim3A_10 {add = true} : memref<10240xf32, #tpu.memory_space<vmem>>[vector<16xi32>], vector<16xf32>,
    %get3A_62 = arith.constant 64 : index
    %get3A_63 = tpu.vector_load %arg11[%get3A_62] {strides = array<i32>} : memref<128xi32, #tpu.memory_space<vmem>>, vector<16xi32>,
    tpu.vector_store_idx %arg31[%get3A_63], %broadcast_in_dim3A_10 {add = true} : memref<10240xf32, #tpu.memory_space<vmem>>[vector<16xi32>], vector<16xf32>,
    %get3A_64 = arith.constant 80 : index
    %get3A_65 = tpu.vector_load %arg11[%get3A_64] {strides = array<i32>} : memref<128xi32, #tpu.memory_space<vmem>>, vector<16xi32>,
    tpu.vector_store_idx %arg31[%get3A_65], %broadcast_in_dim3A_10 {add = true} : memref<10240xf32, #tpu.memory_space<vmem>>[vector<16xi32>], vector<16xf32>,
    %get3A_66 = arith.constant 96 : index
    %get3A_67 = tpu.vector_load %arg11[%get3A_66] {strides = array<i32>} : memref<128xi32, #tpu.memory_space<vmem>>, vector<16xi32>,
    tpu.vector_store_idx %arg31[%get3A_67], %broadcast_in_dim3A_10 {add = true} : memref<10240xf32, #tpu.memory_space<vmem>>[vector<16xi32>], vector<16xf32>,
    %get3A_68 = arith.constant 112 : index
    %get3A_69 = tpu.vector_load %arg11[%get3A_68] {strides = array<i32>} : memref<128xi32, #tpu.memory_space<vmem>>, vector<16xi32>,
    tpu.vector_store_idx %arg31[%get3A_69], %broadcast_in_dim3A_10 {add = true} : memref<10240xf32, #tpu.memory_space<vmem>>[vector<16xi32>], vector<16xf32>,
    %add3A_70 = arith.constant 256 : i32
    %add3A_71 = arith.addi %mul3A_2, %add3A_70 : i32
    %min3A_72 = arith.constant 319872 : i32
    %min3A_73 = arith.minsi %add3A_71, %min3A_72 : i32
    %dma_start3A_74 = tpu.memref_slice %arg3[%min3A_73] : memref<320000xi32, #tpu.memory_space<hbm>> -> memref<128xi32, #tpu.memory_space<hbm>>
    %dma_start3A_75 = tpu.memref_slice %arg3[%min3A_73] : memref<320000xi32, #tpu.memory_space<hbm>> -> memref<128xi32, #tpu.memory_space<hbm>>
    tpu.enqueue_dma source(%dma_start3A_75 : memref<128xi32, #tpu.memory_space<hbm>>) target(%arg10 : memref<128xi32, #tpu.memory_space<vmem>>) target_semaphore(%arg26 : memref<!tpu.dma_semaphore, #tpu.memory_space<semaphore_mem>>)
    %dma_start3A_76 = tpu.memref_slice %arg4[%min3A_73] : memref<320000xi32, #tpu.memory_space<hbm>> -> memref<128xi32, #tpu.memory_space<hbm>>
    %dma_start3A_77 = tpu.memref_slice %arg4[%min3A_73] : memref<320000xi32, #tpu.memory_space<hbm>> -> memref<128xi32, #tpu.memory_space<hbm>>
    tpu.enqueue_dma source(%dma_start3A_77 : memref<128xi32, #tpu.memory_space<hbm>>) target(%arg13 : memref<128xi32, #tpu.memory_space<vmem>>) target_semaphore(%arg29 : memref<!tpu.dma_semaphore, #tpu.memory_space<semaphore_mem>>)
    %dma_wait3A_78 = arith.constant 0 : i32
    %dma_wait3A_79 = arith.constant 0 : i32
    %dma_wait3A_80 = tpu.memref_slice %arg5[%dma_wait3A_78, %dma_wait3A_79] : memref<10240x128xf32, #tpu.memory_space<hbm>> -> memref<128x128xf32, #tpu.memory_space<hbm>>
    %dma_wait3A_81 = arith.constant 0 : i32
    %dma_wait3A_82 = arith.constant 0 : i32
    %dma_wait3A_83 = tpu.memref_slice %arg5[%dma_wait3A_81, %dma_wait3A_82] : memref<10240x128xf32, #tpu.memory_space<hbm>> -> memref<128x128xf32, #tpu.memory_space<hbm>>
    tpu.wait_dma2 semaphore(%arg21 : memref<!tpu.dma_semaphore, #tpu.memory_space<semaphore_mem>>) src(%dma_wait3A_83 : memref<128x128xf32, #tpu.memory_space<hbm>>) dst(%arg15 : memref<128x128xf32, #tpu.memory_space<vmem>>)
    %dma_start3A_84 = arith.constant 0 : i32
    %dma_start3A_85 = arith.constant 0 : i32
    %dma_start3A_86 = tpu.memref_slice %arg19[%dma_start3A_84, %dma_start3A_85] : memref<10240x128xf32, #tpu.memory_space<vmem_shared>> -> memref<10240x128xf32, #tpu.memory_space<vmem_shared>>
    tpu.enqueue_indirect_dma source(%arg15 : memref<128x128xf32, #tpu.memory_space<vmem>>) target(%dma_start3A_86 : memref<10240x128xf32, #tpu.memory_space<vmem_shared>>) offsets(%arg12 : memref<128xi32, #tpu.memory_space<vmem>>) semaphore(%arg23 : memref<!tpu.dma_semaphore, #tpu.memory_space<semaphore_mem>>) {add = true}
    %dma_wait3A_87 = arith.constant 0 : i32
    %dma_wait3A_88 = arith.constant 0 : i32
    %dma_wait3A_89 = tpu.memref_slice %arg5[%dma_wait3A_87, %dma_wait3A_88] : memref<10240x128xf32, #tpu.memory_space<hbm>> -> memref<128x128xf32, #tpu.memory_space<hbm>>
    %dma_wait3A_90 = arith.constant 0 : i32
    %dma_wait3A_91 = arith.constant 0 : i32
    %dma_wait3A_92 = tpu.memref_slice %arg5[%dma_wait3A_90, %dma_wait3A_91] : memref<10240x128xf32, #tpu.memory_space<hbm>> -> memref<128x128xf32, #tpu.memory_space<hbm>>
    tpu.wait_dma2 semaphore(%arg22 : memref<!tpu.dma_semaphore, #tpu.memory_space<semaphore_mem>>) src(%dma_wait3A_92 : memref<128x128xf32, #tpu.memory_space<hbm>>) dst(%arg14 : memref<128x128xf32, #tpu.memory_space<vmem>>)
    %dma_wait3A_93 = arith.constant 0 : i32
    %dma_wait3A_94 = tpu.memref_slice %arg3[%dma_wait3A_93] : memref<320000xi32, #tpu.memory_space<hbm>> -> memref<128xi32, #tpu.memory_space<hbm>>
    %dma_wait3A_95 = arith.constant 0 : i32
    %dma_wait3A_96 = tpu.memref_slice %arg3[%dma_wait3A_95] : memref<320000xi32, #tpu.memory_space<hbm>> -> memref<128xi32, #tpu.memory_space<hbm>>
    tpu.wait_dma2 semaphore(%arg26 : memref<!tpu.dma_semaphore, #tpu.memory_space<semaphore_mem>>) src(%dma_wait3A_96 : memref<128xi32, #tpu.memory_space<hbm>>) dst(%arg10 : memref<128xi32, #tpu.memory_space<vmem>>)
    %dma_wait3A_97 = arith.constant 0 : i32
    %dma_wait3A_98 = tpu.memref_slice %arg4[%dma_wait3A_97] : memref<320000xi32, #tpu.memory_space<hbm>> -> memref<128xi32, #tpu.memory_space<hbm>>
    %dma_wait3A_99 = arith.constant 0 : i32
    %dma_wait3A_100 = tpu.memref_slice %arg4[%dma_wait3A_99] : memref<320000xi32, #tpu.memory_space<hbm>> -> memref<128xi32, #tpu.memory_space<hbm>>
    tpu.wait_dma2 semaphore(%arg29 : memref<!tpu.dma_semaphore, #tpu.memory_space<semaphore_mem>>) src(%dma_wait3A_100 : memref<128xi32, #tpu.memory_space<hbm>>) dst(%arg13 : memref<128xi32, #tpu.memory_space<vmem>>)
    %dma_start3A_101 = arith.constant 0 : i32
    %dma_start3A_102 = arith.constant 0 : i32
    %dma_start3A_103 = tpu.memref_slice %arg2[%dma_start3A_101, %dma_start3A_102] : memref<10000x128xf32, #tpu.memory_space<hbm>> -> memref<10000x128xf32, #tpu.memory_space<hbm>>
    tpu.enqueue_indirect_dma source(%dma_start3A_103 : memref<10000x128xf32, #tpu.memory_space<hbm>>) target(%arg14 : memref<128x128xf32, #tpu.memory_space<vmem>>) offsets(%arg10 : memref<128xi32, #tpu.memory_space<vmem>>) semaphore(%arg20 : memref<!tpu.dma_semaphore, #tpu.memory_space<semaphore_mem>>)
    %get3A_104 = arith.constant 0 : index
    %get3A_105 = tpu.vector_load %arg12[%get3A_104] {strides = array<i32>} : memref<128xi32, #tpu.memory_space<vmem>>, vector<16xi32>,
    tpu.vector_store_idx %arg31[%get3A_105], %broadcast_in_dim3A_10 {add = true} : memref<10240xf32, #tpu.memory_space<vmem>>[vector<16xi32>], vector<16xf32>,
    %get3A_106 = arith.constant 16 : index
    %get3A_107 = tpu.vector_load %arg12[%get3A_106] {strides = array<i32>} : memref<128xi32, #tpu.memory_space<vmem>>, vector<16xi32>,
    tpu.vector_store_idx %arg31[%get3A_107], %broadcast_in_dim3A_10 {add = true} : memref<10240xf32, #tpu.memory_space<vmem>>[vector<16xi32>], vector<16xf32>,
    %get3A_108 = arith.constant 32 : index
    %get3A_109 = tpu.vector_load %arg12[%get3A_108] {strides = array<i32>} : memref<128xi32, #tpu.memory_space<vmem>>, vector<16xi32>,
    tpu.vector_store_idx %arg31[%get3A_109], %broadcast_in_dim3A_10 {add = true} : memref<10240xf32, #tpu.memory_space<vmem>>[vector<16xi32>], vector<16xf32>,
    %get3A_110 = arith.constant 48 : index
    %get3A_111 = tpu.vector_load %arg12[%get3A_110] {strides = array<i32>} : memref<128xi32, #tpu.memory_space<vmem>>, vector<16xi32>,
    tpu.vector_store_idx %arg31[%get3A_111], %broadcast_in_dim3A_10 {add = true} : memref<10240xf32, #tpu.memory_space<vmem>>[vector<16xi32>], vector<16xf32>,
    %get3A_112 = arith.constant 64 : index
    %get3A_113 = tpu.vector_load %arg12[%get3A_112] {strides = array<i32>} : memref<128xi32, #tpu.memory_space<vmem>>, vector<16xi32>,
    tpu.vector_store_idx %arg31[%get3A_113], %broadcast_in_dim3A_10 {add = true} : memref<10240xf32, #tpu.memory_space<vmem>>[vector<16xi32>], vector<16xf32>,
    %get3A_114 = arith.constant 80 : index
    %get3A_115 = tpu.vector_load %arg12[%get3A_114] {strides = array<i32>} : memref<128xi32, #tpu.memory_space<vmem>>, vector<16xi32>,
    tpu.vector_store_idx %arg31[%get3A_115], %broadcast_in_dim3A_10 {add = true} : memref<10240xf32, #tpu.memory_space<vmem>>[vector<16xi32>], vector<16xf32>,
    %get3A_116 = arith.constant 96 : index
    %get3A_117 = tpu.vector_load %arg12[%get3A_116] {strides = array<i32>} : memref<128xi32, #tpu.memory_space<vmem>>, vector<16xi32>,
    tpu.vector_store_idx %arg31[%get3A_117], %broadcast_in_dim3A_10 {add = true} : memref<10240xf32, #tpu.memory_space<vmem>>[vector<16xi32>], vector<16xf32>,
    %get3A_118 = arith.constant 112 : index
    %get3A_119 = tpu.vector_load %arg12[%get3A_118] {strides = array<i32>} : memref<128xi32, #tpu.memory_space<vmem>>, vector<16xi32>,
    tpu.vector_store_idx %arg31[%get3A_119], %broadcast_in_dim3A_10 {add = true} : memref<10240xf32, #tpu.memory_space<vmem>>[vector<16xi32>], vector<16xf32>,
    %add3A_120 = arith.constant 384 : i32
    %add3A_121 = arith.addi %mul3A_2, %add3A_120 : i32
    %min3A_122 = arith.constant 319872 : i32
    %min3A_123 = arith.minsi %add3A_121, %min3A_122 : i32
    %dma_start3A_124 = tpu.memref_slice %arg3[%min3A_123] : memref<320000xi32, #tpu.memory_space<hbm>> -> memref<128xi32, #tpu.memory_space<hbm>>
    %dma_start3A_125 = tpu.memref_slice %arg3[%min3A_123] : memref<320000xi32, #tpu.memory_space<hbm>> -> memref<128xi32, #tpu.memory_space<hbm>>
    tpu.enqueue_dma source(%dma_start3A_125 : memref<128xi32, #tpu.memory_space<hbm>>) target(%arg8 : memref<128xi32, #tpu.memory_space<vmem>>) target_semaphore(%arg24 : memref<!tpu.dma_semaphore, #tpu.memory_space<semaphore_mem>>)
    %dma_start3A_126 = tpu.memref_slice %arg4[%min3A_123] : memref<320000xi32, #tpu.memory_space<hbm>> -> memref<128xi32, #tpu.memory_space<hbm>>
    %dma_start3A_127 = tpu.memref_slice %arg4[%min3A_123] : memref<320000xi32, #tpu.memory_space<hbm>> -> memref<128xi32, #tpu.memory_space<hbm>>
    tpu.enqueue_dma source(%dma_start3A_127 : memref<128xi32, #tpu.memory_space<hbm>>) target(%arg11 : memref<128xi32, #tpu.memory_space<vmem>>) target_semaphore(%arg27 : memref<!tpu.dma_semaphore, #tpu.memory_space<semaphore_mem>>)
    %dma_wait3A_128 = arith.constant 0 : i32
    %dma_wait3A_129 = arith.constant 0 : i32
    %dma_wait3A_130 = tpu.memref_slice %arg5[%dma_wait3A_128, %dma_wait3A_129] : memref<10240x128xf32, #tpu.memory_space<hbm>> -> memref<128x128xf32, #tpu.memory_space<hbm>>
    %dma_wait3A_131 = arith.constant 0 : i32
    %dma_wait3A_132 = arith.constant 0 : i32
    %dma_wait3A_133 = tpu.memref_slice %arg5[%dma_wait3A_131, %dma_wait3A_132] : memref<10240x128xf32, #tpu.memory_space<hbm>> -> memref<128x128xf32, #tpu.memory_space<hbm>>
    tpu.wait_dma2 semaphore(%arg20 : memref<!tpu.dma_semaphore, #tpu.memory_space<semaphore_mem>>) src(%dma_wait3A_133 : memref<128x128xf32, #tpu.memory_space<hbm>>) dst(%arg14 : memref<128x128xf32, #tpu.memory_space<vmem>>)
    %dma_start3A_134 = arith.constant 0 : i32
    %dma_start3A_135 = arith.constant 0 : i32
    %dma_start3A_136 = tpu.memref_slice %arg19[%dma_start3A_134, %dma_start3A_135] : memref<10240x128xf32, #tpu.memory_space<vmem_shared>> -> memref<10240x128xf32, #tpu.memory_space<vmem_shared>>
    tpu.enqueue_indirect_dma source(%arg14 : memref<128x128xf32, #tpu.memory_space<vmem>>) target(%dma_start3A_136 : memref<10240x128xf32, #tpu.memory_space<vmem_shared>>) offsets(%arg13 : memref<128xi32, #tpu.memory_space<vmem>>) semaphore(%arg22 : memref<!tpu.dma_semaphore, #tpu.memory_space<semaphore_mem>>) {add = true}
    %dma_wait3A_137 = arith.constant 0 : i32
    %dma_wait3A_138 = arith.constant 0 : i32
    %dma_wait3A_139 = tpu.memref_slice %arg5[%dma_wait3A_137, %dma_wait3A_138] : memref<10240x128xf32, #tpu.memory_space<hbm>> -> memref<128x128xf32, #tpu.memory_space<hbm>>
    %dma_wait3A_140 = arith.constant 0 : i32
    %dma_wait3A_141 = arith.constant 0 : i32
    %dma_wait3A_142 = tpu.memref_slice %arg5[%dma_wait3A_140, %dma_wait3A_141] : memref<10240x128xf32, #tpu.memory_space<hbm>> -> memref<128x128xf32, #tpu.memory_space<hbm>>
    tpu.wait_dma2 semaphore(%arg23 : memref<!tpu.dma_semaphore, #tpu.memory_space<semaphore_mem>>) src(%dma_wait3A_142 : memref<128x128xf32, #tpu.memory_space<hbm>>) dst(%arg15 : memref<128x128xf32, #tpu.memory_space<vmem>>)
    %dma_wait3A_143 = arith.constant 0 : i32
    %dma_wait3A_144 = tpu.memref_slice %arg3[%dma_wait3A_143] : memref<320000xi32, #tpu.memory_space<hbm>> -> memref<128xi32, #tpu.memory_space<hbm>>
    %dma_wait3A_145 = arith.constant 0 : i32
    %dma_wait3A_146 = tpu.memref_slice %arg3[%dma_wait3A_145] : memref<320000xi32, #tpu.memory_space<hbm>> -> memref<128xi32, #tpu.memory_space<hbm>>
    tpu.wait_dma2 semaphore(%arg24 : memref<!tpu.dma_semaphore, #tpu.memory_space<semaphore_mem>>) src(%dma_wait3A_146 : memref<128xi32, #tpu.memory_space<hbm>>) dst(%arg8 : memref<128xi32, #tpu.memory_space<vmem>>)
    %dma_wait3A_147 = arith.constant 0 : i32
    %dma_wait3A_148 = tpu.memref_slice %arg4[%dma_wait3A_147] : memref<320000xi32, #tpu.memory_space<hbm>> -> memref<128xi32, #tpu.memory_space<hbm>>
    %dma_wait3A_149 = arith.constant 0 : i32
    %dma_wait3A_150 = tpu.memref_slice %arg4[%dma_wait3A_149] : memref<320000xi32, #tpu.memory_space<hbm>> -> memref<128xi32, #tpu.memory_space<hbm>>
    tpu.wait_dma2 semaphore(%arg27 : memref<!tpu.dma_semaphore, #tpu.memory_space<semaphore_mem>>) src(%dma_wait3A_150 : memref<128xi32, #tpu.memory_space<hbm>>) dst(%arg11 : memref<128xi32, #tpu.memory_space<vmem>>)
    %dma_start3A_151 = arith.constant 0 : i32
    %dma_start3A_152 = arith.constant 0 : i32
    %dma_start3A_153 = tpu.memref_slice %arg2[%dma_start3A_151, %dma_start3A_152] : memref<10000x128xf32, #tpu.memory_space<hbm>> -> memref<10000x128xf32, #tpu.memory_space<hbm>>
    tpu.enqueue_indirect_dma source(%dma_start3A_153 : memref<10000x128xf32, #tpu.memory_space<hbm>>) target(%arg15 : memref<128x128xf32, #tpu.memory_space<vmem>>) offsets(%arg8 : memref<128xi32, #tpu.memory_space<vmem>>) semaphore(%arg21 : memref<!tpu.dma_semaphore, #tpu.memory_space<semaphore_mem>>)
    %get3A_154 = arith.constant 0 : index
    %get3A_155 = tpu.vector_load %arg13[%get3A_154] {strides = array<i32>} : memref<128xi32, #tpu.memory_space<vmem>>, vector<16xi32>,
    tpu.vector_store_idx %arg31[%get3A_155], %broadcast_in_dim3A_10 {add = true} : memref<10240xf32, #tpu.memory_space<vmem>>[vector<16xi32>], vector<16xf32>,
    %get3A_156 = arith.constant 16 : index
    %get3A_157 = tpu.vector_load %arg13[%get3A_156] {strides = array<i32>} : memref<128xi32, #tpu.memory_space<vmem>>, vector<16xi32>,
    tpu.vector_store_idx %arg31[%get3A_157], %broadcast_in_dim3A_10 {add = true} : memref<10240xf32, #tpu.memory_space<vmem>>[vector<16xi32>], vector<16xf32>,
    %get3A_158 = arith.constant 32 : index
    %get3A_159 = tpu.vector_load %arg13[%get3A_158] {strides = array<i32>} : memref<128xi32, #tpu.memory_space<vmem>>, vector<16xi32>,
    tpu.vector_store_idx %arg31[%get3A_159], %broadcast_in_dim3A_10 {add = true} : memref<10240xf32, #tpu.memory_space<vmem>>[vector<16xi32>], vector<16xf32>,
    %get3A_160 = arith.constant 48 : index
    %get3A_161 = tpu.vector_load %arg13[%get3A_160] {strides = array<i32>} : memref<128xi32, #tpu.memory_space<vmem>>, vector<16xi32>,
    tpu.vector_store_idx %arg31[%get3A_161], %broadcast_in_dim3A_10 {add = true} : memref<10240xf32, #tpu.memory_space<vmem>>[vector<16xi32>], vector<16xf32>,
    %get3A_162 = arith.constant 64 : index
    %get3A_163 = tpu.vector_load %arg13[%get3A_162] {strides = array<i32>} : memref<128xi32, #tpu.memory_space<vmem>>, vector<16xi32>,
    tpu.vector_store_idx %arg31[%get3A_163], %broadcast_in_dim3A_10 {add = true} : memref<10240xf32, #tpu.memory_space<vmem>>[vector<16xi32>], vector<16xf32>,
    %get3A_164 = arith.constant 80 : index
    %get3A_165 = tpu.vector_load %arg13[%get3A_164] {strides = array<i32>} : memref<128xi32, #tpu.memory_space<vmem>>, vector<16xi32>,
    tpu.vector_store_idx %arg31[%get3A_165], %broadcast_in_dim3A_10 {add = true} : memref<10240xf32, #tpu.memory_space<vmem>>[vector<16xi32>], vector<16xf32>,
    %get3A_166 = arith.constant 96 : index
    %get3A_167 = tpu.vector_load %arg13[%get3A_166] {strides = array<i32>} : memref<128xi32, #tpu.memory_space<vmem>>, vector<16xi32>,
    tpu.vector_store_idx %arg31[%get3A_167], %broadcast_in_dim3A_10 {add = true} : memref<10240xf32, #tpu.memory_space<vmem>>[vector<16xi32>], vector<16xf32>,
    %get3A_168 = arith.constant 112 : index
    %get3A_169 = tpu.vector_load %arg13[%get3A_168] {strides = array<i32>} : memref<128xi32, #tpu.memory_space<vmem>>, vector<16xi32>,
    tpu.vector_store_idx %arg31[%get3A_169], %broadcast_in_dim3A_10 {add = true} : memref<10240xf32, #tpu.memory_space<vmem>>[vector<16xi32>], vector<16xf32>,
    %add3A_170 = arith.constant 512 : i32
    %add3A_171 = arith.addi %mul3A_2, %add3A_170 : i32
    %min3A_172 = arith.constant 319872 : i32
    %min3A_173 = arith.minsi %add3A_171, %min3A_172 : i32
    %dma_start3A_174 = tpu.memref_slice %arg3[%min3A_173] : memref<320000xi32, #tpu.memory_space<hbm>> -> memref<128xi32, #tpu.memory_space<hbm>>
    %dma_start3A_175 = tpu.memref_slice %arg3[%min3A_173] : memref<320000xi32, #tpu.memory_space<hbm>> -> memref<128xi32, #tpu.memory_space<hbm>>
    tpu.enqueue_dma source(%dma_start3A_175 : memref<128xi32, #tpu.memory_space<hbm>>) target(%arg9 : memref<128xi32, #tpu.memory_space<vmem>>) target_semaphore(%arg25 : memref<!tpu.dma_semaphore, #tpu.memory_space<semaphore_mem>>)
    %dma_start3A_176 = tpu.memref_slice %arg4[%min3A_173] : memref<320000xi32, #tpu.memory_space<hbm>> -> memref<128xi32, #tpu.memory_space<hbm>>
    %dma_start3A_177 = tpu.memref_slice %arg4[%min3A_173] : memref<320000xi32, #tpu.memory_space<hbm>> -> memref<128xi32, #tpu.memory_space<hbm>>
    tpu.enqueue_dma source(%dma_start3A_177 : memref<128xi32, #tpu.memory_space<hbm>>) target(%arg12 : memref<128xi32, #tpu.memory_space<vmem>>) target_semaphore(%arg28 : memref<!tpu.dma_semaphore, #tpu.memory_space<semaphore_mem>>)
    %dma_wait3A_178 = arith.constant 0 : i32
    %dma_wait3A_179 = arith.constant 0 : i32
    %dma_wait3A_180 = tpu.memref_slice %arg5[%dma_wait3A_178, %dma_wait3A_179] : memref<10240x128xf32, #tpu.memory_space<hbm>> -> memref<128x128xf32, #tpu.memory_space<hbm>>
    %dma_wait3A_181 = arith.constant 0 : i32
    %dma_wait3A_182 = arith.constant 0 : i32
    %dma_wait3A_183 = tpu.memref_slice %arg5[%dma_wait3A_181, %dma_wait3A_182] : memref<10240x128xf32, #tpu.memory_space<hbm>> -> memref<128x128xf32, #tpu.memory_space<hbm>>
    tpu.wait_dma2 semaphore(%arg21 : memref<!tpu.dma_semaphore, #tpu.memory_space<semaphore_mem>>) src(%dma_wait3A_183 : memref<128x128xf32, #tpu.memory_space<hbm>>) dst(%arg15 : memref<128x128xf32, #tpu.memory_space<vmem>>)
    %dma_start3A_184 = arith.constant 0 : i32
    %dma_start3A_185 = arith.constant 0 : i32
    %dma_start3A_186 = tpu.memref_slice %arg19[%dma_start3A_184, %dma_start3A_185] : memref<10240x128xf32, #tpu.memory_space<vmem_shared>> -> memref<10240x128xf32, #tpu.memory_space<vmem_shared>>
    tpu.enqueue_indirect_dma source(%arg15 : memref<128x128xf32, #tpu.memory_space<vmem>>) target(%dma_start3A_186 : memref<10240x128xf32, #tpu.memory_space<vmem_shared>>) offsets(%arg11 : memref<128xi32, #tpu.memory_space<vmem>>) semaphore(%arg23 : memref<!tpu.dma_semaphore, #tpu.memory_space<semaphore_mem>>) {add = true}
    %dma_wait3A_187 = arith.constant 0 : i32
    %dma_wait3A_188 = arith.constant 0 : i32
    %dma_wait3A_189 = tpu.memref_slice %arg5[%dma_wait3A_187, %dma_wait3A_188] : memref<10240x128xf32, #tpu.memory_space<hbm>> -> memref<128x128xf32, #tpu.memory_space<hbm>>
    %dma_wait3A_190 = arith.constant 0 : i32
    %dma_wait3A_191 = arith.constant 0 : i32
    %dma_wait3A_192 = tpu.memref_slice %arg5[%dma_wait3A_190, %dma_wait3A_191] : memref<10240x128xf32, #tpu.memory_space<hbm>> -> memref<128x128xf32, #tpu.memory_space<hbm>>
    tpu.wait_dma2 semaphore(%arg22 : memref<!tpu.dma_semaphore, #tpu.memory_space<semaphore_mem>>) src(%dma_wait3A_192 : memref<128x128xf32, #tpu.memory_space<hbm>>) dst(%arg14 : memref<128x128xf32, #tpu.memory_space<vmem>>)
    %dma_wait3A_193 = arith.constant 0 : i32
    %dma_wait3A_194 = tpu.memref_slice %arg3[%dma_wait3A_193] : memref<320000xi32, #tpu.memory_space<hbm>> -> memref<128xi32, #tpu.memory_space<hbm>>
    %dma_wait3A_195 = arith.constant 0 : i32
    %dma_wait3A_196 = tpu.memref_slice %arg3[%dma_wait3A_195] : memref<320000xi32, #tpu.memory_space<hbm>> -> memref<128xi32, #tpu.memory_space<hbm>>
    tpu.wait_dma2 semaphore(%arg25 : memref<!tpu.dma_semaphore, #tpu.memory_space<semaphore_mem>>) src(%dma_wait3A_196 : memref<128xi32, #tpu.memory_space<hbm>>) dst(%arg9 : memref<128xi32, #tpu.memory_space<vmem>>)
    %dma_wait3A_197 = arith.constant 0 : i32
    %dma_wait3A_198 = tpu.memref_slice %arg4[%dma_wait3A_197] : memref<320000xi32, #tpu.memory_space<hbm>> -> memref<128xi32, #tpu.memory_space<hbm>>
    %dma_wait3A_199 = arith.constant 0 : i32
    %dma_wait3A_200 = tpu.memref_slice %arg4[%dma_wait3A_199] : memref<320000xi32, #tpu.memory_space<hbm>> -> memref<128xi32, #tpu.memory_space<hbm>>
    tpu.wait_dma2 semaphore(%arg28 : memref<!tpu.dma_semaphore, #tpu.memory_space<semaphore_mem>>) src(%dma_wait3A_200 : memref<128xi32, #tpu.memory_space<hbm>>) dst(%arg12 : memref<128xi32, #tpu.memory_space<vmem>>)
    %dma_start3A_201 = arith.constant 0 : i32
    %dma_start3A_202 = arith.constant 0 : i32
    %dma_start3A_203 = tpu.memref_slice %arg2[%dma_start3A_201, %dma_start3A_202] : memref<10000x128xf32, #tpu.memory_space<hbm>> -> memref<10000x128xf32, #tpu.memory_space<hbm>>
    tpu.enqueue_indirect_dma source(%dma_start3A_203 : memref<10000x128xf32, #tpu.memory_space<hbm>>) target(%arg14 : memref<128x128xf32, #tpu.memory_space<vmem>>) offsets(%arg9 : memref<128xi32, #tpu.memory_space<vmem>>) semaphore(%arg20 : memref<!tpu.dma_semaphore, #tpu.memory_space<semaphore_mem>>)
    %get3A_204 = arith.constant 0 : index
    %get3A_205 = tpu.vector_load %arg11[%get3A_204] {strides = array<i32>} : memref<128xi32, #tpu.memory_space<vmem>>, vector<16xi32>,
    tpu.vector_store_idx %arg31[%get3A_205], %broadcast_in_dim3A_10 {add = true} : memref<10240xf32, #tpu.memory_space<vmem>>[vector<16xi32>], vector<16xf32>,
    %get3A_206 = arith.constant 16 : index
    %get3A_207 = tpu.vector_load %arg11[%get3A_206] {strides = array<i32>} : memref<128xi32, #tpu.memory_space<vmem>>, vector<16xi32>,
    tpu.vector_store_idx %arg31[%get3A_207], %broadcast_in_dim3A_10 {add = true} : memref<10240xf32, #tpu.memory_space<vmem>>[vector<16xi32>], vector<16xf32>,
    %get3A_208 = arith.constant 32 : index
    %get3A_209 = tpu.vector_load %arg11[%get3A_208] {strides = array<i32>} : memref<128xi32, #tpu.memory_space<vmem>>, vector<16xi32>,
    tpu.vector_store_idx %arg31[%get3A_209], %broadcast_in_dim3A_10 {add = true} : memref<10240xf32, #tpu.memory_space<vmem>>[vector<16xi32>], vector<16xf32>,
    %get3A_210 = arith.constant 48 : index
    %get3A_211 = tpu.vector_load %arg11[%get3A_210] {strides = array<i32>} : memref<128xi32, #tpu.memory_space<vmem>>, vector<16xi32>,
    tpu.vector_store_idx %arg31[%get3A_211], %broadcast_in_dim3A_10 {add = true} : memref<10240xf32, #tpu.memory_space<vmem>>[vector<16xi32>], vector<16xf32>,
    %get3A_212 = arith.constant 64 : index
    %get3A_213 = tpu.vector_load %arg11[%get3A_212] {strides = array<i32>} : memref<128xi32, #tpu.memory_space<vmem>>, vector<16xi32>,
    tpu.vector_store_idx %arg31[%get3A_213], %broadcast_in_dim3A_10 {add = true} : memref<10240xf32, #tpu.memory_space<vmem>>[vector<16xi32>], vector<16xf32>,
    %get3A_214 = arith.constant 80 : index
    %get3A_215 = tpu.vector_load %arg11[%get3A_214] {strides = array<i32>} : memref<128xi32, #tpu.memory_space<vmem>>, vector<16xi32>,
    tpu.vector_store_idx %arg31[%get3A_215], %broadcast_in_dim3A_10 {add = true} : memref<10240xf32, #tpu.memory_space<vmem>>[vector<16xi32>], vector<16xf32>,
    %get3A_216 = arith.constant 96 : index
    %get3A_217 = tpu.vector_load %arg11[%get3A_216] {strides = array<i32>} : memref<128xi32, #tpu.memory_space<vmem>>, vector<16xi32>,
    tpu.vector_store_idx %arg31[%get3A_217], %broadcast_in_dim3A_10 {add = true} : memref<10240xf32, #tpu.memory_space<vmem>>[vector<16xi32>], vector<16xf32>,
    %get3A_218 = arith.constant 112 : index
    %get3A_219 = tpu.vector_load %arg11[%get3A_218] {strides = array<i32>} : memref<128xi32, #tpu.memory_space<vmem>>, vector<16xi32>,
    tpu.vector_store_idx %arg31[%get3A_219], %broadcast_in_dim3A_10 {add = true} : memref<10240xf32, #tpu.memory_space<vmem>>[vector<16xi32>], vector<16xf32>,
    %add3A_220 = arith.constant 640 : i32
    %add3A_221 = arith.addi %mul3A_2, %add3A_220 : i32
    %min3A_222 = arith.constant 319872 : i32
    %min3A_223 = arith.minsi %add3A_221, %min3A_222 : i32
    %dma_start3A_224 = tpu.memref_slice %arg3[%min3A_223] : memref<320000xi32, #tpu.memory_space<hbm>> -> memref<128xi32, #tpu.memory_space<hbm>>
    %dma_start3A_225 = tpu.memref_slice %arg3[%min3A_223] : memref<320000xi32, #tpu.memory_space<hbm>> -> memref<128xi32, #tpu.memory_space<hbm>>
    tpu.enqueue_dma source(%dma_start3A_225 : memref<128xi32, #tpu.memory_space<hbm>>) target(%arg10 : memref<128xi32, #tpu.memory_space<vmem>>) target_semaphore(%arg26 : memref<!tpu.dma_semaphore, #tpu.memory_space<semaphore_mem>>)
    %dma_start3A_226 = tpu.memref_slice %arg4[%min3A_223] : memref<320000xi32, #tpu.memory_space<hbm>> -> memref<128xi32, #tpu.memory_space<hbm>>
    %dma_start3A_227 = tpu.memref_slice %arg4[%min3A_223] : memref<320000xi32, #tpu.memory_space<hbm>> -> memref<128xi32, #tpu.memory_space<hbm>>
    tpu.enqueue_dma source(%dma_start3A_227 : memref<128xi32, #tpu.memory_space<hbm>>) target(%arg13 : memref<128xi32, #tpu.memory_space<vmem>>) target_semaphore(%arg29 : memref<!tpu.dma_semaphore, #tpu.memory_space<semaphore_mem>>)
    %dma_wait3A_228 = arith.constant 0 : i32
    %dma_wait3A_229 = arith.constant 0 : i32
    %dma_wait3A_230 = tpu.memref_slice %arg5[%dma_wait3A_228, %dma_wait3A_229] : memref<10240x128xf32, #tpu.memory_space<hbm>> -> memref<128x128xf32, #tpu.memory_space<hbm>>
    %dma_wait3A_231 = arith.constant 0 : i32
    %dma_wait3A_232 = arith.constant 0 : i32
    %dma_wait3A_233 = tpu.memref_slice %arg5[%dma_wait3A_231, %dma_wait3A_232] : memref<10240x128xf32, #tpu.memory_space<hbm>> -> memref<128x128xf32, #tpu.memory_space<hbm>>
    tpu.wait_dma2 semaphore(%arg20 : memref<!tpu.dma_semaphore, #tpu.memory_space<semaphore_mem>>) src(%dma_wait3A_233 : memref<128x128xf32, #tpu.memory_space<hbm>>) dst(%arg14 : memref<128x128xf32, #tpu.memory_space<vmem>>)
    %dma_start3A_234 = arith.constant 0 : i32
    %dma_start3A_235 = arith.constant 0 : i32
    %dma_start3A_236 = tpu.memref_slice %arg19[%dma_start3A_234, %dma_start3A_235] : memref<10240x128xf32, #tpu.memory_space<vmem_shared>> -> memref<10240x128xf32, #tpu.memory_space<vmem_shared>>
    tpu.enqueue_indirect_dma source(%arg14 : memref<128x128xf32, #tpu.memory_space<vmem>>) target(%dma_start3A_236 : memref<10240x128xf32, #tpu.memory_space<vmem_shared>>) offsets(%arg12 : memref<128xi32, #tpu.memory_space<vmem>>) semaphore(%arg22 : memref<!tpu.dma_semaphore, #tpu.memory_space<semaphore_mem>>) {add = true}
    %dma_wait3A_237 = arith.constant 0 : i32
    %dma_wait3A_238 = arith.constant 0 : i32
    %dma_wait3A_239 = tpu.memref_slice %arg5[%dma_wait3A_237, %dma_wait3A_238] : memref<10240x128xf32, #tpu.memory_space<hbm>> -> memref<128x128xf32, #tpu.memory_space<hbm>>
    %dma_wait3A_240 = arith.constant 0 : i32
    %dma_wait3A_241 = arith.constant 0 : i32
    %dma_wait3A_242 = tpu.memref_slice %arg5[%dma_wait3A_240, %dma_wait3A_241] : memref<10240x128xf32, #tpu.memory_space<hbm>> -> memref<128x128xf32, #tpu.memory_space<hbm>>
    tpu.wait_dma2 semaphore(%arg23 : memref<!tpu.dma_semaphore, #tpu.memory_space<semaphore_mem>>) src(%dma_wait3A_242 : memref<128x128xf32, #tpu.memory_space<hbm>>) dst(%arg15 : memref<128x128xf32, #tpu.memory_space<vmem>>)
    %dma_wait3A_243 = arith.constant 0 : i32
    %dma_wait3A_244 = tpu.memref_slice %arg3[%dma_wait3A_243] : memref<320000xi32, #tpu.memory_space<hbm>> -> memref<128xi32, #tpu.memory_space<hbm>>
    %dma_wait3A_245 = arith.constant 0 : i32
    %dma_wait3A_246 = tpu.memref_slice %arg3[%dma_wait3A_245] : memref<320000xi32, #tpu.memory_space<hbm>> -> memref<128xi32, #tpu.memory_space<hbm>>
    tpu.wait_dma2 semaphore(%arg26 : memref<!tpu.dma_semaphore, #tpu.memory_space<semaphore_mem>>) src(%dma_wait3A_246 : memref<128xi32, #tpu.memory_space<hbm>>) dst(%arg10 : memref<128xi32, #tpu.memory_space<vmem>>)
    %dma_wait3A_247 = arith.constant 0 : i32
    %dma_wait3A_248 = tpu.memref_slice %arg4[%dma_wait3A_247] : memref<320000xi32, #tpu.memory_space<hbm>> -> memref<128xi32, #tpu.memory_space<hbm>>
    %dma_wait3A_249 = arith.constant 0 : i32
    %dma_wait3A_250 = tpu.memref_slice %arg4[%dma_wait3A_249] : memref<320000xi32, #tpu.memory_space<hbm>> -> memref<128xi32, #tpu.memory_space<hbm>>
    tpu.wait_dma2 semaphore(%arg29 : memref<!tpu.dma_semaphore, #tpu.memory_space<semaphore_mem>>) src(%dma_wait3A_250 : memref<128xi32, #tpu.memory_space<hbm>>) dst(%arg13 : memref<128xi32, #tpu.memory_space<vmem>>)
    %dma_start3A_251 = arith.constant 0 : i32
    %dma_start3A_252 = arith.constant 0 : i32
    %dma_start3A_253 = tpu.memref_slice %arg2[%dma_start3A_251, %dma_start3A_252] : memref<10000x128xf32, #tpu.memory_space<hbm>> -> memref<10000x128xf32, #tpu.memory_space<hbm>>
    tpu.enqueue_indirect_dma source(%dma_start3A_253 : memref<10000x128xf32, #tpu.memory_space<hbm>>) target(%arg15 : memref<128x128xf32, #tpu.memory_space<vmem>>) offsets(%arg10 : memref<128xi32, #tpu.memory_space<vmem>>) semaphore(%arg21 : memref<!tpu.dma_semaphore, #tpu.memory_space<semaphore_mem>>)
    %get3A_254 = arith.constant 0 : index
    %get3A_255 = tpu.vector_load %arg12[%get3A_254] {strides = array<i32>} : memref<128xi32, #tpu.memory_space<vmem>>, vector<16xi32>,
    tpu.vector_store_idx %arg31[%get3A_255], %broadcast_in_dim3A_10 {add = true} : memref<10240xf32, #tpu.memory_space<vmem>>[vector<16xi32>], vector<16xf32>,
    %get3A_256 = arith.constant 16 : index
    %get3A_257 = tpu.vector_load %arg12[%get3A_256] {strides = array<i32>} : memref<128xi32, #tpu.memory_space<vmem>>, vector<16xi32>,
    tpu.vector_store_idx %arg31[%get3A_257], %broadcast_in_dim3A_10 {add = true} : memref<10240xf32, #tpu.memory_space<vmem>>[vector<16xi32>], vector<16xf32>,
    %get3A_258 = arith.constant 32 : index
    %get3A_259 = tpu.vector_load %arg12[%get3A_258] {strides = array<i32>} : memref<128xi32, #tpu.memory_space<vmem>>, vector<16xi32>,
    tpu.vector_store_idx %arg31[%get3A_259], %broadcast_in_dim3A_10 {add = true} : memref<10240xf32, #tpu.memory_space<vmem>>[vector<16xi32>], vector<16xf32>,
    %get3A_260 = arith.constant 48 : index
    %get3A_261 = tpu.vector_load %arg12[%get3A_260] {strides = array<i32>} : memref<128xi32, #tpu.memory_space<vmem>>, vector<16xi32>,
    tpu.vector_store_idx %arg31[%get3A_261], %broadcast_in_dim3A_10 {add = true} : memref<10240xf32, #tpu.memory_space<vmem>>[vector<16xi32>], vector<16xf32>,
    %get3A_262 = arith.constant 64 : index
    %get3A_263 = tpu.vector_load %arg12[%get3A_262] {strides = array<i32>} : memref<128xi32, #tpu.memory_space<vmem>>, vector<16xi32>,
    tpu.vector_store_idx %arg31[%get3A_263], %broadcast_in_dim3A_10 {add = true} : memref<10240xf32, #tpu.memory_space<vmem>>[vector<16xi32>], vector<16xf32>,
    %get3A_264 = arith.constant 80 : index
    %get3A_265 = tpu.vector_load %arg12[%get3A_264] {strides = array<i32>} : memref<128xi32, #tpu.memory_space<vmem>>, vector<16xi32>,
    tpu.vector_store_idx %arg31[%get3A_265], %broadcast_in_dim3A_10 {add = true} : memref<10240xf32, #tpu.memory_space<vmem>>[vector<16xi32>], vector<16xf32>,
    %get3A_266 = arith.constant 96 : index
    %get3A_267 = tpu.vector_load %arg12[%get3A_266] {strides = array<i32>} : memref<128xi32, #tpu.memory_space<vmem>>, vector<16xi32>,
    tpu.vector_store_idx %arg31[%get3A_267], %broadcast_in_dim3A_10 {add = true} : memref<10240xf32, #tpu.memory_space<vmem>>[vector<16xi32>], vector<16xf32>,
    %get3A_268 = arith.constant 112 : index
    %get3A_269 = tpu.vector_load %arg12[%get3A_268] {strides = array<i32>} : memref<128xi32, #tpu.memory_space<vmem>>, vector<16xi32>,
    tpu.vector_store_idx %arg31[%get3A_269], %broadcast_in_dim3A_10 {add = true} : memref<10240xf32, #tpu.memory_space<vmem>>[vector<16xi32>], vector<16xf32>,
    %add3A_270 = arith.constant 768 : i32
    %add3A_271 = arith.addi %mul3A_2, %add3A_270 : i32
    %min3A_272 = arith.constant 319872 : i32
    %min3A_273 = arith.minsi %add3A_271, %min3A_272 : i32
    %dma_start3A_274 = tpu.memref_slice %arg3[%min3A_273] : memref<320000xi32, #tpu.memory_space<hbm>> -> memref<128xi32, #tpu.memory_space<hbm>>
    %dma_start3A_275 = tpu.memref_slice %arg3[%min3A_273] : memref<320000xi32, #tpu.memory_space<hbm>> -> memref<128xi32, #tpu.memory_space<hbm>>
    tpu.enqueue_dma source(%dma_start3A_275 : memref<128xi32, #tpu.memory_space<hbm>>) target(%arg8 : memref<128xi32, #tpu.memory_space<vmem>>) target_semaphore(%arg24 : memref<!tpu.dma_semaphore, #tpu.memory_space<semaphore_mem>>)
    %dma_start3A_276 = tpu.memref_slice %arg4[%min3A_273] : memref<320000xi32, #tpu.memory_space<hbm>> -> memref<128xi32, #tpu.memory_space<hbm>>
    %dma_start3A_277 = tpu.memref_slice %arg4[%min3A_273] : memref<320000xi32, #tpu.memory_space<hbm>> -> memref<128xi32, #tpu.memory_space<hbm>>
    tpu.enqueue_dma source(%dma_start3A_277 : memref<128xi32, #tpu.memory_space<hbm>>) target(%arg11 : memref<128xi32, #tpu.memory_space<vmem>>) target_semaphore(%arg27 : memref<!tpu.dma_semaphore, #tpu.memory_space<semaphore_mem>>)
    %dma_wait3A_278 = arith.constant 0 : i32
    %dma_wait3A_279 = arith.constant 0 : i32
    %dma_wait3A_280 = tpu.memref_slice %arg5[%dma_wait3A_278, %dma_wait3A_279] : memref<10240x128xf32, #tpu.memory_space<hbm>> -> memref<128x128xf32, #tpu.memory_space<hbm>>
    %dma_wait3A_281 = arith.constant 0 : i32
    %dma_wait3A_282 = arith.constant 0 : i32
    %dma_wait3A_283 = tpu.memref_slice %arg5[%dma_wait3A_281, %dma_wait3A_282] : memref<10240x128xf32, #tpu.memory_space<hbm>> -> memref<128x128xf32, #tpu.memory_space<hbm>>
    tpu.wait_dma2 semaphore(%arg21 : memref<!tpu.dma_semaphore, #tpu.memory_space<semaphore_mem>>) src(%dma_wait3A_283 : memref<128x128xf32, #tpu.memory_space<hbm>>) dst(%arg15 : memref<128x128xf32, #tpu.memory_space<vmem>>)
    %dma_start3A_284 = arith.constant 0 : i32
    %dma_start3A_285 = arith.constant 0 : i32
    %dma_start3A_286 = tpu.memref_slice %arg19[%dma_start3A_284, %dma_start3A_285] : memref<10240x128xf32, #tpu.memory_space<vmem_shared>> -> memref<10240x128xf32, #tpu.memory_space<vmem_shared>>
    tpu.enqueue_indirect_dma source(%arg15 : memref<128x128xf32, #tpu.memory_space<vmem>>) target(%dma_start3A_286 : memref<10240x128xf32, #tpu.memory_space<vmem_shared>>) offsets(%arg13 : memref<128xi32, #tpu.memory_space<vmem>>) semaphore(%arg23 : memref<!tpu.dma_semaphore, #tpu.memory_space<semaphore_mem>>) {add = true}
    %dma_wait3A_287 = arith.constant 0 : i32
    %dma_wait3A_288 = arith.constant 0 : i32
    %dma_wait3A_289 = tpu.memref_slice %arg5[%dma_wait3A_287, %dma_wait3A_288] : memref<10240x128xf32, #tpu.memory_space<hbm>> -> memref<128x128xf32, #tpu.memory_space<hbm>>
    %dma_wait3A_290 = arith.constant 0 : i32
    %dma_wait3A_291 = arith.constant 0 : i32
    %dma_wait3A_292 = tpu.memref_slice %arg5[%dma_wait3A_290, %dma_wait3A_291] : memref<10240x128xf32, #tpu.memory_space<hbm>> -> memref<128x128xf32, #tpu.memory_space<hbm>>
    tpu.wait_dma2 semaphore(%arg22 : memref<!tpu.dma_semaphore, #tpu.memory_space<semaphore_mem>>) src(%dma_wait3A_292 : memref<128x128xf32, #tpu.memory_space<hbm>>) dst(%arg14 : memref<128x128xf32, #tpu.memory_space<vmem>>)
    %dma_wait3A_293 = arith.constant 0 : i32
    %dma_wait3A_294 = tpu.memref_slice %arg3[%dma_wait3A_293] : memref<320000xi32, #tpu.memory_space<hbm>> -> memref<128xi32, #tpu.memory_space<hbm>>
    %dma_wait3A_295 = arith.constant 0 : i32
    %dma_wait3A_296 = tpu.memref_slice %arg3[%dma_wait3A_295] : memref<320000xi32, #tpu.memory_space<hbm>> -> memref<128xi32, #tpu.memory_space<hbm>>
    tpu.wait_dma2 semaphore(%arg24 : memref<!tpu.dma_semaphore, #tpu.memory_space<semaphore_mem>>) src(%dma_wait3A_296 : memref<128xi32, #tpu.memory_space<hbm>>) dst(%arg8 : memref<128xi32, #tpu.memory_space<vmem>>)
    %dma_wait3A_297 = arith.constant 0 : i32
    %dma_wait3A_298 = tpu.memref_slice %arg4[%dma_wait3A_297] : memref<320000xi32, #tpu.memory_space<hbm>> -> memref<128xi32, #tpu.memory_space<hbm>>
    %dma_wait3A_299 = arith.constant 0 : i32
    %dma_wait3A_300 = tpu.memref_slice %arg4[%dma_wait3A_299] : memref<320000xi32, #tpu.memory_space<hbm>> -> memref<128xi32, #tpu.memory_space<hbm>>
    tpu.wait_dma2 semaphore(%arg27 : memref<!tpu.dma_semaphore, #tpu.memory_space<semaphore_mem>>) src(%dma_wait3A_300 : memref<128xi32, #tpu.memory_space<hbm>>) dst(%arg11 : memref<128xi32, #tpu.memory_space<vmem>>)
    %dma_start3A_301 = arith.constant 0 : i32
    %dma_start3A_302 = arith.constant 0 : i32
    %dma_start3A_303 = tpu.memref_slice %arg2[%dma_start3A_301, %dma_start3A_302] : memref<10000x128xf32, #tpu.memory_space<hbm>> -> memref<10000x128xf32, #tpu.memory_space<hbm>>
    tpu.enqueue_indirect_dma source(%dma_start3A_303 : memref<10000x128xf32, #tpu.memory_space<hbm>>) target(%arg14 : memref<128x128xf32, #tpu.memory_space<vmem>>) offsets(%arg8 : memref<128xi32, #tpu.memory_space<vmem>>) semaphore(%arg20 : memref<!tpu.dma_semaphore, #tpu.memory_space<semaphore_mem>>)
    %get3A_304 = arith.constant 0 : index
    %get3A_305 = tpu.vector_load %arg13[%get3A_304] {strides = array<i32>} : memref<128xi32, #tpu.memory_space<vmem>>, vector<16xi32>,
    tpu.vector_store_idx %arg31[%get3A_305], %broadcast_in_dim3A_10 {add = true} : memref<10240xf32, #tpu.memory_space<vmem>>[vector<16xi32>], vector<16xf32>,
    %get3A_306 = arith.constant 16 : index
    %get3A_307 = tpu.vector_load %arg13[%get3A_306] {strides = array<i32>} : memref<128xi32, #tpu.memory_space<vmem>>, vector<16xi32>,
    tpu.vector_store_idx %arg31[%get3A_307], %broadcast_in_dim3A_10 {add = true} : memref<10240xf32, #tpu.memory_space<vmem>>[vector<16xi32>], vector<16xf32>,
    %get3A_308 = arith.constant 32 : index
    %get3A_309 = tpu.vector_load %arg13[%get3A_308] {strides = array<i32>} : memref<128xi32, #tpu.memory_space<vmem>>, vector<16xi32>,
    tpu.vector_store_idx %arg31[%get3A_309], %broadcast_in_dim3A_10 {add = true} : memref<10240xf32, #tpu.memory_space<vmem>>[vector<16xi32>], vector<16xf32>,
    %get3A_310 = arith.constant 48 : index
    %get3A_311 = tpu.vector_load %arg13[%get3A_310] {strides = array<i32>} : memref<128xi32, #tpu.memory_space<vmem>>, vector<16xi32>,
    tpu.vector_store_idx %arg31[%get3A_311], %broadcast_in_dim3A_10 {add = true} : memref<10240xf32, #tpu.memory_space<vmem>>[vector<16xi32>], vector<16xf32>,
    %get3A_312 = arith.constant 64 : index
    %get3A_313 = tpu.vector_load %arg13[%get3A_312] {strides = array<i32>} : memref<128xi32, #tpu.memory_space<vmem>>, vector<16xi32>,
    tpu.vector_store_idx %arg31[%get3A_313], %broadcast_in_dim3A_10 {add = true} : memref<10240xf32, #tpu.memory_space<vmem>>[vector<16xi32>], vector<16xf32>,
    %get3A_314 = arith.constant 80 : index
    %get3A_315 = tpu.vector_load %arg13[%get3A_314] {strides = array<i32>} : memref<128xi32, #tpu.memory_space<vmem>>, vector<16xi32>,
    tpu.vector_store_idx %arg31[%get3A_315], %broadcast_in_dim3A_10 {add = true} : memref<10240xf32, #tpu.memory_space<vmem>>[vector<16xi32>], vector<16xf32>,
    %get3A_316 = arith.constant 96 : index
    %get3A_317 = tpu.vector_load %arg13[%get3A_316] {strides = array<i32>} : memref<128xi32, #tpu.memory_space<vmem>>, vector<16xi32>,
    tpu.vector_store_idx %arg31[%get3A_317], %broadcast_in_dim3A_10 {add = true} : memref<10240xf32, #tpu.memory_space<vmem>>[vector<16xi32>], vector<16xf32>,
    %get3A_318 = arith.constant 112 : index
    %get3A_319 = tpu.vector_load %arg13[%get3A_318] {strides = array<i32>} : memref<128xi32, #tpu.memory_space<vmem>>, vector<16xi32>,
    tpu.vector_store_idx %arg31[%get3A_319], %broadcast_in_dim3A_10 {add = true} : memref<10240xf32, #tpu.memory_space<vmem>>[vector<16xi32>], vector<16xf32>,
    %add3A_320 = arith.constant 896 : i32
    %add3A_321 = arith.addi %mul3A_2, %add3A_320 : i32
    %min3A_322 = arith.constant 319872 : i32
    %min3A_323 = arith.minsi %add3A_321, %min3A_322 : i32
    %dma_start3A_324 = tpu.memref_slice %arg3[%min3A_323] : memref<320000xi32, #tpu.memory_space<hbm>> -> memref<128xi32, #tpu.memory_space<hbm>>
    %dma_start3A_325 = tpu.memref_slice %arg3[%min3A_323] : memref<320000xi32, #tpu.memory_space<hbm>> -> memref<128xi32, #tpu.memory_space<hbm>>
    tpu.enqueue_dma source(%dma_start3A_325 : memref<128xi32, #tpu.memory_space<hbm>>) target(%arg9 : memref<128xi32, #tpu.memory_space<vmem>>) target_semaphore(%arg25 : memref<!tpu.dma_semaphore, #tpu.memory_space<semaphore_mem>>)
    %dma_start3A_326 = tpu.memref_slice %arg4[%min3A_323] : memref<320000xi32, #tpu.memory_space<hbm>> -> memref<128xi32, #tpu.memory_space<hbm>>
    %dma_start3A_327 = tpu.memref_slice %arg4[%min3A_323] : memref<320000xi32, #tpu.memory_space<hbm>> -> memref<128xi32, #tpu.memory_space<hbm>>
    tpu.enqueue_dma source(%dma_start3A_327 : memref<128xi32, #tpu.memory_space<hbm>>) target(%arg12 : memref<128xi32, #tpu.memory_space<vmem>>) target_semaphore(%arg28 : memref<!tpu.dma_semaphore, #tpu.memory_space<semaphore_mem>>)
    %scan3A_328 = arith.constant 0 : i32
    %scan3A_329 = arith.constant 0 : i32
    %scan3A_330 = arith.constant 12 : i32
    %scan3A_331 = arith.addi %scan3A_329, %scan3A_330 : i32
    %scan3A_332 = arith.constant 1 : i32
    scf.for %scan3A_365 = %scan3A_329 to %scan3A_331 step %scan3A_332  : i32 {
      %mul3A_366 = arith.constant 6 : i32
      %mul3A_367 = arith.muli %mul3A_366, %scan3A_365 : i32
      %add3A_368 = arith.constant 6 : i32
      %add3A_369 = arith.addi %mul3A_367, %add3A_368 : i32
      %add3A_370 = arith.constant 0 : i32
      %add3A_371 = arith.addi %add3A_369, %add3A_370 : i32
      %dma_wait3A_372 = arith.constant 0 : i32
      %dma_wait3A_373 = arith.constant 0 : i32
      %dma_wait3A_374 = tpu.memref_slice %arg5[%dma_wait3A_372, %dma_wait3A_373] : memref<10240x128xf32, #tpu.memory_space<hbm>> -> memref<128x128xf32, #tpu.memory_space<hbm>>
      %dma_wait3A_375 = arith.constant 0 : i32
      %dma_wait3A_376 = arith.constant 0 : i32
      %dma_wait3A_377 = tpu.memref_slice %arg5[%dma_wait3A_375, %dma_wait3A_376] : memref<10240x128xf32, #tpu.memory_space<hbm>> -> memref<128x128xf32, #tpu.memory_space<hbm>>
      tpu.wait_dma2 semaphore(%arg20 : memref<!tpu.dma_semaphore, #tpu.memory_space<semaphore_mem>>) src(%dma_wait3A_377 : memref<128x128xf32, #tpu.memory_space<hbm>>) dst(%arg14 : memref<128x128xf32, #tpu.memory_space<vmem>>)
      %dma_start3A_378 = arith.constant 0 : i32
      %dma_start3A_379 = arith.constant 0 : i32
      %dma_start3A_380 = tpu.memref_slice %arg19[%dma_start3A_378, %dma_start3A_379] : memref<10240x128xf32, #tpu.memory_space<vmem_shared>> -> memref<10240x128xf32, #tpu.memory_space<vmem_shared>>
      tpu.enqueue_indirect_dma source(%arg14 : memref<128x128xf32, #tpu.memory_space<vmem>>) target(%dma_start3A_380 : memref<10240x128xf32, #tpu.memory_space<vmem_shared>>) offsets(%arg11 : memref<128xi32, #tpu.memory_space<vmem>>) semaphore(%arg22 : memref<!tpu.dma_semaphore, #tpu.memory_space<semaphore_mem>>) {add = true}
      %dma_wait3A_381 = arith.constant 0 : i32
      %dma_wait3A_382 = arith.constant 0 : i32
      %dma_wait3A_383 = tpu.memref_slice %arg5[%dma_wait3A_381, %dma_wait3A_382] : memref<10240x128xf32, #tpu.memory_space<hbm>> -> memref<128x128xf32, #tpu.memory_space<hbm>>
      %dma_wait3A_384 = arith.constant 0 : i32
      %dma_wait3A_385 = arith.constant 0 : i32
      %dma_wait3A_386 = tpu.memref_slice %arg5[%dma_wait3A_384, %dma_wait3A_385] : memref<10240x128xf32, #tpu.memory_space<hbm>> -> memref<128x128xf32, #tpu.memory_space<hbm>>
      tpu.wait_dma2 semaphore(%arg23 : memref<!tpu.dma_semaphore, #tpu.memory_space<semaphore_mem>>) src(%dma_wait3A_386 : memref<128x128xf32, #tpu.memory_space<hbm>>) dst(%arg15 : memref<128x128xf32, #tpu.memory_space<vmem>>)
      %dma_wait3A_387 = arith.constant 0 : i32
      %dma_wait3A_388 = tpu.memref_slice %arg3[%dma_wait3A_387] : memref<320000xi32, #tpu.memory_space<hbm>> -> memref<128xi32, #tpu.memory_space<hbm>>
      %dma_wait3A_389 = arith.constant 0 : i32
      %dma_wait3A_390 = tpu.memref_slice %arg3[%dma_wait3A_389] : memref<320000xi32, #tpu.memory_space<hbm>> -> memref<128xi32, #tpu.memory_space<hbm>>
      tpu.wait_dma2 semaphore(%arg25 : memref<!tpu.dma_semaphore, #tpu.memory_space<semaphore_mem>>) src(%dma_wait3A_390 : memref<128xi32, #tpu.memory_space<hbm>>) dst(%arg9 : memref<128xi32, #tpu.memory_space<vmem>>)
      %dma_wait3A_391 = arith.constant 0 : i32
      %dma_wait3A_392 = tpu.memref_slice %arg4[%dma_wait3A_391] : memref<320000xi32, #tpu.memory_space<hbm>> -> memref<128xi32, #tpu.memory_space<hbm>>
      %dma_wait3A_393 = arith.constant 0 : i32
      %dma_wait3A_394 = tpu.memref_slice %arg4[%dma_wait3A_393] : memref<320000xi32, #tpu.memory_space<hbm>> -> memref<128xi32, #tpu.memory_space<hbm>>
      tpu.wait_dma2 semaphore(%arg28 : memref<!tpu.dma_semaphore, #tpu.memory_space<semaphore_mem>>) src(%dma_wait3A_394 : memref<128xi32, #tpu.memory_space<hbm>>) dst(%arg12 : memref<128xi32, #tpu.memory_space<vmem>>)
      %dma_start3A_395 = arith.constant 0 : i32
      %dma_start3A_396 = arith.constant 0 : i32
      %dma_start3A_397 = tpu.memref_slice %arg2[%dma_start3A_395, %dma_start3A_396] : memref<10000x128xf32, #tpu.memory_space<hbm>> -> memref<10000x128xf32, #tpu.memory_space<hbm>>
      tpu.enqueue_indirect_dma source(%dma_start3A_397 : memref<10000x128xf32, #tpu.memory_space<hbm>>) target(%arg15 : memref<128x128xf32, #tpu.memory_space<vmem>>) offsets(%arg9 : memref<128xi32, #tpu.memory_space<vmem>>) semaphore(%arg21 : memref<!tpu.dma_semaphore, #tpu.memory_space<semaphore_mem>>)
      %get3A_398 = arith.constant 0 : index
      %get3A_399 = tpu.vector_load %arg11[%get3A_398] {strides = array<i32>} : memref<128xi32, #tpu.memory_space<vmem>>, vector<16xi32>,
      tpu.vector_store_idx %arg31[%get3A_399], %broadcast_in_dim3A_10 {add = true} : memref<10240xf32, #tpu.memory_space<vmem>>[vector<16xi32>], vector<16xf32>,
      %get3A_400 = arith.constant 16 : index
      %get3A_401 = tpu.vector_load %arg11[%get3A_400] {strides = array<i32>} : memref<128xi32, #tpu.memory_space<vmem>>, vector<16xi32>,
      tpu.vector_store_idx %arg31[%get3A_401], %broadcast_in_dim3A_10 {add = true} : memref<10240xf32, #tpu.memory_space<vmem>>[vector<16xi32>], vector<16xf32>,
      %get3A_402 = arith.constant 32 : index
      %get3A_403 = tpu.vector_load %arg11[%get3A_402] {strides = array<i32>} : memref<128xi32, #tpu.memory_space<vmem>>, vector<16xi32>,
      tpu.vector_store_idx %arg31[%get3A_403], %broadcast_in_dim3A_10 {add = true} : memref<10240xf32, #tpu.memory_space<vmem>>[vector<16xi32>], vector<16xf32>,
      %get3A_404 = arith.constant 48 : index
      %get3A_405 = tpu.vector_load %arg11[%get3A_404] {strides = array<i32>} : memref<128xi32, #tpu.memory_space<vmem>>, vector<16xi32>,
      tpu.vector_store_idx %arg31[%get3A_405], %broadcast_in_dim3A_10 {add = true} : memref<10240xf32, #tpu.memory_space<vmem>>[vector<16xi32>], vector<16xf32>,
      %get3A_406 = arith.constant 64 : index
      %get3A_407 = tpu.vector_load %arg11[%get3A_406] {strides = array<i32>} : memref<128xi32, #tpu.memory_space<vmem>>, vector<16xi32>,
      tpu.vector_store_idx %arg31[%get3A_407], %broadcast_in_dim3A_10 {add = true} : memref<10240xf32, #tpu.memory_space<vmem>>[vector<16xi32>], vector<16xf32>,
      %get3A_408 = arith.constant 80 : index
      %get3A_409 = tpu.vector_load %arg11[%get3A_408] {strides = array<i32>} : memref<128xi32, #tpu.memory_space<vmem>>, vector<16xi32>,
      tpu.vector_store_idx %arg31[%get3A_409], %broadcast_in_dim3A_10 {add = true} : memref<10240xf32, #tpu.memory_space<vmem>>[vector<16xi32>], vector<16xf32>,
      %get3A_410 = arith.constant 96 : index
      %get3A_411 = tpu.vector_load %arg11[%get3A_410] {strides = array<i32>} : memref<128xi32, #tpu.memory_space<vmem>>, vector<16xi32>,
      tpu.vector_store_idx %arg31[%get3A_411], %broadcast_in_dim3A_10 {add = true} : memref<10240xf32, #tpu.memory_space<vmem>>[vector<16xi32>], vector<16xf32>,
      %get3A_412 = arith.constant 112 : index
      %get3A_413 = tpu.vector_load %arg11[%get3A_412] {strides = array<i32>} : memref<128xi32, #tpu.memory_space<vmem>>, vector<16xi32>,
      tpu.vector_store_idx %arg31[%get3A_413], %broadcast_in_dim3A_10 {add = true} : memref<10240xf32, #tpu.memory_space<vmem>>[vector<16xi32>], vector<16xf32>,
      %add3A_414 = arith.constant 2 : i32
      %add3A_415 = arith.addi %add3A_371, %add3A_414 : i32
      %mul3A_416 = arith.constant 128 : i32
      %mul3A_417 = arith.muli %add3A_415, %mul3A_416 : i32
      %add3A_418 = arith.addi %mul3A_2, %mul3A_417 : i32
      %min3A_419 = arith.constant 319872 : i32
      %min3A_420 = arith.minsi %add3A_418, %min3A_419 : i32
      %dma_start3A_421 = tpu.memref_slice %arg3[%min3A_420] : memref<320000xi32, #tpu.memory_space<hbm>> -> memref<128xi32, #tpu.memory_space<hbm>>
      %dma_start3A_422 = tpu.memref_slice %arg3[%min3A_420] : memref<320000xi32, #tpu.memory_space<hbm>> -> memref<128xi32, #tpu.memory_space<hbm>>
      tpu.enqueue_dma source(%dma_start3A_422 : memref<128xi32, #tpu.memory_space<hbm>>) target(%arg10 : memref<128xi32, #tpu.memory_space<vmem>>) target_semaphore(%arg26 : memref<!tpu.dma_semaphore, #tpu.memory_space<semaphore_mem>>)
      %dma_start3A_423 = tpu.memref_slice %arg4[%min3A_420] : memref<320000xi32, #tpu.memory_space<hbm>> -> memref<128xi32, #tpu.memory_space<hbm>>
      %dma_start3A_424 = tpu.memref_slice %arg4[%min3A_420] : memref<320000xi32, #tpu.memory_space<hbm>> -> memref<128xi32, #tpu.memory_space<hbm>>
      tpu.enqueue_dma source(%dma_start3A_424 : memref<128xi32, #tpu.memory_space<hbm>>) target(%arg13 : memref<128xi32, #tpu.memory_space<vmem>>) target_semaphore(%arg29 : memref<!tpu.dma_semaphore, #tpu.memory_space<semaphore_mem>>)
      %add3A_425 = arith.constant 1 : i32
      %add3A_426 = arith.addi %add3A_369, %add3A_425 : i32
      %dma_wait3A_427 = arith.constant 0 : i32
      %dma_wait3A_428 = arith.constant 0 : i32
      %dma_wait3A_429 = tpu.memref_slice %arg5[%dma_wait3A_427, %dma_wait3A_428] : memref<10240x128xf32, #tpu.memory_space<hbm>> -> memref<128x128xf32, #tpu.memory_space<hbm>>
      %dma_wait3A_430 = arith.constant 0 : i32
      %dma_wait3A_431 = arith.constant 0 : i32
      %dma_wait3A_432 = tpu.memref_slice %arg5[%dma_wait3A_430, %dma_wait3A_431] : memref<10240x128xf32, #tpu.memory_space<hbm>> -> memref<128x128xf32, #tpu.memory_space<hbm>>
      tpu.wait_dma2 semaphore(%arg21 : memref<!tpu.dma_semaphore, #tpu.memory_space<semaphore_mem>>) src(%dma_wait3A_432 : memref<128x128xf32, #tpu.memory_space<hbm>>) dst(%arg15 : memref<128x128xf32, #tpu.memory_space<vmem>>)
      %dma_start3A_433 = arith.constant 0 : i32
      %dma_start3A_434 = arith.constant 0 : i32
      %dma_start3A_435 = tpu.memref_slice %arg19[%dma_start3A_433, %dma_start3A_434] : memref<10240x128xf32, #tpu.memory_space<vmem_shared>> -> memref<10240x128xf32, #tpu.memory_space<vmem_shared>>
      tpu.enqueue_indirect_dma source(%arg15 : memref<128x128xf32, #tpu.memory_space<vmem>>) target(%dma_start3A_435 : memref<10240x128xf32, #tpu.memory_space<vmem_shared>>) offsets(%arg12 : memref<128xi32, #tpu.memory_space<vmem>>) semaphore(%arg23 : memref<!tpu.dma_semaphore, #tpu.memory_space<semaphore_mem>>) {add = true}
      %dma_wait3A_436 = arith.constant 0 : i32
      %dma_wait3A_437 = arith.constant 0 : i32
      %dma_wait3A_438 = tpu.memref_slice %arg5[%dma_wait3A_436, %dma_wait3A_437] : memref<10240x128xf32, #tpu.memory_space<hbm>> -> memref<128x128xf32, #tpu.memory_space<hbm>>
      %dma_wait3A_439 = arith.constant 0 : i32
      %dma_wait3A_440 = arith.constant 0 : i32
      %dma_wait3A_441 = tpu.memref_slice %arg5[%dma_wait3A_439, %dma_wait3A_440] : memref<10240x128xf32, #tpu.memory_space<hbm>> -> memref<128x128xf32, #tpu.memory_space<hbm>>
      tpu.wait_dma2 semaphore(%arg22 : memref<!tpu.dma_semaphore, #tpu.memory_space<semaphore_mem>>) src(%dma_wait3A_441 : memref<128x128xf32, #tpu.memory_space<hbm>>) dst(%arg14 : memref<128x128xf32, #tpu.memory_space<vmem>>)
      %dma_wait3A_442 = arith.constant 0 : i32
      %dma_wait3A_443 = tpu.memref_slice %arg3[%dma_wait3A_442] : memref<320000xi32, #tpu.memory_space<hbm>> -> memref<128xi32, #tpu.memory_space<hbm>>
      %dma_wait3A_444 = arith.constant 0 : i32
      %dma_wait3A_445 = tpu.memref_slice %arg3[%dma_wait3A_444] : memref<320000xi32, #tpu.memory_space<hbm>> -> memref<128xi32, #tpu.memory_space<hbm>>
      tpu.wait_dma2 semaphore(%arg26 : memref<!tpu.dma_semaphore, #tpu.memory_space<semaphore_mem>>) src(%dma_wait3A_445 : memref<128xi32, #tpu.memory_space<hbm>>) dst(%arg10 : memref<128xi32, #tpu.memory_space<vmem>>)
      %dma_wait3A_446 = arith.constant 0 : i32
      %dma_wait3A_447 = tpu.memref_slice %arg4[%dma_wait3A_446] : memref<320000xi32, #tpu.memory_space<hbm>> -> memref<128xi32, #tpu.memory_space<hbm>>
      %dma_wait3A_448 = arith.constant 0 : i32
      %dma_wait3A_449 = tpu.memref_slice %arg4[%dma_wait3A_448] : memref<320000xi32, #tpu.memory_space<hbm>> -> memref<128xi32, #tpu.memory_space<hbm>>
      tpu.wait_dma2 semaphore(%arg29 : memref<!tpu.dma_semaphore, #tpu.memory_space<semaphore_mem>>) src(%dma_wait3A_449 : memref<128xi32, #tpu.memory_space<hbm>>) dst(%arg13 : memref<128xi32, #tpu.memory_space<vmem>>)
      %dma_start3A_450 = arith.constant 0 : i32
      %dma_start3A_451 = arith.constant 0 : i32
      %dma_start3A_452 = tpu.memref_slice %arg2[%dma_start3A_450, %dma_start3A_451] : memref<10000x128xf32, #tpu.memory_space<hbm>> -> memref<10000x128xf32, #tpu.memory_space<hbm>>
      tpu.enqueue_indirect_dma source(%dma_start3A_452 : memref<10000x128xf32, #tpu.memory_space<hbm>>) target(%arg14 : memref<128x128xf32, #tpu.memory_space<vmem>>) offsets(%arg10 : memref<128xi32, #tpu.memory_space<vmem>>) semaphore(%arg20 : memref<!tpu.dma_semaphore, #tpu.memory_space<semaphore_mem>>)
      %get3A_453 = arith.constant 0 : index
      %get3A_454 = tpu.vector_load %arg12[%get3A_453] {strides = array<i32>} : memref<128xi32, #tpu.memory_space<vmem>>, vector<16xi32>,
      tpu.vector_store_idx %arg31[%get3A_454], %broadcast_in_dim3A_10 {add = true} : memref<10240xf32, #tpu.memory_space<vmem>>[vector<16xi32>], vector<16xf32>,
      %get3A_455 = arith.constant 16 : index
      %get3A_456 = tpu.vector_load %arg12[%get3A_455] {strides = array<i32>} : memref<128xi32, #tpu.memory_space<vmem>>, vector<16xi32>,
      tpu.vector_store_idx %arg31[%get3A_456], %broadcast_in_dim3A_10 {add = true} : memref<10240xf32, #tpu.memory_space<vmem>>[vector<16xi32>], vector<16xf32>,
      %get3A_457 = arith.constant 32 : index
      %get3A_458 = tpu.vector_load %arg12[%get3A_457] {strides = array<i32>} : memref<128xi32, #tpu.memory_space<vmem>>, vector<16xi32>,
      tpu.vector_store_idx %arg31[%get3A_458], %broadcast_in_dim3A_10 {add = true} : memref<10240xf32, #tpu.memory_space<vmem>>[vector<16xi32>], vector<16xf32>,
      %get3A_459 = arith.constant 48 : index
      %get3A_460 = tpu.vector_load %arg12[%get3A_459] {strides = array<i32>} : memref<128xi32, #tpu.memory_space<vmem>>, vector<16xi32>,
      tpu.vector_store_idx %arg31[%get3A_460], %broadcast_in_dim3A_10 {add = true} : memref<10240xf32, #tpu.memory_space<vmem>>[vector<16xi32>], vector<16xf32>,
      %get3A_461 = arith.constant 64 : index
      %get3A_462 = tpu.vector_load %arg12[%get3A_461] {strides = array<i32>} : memref<128xi32, #tpu.memory_space<vmem>>, vector<16xi32>,
      tpu.vector_store_idx %arg31[%get3A_462], %broadcast_in_dim3A_10 {add = true} : memref<10240xf32, #tpu.memory_space<vmem>>[vector<16xi32>], vector<16xf32>,
      %get3A_463 = arith.constant 80 : index
      %get3A_464 = tpu.vector_load %arg12[%get3A_463] {strides = array<i32>} : memref<128xi32, #tpu.memory_space<vmem>>, vector<16xi32>,
      tpu.vector_store_idx %arg31[%get3A_464], %broadcast_in_dim3A_10 {add = true} : memref<10240xf32, #tpu.memory_space<vmem>>[vector<16xi32>], vector<16xf32>,
      %get3A_465 = arith.constant 96 : index
      %get3A_466 = tpu.vector_load %arg12[%get3A_465] {strides = array<i32>} : memref<128xi32, #tpu.memory_space<vmem>>, vector<16xi32>,
      tpu.vector_store_idx %arg31[%get3A_466], %broadcast_in_dim3A_10 {add = true} : memref<10240xf32, #tpu.memory_space<vmem>>[vector<16xi32>], vector<16xf32>,
      %get3A_467 = arith.constant 112 : index
      %get3A_468 = tpu.vector_load %arg12[%get3A_467] {strides = array<i32>} : memref<128xi32, #tpu.memory_space<vmem>>, vector<16xi32>,
      tpu.vector_store_idx %arg31[%get3A_468], %broadcast_in_dim3A_10 {add = true} : memref<10240xf32, #tpu.memory_space<vmem>>[vector<16xi32>], vector<16xf32>,
      %add3A_469 = arith.constant 2 : i32
      %add3A_470 = arith.addi %add3A_426, %add3A_469 : i32
      %mul3A_471 = arith.constant 128 : i32
      %mul3A_472 = arith.muli %add3A_470, %mul3A_471 : i32
      %add3A_473 = arith.addi %mul3A_2, %mul3A_472 : i32
      %min3A_474 = arith.constant 319872 : i32
      %min3A_475 = arith.minsi %add3A_473, %min3A_474 : i32
      %dma_start3A_476 = tpu.memref_slice %arg3[%min3A_475] : memref<320000xi32, #tpu.memory_space<hbm>> -> memref<128xi32, #tpu.memory_space<hbm>>
      %dma_start3A_477 = tpu.memref_slice %arg3[%min3A_475] : memref<320000xi32, #tpu.memory_space<hbm>> -> memref<128xi32, #tpu.memory_space<hbm>>
      tpu.enqueue_dma source(%dma_start3A_477 : memref<128xi32, #tpu.memory_space<hbm>>) target(%arg8 : memref<128xi32, #tpu.memory_space<vmem>>) target_semaphore(%arg24 : memref<!tpu.dma_semaphore, #tpu.memory_space<semaphore_mem>>)
      %dma_start3A_478 = tpu.memref_slice %arg4[%min3A_475] : memref<320000xi32, #tpu.memory_space<hbm>> -> memref<128xi32, #tpu.memory_space<hbm>>
      %dma_start3A_479 = tpu.memref_slice %arg4[%min3A_475] : memref<320000xi32, #tpu.memory_space<hbm>> -> memref<128xi32, #tpu.memory_space<hbm>>
      tpu.enqueue_dma source(%dma_start3A_479 : memref<128xi32, #tpu.memory_space<hbm>>) target(%arg11 : memref<128xi32, #tpu.memory_space<vmem>>) target_semaphore(%arg27 : memref<!tpu.dma_semaphore, #tpu.memory_space<semaphore_mem>>)
      %add3A_480 = arith.constant 2 : i32
      %add3A_481 = arith.addi %add3A_369, %add3A_480 : i32
      %dma_wait3A_482 = arith.constant 0 : i32
      %dma_wait3A_483 = arith.constant 0 : i32
      %dma_wait3A_484 = tpu.memref_slice %arg5[%dma_wait3A_482, %dma_wait3A_483] : memref<10240x128xf32, #tpu.memory_space<hbm>> -> memref<128x128xf32, #tpu.memory_space<hbm>>
      %dma_wait3A_485 = arith.constant 0 : i32
      %dma_wait3A_486 = arith.constant 0 : i32
      %dma_wait3A_487 = tpu.memref_slice %arg5[%dma_wait3A_485, %dma_wait3A_486] : memref<10240x128xf32, #tpu.memory_space<hbm>> -> memref<128x128xf32, #tpu.memory_space<hbm>>
      tpu.wait_dma2 semaphore(%arg20 : memref<!tpu.dma_semaphore, #tpu.memory_space<semaphore_mem>>) src(%dma_wait3A_487 : memref<128x128xf32, #tpu.memory_space<hbm>>) dst(%arg14 : memref<128x128xf32, #tpu.memory_space<vmem>>)
      %dma_start3A_488 = arith.constant 0 : i32
      %dma_start3A_489 = arith.constant 0 : i32
      %dma_start3A_490 = tpu.memref_slice %arg19[%dma_start3A_488, %dma_start3A_489] : memref<10240x128xf32, #tpu.memory_space<vmem_shared>> -> memref<10240x128xf32, #tpu.memory_space<vmem_shared>>
      tpu.enqueue_indirect_dma source(%arg14 : memref<128x128xf32, #tpu.memory_space<vmem>>) target(%dma_start3A_490 : memref<10240x128xf32, #tpu.memory_space<vmem_shared>>) offsets(%arg13 : memref<128xi32, #tpu.memory_space<vmem>>) semaphore(%arg22 : memref<!tpu.dma_semaphore, #tpu.memory_space<semaphore_mem>>) {add = true}
      %dma_wait3A_491 = arith.constant 0 : i32
      %dma_wait3A_492 = arith.constant 0 : i32
      %dma_wait3A_493 = tpu.memref_slice %arg5[%dma_wait3A_491, %dma_wait3A_492] : memref<10240x128xf32, #tpu.memory_space<hbm>> -> memref<128x128xf32, #tpu.memory_space<hbm>>
      %dma_wait3A_494 = arith.constant 0 : i32
      %dma_wait3A_495 = arith.constant 0 : i32
      %dma_wait3A_496 = tpu.memref_slice %arg5[%dma_wait3A_494, %dma_wait3A_495] : memref<10240x128xf32, #tpu.memory_space<hbm>> -> memref<128x128xf32, #tpu.memory_space<hbm>>
      tpu.wait_dma2 semaphore(%arg23 : memref<!tpu.dma_semaphore, #tpu.memory_space<semaphore_mem>>) src(%dma_wait3A_496 : memref<128x128xf32, #tpu.memory_space<hbm>>) dst(%arg15 : memref<128x128xf32, #tpu.memory_space<vmem>>)
      %dma_wait3A_497 = arith.constant 0 : i32
      %dma_wait3A_498 = tpu.memref_slice %arg3[%dma_wait3A_497] : memref<320000xi32, #tpu.memory_space<hbm>> -> memref<128xi32, #tpu.memory_space<hbm>>
      %dma_wait3A_499 = arith.constant 0 : i32
      %dma_wait3A_500 = tpu.memref_slice %arg3[%dma_wait3A_499] : memref<320000xi32, #tpu.memory_space<hbm>> -> memref<128xi32, #tpu.memory_space<hbm>>
      tpu.wait_dma2 semaphore(%arg24 : memref<!tpu.dma_semaphore, #tpu.memory_space<semaphore_mem>>) src(%dma_wait3A_500 : memref<128xi32, #tpu.memory_space<hbm>>) dst(%arg8 : memref<128xi32, #tpu.memory_space<vmem>>)
      %dma_wait3A_501 = arith.constant 0 : i32
      %dma_wait3A_502 = tpu.memref_slice %arg4[%dma_wait3A_501] : memref<320000xi32, #tpu.memory_space<hbm>> -> memref<128xi32, #tpu.memory_space<hbm>>
      %dma_wait3A_503 = arith.constant 0 : i32
      %dma_wait3A_504 = tpu.memref_slice %arg4[%dma_wait3A_503] : memref<320000xi32, #tpu.memory_space<hbm>> -> memref<128xi32, #tpu.memory_space<hbm>>
      tpu.wait_dma2 semaphore(%arg27 : memref<!tpu.dma_semaphore, #tpu.memory_space<semaphore_mem>>) src(%dma_wait3A_504 : memref<128xi32, #tpu.memory_space<hbm>>) dst(%arg11 : memref<128xi32, #tpu.memory_space<vmem>>)
      %dma_start3A_505 = arith.constant 0 : i32
      %dma_start3A_506 = arith.constant 0 : i32
      %dma_start3A_507 = tpu.memref_slice %arg2[%dma_start3A_505, %dma_start3A_506] : memref<10000x128xf32, #tpu.memory_space<hbm>> -> memref<10000x128xf32, #tpu.memory_space<hbm>>
      tpu.enqueue_indirect_dma source(%dma_start3A_507 : memref<10000x128xf32, #tpu.memory_space<hbm>>) target(%arg15 : memref<128x128xf32, #tpu.memory_space<vmem>>) offsets(%arg8 : memref<128xi32, #tpu.memory_space<vmem>>) semaphore(%arg21 : memref<!tpu.dma_semaphore, #tpu.memory_space<semaphore_mem>>)
      %get3A_508 = arith.constant 0 : index
      %get3A_509 = tpu.vector_load %arg13[%get3A_508] {strides = array<i32>} : memref<128xi32, #tpu.memory_space<vmem>>, vector<16xi32>,
      tpu.vector_store_idx %arg31[%get3A_509], %broadcast_in_dim3A_10 {add = true} : memref<10240xf32, #tpu.memory_space<vmem>>[vector<16xi32>], vector<16xf32>,
      %get3A_510 = arith.constant 16 : index
      %get3A_511 = tpu.vector_load %arg13[%get3A_510] {strides = array<i32>} : memref<128xi32, #tpu.memory_space<vmem>>, vector<16xi32>,
      tpu.vector_store_idx %arg31[%get3A_511], %broadcast_in_dim3A_10 {add = true} : memref<10240xf32, #tpu.memory_space<vmem>>[vector<16xi32>], vector<16xf32>,
      %get3A_512 = arith.constant 32 : index
      %get3A_513 = tpu.vector_load %arg13[%get3A_512] {strides = array<i32>} : memref<128xi32, #tpu.memory_space<vmem>>, vector<16xi32>,
      tpu.vector_store_idx %arg31[%get3A_513], %broadcast_in_dim3A_10 {add = true} : memref<10240xf32, #tpu.memory_space<vmem>>[vector<16xi32>], vector<16xf32>,
      %get3A_514 = arith.constant 48 : index
      %get3A_515 = tpu.vector_load %arg13[%get3A_514] {strides = array<i32>} : memref<128xi32, #tpu.memory_space<vmem>>, vector<16xi32>,
      tpu.vector_store_idx %arg31[%get3A_515], %broadcast_in_dim3A_10 {add = true} : memref<10240xf32, #tpu.memory_space<vmem>>[vector<16xi32>], vector<16xf32>,
      %get3A_516 = arith.constant 64 : index
      %get3A_517 = tpu.vector_load %arg13[%get3A_516] {strides = array<i32>} : memref<128xi32, #tpu.memory_space<vmem>>, vector<16xi32>,
      tpu.vector_store_idx %arg31[%get3A_517], %broadcast_in_dim3A_10 {add = true} : memref<10240xf32, #tpu.memory_space<vmem>>[vector<16xi32>], vector<16xf32>,
      %get3A_518 = arith.constant 80 : index
      %get3A_519 = tpu.vector_load %arg13[%get3A_518] {strides = array<i32>} : memref<128xi32, #tpu.memory_space<vmem>>, vector<16xi32>,
      tpu.vector_store_idx %arg31[%get3A_519], %broadcast_in_dim3A_10 {add = true} : memref<10240xf32, #tpu.memory_space<vmem>>[vector<16xi32>], vector<16xf32>,
      %get3A_520 = arith.constant 96 : index
      %get3A_521 = tpu.vector_load %arg13[%get3A_520] {strides = array<i32>} : memref<128xi32, #tpu.memory_space<vmem>>, vector<16xi32>,
      tpu.vector_store_idx %arg31[%get3A_521], %broadcast_in_dim3A_10 {add = true} : memref<10240xf32, #tpu.memory_space<vmem>>[vector<16xi32>], vector<16xf32>,
      %get3A_522 = arith.constant 112 : index
      %get3A_523 = tpu.vector_load %arg13[%get3A_522] {strides = array<i32>} : memref<128xi32, #tpu.memory_space<vmem>>, vector<16xi32>,
      tpu.vector_store_idx %arg31[%get3A_523], %broadcast_in_dim3A_10 {add = true} : memref<10240xf32, #tpu.memory_space<vmem>>[vector<16xi32>], vector<16xf32>,
      %add3A_524 = arith.constant 2 : i32
      %add3A_525 = arith.addi %add3A_481, %add3A_524 : i32
      %mul3A_526 = arith.constant 128 : i32
      %mul3A_527 = arith.muli %add3A_525, %mul3A_526 : i32
      %add3A_528 = arith.addi %mul3A_2, %mul3A_527 : i32
      %min3A_529 = arith.constant 319872 : i32
      %min3A_530 = arith.minsi %add3A_528, %min3A_529 : i32
      %dma_start3A_531 = tpu.memref_slice %arg3[%min3A_530] : memref<320000xi32, #tpu.memory_space<hbm>> -> memref<128xi32, #tpu.memory_space<hbm>>
      %dma_start3A_532 = tpu.memref_slice %arg3[%min3A_530] : memref<320000xi32, #tpu.memory_space<hbm>> -> memref<128xi32, #tpu.memory_space<hbm>>
      tpu.enqueue_dma source(%dma_start3A_532 : memref<128xi32, #tpu.memory_space<hbm>>) target(%arg9 : memref<128xi32, #tpu.memory_space<vmem>>) target_semaphore(%arg25 : memref<!tpu.dma_semaphore, #tpu.memory_space<semaphore_mem>>)
      %dma_start3A_533 = tpu.memref_slice %arg4[%min3A_530] : memref<320000xi32, #tpu.memory_space<hbm>> -> memref<128xi32, #tpu.memory_space<hbm>>
      %dma_start3A_534 = tpu.memref_slice %arg4[%min3A_530] : memref<320000xi32, #tpu.memory_space<hbm>> -> memref<128xi32, #tpu.memory_space<hbm>>
      tpu.enqueue_dma source(%dma_start3A_534 : memref<128xi32, #tpu.memory_space<hbm>>) target(%arg12 : memref<128xi32, #tpu.memory_space<vmem>>) target_semaphore(%arg28 : memref<!tpu.dma_semaphore, #tpu.memory_space<semaphore_mem>>)
      %add3A_535 = arith.constant 3 : i32
      %add3A_536 = arith.addi %add3A_369, %add3A_535 : i32
      %dma_wait3A_537 = arith.constant 0 : i32
      %dma_wait3A_538 = arith.constant 0 : i32
      %dma_wait3A_539 = tpu.memref_slice %arg5[%dma_wait3A_537, %dma_wait3A_538] : memref<10240x128xf32, #tpu.memory_space<hbm>> -> memref<128x128xf32, #tpu.memory_space<hbm>>
      %dma_wait3A_540 = arith.constant 0 : i32
      %dma_wait3A_541 = arith.constant 0 : i32
      %dma_wait3A_542 = tpu.memref_slice %arg5[%dma_wait3A_540, %dma_wait3A_541] : memref<10240x128xf32, #tpu.memory_space<hbm>> -> memref<128x128xf32, #tpu.memory_space<hbm>>
      tpu.wait_dma2 semaphore(%arg21 : memref<!tpu.dma_semaphore, #tpu.memory_space<semaphore_mem>>) src(%dma_wait3A_542 : memref<128x128xf32, #tpu.memory_space<hbm>>) dst(%arg15 : memref<128x128xf32, #tpu.memory_space<vmem>>)
      %dma_start3A_543 = arith.constant 0 : i32
      %dma_start3A_544 = arith.constant 0 : i32
      %dma_start3A_545 = tpu.memref_slice %arg19[%dma_start3A_543, %dma_start3A_544] : memref<10240x128xf32, #tpu.memory_space<vmem_shared>> -> memref<10240x128xf32, #tpu.memory_space<vmem_shared>>
      tpu.enqueue_indirect_dma source(%arg15 : memref<128x128xf32, #tpu.memory_space<vmem>>) target(%dma_start3A_545 : memref<10240x128xf32, #tpu.memory_space<vmem_shared>>) offsets(%arg11 : memref<128xi32, #tpu.memory_space<vmem>>) semaphore(%arg23 : memref<!tpu.dma_semaphore, #tpu.memory_space<semaphore_mem>>) {add = true}
      %dma_wait3A_546 = arith.constant 0 : i32
      %dma_wait3A_547 = arith.constant 0 : i32
      %dma_wait3A_548 = tpu.memref_slice %arg5[%dma_wait3A_546, %dma_wait3A_547] : memref<10240x128xf32, #tpu.memory_space<hbm>> -> memref<128x128xf32, #tpu.memory_space<hbm>>
      %dma_wait3A_549 = arith.constant 0 : i32
      %dma_wait3A_550 = arith.constant 0 : i32
      %dma_wait3A_551 = tpu.memref_slice %arg5[%dma_wait3A_549, %dma_wait3A_550] : memref<10240x128xf32, #tpu.memory_space<hbm>> -> memref<128x128xf32, #tpu.memory_space<hbm>>
      tpu.wait_dma2 semaphore(%arg22 : memref<!tpu.dma_semaphore, #tpu.memory_space<semaphore_mem>>) src(%dma_wait3A_551 : memref<128x128xf32, #tpu.memory_space<hbm>>) dst(%arg14 : memref<128x128xf32, #tpu.memory_space<vmem>>)
      %dma_wait3A_552 = arith.constant 0 : i32
      %dma_wait3A_553 = tpu.memref_slice %arg3[%dma_wait3A_552] : memref<320000xi32, #tpu.memory_space<hbm>> -> memref<128xi32, #tpu.memory_space<hbm>>
      %dma_wait3A_554 = arith.constant 0 : i32
      %dma_wait3A_555 = tpu.memref_slice %arg3[%dma_wait3A_554] : memref<320000xi32, #tpu.memory_space<hbm>> -> memref<128xi32, #tpu.memory_space<hbm>>
      tpu.wait_dma2 semaphore(%arg25 : memref<!tpu.dma_semaphore, #tpu.memory_space<semaphore_mem>>) src(%dma_wait3A_555 : memref<128xi32, #tpu.memory_space<hbm>>) dst(%arg9 : memref<128xi32, #tpu.memory_space<vmem>>)
      %dma_wait3A_556 = arith.constant 0 : i32
      %dma_wait3A_557 = tpu.memref_slice %arg4[%dma_wait3A_556] : memref<320000xi32, #tpu.memory_space<hbm>> -> memref<128xi32, #tpu.memory_space<hbm>>
      %dma_wait3A_558 = arith.constant 0 : i32
      %dma_wait3A_559 = tpu.memref_slice %arg4[%dma_wait3A_558] : memref<320000xi32, #tpu.memory_space<hbm>> -> memref<128xi32, #tpu.memory_space<hbm>>
      tpu.wait_dma2 semaphore(%arg28 : memref<!tpu.dma_semaphore, #tpu.memory_space<semaphore_mem>>) src(%dma_wait3A_559 : memref<128xi32, #tpu.memory_space<hbm>>) dst(%arg12 : memref<128xi32, #tpu.memory_space<vmem>>)
      %dma_start3A_560 = arith.constant 0 : i32
      %dma_start3A_561 = arith.constant 0 : i32
      %dma_start3A_562 = tpu.memref_slice %arg2[%dma_start3A_560, %dma_start3A_561] : memref<10000x128xf32, #tpu.memory_space<hbm>> -> memref<10000x128xf32, #tpu.memory_space<hbm>>
      tpu.enqueue_indirect_dma source(%dma_start3A_562 : memref<10000x128xf32, #tpu.memory_space<hbm>>) target(%arg14 : memref<128x128xf32, #tpu.memory_space<vmem>>) offsets(%arg9 : memref<128xi32, #tpu.memory_space<vmem>>) semaphore(%arg20 : memref<!tpu.dma_semaphore, #tpu.memory_space<semaphore_mem>>)
      %get3A_563 = arith.constant 0 : index
      %get3A_564 = tpu.vector_load %arg11[%get3A_563] {strides = array<i32>} : memref<128xi32, #tpu.memory_space<vmem>>, vector<16xi32>,
      tpu.vector_store_idx %arg31[%get3A_564], %broadcast_in_dim3A_10 {add = true} : memref<10240xf32, #tpu.memory_space<vmem>>[vector<16xi32>], vector<16xf32>,
      %get3A_565 = arith.constant 16 : index
      %get3A_566 = tpu.vector_load %arg11[%get3A_565] {strides = array<i32>} : memref<128xi32, #tpu.memory_space<vmem>>, vector<16xi32>,
      tpu.vector_store_idx %arg31[%get3A_566], %broadcast_in_dim3A_10 {add = true} : memref<10240xf32, #tpu.memory_space<vmem>>[vector<16xi32>], vector<16xf32>,
      %get3A_567 = arith.constant 32 : index
      %get3A_568 = tpu.vector_load %arg11[%get3A_567] {strides = array<i32>} : memref<128xi32, #tpu.memory_space<vmem>>, vector<16xi32>,
      tpu.vector_store_idx %arg31[%get3A_568], %broadcast_in_dim3A_10 {add = true} : memref<10240xf32, #tpu.memory_space<vmem>>[vector<16xi32>], vector<16xf32>,
      %get3A_569 = arith.constant 48 : index
      %get3A_570 = tpu.vector_load %arg11[%get3A_569] {strides = array<i32>} : memref<128xi32, #tpu.memory_space<vmem>>, vector<16xi32>,
      tpu.vector_store_idx %arg31[%get3A_570], %broadcast_in_dim3A_10 {add = true} : memref<10240xf32, #tpu.memory_space<vmem>>[vector<16xi32>], vector<16xf32>,
      %get3A_571 = arith.constant 64 : index
      %get3A_572 = tpu.vector_load %arg11[%get3A_571] {strides = array<i32>} : memref<128xi32, #tpu.memory_space<vmem>>, vector<16xi32>,
      tpu.vector_store_idx %arg31[%get3A_572], %broadcast_in_dim3A_10 {add = true} : memref<10240xf32, #tpu.memory_space<vmem>>[vector<16xi32>], vector<16xf32>,
      %get3A_573 = arith.constant 80 : index
      %get3A_574 = tpu.vector_load %arg11[%get3A_573] {strides = array<i32>} : memref<128xi32, #tpu.memory_space<vmem>>, vector<16xi32>,
      tpu.vector_store_idx %arg31[%get3A_574], %broadcast_in_dim3A_10 {add = true} : memref<10240xf32, #tpu.memory_space<vmem>>[vector<16xi32>], vector<16xf32>,
      %get3A_575 = arith.constant 96 : index
      %get3A_576 = tpu.vector_load %arg11[%get3A_575] {strides = array<i32>} : memref<128xi32, #tpu.memory_space<vmem>>, vector<16xi32>,
      tpu.vector_store_idx %arg31[%get3A_576], %broadcast_in_dim3A_10 {add = true} : memref<10240xf32, #tpu.memory_space<vmem>>[vector<16xi32>], vector<16xf32>,
      %get3A_577 = arith.constant 112 : index
      %get3A_578 = tpu.vector_load %arg11[%get3A_577] {strides = array<i32>} : memref<128xi32, #tpu.memory_space<vmem>>, vector<16xi32>,
      tpu.vector_store_idx %arg31[%get3A_578], %broadcast_in_dim3A_10 {add = true} : memref<10240xf32, #tpu.memory_space<vmem>>[vector<16xi32>], vector<16xf32>,
      %add3A_579 = arith.constant 2 : i32
      %add3A_580 = arith.addi %add3A_536, %add3A_579 : i32
      %mul3A_581 = arith.constant 128 : i32
      %mul3A_582 = arith.muli %add3A_580, %mul3A_581 : i32
      %add3A_583 = arith.addi %mul3A_2, %mul3A_582 : i32
      %min3A_584 = arith.constant 319872 : i32
      %min3A_585 = arith.minsi %add3A_583, %min3A_584 : i32
      %dma_start3A_586 = tpu.memref_slice %arg3[%min3A_585] : memref<320000xi32, #tpu.memory_space<hbm>> -> memref<128xi32, #tpu.memory_space<hbm>>
      %dma_start3A_587 = tpu.memref_slice %arg3[%min3A_585] : memref<320000xi32, #tpu.memory_space<hbm>> -> memref<128xi32, #tpu.memory_space<hbm>>
      tpu.enqueue_dma source(%dma_start3A_587 : memref<128xi32, #tpu.memory_space<hbm>>) target(%arg10 : memref<128xi32, #tpu.memory_space<vmem>>) target_semaphore(%arg26 : memref<!tpu.dma_semaphore, #tpu.memory_space<semaphore_mem>>)
      %dma_start3A_588 = tpu.memref_slice %arg4[%min3A_585] : memref<320000xi32, #tpu.memory_space<hbm>> -> memref<128xi32, #tpu.memory_space<hbm>>
      %dma_start3A_589 = tpu.memref_slice %arg4[%min3A_585] : memref<320000xi32, #tpu.memory_space<hbm>> -> memref<128xi32, #tpu.memory_space<hbm>>
      tpu.enqueue_dma source(%dma_start3A_589 : memref<128xi32, #tpu.memory_space<hbm>>) target(%arg13 : memref<128xi32, #tpu.memory_space<vmem>>) target_semaphore(%arg29 : memref<!tpu.dma_semaphore, #tpu.memory_space<semaphore_mem>>)
      %add3A_590 = arith.constant 4 : i32
      %add3A_591 = arith.addi %add3A_369, %add3A_590 : i32
      %dma_wait3A_592 = arith.constant 0 : i32
      %dma_wait3A_593 = arith.constant 0 : i32
      %dma_wait3A_594 = tpu.memref_slice %arg5[%dma_wait3A_592, %dma_wait3A_593] : memref<10240x128xf32, #tpu.memory_space<hbm>> -> memref<128x128xf32, #tpu.memory_space<hbm>>
      %dma_wait3A_595 = arith.constant 0 : i32
      %dma_wait3A_596 = arith.constant 0 : i32
      %dma_wait3A_597 = tpu.memref_slice %arg5[%dma_wait3A_595, %dma_wait3A_596] : memref<10240x128xf32, #tpu.memory_space<hbm>> -> memref<128x128xf32, #tpu.memory_space<hbm>>
      tpu.wait_dma2 semaphore(%arg20 : memref<!tpu.dma_semaphore, #tpu.memory_space<semaphore_mem>>) src(%dma_wait3A_597 : memref<128x128xf32, #tpu.memory_space<hbm>>) dst(%arg14 : memref<128x128xf32, #tpu.memory_space<vmem>>)
      %dma_start3A_598 = arith.constant 0 : i32
      %dma_start3A_599 = arith.constant 0 : i32
      %dma_start3A_600 = tpu.memref_slice %arg19[%dma_start3A_598, %dma_start3A_599] : memref<10240x128xf32, #tpu.memory_space<vmem_shared>> -> memref<10240x128xf32, #tpu.memory_space<vmem_shared>>
      tpu.enqueue_indirect_dma source(%arg14 : memref<128x128xf32, #tpu.memory_space<vmem>>) target(%dma_start3A_600 : memref<10240x128xf32, #tpu.memory_space<vmem_shared>>) offsets(%arg12 : memref<128xi32, #tpu.memory_space<vmem>>) semaphore(%arg22 : memref<!tpu.dma_semaphore, #tpu.memory_space<semaphore_mem>>) {add = true}
      %dma_wait3A_601 = arith.constant 0 : i32
      %dma_wait3A_602 = arith.constant 0 : i32
      %dma_wait3A_603 = tpu.memref_slice %arg5[%dma_wait3A_601, %dma_wait3A_602] : memref<10240x128xf32, #tpu.memory_space<hbm>> -> memref<128x128xf32, #tpu.memory_space<hbm>>
      %dma_wait3A_604 = arith.constant 0 : i32
      %dma_wait3A_605 = arith.constant 0 : i32
      %dma_wait3A_606 = tpu.memref_slice %arg5[%dma_wait3A_604, %dma_wait3A_605] : memref<10240x128xf32, #tpu.memory_space<hbm>> -> memref<128x128xf32, #tpu.memory_space<hbm>>
      tpu.wait_dma2 semaphore(%arg23 : memref<!tpu.dma_semaphore, #tpu.memory_space<semaphore_mem>>) src(%dma_wait3A_606 : memref<128x128xf32, #tpu.memory_space<hbm>>) dst(%arg15 : memref<128x128xf32, #tpu.memory_space<vmem>>)
      %dma_wait3A_607 = arith.constant 0 : i32
      %dma_wait3A_608 = tpu.memref_slice %arg3[%dma_wait3A_607] : memref<320000xi32, #tpu.memory_space<hbm>> -> memref<128xi32, #tpu.memory_space<hbm>>
      %dma_wait3A_609 = arith.constant 0 : i32
      %dma_wait3A_610 = tpu.memref_slice %arg3[%dma_wait3A_609] : memref<320000xi32, #tpu.memory_space<hbm>> -> memref<128xi32, #tpu.memory_space<hbm>>
      tpu.wait_dma2 semaphore(%arg26 : memref<!tpu.dma_semaphore, #tpu.memory_space<semaphore_mem>>) src(%dma_wait3A_610 : memref<128xi32, #tpu.memory_space<hbm>>) dst(%arg10 : memref<128xi32, #tpu.memory_space<vmem>>)
      %dma_wait3A_611 = arith.constant 0 : i32
      %dma_wait3A_612 = tpu.memref_slice %arg4[%dma_wait3A_611] : memref<320000xi32, #tpu.memory_space<hbm>> -> memref<128xi32, #tpu.memory_space<hbm>>
      %dma_wait3A_613 = arith.constant 0 : i32
      %dma_wait3A_614 = tpu.memref_slice %arg4[%dma_wait3A_613] : memref<320000xi32, #tpu.memory_space<hbm>> -> memref<128xi32, #tpu.memory_space<hbm>>
      tpu.wait_dma2 semaphore(%arg29 : memref<!tpu.dma_semaphore, #tpu.memory_space<semaphore_mem>>) src(%dma_wait3A_614 : memref<128xi32, #tpu.memory_space<hbm>>) dst(%arg13 : memref<128xi32, #tpu.memory_space<vmem>>)
      %dma_start3A_615 = arith.constant 0 : i32
      %dma_start3A_616 = arith.constant 0 : i32
      %dma_start3A_617 = tpu.memref_slice %arg2[%dma_start3A_615, %dma_start3A_616] : memref<10000x128xf32, #tpu.memory_space<hbm>> -> memref<10000x128xf32, #tpu.memory_space<hbm>>
      tpu.enqueue_indirect_dma source(%dma_start3A_617 : memref<10000x128xf32, #tpu.memory_space<hbm>>) target(%arg15 : memref<128x128xf32, #tpu.memory_space<vmem>>) offsets(%arg10 : memref<128xi32, #tpu.memory_space<vmem>>) semaphore(%arg21 : memref<!tpu.dma_semaphore, #tpu.memory_space<semaphore_mem>>)
      %get3A_618 = arith.constant 0 : index
      %get3A_619 = tpu.vector_load %arg12[%get3A_618] {strides = array<i32>} : memref<128xi32, #tpu.memory_space<vmem>>, vector<16xi32>,
      tpu.vector_store_idx %arg31[%get3A_619], %broadcast_in_dim3A_10 {add = true} : memref<10240xf32, #tpu.memory_space<vmem>>[vector<16xi32>], vector<16xf32>,
      %get3A_620 = arith.constant 16 : index
      %get3A_621 = tpu.vector_load %arg12[%get3A_620] {strides = array<i32>} : memref<128xi32, #tpu.memory_space<vmem>>, vector<16xi32>,
      tpu.vector_store_idx %arg31[%get3A_621], %broadcast_in_dim3A_10 {add = true} : memref<10240xf32, #tpu.memory_space<vmem>>[vector<16xi32>], vector<16xf32>,
      %get3A_622 = arith.constant 32 : index
      %get3A_623 = tpu.vector_load %arg12[%get3A_622] {strides = array<i32>} : memref<128xi32, #tpu.memory_space<vmem>>, vector<16xi32>,
      tpu.vector_store_idx %arg31[%get3A_623], %broadcast_in_dim3A_10 {add = true} : memref<10240xf32, #tpu.memory_space<vmem>>[vector<16xi32>], vector<16xf32>,
      %get3A_624 = arith.constant 48 : index
      %get3A_625 = tpu.vector_load %arg12[%get3A_624] {strides = array<i32>} : memref<128xi32, #tpu.memory_space<vmem>>, vector<16xi32>,
      tpu.vector_store_idx %arg31[%get3A_625], %broadcast_in_dim3A_10 {add = true} : memref<10240xf32, #tpu.memory_space<vmem>>[vector<16xi32>], vector<16xf32>,
      %get3A_626 = arith.constant 64 : index
      %get3A_627 = tpu.vector_load %arg12[%get3A_626] {strides = array<i32>} : memref<128xi32, #tpu.memory_space<vmem>>, vector<16xi32>,
      tpu.vector_store_idx %arg31[%get3A_627], %broadcast_in_dim3A_10 {add = true} : memref<10240xf32, #tpu.memory_space<vmem>>[vector<16xi32>], vector<16xf32>,
      %get3A_628 = arith.constant 80 : index
      %get3A_629 = tpu.vector_load %arg12[%get3A_628] {strides = array<i32>} : memref<128xi32, #tpu.memory_space<vmem>>, vector<16xi32>,
      tpu.vector_store_idx %arg31[%get3A_629], %broadcast_in_dim3A_10 {add = true} : memref<10240xf32, #tpu.memory_space<vmem>>[vector<16xi32>], vector<16xf32>,
      %get3A_630 = arith.constant 96 : index
      %get3A_631 = tpu.vector_load %arg12[%get3A_630] {strides = array<i32>} : memref<128xi32, #tpu.memory_space<vmem>>, vector<16xi32>,
      tpu.vector_store_idx %arg31[%get3A_631], %broadcast_in_dim3A_10 {add = true} : memref<10240xf32, #tpu.memory_space<vmem>>[vector<16xi32>], vector<16xf32>,
      %get3A_632 = arith.constant 112 : index
      %get3A_633 = tpu.vector_load %arg12[%get3A_632] {strides = array<i32>} : memref<128xi32, #tpu.memory_space<vmem>>, vector<16xi32>,
      tpu.vector_store_idx %arg31[%get3A_633], %broadcast_in_dim3A_10 {add = true} : memref<10240xf32, #tpu.memory_space<vmem>>[vector<16xi32>], vector<16xf32>,
      %add3A_634 = arith.constant 2 : i32
      %add3A_635 = arith.addi %add3A_591, %add3A_634 : i32
      %mul3A_636 = arith.constant 128 : i32
      %mul3A_637 = arith.muli %add3A_635, %mul3A_636 : i32
      %add3A_638 = arith.addi %mul3A_2, %mul3A_637 : i32
      %min3A_639 = arith.constant 319872 : i32
      %min3A_640 = arith.minsi %add3A_638, %min3A_639 : i32
      %dma_start3A_641 = tpu.memref_slice %arg3[%min3A_640] : memref<320000xi32, #tpu.memory_space<hbm>> -> memref<128xi32, #tpu.memory_space<hbm>>
      %dma_start3A_642 = tpu.memref_slice %arg3[%min3A_640] : memref<320000xi32, #tpu.memory_space<hbm>> -> memref<128xi32, #tpu.memory_space<hbm>>
      tpu.enqueue_dma source(%dma_start3A_642 : memref<128xi32, #tpu.memory_space<hbm>>) target(%arg8 : memref<128xi32, #tpu.memory_space<vmem>>) target_semaphore(%arg24 : memref<!tpu.dma_semaphore, #tpu.memory_space<semaphore_mem>>)
      %dma_start3A_643 = tpu.memref_slice %arg4[%min3A_640] : memref<320000xi32, #tpu.memory_space<hbm>> -> memref<128xi32, #tpu.memory_space<hbm>>
      %dma_start3A_644 = tpu.memref_slice %arg4[%min3A_640] : memref<320000xi32, #tpu.memory_space<hbm>> -> memref<128xi32, #tpu.memory_space<hbm>>
      tpu.enqueue_dma source(%dma_start3A_644 : memref<128xi32, #tpu.memory_space<hbm>>) target(%arg11 : memref<128xi32, #tpu.memory_space<vmem>>) target_semaphore(%arg27 : memref<!tpu.dma_semaphore, #tpu.memory_space<semaphore_mem>>)
      %add3A_645 = arith.constant 5 : i32
      %add3A_646 = arith.addi %add3A_369, %add3A_645 : i32
      %dma_wait3A_647 = arith.constant 0 : i32
      %dma_wait3A_648 = arith.constant 0 : i32
      %dma_wait3A_649 = tpu.memref_slice %arg5[%dma_wait3A_647, %dma_wait3A_648] : memref<10240x128xf32, #tpu.memory_space<hbm>> -> memref<128x128xf32, #tpu.memory_space<hbm>>
      %dma_wait3A_650 = arith.constant 0 : i32
      %dma_wait3A_651 = arith.constant 0 : i32
      %dma_wait3A_652 = tpu.memref_slice %arg5[%dma_wait3A_650, %dma_wait3A_651] : memref<10240x128xf32, #tpu.memory_space<hbm>> -> memref<128x128xf32, #tpu.memory_space<hbm>>
      tpu.wait_dma2 semaphore(%arg21 : memref<!tpu.dma_semaphore, #tpu.memory_space<semaphore_mem>>) src(%dma_wait3A_652 : memref<128x128xf32, #tpu.memory_space<hbm>>) dst(%arg15 : memref<128x128xf32, #tpu.memory_space<vmem>>)
      %dma_start3A_653 = arith.constant 0 : i32
      %dma_start3A_654 = arith.constant 0 : i32
      %dma_start3A_655 = tpu.memref_slice %arg19[%dma_start3A_653, %dma_start3A_654] : memref<10240x128xf32, #tpu.memory_space<vmem_shared>> -> memref<10240x128xf32, #tpu.memory_space<vmem_shared>>
      tpu.enqueue_indirect_dma source(%arg15 : memref<128x128xf32, #tpu.memory_space<vmem>>) target(%dma_start3A_655 : memref<10240x128xf32, #tpu.memory_space<vmem_shared>>) offsets(%arg13 : memref<128xi32, #tpu.memory_space<vmem>>) semaphore(%arg23 : memref<!tpu.dma_semaphore, #tpu.memory_space<semaphore_mem>>) {add = true}
      %dma_wait3A_656 = arith.constant 0 : i32
      %dma_wait3A_657 = arith.constant 0 : i32
      %dma_wait3A_658 = tpu.memref_slice %arg5[%dma_wait3A_656, %dma_wait3A_657] : memref<10240x128xf32, #tpu.memory_space<hbm>> -> memref<128x128xf32, #tpu.memory_space<hbm>>
      %dma_wait3A_659 = arith.constant 0 : i32
      %dma_wait3A_660 = arith.constant 0 : i32
      %dma_wait3A_661 = tpu.memref_slice %arg5[%dma_wait3A_659, %dma_wait3A_660] : memref<10240x128xf32, #tpu.memory_space<hbm>> -> memref<128x128xf32, #tpu.memory_space<hbm>>
      tpu.wait_dma2 semaphore(%arg22 : memref<!tpu.dma_semaphore, #tpu.memory_space<semaphore_mem>>) src(%dma_wait3A_661 : memref<128x128xf32, #tpu.memory_space<hbm>>) dst(%arg14 : memref<128x128xf32, #tpu.memory_space<vmem>>)
      %dma_wait3A_662 = arith.constant 0 : i32
      %dma_wait3A_663 = tpu.memref_slice %arg3[%dma_wait3A_662] : memref<320000xi32, #tpu.memory_space<hbm>> -> memref<128xi32, #tpu.memory_space<hbm>>
      %dma_wait3A_664 = arith.constant 0 : i32
      %dma_wait3A_665 = tpu.memref_slice %arg3[%dma_wait3A_664] : memref<320000xi32, #tpu.memory_space<hbm>> -> memref<128xi32, #tpu.memory_space<hbm>>
      tpu.wait_dma2 semaphore(%arg24 : memref<!tpu.dma_semaphore, #tpu.memory_space<semaphore_mem>>) src(%dma_wait3A_665 : memref<128xi32, #tpu.memory_space<hbm>>) dst(%arg8 : memref<128xi32, #tpu.memory_space<vmem>>)
      %dma_wait3A_666 = arith.constant 0 : i32
      %dma_wait3A_667 = tpu.memref_slice %arg4[%dma_wait3A_666] : memref<320000xi32, #tpu.memory_space<hbm>> -> memref<128xi32, #tpu.memory_space<hbm>>
      %dma_wait3A_668 = arith.constant 0 : i32
      %dma_wait3A_669 = tpu.memref_slice %arg4[%dma_wait3A_668] : memref<320000xi32, #tpu.memory_space<hbm>> -> memref<128xi32, #tpu.memory_space<hbm>>
      tpu.wait_dma2 semaphore(%arg27 : memref<!tpu.dma_semaphore, #tpu.memory_space<semaphore_mem>>) src(%dma_wait3A_669 : memref<128xi32, #tpu.memory_space<hbm>>) dst(%arg11 : memref<128xi32, #tpu.memory_space<vmem>>)
      %dma_start3A_670 = arith.constant 0 : i32
      %dma_start3A_671 = arith.constant 0 : i32
      %dma_start3A_672 = tpu.memref_slice %arg2[%dma_start3A_670, %dma_start3A_671] : memref<10000x128xf32, #tpu.memory_space<hbm>> -> memref<10000x128xf32, #tpu.memory_space<hbm>>
      tpu.enqueue_indirect_dma source(%dma_start3A_672 : memref<10000x128xf32, #tpu.memory_space<hbm>>) target(%arg14 : memref<128x128xf32, #tpu.memory_space<vmem>>) offsets(%arg8 : memref<128xi32, #tpu.memory_space<vmem>>) semaphore(%arg20 : memref<!tpu.dma_semaphore, #tpu.memory_space<semaphore_mem>>)
      %get3A_673 = arith.constant 0 : index
      %get3A_674 = tpu.vector_load %arg13[%get3A_673] {strides = array<i32>} : memref<128xi32, #tpu.memory_space<vmem>>, vector<16xi32>,
      tpu.vector_store_idx %arg31[%get3A_674], %broadcast_in_dim3A_10 {add = true} : memref<10240xf32, #tpu.memory_space<vmem>>[vector<16xi32>], vector<16xf32>,
      %get3A_675 = arith.constant 16 : index
      %get3A_676 = tpu.vector_load %arg13[%get3A_675] {strides = array<i32>} : memref<128xi32, #tpu.memory_space<vmem>>, vector<16xi32>,
      tpu.vector_store_idx %arg31[%get3A_676], %broadcast_in_dim3A_10 {add = true} : memref<10240xf32, #tpu.memory_space<vmem>>[vector<16xi32>], vector<16xf32>,
      %get3A_677 = arith.constant 32 : index
      %get3A_678 = tpu.vector_load %arg13[%get3A_677] {strides = array<i32>} : memref<128xi32, #tpu.memory_space<vmem>>, vector<16xi32>,
      tpu.vector_store_idx %arg31[%get3A_678], %broadcast_in_dim3A_10 {add = true} : memref<10240xf32, #tpu.memory_space<vmem>>[vector<16xi32>], vector<16xf32>,
      %get3A_679 = arith.constant 48 : index
      %get3A_680 = tpu.vector_load %arg13[%get3A_679] {strides = array<i32>} : memref<128xi32, #tpu.memory_space<vmem>>, vector<16xi32>,
      tpu.vector_store_idx %arg31[%get3A_680], %broadcast_in_dim3A_10 {add = true} : memref<10240xf32, #tpu.memory_space<vmem>>[vector<16xi32>], vector<16xf32>,
      %get3A_681 = arith.constant 64 : index
      %get3A_682 = tpu.vector_load %arg13[%get3A_681] {strides = array<i32>} : memref<128xi32, #tpu.memory_space<vmem>>, vector<16xi32>,
      tpu.vector_store_idx %arg31[%get3A_682], %broadcast_in_dim3A_10 {add = true} : memref<10240xf32, #tpu.memory_space<vmem>>[vector<16xi32>], vector<16xf32>,
      %get3A_683 = arith.constant 80 : index
      %get3A_684 = tpu.vector_load %arg13[%get3A_683] {strides = array<i32>} : memref<128xi32, #tpu.memory_space<vmem>>, vector<16xi32>,
      tpu.vector_store_idx %arg31[%get3A_684], %broadcast_in_dim3A_10 {add = true} : memref<10240xf32, #tpu.memory_space<vmem>>[vector<16xi32>], vector<16xf32>,
      %get3A_685 = arith.constant 96 : index
      %get3A_686 = tpu.vector_load %arg13[%get3A_685] {strides = array<i32>} : memref<128xi32, #tpu.memory_space<vmem>>, vector<16xi32>,
      tpu.vector_store_idx %arg31[%get3A_686], %broadcast_in_dim3A_10 {add = true} : memref<10240xf32, #tpu.memory_space<vmem>>[vector<16xi32>], vector<16xf32>,
      %get3A_687 = arith.constant 112 : index
      %get3A_688 = tpu.vector_load %arg13[%get3A_687] {strides = array<i32>} : memref<128xi32, #tpu.memory_space<vmem>>, vector<16xi32>,
      tpu.vector_store_idx %arg31[%get3A_688], %broadcast_in_dim3A_10 {add = true} : memref<10240xf32, #tpu.memory_space<vmem>>[vector<16xi32>], vector<16xf32>,
      %add3A_689 = arith.constant 2 : i32
      %add3A_690 = arith.addi %add3A_646, %add3A_689 : i32
      %mul3A_691 = arith.constant 128 : i32
      %mul3A_692 = arith.muli %add3A_690, %mul3A_691 : i32
      %add3A_693 = arith.addi %mul3A_2, %mul3A_692 : i32
      %min3A_694 = arith.constant 319872 : i32
      %min3A_695 = arith.minsi %add3A_693, %min3A_694 : i32
      %dma_start3A_696 = tpu.memref_slice %arg3[%min3A_695] : memref<320000xi32, #tpu.memory_space<hbm>> -> memref<128xi32, #tpu.memory_space<hbm>>
      %dma_start3A_697 = tpu.memref_slice %arg3[%min3A_695] : memref<320000xi32, #tpu.memory_space<hbm>> -> memref<128xi32, #tpu.memory_space<hbm>>
      tpu.enqueue_dma source(%dma_start3A_697 : memref<128xi32, #tpu.memory_space<hbm>>) target(%arg9 : memref<128xi32, #tpu.memory_space<vmem>>) target_semaphore(%arg25 : memref<!tpu.dma_semaphore, #tpu.memory_space<semaphore_mem>>)
      %dma_start3A_698 = tpu.memref_slice %arg4[%min3A_695] : memref<320000xi32, #tpu.memory_space<hbm>> -> memref<128xi32, #tpu.memory_space<hbm>>
      %dma_start3A_699 = tpu.memref_slice %arg4[%min3A_695] : memref<320000xi32, #tpu.memory_space<hbm>> -> memref<128xi32, #tpu.memory_space<hbm>>
      tpu.enqueue_dma source(%dma_start3A_699 : memref<128xi32, #tpu.memory_space<hbm>>) target(%arg12 : memref<128xi32, #tpu.memory_space<vmem>>) target_semaphore(%arg28 : memref<!tpu.dma_semaphore, #tpu.memory_space<semaphore_mem>>)
    }
    %scan3A_333 = arith.constant 12 : i32
    %dma_wait3A_334 = arith.constant 0 : i32
    %dma_wait3A_335 = arith.constant 0 : i32
    %dma_wait3A_336 = tpu.memref_slice %arg5[%dma_wait3A_334, %dma_wait3A_335] : memref<10240x128xf32, #tpu.memory_space<hbm>> -> memref<128x128xf32, #tpu.memory_space<hbm>>
    %dma_wait3A_337 = arith.constant 0 : i32
    %dma_wait3A_338 = arith.constant 0 : i32
    %dma_wait3A_339 = tpu.memref_slice %arg5[%dma_wait3A_337, %dma_wait3A_338] : memref<10240x128xf32, #tpu.memory_space<hbm>> -> memref<128x128xf32, #tpu.memory_space<hbm>>
    tpu.wait_dma2 semaphore(%arg20 : memref<!tpu.dma_semaphore, #tpu.memory_space<semaphore_mem>>) src(%dma_wait3A_339 : memref<128x128xf32, #tpu.memory_space<hbm>>) dst(%arg14 : memref<128x128xf32, #tpu.memory_space<vmem>>)
    %dma_wait3A_340 = arith.constant 0 : i32
    %dma_wait3A_341 = arith.constant 0 : i32
    %dma_wait3A_342 = tpu.memref_slice %arg5[%dma_wait3A_340, %dma_wait3A_341] : memref<10240x128xf32, #tpu.memory_space<hbm>> -> memref<128x128xf32, #tpu.memory_space<hbm>>
    %dma_wait3A_343 = arith.constant 0 : i32
    %dma_wait3A_344 = arith.constant 0 : i32
    %dma_wait3A_345 = tpu.memref_slice %arg5[%dma_wait3A_343, %dma_wait3A_344] : memref<10240x128xf32, #tpu.memory_space<hbm>> -> memref<128x128xf32, #tpu.memory_space<hbm>>
    tpu.wait_dma2 semaphore(%arg23 : memref<!tpu.dma_semaphore, #tpu.memory_space<semaphore_mem>>) src(%dma_wait3A_345 : memref<128x128xf32, #tpu.memory_space<hbm>>) dst(%arg15 : memref<128x128xf32, #tpu.memory_space<vmem>>)
    %dma_wait3A_346 = arith.constant 0 : i32
    %dma_wait3A_347 = tpu.memref_slice %arg3[%dma_wait3A_346] : memref<320000xi32, #tpu.memory_space<hbm>> -> memref<128xi32, #tpu.memory_space<hbm>>
    %dma_wait3A_348 = arith.constant 0 : i32
    %dma_wait3A_349 = tpu.memref_slice %arg3[%dma_wait3A_348] : memref<320000xi32, #tpu.memory_space<hbm>> -> memref<128xi32, #tpu.memory_space<hbm>>
    tpu.wait_dma2 semaphore(%arg25 : memref<!tpu.dma_semaphore, #tpu.memory_space<semaphore_mem>>) src(%dma_wait3A_349 : memref<128xi32, #tpu.memory_space<hbm>>) dst(%arg9 : memref<128xi32, #tpu.memory_space<vmem>>)
    %dma_wait3A_350 = arith.constant 0 : i32
    %dma_wait3A_351 = tpu.memref_slice %arg4[%dma_wait3A_350] : memref<320000xi32, #tpu.memory_space<hbm>> -> memref<128xi32, #tpu.memory_space<hbm>>
    %dma_wait3A_352 = arith.constant 0 : i32
    %dma_wait3A_353 = tpu.memref_slice %arg4[%dma_wait3A_352] : memref<320000xi32, #tpu.memory_space<hbm>> -> memref<128xi32, #tpu.memory_space<hbm>>
    tpu.wait_dma2 semaphore(%arg28 : memref<!tpu.dma_semaphore, #tpu.memory_space<semaphore_mem>>) src(%dma_wait3A_353 : memref<128xi32, #tpu.memory_space<hbm>>) dst(%arg12 : memref<128xi32, #tpu.memory_space<vmem>>)
    %add3A_354 = arith.constant 9984 : i32
    %add3A_355 = arith.addi %mul3A_2, %add3A_354 : i32
    "tpu.region"() ({
      %run_scoped3A = tpu.sem_alloc : memref<!tpu.dma_semaphore, #tpu.memory_space<semaphore_mem>>
      %dma_start3A_365 = tpu.memref_slice %arg3[%add3A_355] : memref<320000xi32, #tpu.memory_space<hbm>> -> memref<16xi32, #tpu.memory_space<hbm>>
      %dma_start3A_366 = tpu.memref_slice %arg3[%add3A_355] : memref<320000xi32, #tpu.memory_space<hbm>> -> memref<16xi32, #tpu.memory_space<hbm>>
      tpu.enqueue_dma source(%dma_start3A_366 : memref<16xi32, #tpu.memory_space<hbm>>) target(%arg16 : memref<16xi32, #tpu.memory_space<vmem>>) target_semaphore(%run_scoped3A : memref<!tpu.dma_semaphore, #tpu.memory_space<semaphore_mem>>)
      %dma_wait3A_367 = tpu.memref_slice %arg3[%add3A_355] : memref<320000xi32, #tpu.memory_space<hbm>> -> memref<16xi32, #tpu.memory_space<hbm>>
      %dma_wait3A_368 = tpu.memref_slice %arg3[%add3A_355] : memref<320000xi32, #tpu.memory_space<hbm>> -> memref<16xi32, #tpu.memory_space<hbm>>
      tpu.wait_dma2 semaphore(%run_scoped3A : memref<!tpu.dma_semaphore, #tpu.memory_space<semaphore_mem>>) src(%dma_wait3A_368 : memref<16xi32, #tpu.memory_space<hbm>>) dst(%arg16 : memref<16xi32, #tpu.memory_space<vmem>>)
      tpu.yield
    }) : () -> ()
    "tpu.region"() ({
      %run_scoped3A = tpu.sem_alloc : memref<!tpu.dma_semaphore, #tpu.memory_space<semaphore_mem>>
      %dma_start3A_365 = tpu.memref_slice %arg4[%add3A_355] : memref<320000xi32, #tpu.memory_space<hbm>> -> memref<16xi32, #tpu.memory_space<hbm>>
      %dma_start3A_366 = tpu.memref_slice %arg4[%add3A_355] : memref<320000xi32, #tpu.memory_space<hbm>> -> memref<16xi32, #tpu.memory_space<hbm>>
      tpu.enqueue_dma source(%dma_start3A_366 : memref<16xi32, #tpu.memory_space<hbm>>) target(%arg17 : memref<16xi32, #tpu.memory_space<vmem>>) target_semaphore(%run_scoped3A : memref<!tpu.dma_semaphore, #tpu.memory_space<semaphore_mem>>)
      %dma_wait3A_367 = tpu.memref_slice %arg4[%add3A_355] : memref<320000xi32, #tpu.memory_space<hbm>> -> memref<16xi32, #tpu.memory_space<hbm>>
      %dma_wait3A_368 = tpu.memref_slice %arg4[%add3A_355] : memref<320000xi32, #tpu.memory_space<hbm>> -> memref<16xi32, #tpu.memory_space<hbm>>
      tpu.wait_dma2 semaphore(%run_scoped3A : memref<!tpu.dma_semaphore, #tpu.memory_space<semaphore_mem>>) src(%dma_wait3A_368 : memref<16xi32, #tpu.memory_space<hbm>>) dst(%arg17 : memref<16xi32, #tpu.memory_space<vmem>>)
      tpu.yield
    }) : () -> ()
    %dma_start3A_356 = arith.constant 0 : i32
    %dma_start3A_357 = arith.constant 0 : i32
    %dma_start3A_358 = tpu.memref_slice %arg2[%dma_start3A_356, %dma_start3A_357] : memref<10000x128xf32, #tpu.memory_space<hbm>> -> memref<10000x128xf32, #tpu.memory_space<hbm>>
    tpu.enqueue_indirect_dma source(%dma_start3A_358 : memref<10000x128xf32, #tpu.memory_space<hbm>>) target(%arg18 : memref<16x128xf32, #tpu.memory_space<vmem>>) offsets(%arg16 : memref<16xi32, #tpu.memory_space<vmem>>) semaphore(%arg30 : memref<!tpu.dma_semaphore, #tpu.memory_space<semaphore_mem>>)
    %dma_wait3A_359 = arith.constant 0 : i32
    %dma_wait3A_360 = arith.constant 0 : i32
    %dma_wait3A_361 = tpu.memref_slice %arg2[%dma_wait3A_359, %dma_wait3A_360] : memref<10000x128xf32, #tpu.memory_space<hbm>> -> memref<10000x128xf32, #tpu.memory_space<hbm>>
    tpu.wait_indirect_dma semaphore(%arg30 : memref<!tpu.dma_semaphore, #tpu.memory_space<semaphore_mem>>) src(%dma_wait3A_361 : memref<10000x128xf32, #tpu.memory_space<hbm>>) dst(%arg18 : memref<16x128xf32, #tpu.memory_space<vmem>>)
    "tpu.region"() ({
      %run_scoped3A = tpu.sem_alloc : memref<!tpu.dma_semaphore, #tpu.memory_space<semaphore_mem>>
      %dma_start3A_365 = arith.constant 0 : i32
      %dma_start3A_366 = arith.constant 0 : i32
      %dma_start3A_367 = tpu.memref_slice %arg19[%dma_start3A_365, %dma_start3A_366] : memref<10240x128xf32, #tpu.memory_space<vmem_shared>> -> memref<10240x128xf32, #tpu.memory_space<vmem_shared>>
      tpu.enqueue_indirect_dma source(%arg18 : memref<16x128xf32, #tpu.memory_space<vmem>>) target(%dma_start3A_367 : memref<10240x128xf32, #tpu.memory_space<vmem_shared>>) offsets(%arg17 : memref<16xi32, #tpu.memory_space<vmem>>) semaphore(%run_scoped3A : memref<!tpu.dma_semaphore, #tpu.memory_space<semaphore_mem>>) {add = true}
      %dma_wait3A_368 = arith.constant 0 : i32
      %dma_wait3A_369 = arith.constant 0 : i32
      %dma_wait3A_370 = tpu.memref_slice %arg19[%dma_wait3A_368, %dma_wait3A_369] : memref<10240x128xf32, #tpu.memory_space<vmem_shared>> -> memref<10240x128xf32, #tpu.memory_space<vmem_shared>>
      tpu.wait_indirect_dma semaphore(%run_scoped3A : memref<!tpu.dma_semaphore, #tpu.memory_space<semaphore_mem>>) src(%arg18 : memref<16x128xf32, #tpu.memory_space<vmem>>) dst(%dma_wait3A_370 : memref<10240x128xf32, #tpu.memory_space<vmem_shared>>)
      tpu.yield
    }) : () -> ()
    %get3A_362 = arith.constant 0 : index
    %get3A_363 = tpu.vector_load %arg17[%get3A_362] {strides = array<i32>} : memref<16xi32, #tpu.memory_space<vmem>>, vector<16xi32>,
    tpu.vector_store_idx %arg31[%get3A_363], %broadcast_in_dim3A_10 {add = true} : memref<10240xf32, #tpu.memory_space<vmem>>[vector<16xi32>], vector<16xf32>,
    %barrier3A_364 = arith.constant 0 : index
    tpu.barrier barrier_id(%barrier3A_364)
    "tpu.region"() ({
      %run_scoped3A = tpu.sem_alloc : memref<!tpu.dma_semaphore, #tpu.memory_space<semaphore_mem>>
      %dma_start3A_365 = arith.constant 0 : i32
      %dma_start3A_366 = tpu.memref_slice %arg6[%arg0, %mul3A_4, %dma_start3A_365] : memref<2x10240x128xf32, #tpu.memory_space<hbm>> -> memref<1x640x128xf32, #tpu.memory_space<hbm>>
      %dma_start3A_367 = tpu.memref_squeeze %dma_start3A_366 : memref<1x640x128xf32, #tpu.memory_space<hbm>> -> memref<640x128xf32, #tpu.memory_space<hbm>>
      %dma_start3A_368 = arith.constant 0 : i32
      %dma_start3A_369 = tpu.memref_slice %arg19[%mul3A_4, %dma_start3A_368] : memref<10240x128xf32, #tpu.memory_space<vmem_shared>> -> memref<640x128xf32, #tpu.memory_space<vmem_shared>>
      tpu.enqueue_dma source(%dma_start3A_369 : memref<640x128xf32, #tpu.memory_space<vmem_shared>>) target(%dma_start3A_367 : memref<640x128xf32, #tpu.memory_space<hbm>>) target_semaphore(%run_scoped3A : memref<!tpu.dma_semaphore, #tpu.memory_space<semaphore_mem>>)
      %dma_wait3A_370 = arith.constant 0 : i32
      %dma_wait3A_371 = tpu.memref_slice %arg6[%arg0, %mul3A_4, %dma_wait3A_370] : memref<2x10240x128xf32, #tpu.memory_space<hbm>> -> memref<1x640x128xf32, #tpu.memory_space<hbm>>
      %dma_wait3A_372 = tpu.memref_squeeze %dma_wait3A_371 : memref<1x640x128xf32, #tpu.memory_space<hbm>> -> memref<640x128xf32, #tpu.memory_space<hbm>>
      %dma_wait3A_373 = arith.constant 0 : i32
      %dma_wait3A_374 = tpu.memref_slice %arg19[%mul3A_4, %dma_wait3A_373] : memref<10240x128xf32, #tpu.memory_space<vmem_shared>> -> memref<640x128xf32, #tpu.memory_space<vmem_shared>>
      tpu.wait_dma2 semaphore(%run_scoped3A : memref<!tpu.dma_semaphore, #tpu.memory_space<semaphore_mem>>) src(%dma_wait3A_374 : memref<640x128xf32, #tpu.memory_space<vmem_shared>>) dst(%dma_wait3A_372 : memref<640x128xf32, #tpu.memory_space<hbm>>)
      tpu.yield
    }) : () -> ()
    "tpu.region"() ({
      %run_scoped3A = tpu.sem_alloc : memref<!tpu.dma_semaphore, #tpu.memory_space<semaphore_mem>>
      %dma_start3A_365 = arith.constant 0 : i32
      %dma_start3A_366 = tpu.memref_slice %arg7[%add3A, %dma_start3A_365] : memref<32x10240xf32, #tpu.memory_space<hbm>> -> memref<1x10240xf32, #tpu.memory_space<hbm>>
      %dma_start3A_367 = tpu.memref_squeeze %dma_start3A_366 : memref<1x10240xf32, #tpu.memory_space<hbm>> -> memref<10240xf32, #tpu.memory_space<hbm>>
      %dma_start3A_368 = arith.constant 0 : i32
      %dma_start3A_369 = tpu.memref_slice %arg7[%add3A, %dma_start3A_368] : memref<32x10240xf32, #tpu.memory_space<hbm>> -> memref<1x10240xf32, #tpu.memory_space<hbm>>
      %dma_start3A_370 = tpu.memref_squeeze %dma_start3A_369 : memref<1x10240xf32, #tpu.memory_space<hbm>> -> memref<10240xf32, #tpu.memory_space<hbm>>
      tpu.enqueue_dma source(%arg31 : memref<10240xf32, #tpu.memory_space<vmem>>) target(%dma_start3A_370 : memref<10240xf32, #tpu.memory_space<hbm>>) target_semaphore(%run_scoped3A : memref<!tpu.dma_semaphore, #tpu.memory_space<semaphore_mem>>)
      %dma_wait3A_371 = arith.constant 0 : i32
      %dma_wait3A_372 = tpu.memref_slice %arg7[%add3A, %dma_wait3A_371] : memref<32x10240xf32, #tpu.memory_space<hbm>> -> memref<1x10240xf32, #tpu.memory_space<hbm>>
      %dma_wait3A_373 = tpu.memref_squeeze %dma_wait3A_372 : memref<1x10240xf32, #tpu.memory_space<hbm>> -> memref<10240xf32, #tpu.memory_space<hbm>>
      %dma_wait3A_374 = arith.constant 0 : i32
      %dma_wait3A_375 = tpu.memref_slice %arg7[%add3A, %dma_wait3A_374] : memref<32x10240xf32, #tpu.memory_space<hbm>> -> memref<1x10240xf32, #tpu.memory_space<hbm>>
      %dma_wait3A_376 = tpu.memref_squeeze %dma_wait3A_375 : memref<1x10240xf32, #tpu.memory_space<hbm>> -> memref<10240xf32, #tpu.memory_space<hbm>>
      tpu.wait_dma2 semaphore(%run_scoped3A : memref<!tpu.dma_semaphore, #tpu.memory_space<semaphore_mem>>) src(%arg31 : memref<10240xf32, #tpu.memory_space<vmem>>) dst(%dma_wait3A_376 : memref<10240xf32, #tpu.memory_space<hbm>>)
      tpu.yield
    }) : () -> ()
    return
  }
}

module attributes {stable_mosaic.version = 14 : i64} {
  func.func @body(%arg0: i32, %arg1: memref<1024x128xf32, #tpu.memory_space<vmem>>, %arg2: memref<128x128xf32, #tpu.memory_space<vmem>>, %arg3: memref<1x128xf32, #tpu.memory_space<vmem>>, %arg4: memref<1024x128xf32, #tpu.memory_space<vmem>>) attributes {dimension_semantics = [#tpu.dimension_semantics<arbitrary>], iteration_bounds = array<i64: 10>, scalar_prefetch = 0 : i64, scratch_operands = 0 : i64, tpu.core_type = #tpu.core_type<tc>, window_params = [{transform_indices = @transform_0, window_bounds = array<i64: 1024, 128>}, {pipeline_mode = #tpu.pipeline_mode<synchronous>, transform_indices = @transform_1, window_bounds = array<i64: 128, 128>}, {pipeline_mode = #tpu.pipeline_mode<synchronous>, transform_indices = @transform_2, window_bounds = array<i64: 1, 128>}, {transform_indices = @transform_3, window_bounds = array<i64: 1024, 128>}]} {
    %get3A = arith.constant 0 : index
    %get3A_0 = arith.constant 0 : index
    %get3A_1 = vector.load %arg1[%get3A, %get3A_0] : memref<1024x128xf32, #tpu.memory_space<vmem>>, vector<1024x128xf32>
    %get3A_2 = arith.constant 0 : index
    %get3A_3 = arith.constant 0 : index
    %get3A_4 = vector.load %arg2[%get3A_2, %get3A_3] : memref<128x128xf32, #tpu.memory_space<vmem>>, vector<128x128xf32>
    %dot_general3A = arith.constant dense<0.000000e+00> : vector<1024x128xf32>
    %dot_general3A_5 = tpu.matmul %get3A_1, %get3A_4, %dot_general3A {dimension_numbers = #tpu.dot_dimension_numbers<[1], [0], [0], [1], [0, 0, 1, 1], [], []>, transpose_lhs_hint = false} : vector<1024x128xf32>, vector<128x128xf32>, vector<1024x128xf32> -> vector<1024x128xf32>
    %get3A_6 = arith.constant 0 : index
    %get3A_7 = arith.constant 0 : index
    %get3A_8 = vector.load %arg3[%get3A_6, %get3A_7] : memref<1x128xf32, #tpu.memory_space<vmem>>, vector<1x128xf32>
    %add3A = vector.broadcast %get3A_8 : vector<1x128xf32> to vector<1024x128xf32>
    %add3A_9 = arith.addf %dot_general3A_5, %add3A : vector<1024x128xf32>
    %swap3A = arith.constant 0 : index
    %swap3A_10 = arith.constant 0 : index
    %swap3A_11 = vector.load %arg4[%swap3A, %swap3A_10] : memref<1024x128xf32, #tpu.memory_space<vmem>>, vector<1024x128xf32>
    tpu.vector_store %arg4[%swap3A, %swap3A_10], %add3A_9 {strides = array<i32>} : memref<1024x128xf32, #tpu.memory_space<vmem>>, vector<1024x128xf32>,
    return
  }
  func.func @transform_0(%arg0: i32) -> (i32, i32) {
    %c0_i32 = arith.constant 0 : i32
    %c0_i32_0 = arith.constant 0 : i32
    return %arg0, %c0_i32 : i32, i32
  }
  func.func @transform_1(%arg0: i32) -> (i32, i32) {
    %c0_i32 = arith.constant 0 : i32
    %c0_i32_0 = arith.constant 0 : i32
    %c0_i32_1 = arith.constant 0 : i32
    return %c0_i32, %c0_i32_0 : i32, i32
  }
  func.func @transform_2(%arg0: i32) -> (i32, i32) {
    %c0_i32 = arith.constant 0 : i32
    %c0_i32_0 = arith.constant 0 : i32
    %c0_i32_1 = arith.constant 0 : i32
    return %c0_i32, %c0_i32_0 : i32, i32
  }
  func.func @transform_3(%arg0: i32) -> (i32, i32) {
    %c0_i32 = arith.constant 0 : i32
    %c0_i32_0 = arith.constant 0 : i32
    return %arg0, %c0_i32 : i32, i32
  }
}

module attributes {stable_mosaic.version = 14 : i64} {
  func.func @body(%arg0: i32, %arg1: memref<1024x128xf32, #tpu.memory_space<vmem>>, %arg2: memref<2x1024x128xf32, #tpu.memory_space<vmem>>, %arg3: memref<32x1024xf32, #tpu.memory_space<vmem>>, %arg4: memref<128x128xf32, #tpu.memory_space<vmem>>, %arg5: memref<1024x128xf32, #tpu.memory_space<vmem>>) attributes {dimension_semantics = [#tpu.dimension_semantics<arbitrary>], iteration_bounds = array<i64: 10>, scalar_prefetch = 0 : i64, scratch_operands = 0 : i64, tpu.core_type = #tpu.core_type<tc>, window_params = [{transform_indices = @transform_0, window_bounds = array<i64: 1024, 128>}, {transform_indices = @transform_1, window_bounds = array<i64: 2, 1024, 128>}, {transform_indices = @transform_2, window_bounds = array<i64: 32, 1024>}, {pipeline_mode = #tpu.pipeline_mode<synchronous>, transform_indices = @transform_3, window_bounds = array<i64: 128, 128>}, {transform_indices = @transform_4, window_bounds = array<i64: 1024, 128>}]} {
    %get3A = arith.constant 0 : index
    %get3A_0 = arith.constant 0 : index
    %get3A_1 = arith.constant 0 : index
    %get3A_2 = vector.load %arg2[%get3A, %get3A_0, %get3A_1] : memref<2x1024x128xf32, #tpu.memory_space<vmem>>, vector<1x1024x128xf32>
    %get3A_3 = vector.shape_cast %get3A_2 : vector<1x1024x128xf32> to vector<1024x128xf32>
    %get3A_4 = arith.constant 1 : index
    %get3A_5 = arith.constant 0 : index
    %get3A_6 = arith.constant 0 : index
    %get3A_7 = vector.load %arg2[%get3A_4, %get3A_5, %get3A_6] : memref<2x1024x128xf32, #tpu.memory_space<vmem>>, vector<1x1024x128xf32>
    %get3A_8 = vector.shape_cast %get3A_7 : vector<1x1024x128xf32> to vector<1024x128xf32>
    %add3A = arith.addf %get3A_3, %get3A_8 : vector<1024x128xf32>
    %get3A_9 = arith.constant 0 : index
    %get3A_10 = arith.constant 0 : index
    %get3A_11 = vector.load %arg3[%get3A_9, %get3A_10] : memref<32x1024xf32, #tpu.memory_space<vmem>>, vector<32x1024xf32>
    %reduce_sum3A = arith.constant dense<0.000000e+00> : vector<1024xf32>
    %reduce_sum3A_12 = vector.multi_reduction <add>, %get3A_11, %reduce_sum3A [0] : vector<32x1024xf32> to vector<1024xf32>
    %max3A = arith.constant 1.000000e+00 : f32
    %max3A_13 = vector.broadcast %max3A : f32 to vector<1024xf32>
    %max3A_14 = arith.maximumf %reduce_sum3A_12, %max3A_13 : vector<1024xf32>
    %div3A = arith.constant 1.000000e+00 : f32
    %div3A_15 = vector.broadcast %div3A : f32 to vector<1024xf32>
    %div3A_16 = arith.divf %div3A_15, %max3A_14 : vector<1024xf32>
    %broadcast_in_dim3A = vector.shape_cast %div3A_16 : vector<1024xf32> to vector<1024x1xf32>
    %mul3A = vector.broadcast %broadcast_in_dim3A : vector<1024x1xf32> to vector<1024x128xf32>
    %mul3A_17 = arith.mulf %add3A, %mul3A : vector<1024x128xf32>
    %get3A_18 = arith.constant 0 : index
    %get3A_19 = arith.constant 0 : index
    %get3A_20 = vector.load %arg1[%get3A_18, %get3A_19] : memref<1024x128xf32, #tpu.memory_space<vmem>>, vector<1024x128xf32>
    %get3A_21 = arith.constant 0 : index
    %get3A_22 = arith.constant 0 : index
    %get3A_23 = vector.load %arg4[%get3A_21, %get3A_22] : memref<128x128xf32, #tpu.memory_space<vmem>>, vector<128x128xf32>
    %dot_general3A = arith.constant dense<0.000000e+00> : vector<1024x128xf32>
    %dot_general3A_24 = tpu.matmul %mul3A_17, %get3A_23, %dot_general3A {dimension_numbers = #tpu.dot_dimension_numbers<[1], [0], [0], [1], [0, 0, 1, 1], [], []>, transpose_lhs_hint = false} : vector<1024x128xf32>, vector<128x128xf32>, vector<1024x128xf32> -> vector<1024x128xf32>
    %add3A_25 = arith.addf %get3A_20, %dot_general3A_24 : vector<1024x128xf32>
    %swap3A = arith.constant 0 : index
    %swap3A_26 = arith.constant 0 : index
    %swap3A_27 = vector.load %arg5[%swap3A, %swap3A_26] : memref<1024x128xf32, #tpu.memory_space<vmem>>, vector<1024x128xf32>
    tpu.vector_store %arg5[%swap3A, %swap3A_26], %add3A_25 {strides = array<i32>} : memref<1024x128xf32, #tpu.memory_space<vmem>>, vector<1024x128xf32>,
    return
  }
  func.func @transform_0(%arg0: i32) -> (i32, i32) {
    %c0_i32 = arith.constant 0 : i32
    %c0_i32_0 = arith.constant 0 : i32
    return %arg0, %c0_i32 : i32, i32
  }
  func.func @transform_1(%arg0: i32) -> (i32, i32, i32) {
    %c0_i32 = arith.constant 0 : i32
    %c0_i32_0 = arith.constant 0 : i32
    %c0_i32_1 = arith.constant 0 : i32
    return %c0_i32, %arg0, %c0_i32_0 : i32, i32, i32
  }
  func.func @transform_2(%arg0: i32) -> (i32, i32) {
    %c0_i32 = arith.constant 0 : i32
    %c0_i32_0 = arith.constant 0 : i32
    return %c0_i32, %arg0 : i32, i32
  }
  func.func @transform_3(%arg0: i32) -> (i32, i32) {
    %c0_i32 = arith.constant 0 : i32
    %c0_i32_0 = arith.constant 0 : i32
    %c0_i32_1 = arith.constant 0 : i32
    return %c0_i32, %c0_i32_0 : i32, i32
  }
  func.func @transform_4(%arg0: i32) -> (i32, i32) {
    %c0_i32 = arith.constant 0 : i32
    %c0_i32_0 = arith.constant 0 : i32
    return %arg0, %c0_i32 : i32, i32
  }
}

module attributes {stable_mosaic.version = 14 : i64} {
  func.func @body(%arg0: i32, %arg1: memref<1024x128xf32, #tpu.memory_space<vmem>>, %arg2: memref<2x1024x128xf32, #tpu.memory_space<vmem>>, %arg3: memref<32x1024xf32, #tpu.memory_space<vmem>>, %arg4: memref<128x128xf32, #tpu.memory_space<vmem>>, %arg5: memref<1024x128xf32, #tpu.memory_space<vmem>>) attributes {dimension_semantics = [#tpu.dimension_semantics<arbitrary>], iteration_bounds = array<i64: 10>, scalar_prefetch = 0 : i64, scratch_operands = 0 : i64, tpu.core_type = #tpu.core_type<tc>, window_params = [{transform_indices = @transform_0, window_bounds = array<i64: 1024, 128>}, {transform_indices = @transform_1, window_bounds = array<i64: 2, 1024, 128>}, {transform_indices = @transform_2, window_bounds = array<i64: 32, 1024>}, {pipeline_mode = #tpu.pipeline_mode<synchronous>, transform_indices = @transform_3, window_bounds = array<i64: 128, 128>}, {transform_indices = @transform_4, window_bounds = array<i64: 1024, 128>}]} {
    %get3A = arith.constant 0 : index
    %get3A_0 = arith.constant 0 : index
    %get3A_1 = arith.constant 0 : index
    %get3A_2 = vector.load %arg2[%get3A, %get3A_0, %get3A_1] : memref<2x1024x128xf32, #tpu.memory_space<vmem>>, vector<1x1024x128xf32>
    %get3A_3 = vector.shape_cast %get3A_2 : vector<1x1024x128xf32> to vector<1024x128xf32>
    %get3A_4 = arith.constant 1 : index
    %get3A_5 = arith.constant 0 : index
    %get3A_6 = arith.constant 0 : index
    %get3A_7 = vector.load %arg2[%get3A_4, %get3A_5, %get3A_6] : memref<2x1024x128xf32, #tpu.memory_space<vmem>>, vector<1x1024x128xf32>
    %get3A_8 = vector.shape_cast %get3A_7 : vector<1x1024x128xf32> to vector<1024x128xf32>
    %add3A = arith.addf %get3A_3, %get3A_8 : vector<1024x128xf32>
    %get3A_9 = arith.constant 0 : index
    %get3A_10 = arith.constant 0 : index
    %get3A_11 = vector.load %arg3[%get3A_9, %get3A_10] : memref<32x1024xf32, #tpu.memory_space<vmem>>, vector<32x1024xf32>
    %reduce_sum3A = arith.constant dense<0.000000e+00> : vector<1024xf32>
    %reduce_sum3A_12 = vector.multi_reduction <add>, %get3A_11, %reduce_sum3A [0] : vector<32x1024xf32> to vector<1024xf32>
    %max3A = arith.constant 1.000000e+00 : f32
    %max3A_13 = vector.broadcast %max3A : f32 to vector<1024xf32>
    %max3A_14 = arith.maximumf %reduce_sum3A_12, %max3A_13 : vector<1024xf32>
    %div3A = arith.constant 1.000000e+00 : f32
    %div3A_15 = vector.broadcast %div3A : f32 to vector<1024xf32>
    %div3A_16 = arith.divf %div3A_15, %max3A_14 : vector<1024xf32>
    %broadcast_in_dim3A = vector.shape_cast %div3A_16 : vector<1024xf32> to vector<1024x1xf32>
    %mul3A = vector.broadcast %broadcast_in_dim3A : vector<1024x1xf32> to vector<1024x128xf32>
    %mul3A_17 = arith.mulf %add3A, %mul3A : vector<1024x128xf32>
    %get3A_18 = arith.constant 0 : index
    %get3A_19 = arith.constant 0 : index
    %get3A_20 = vector.load %arg1[%get3A_18, %get3A_19] : memref<1024x128xf32, #tpu.memory_space<vmem>>, vector<1024x128xf32>
    %get3A_21 = arith.constant 0 : index
    %get3A_22 = arith.constant 0 : index
    %get3A_23 = vector.load %arg4[%get3A_21, %get3A_22] : memref<128x128xf32, #tpu.memory_space<vmem>>, vector<128x128xf32>
    %dot_general3A = arith.constant dense<0.000000e+00> : vector<1024x128xf32>
    %dot_general3A_24 = tpu.matmul %mul3A_17, %get3A_23, %dot_general3A {dimension_numbers = #tpu.dot_dimension_numbers<[1], [0], [0], [1], [0, 0, 1, 1], [], []>, transpose_lhs_hint = false} : vector<1024x128xf32>, vector<128x128xf32>, vector<1024x128xf32> -> vector<1024x128xf32>
    %add3A_25 = arith.addf %get3A_20, %dot_general3A_24 : vector<1024x128xf32>
    %swap3A = arith.constant 0 : index
    %swap3A_26 = arith.constant 0 : index
    %swap3A_27 = vector.load %arg5[%swap3A, %swap3A_26] : memref<1024x128xf32, #tpu.memory_space<vmem>>, vector<1024x128xf32>
    tpu.vector_store %arg5[%swap3A, %swap3A_26], %add3A_25 {strides = array<i32>} : memref<1024x128xf32, #tpu.memory_space<vmem>>, vector<1024x128xf32>,
    return
  }
  func.func @transform_0(%arg0: i32) -> (i32, i32) {
    %c0_i32 = arith.constant 0 : i32
    %c0_i32_0 = arith.constant 0 : i32
    return %arg0, %c0_i32 : i32, i32
  }
  func.func @transform_1(%arg0: i32) -> (i32, i32, i32) {
    %c0_i32 = arith.constant 0 : i32
    %c0_i32_0 = arith.constant 0 : i32
    %c0_i32_1 = arith.constant 0 : i32
    return %c0_i32, %arg0, %c0_i32_0 : i32, i32, i32
  }
  func.func @transform_2(%arg0: i32) -> (i32, i32) {
    %c0_i32 = arith.constant 0 : i32
    %c0_i32_0 = arith.constant 0 : i32
    return %c0_i32, %arg0 : i32, i32
  }
  func.func @transform_3(%arg0: i32) -> (i32, i32) {
    %c0_i32 = arith.constant 0 : i32
    %c0_i32_0 = arith.constant 0 : i32
    %c0_i32_1 = arith.constant 0 : i32
    return %c0_i32, %c0_i32_0 : i32, i32
  }
  func.func @transform_4(%arg0: i32) -> (i32, i32) {
    %c0_i32 = arith.constant 0 : i32
    %c0_i32_0 = arith.constant 0 : i32
    return %arg0, %c0_i32 : i32, i32
  }
}

</mosaic_0001>

<sc_bundles>
// kernel: kernel.11.cloned.1.call-start
scs
__scs_entry_jumppad:
0x0: {  	(pc) =	sbr.rel $0x88, $3  }
0x1: {  	(tag) =	ssettag $0x0;
	lr =	simm.s32 $0x1  }
0x2: {  	[smem:$0x3F99] =	sst lr;
	_ =	strace $0xD0000000  }
0x3: {  	_ = 	snop  }
0x4: {  	_ = 	snop  }
0x5: {  	_ = 	snop  }
0x6: {  	_ = 	snop  }
0x7: {  	_ = 	snop  }
__scs_overlays_trampoline_lowered:
0x8: {  	[smem:$0x3FA8] =	sst s0  }
0x9: {  	[smem:$0x3FA9] =	sst s1  }
0xa: {  	[smem:$0x3FAA] =	sst s2  }
0xb: {  	[smem:$0x3FAB] =	sst s3  }
0xc: {  	[smem:$0x3FAC] =	sst s4  }
0xd: {  	[smem:$0x3FAD] =	sst s5  }
0xe: {  	[smem:$0x3FAE] =	sst s6  }
0xf: {  	[smem:$0x3FAF] =	sst s7  }
0x10: {  	[smem:$0x3FB0] =	sst s8  }
0x11: {  	[smem:$0x3FB1] =	sst s9;
	s0 =	simm.s32 @!p0 $0x0  }
0x12: {  	s1 =	sld [smem:$0x3F97];
	s0 =	simm.s32 @p0 $0x1  }
0x13: {  	[smem:$0x3FB2] =	sst s0;
	s0 =	simm.s32 @!p1 $0x0  }
0x14: {  	s2 =	sld [smem:$0x3F96];
	s0 =	simm.s32 @p1 $0x1  }
0x15: {  	[smem:$0x3FB3] =	sst s0;
	s0 =	simm.s32 @!p2 $0x0  }
0x16: {  	s3 =	sld [smem:$0x3FDB];
	s0 =	simm.s32 @p2 $0x1  }
0x17: {  	s4 =	simm.s32 $0x1BF5;
	[smem:$0x3FB5] =	sst s0  }
0x18: {  	s0 =	sld [smem:$0x3F98];
	_ =	swait.ge [sflag:s4], $0x0  }
0x19: {  	s7 =	sld [smem:$0x3F99]  }
0x1a: {  	s8 =	sadd.s32 $0xFFFFE003, lr  }
0x1b: {  	s9 =	sadd.s32 $0xFFFFFEF7, lr;
	s5 =	simm.s32 $0xFFFFFFFF;
	p2 =	slt.u32 s8, $0xFFFFF086  }
0x1c: {  	p1 =	slt.u32 s9, $0xF7A;
	s5 =	simm.s32 @!p2 $0x0  }
0x1d: {  	s5 =	simm.s32 @p1 $0x1;
	p0 =	seq.s32 s7, s2  }
0x1e: {  	s7 =	smul.u32 @!p0 $0xF7A, s2;
	p2 =	seq.s32 @!p0 s5, $0x0  }
0x1f: {  	s9 =	smul.u32 $0xF7A, s1;
	s8 =	simm.s32 @!p0 $0x1BF5;
	p2 =	por !p2, p0  }
0x20: {  	[sflag:s8] =	ssyncset.s32 @!p0 $0xFFFFF086;
	s6 =	sadd.s32 @!p0 s3, s7;
	s7 =	simm.s32 @!p0 $0x108  }
0x21: {  	s3 =	sadd.s32 s3, s9;
	s6 =	sadd.s32 @!p0 $0x88, s6;
	s7 =	simm.s32 @p2 $0x1082  }
0x22: {  	[simem:s7], [sflag:s8] =	dma.local @!p0 [hbm:s6], $0xF7A  }
0x23: {  	s9 =	sor.u32 $0xD0000000, s2;
	s6 =	simm.s32 $0x108;
	_ =	swait.ge @!p0 [sflag:s8], $0x0  }
0x24: {  	s3 =	sadd.s32 $0x88, s3;
	s6 =	simm.s32 @!p1 $0x1082;
	[sflag:s4] =	ssyncset.s32 $0xFFFFF086  }
0x25: {  	[simem:s6], [sflag:s4] =	dma.local [hbm:s3], $0xF7A  }
0x26: {  	[smem:$0x3F99] =	sst s1;
	(tag) =	ssettag s2;
	_ =	strace s9  }
0x27: {  	s1 =	sld [smem:$0x3FA9]  }
0x28: {  	s2 =	sld [smem:$0x3FAA]  }
0x29: {  	s4 =	sld [smem:$0x3FAC]  }
0x2a: {  	p0 =	seq.s32 s5, $0x0;
	s5 =	sld [smem:$0x3FAD]  }
0x2b: {  	s6 =	sld [smem:$0x3FAE]  }
0x2c: {  	s7 =	sld [smem:$0x3FAF]  }
0x2d: {  	s3 =	simm.s32 $0x108;
	s8 =	sld [smem:$0x3FB0]  }
0x2e: {  	s3 =	simm.s32 @!p0 $0x1082;
	s9 =	sld [smem:$0x3FB1]  }
0x2f: {  	lr =	sadd.s32 s0, s3;
	s0 =	sld [smem:$0x3FA8]  }
0x30: {  	s3 =	sld [smem:$0x3FAB]  }
0x31: {  	[smem:$0x3FB4] =	sst s10  }
0x32: {  	s10 =	sld [smem:$0x3FB2];
	_ =	sdelay $0x3  }
0x33: {  	p0 =	seq.s32 s10, $0x1;
	s10 =	sld [smem:$0x3FB4];
	_ =	sdelay $0x3  }
0x34: {  	[smem:$0x3FB4] =	sst s10  }
0x35: {  	s10 =	sld [smem:$0x3FB3];
	_ =	sdelay $0x3  }
0x36: {  	p1 =	seq.s32 s10, $0x1;
	s10 =	sld [smem:$0x3FB4];
	_ =	sdelay $0x3  }
0x37: {  	[smem:$0x3FB4] =	sst s10  }
0x38: {  	s10 =	sld [smem:$0x3FB5]  }
0x39: {  	_ = 	snop;
	(pc) =	sbr.ind lr, $3  }
0x3a: {  	_ = 	snop  }
0x3b: {  	_ = 	snop  }
0x3c: {  	p2 =	seq.s32 s10, $0x1;
	s10 =	sld [smem:$0x3FB4]  }
0x3d: {  	_ =	shalt  }
0x3e: {  	_ =	shalt  }
0x3f: {  	_ =	shalt  }
0x40: {  	_ =	shalt  }
0x41: {  	_ =	shalt  }
0x42: {  	_ =	shalt  }
0x43: {  	_ =	shalt  }
0x44: {  	_ =	shalt  }
0x45: {  	_ =	shalt  }
0x46: {  	_ =	shalt  }
0x47: {  	_ =	shalt  }
0x48: {  	_ =	shalt  }
0x49: {  	_ =	shalt  }
0x4a: {  	_ =	shalt  }
0x4b: {  	_ =	shalt  }
0x4c: {  	_ =	shalt  }
0x4d: {  	_ =	shalt  }
0x4e: {  	_ =	shalt  }
0x4f: {  	_ =	shalt  }
0x50: {  	_ =	shalt  }
0x51: {  	_ =	shalt  }
0x52: {  	_ =	shalt  }
0x53: {  	_ =	shalt  }
0x54: {  	_ =	shalt  }
0x55: {  	_ =	shalt  }
0x56: {  	_ =	shalt  }
0x57: {  	_ =	shalt  }
0x58: {  	_ =	shalt  }
0x59: {  	_ =	shalt  }
0x5a: {  	_ =	shalt  }
0x5b: {  	_ =	shalt  }
0x5c: {  	_ =	shalt  }
0x5d: {  	_ =	shalt  }
0x5e: {  	_ =	shalt  }
0x5f: {  	_ =	shalt  }
0x60: {  	_ =	shalt  }
0x61: {  	_ =	shalt  }
0x62: {  	_ =	shalt  }
0x63: {  	_ =	shalt  }
0x64: {  	_ =	shalt  }
0x65: {  	_ =	shalt  }
0x66: {  	_ =	shalt  }
0x67: {  	_ =	shalt  }
0x68: {  	_ =	shalt  }
0x69: {  	_ =	shalt  }
0x6a: {  	_ =	shalt  }
0x6b: {  	_ =	shalt  }
0x6c: {  	_ =	shalt  }
0x6d: {  	_ =	shalt  }
0x6e: {  	_ =	shalt  }
0x6f: {  	_ =	shalt  }
0x70: {  	_ =	shalt  }
0x71: {  	_ =	shalt  }
0x72: {  	_ =	shalt  }
0x73: {  	_ =	shalt  }
0x74: {  	_ =	shalt  }
0x75: {  	_ =	shalt  }
0x76: {  	_ =	shalt  }
0x77: {  	_ =	shalt  }
0x78: {  	_ =	shalt  }
0x79: {  	_ =	shalt  }
0x7a: {  	_ =	shalt  }
0x7b: {  	_ =	shalt  }
0x7c: {  	_ =	shalt  }
0x7d: {  	_ =	shalt  }
0x7e: {  	_ =	shalt  }
0x7f: {  	_ =	shalt  }
0x80: {  	_ =	shalt  }
0x81: {  	_ =	shalt  }
0x82: {  	_ =	shalt  }
0x83: {  	_ =	shalt  }
0x84: {  	_ =	shalt  }
0x85: {  	_ =	shalt  }
0x86: {  	_ =	shalt  }
0x87: {  	_ =	shalt  }
.Lfunc_end0:
.L_simem_size_0:
called_computation.1_lowered:
.L_overlay_start_0:
0x88: {  	s2 =	sld [smem:$0x3FD9]  }
0x89: {  	s3 =	sld [smem:$0x3FFE];
	_ =	sdelay $0x1  }
0x8a: {  	s1 =	srdreg.scid  }
0x8b: {  	s0 =	sand.u32 $0x1, s1  }
0x8c: {  	s17 =	sshll.u32 s0, $0xA;
	s2 =	sadd.s32 s3, s2  }
0x8d: {  	s2 =	sadd.s32 s2, s17  }
0x8e: {  	[smem:$0x3FC0] =	sst s2  }
0x8f: {  	_ = 	snop  }
0x90: {  	s2 =	sld [smem:$0x3FD0];
	(tm) =	ssettm $0x1  }
0x91: {  	s18 =	sld [smem:$0x3FFB];
	_ =	sdelay $0x3  }
0x92: {  	_ =	strace s18  }
0x93: {  	s3 =	sld [smem:$0x3FFC];
	_ =	sdelay $0x3  }
0x94: {  	_ =	strace s3  }
0x95: {  	s3 =	sld [smem:$0x3FFD];
	_ =	sdelay $0x3  }
0x96: {  	_ =	strace s3  }
0x97: {  	_ =	strace $0x8FFFFFFF  }
0x98: {  	s19 =	sld [smem:$0x3FDB];
	_ =	sdelay $0x1  }
0x99: {  	s4 =	simm.s32 $_scs_section_size  }
0x9a: {  	s5 =	simm.s32 $_size__tile_overlayer_lowered;
	s6 =	simm.s32 $_tile_overlayer_lowered  }
0x9b: {  	s22 =	simm.s32 $0x1BFF;
	s21 =	sshll.u32 s6, $0x1;
	s3 =	sadd.s32 s4, s19  }
0x9c: {  	s7 =	simm.s32 $0x0;
	s20 =	sshll.u32 s5, $0x1;
	s5 =	sadd.s32 s21, s3  }
0x9d: {  	[timem:s7], [sflag:s22] =	dma.local [hbm:s5], s20  }
0x9e: {  	_ =	swait.ge [sflag:s22], s20  }
0x9f: {  	s4 =	ssub.s32 $0x0, s20;
	[sflag:s22] =	ssyncset.done $0x0  }
0xa0: {  	[sflag:s22] =	ssyncadd.s32 s4;
	_ =	sdelay $0x1  }
0xa1: {  	s23 =	simm.s32 $0x1B8B  }
0xa2: {  	_ =	swait.ge [sflag:s23], $0x1  }
0xa3: {  	[sflag:s23] =	ssyncset.done $0x0  }
0xa4: {  	s25 =	simm.s32 $0x1B8E;
	s24 =	sld [smem:$0x3FFE];
	[sflag:s23] =	ssyncadd.s32 $0xFFFFFFFF  }
0xa5: {  	s26 =	simm.s32 $execute0_lowered;
	[smem:$0x3FD2] =	sst s25  }
0xa6: {  	s5 =	sshll.u32 s26, $0x1;
	_ =	strace $0x80000049;
	[dreg:$0x1] =	wrdreg $0xFFFFFFFF  }
0xa7: {  	s28 =	simm.s32 $_size_execute0_lowered;
	s3 =	sadd.s32 s3, s5;
	[dreg:$0x0] =	wrdreg $0x0  }
0xa8: {  	s5 =	sshll.u32 s28, $0x1;
	[dreg:$0x2] =	wrdreg s3  }
0xa9: {  	[dreg:$0x3] =	wrdreg s5  }
0xaa: {  	[dreg:$0x4] =	wrdreg $0xC0  }
0xab: {  	_ =	task [dreg:s7], $0x5FFFF  }
0xac: {  	[dreg:$0x1] =	wrdreg $0xFFFFFFFF  }
0xad: {  	[dreg:$0x0] =	wrdreg $0x60  }
0xae: {  	[dreg:$0x2] =	wrdreg s2  }
0xaf: {  	[dreg:$0x3] =	wrdreg s24  }
0xb0: {  	[dreg:$0x4] =	wrdreg $0x8C000  }
0xb1: {  	[dreg:$0x5] =	wrdreg $0x9  }
0xb2: {  	_ =	task.clear_ibuf [dreg:s7], $0x6FFFF;
	_ =	strace $0x90000049  }
0xb3: {  	s29 =	simm.s32 $0x9;
	_ =	strace $0x8000004B  }
0xb4: {  	_ =	swait.ge [sflag:s29], $0x1  }
0xb5: {  	[sflag:s29] =	ssyncadd.s32 $0xFFFFFFFF  }
0xb6: {  	_ =	strace $0x9000004B  }
0xb7: {  	_ =	sfence  }
0xb8: {  	s30 =	sld [smem:$0x0];
	_ =	sdelay $0x2  }
0xb9: {  	s31 =	sshll.u32 s1, $0xD;
	s1 =	sshrl.u32 s1, $0x2  }
0xba: {  	s3 =	sand.u32 $0x4000, s31;
	s1 =	sadd.s32 s1, s30  }
0xbb: {  	s0 =	sor.u32 s3, s0;
	s1 =	sshll.u32 s1, $0x11  }
0xbc: {  	s0 =	sor.u32 s1, s0  }
0xbd: {  	s0 =	sadd.s32 $0x8F2B, s0  }
0xbe: {  	[sflag:s0] =	ssyncadd.remote.s32 $0x1  }
0xbf: {  	_ =	sfence.sel $0xFFFF  }
0xc0: {  	[dreg:$0x0] =	wrdreg $0xFFFFFFFF;
	(pc) =	sbr.abs _section_cstart, $3  }
0xc1: {  	[dreg:$0x1] =	wrdreg $0xFFFFFFFF  }
0xc2: {  	_ =	task.clear_ibuf [dreg:s7], $0x2FFFF;
	_ =	strace $0x9FFFFFFF  }
0xc3: {  	(tm) =	ssettm $0x7FFFFFFF  }
tec
execute0_lowered:
.L_overlay_start_1:
0x0: {  	(tag) =	ssettag $0x1  }
0x1: {  	s2 =	rddreg [dreg:$0x0]  }
0x2: {  	s0 =	rddreg [dreg:$0x1]  }
0x3: {  	s3 =	rddreg [dreg:$0x2]  }
0x4: {  	s13 =	stileid.u32;
	s4 =	simm.s32 $0x0;
	s5 =	srdreg.scid  }
0x5: {  	s30 =	simm.s32 $0x0;
	s1 =	smul.u32 $0x14000, s13;
	[smem:$0x7FF] =	sst s4  }
0x6: {  	s7 =	sand.u32 $0x1, s5;
	s5 =	sadd.s32 $0xC200, s0;
	s10 =	smul.u32 $0x50000, s13  }
0x7: {  	s6 =	sadd.s32 $0x2400, s0;
	s26 =	sshll.u32 s13, $0x1;
	s31 =	smul.u32 $0x4E20, s13  }
0x8: {  	s28 =	sshll.u32 s13, $0x6;
	_ =	strace $0x8000004A;
	s9 =	smul.u32 $0x140000, s7  }
0x9: {  	s11 =	ssub.s32 $0x2, s7;
	s25 =	sor.u32 $0x1C0C, s28;
	s8 =	sshrl.u32 s1, $0x3  }
0xa: {  	s12 =	sshrl.u32 s11, $0x1;
	s10 =	sshrl.u32 s10, $0x2;
	[dreg:$0xe] =	wrdreg s25  }
0xb: {  	s8 =	sadd.s32 s8, s0;
	s1 =	sadd.s32 s1, s9;
	s9 =	sor.u32 s7, s26  }
0xc: {  	s10 =	sadd.s32 s10, s3;
	s7 =	smul.u32 $0x2710, s7;
	s1 =	sshrl.u32 s1, $0x3  }
0xd: {  	s9 =	smul.u32 $0x2710, s9;
	[dreg:$0xc] =	wrdreg s10;
	s8 =	sadd.s32 $0x16000, s8  }
0xe: {  	s0 =	sadd.s32 s1, s0;
	s1 =	ssub.s32 s11, s12;
	s7 =	sadd.s32 s7, s31  }
0xf: {  	[dreg:$0xd] =	wrdreg s8;
	s10 =	sshrl.u32 s9, $0x3;
	s11 =	sadd.s32 $0x580, s7  }
0x10: {  	s24 =	sadd.s32 $0x500, s7;
	s0 =	sadd.s32 $0x3E000, s0;
	s29 =	sadd.s32 $0x10, s10  }
0x11: {  	s26 =	sshrl.u32 s24, $0x3;
	s24 =	sadd.s32 s6, s10;
	[smem:$0x7FC] =	sst s0  }
0x12: {  	s14 =	sadd.s32 $0x20, s10;
	s13 =	sadd.s32 s5, s29;
	[dreg:$0x1c] =	wrdreg s24  }
0x13: {  	s16 =	sadd.s32 $0x30, s10;
	s8 =	sadd.s32 s6, s29;
	[dreg:$0xf] =	wrdreg s13  }
0x14: {  	s19 =	sadd.s32 $0x40, s10;
	s15 =	sadd.s32 s5, s14;
	[dreg:$0x10] =	wrdreg s8  }
0x15: {  	s21 =	sshrl.u32 s11, $0x3;
	s17 =	sadd.s32 s6, s14;
	[dreg:$0x11] =	wrdreg s15  }
0x16: {  	s22 =	sadd.s32 $0x50, s10;
	s18 =	sadd.s32 s5, s16;
	[dreg:$0x12] =	wrdreg s17  }
0x17: {  	s0 =	simm.s32 $0xC;
	s20 =	sadd.s32 s5, s19;
	[dreg:$0x13] =	wrdreg s18  }
0x18: {  	s11 =	simm.s32 $0x300;
	s23 =	sadd.s32 s21, s6;
	[dreg:$0x15] =	wrdreg s20  }
0x19: {  	s28 =	sadd.s32 s26, s6;
	s29 =	sadd.s32 $0x480, s7;
	[dreg:$0x4] =	wrdreg s23  }
0x1a: {  	s31 =	sadd.s32 s26, s5;
	s14 =	sadd.s32 $0x400, s7;
	[dreg:$0x6] =	wrdreg s28  }
0x1b: {  	s8 =	sadd.s32 s6, s16;
	s9 =	sshrl.u32 s29, $0x3;
	[dreg:$0x7] =	wrdreg s31  }
0x1c: {  	s16 =	sshrl.u32 s14, $0x3;
	s17 =	sadd.s32 s5, s22;
	[dreg:$0x14] =	wrdreg s8  }
0x1d: {  	s20 =	sadd.s32 s6, s22;
	s22 =	sadd.s32 s5, s10;
	[dreg:$0x17] =	wrdreg s17  }
0x1e: {  	s23 =	sadd.s32 $0x70, s10;
	s31 =	smax.u32 s1, $0x1;
	[dreg:$0x18] =	wrdreg s20  }
0x1f: {  	s1 =	simm.s32 $0x180;
	s14 =	simm.s32 $0x6;
	[dreg:$0x1b] =	wrdreg s22  }
0x20: {  	s8 =	sadd.s32 s6, s19;
	s13 =	sadd.s32 s9, s6;
	[smem:$0x7FD] =	sst s31  }
0x21: {  	s15 =	sadd.s32 s9, s5;
	s18 =	sadd.s32 s16, s6;
	[dreg:$0x16] =	wrdreg s8  }
0x22: {  	s19 =	sadd.s32 $0x60, s10;
	s12 =	sadd.s32 s16, s5;
	[dreg:$0x8] =	wrdreg s13  }
0x23: {  	s10 =	sadd.s32 $0x4E0, s10;
	s26 =	sadd.s32 s5, s23;
	[dreg:$0x9] =	wrdreg s15  }
0x24: {  	s16 =	simm.s32 $0x4300;
	s17 =	simm.s32 $0x100;
	[dreg:$0xa] =	wrdreg s18  }
0x25: {  	s20 =	simm.s32 $0x3;
	s22 =	simm.s32 $0xA;
	[dreg:$0xb] =	wrdreg s12  }
0x26: {  	s8 =	sadd.s32 s21, s5;
	s21 =	sadd.s32 s5, s19;
	[dreg:$0x1d] =	wrdreg s26  }
0x27: {  	s28 =	sadd.s32 s5, s10;
	s29 =	sadd.s32 s6, s10;
	s26 =	sadd.s32 $0x680, s7  }
0x28: {  	s7 =	simm.s32 $0x5;
	s10 =	simm.s32 $0x80;
	[dreg:$0x5] =	wrdreg s8  }
0x29: {  	s12 =	simm.s32 $0x200;
	s13 =	simm.s32 $0x1;
	[dreg:$0x19] =	wrdreg s21  }
0x2a: {  	s15 =	simm.s32 $0x9;
	s18 =	simm.s32 $0x280;
	[dreg:$0x1f] =	wrdreg s28  }
0x2b: {  	s8 =	sadd.s32 s6, s19;
	[smem:$0x7FB] =	sst s29;
	s19 =	simm.s32 $0x2  }
0x2c: {  	s21 =	simm.s32 $0x7;
	[dreg:$0x1a] =	wrdreg s8;
	s8 =	sadd.s32 s6, s23  }
0x2d: {  	s23 =	simm.s32 $0x4;
	[dreg:$0x1e] =	wrdreg s8;
	s8 =	simm.s32 $0x8  }
.LBB2_1:
0x2e: {  	s9 =	rddreg [dreg:$0xc]  }
0x2f: {  	s28 =	rddreg [dreg:$0xd];
	s24 =	sshrl.u32 s9, $0x3  }
0x30: {  	[spmem:s24], [sflag:s25] =	dma.local [hbm:s28], $0x2800  }
0x31: {  	_ =	swait.ge [sflag:s0], $0x2800  }
0x32: {  	[sflag:s0] =	ssyncset.done $0x0  }
0x33: {  	[sflag:s0] =	ssyncadd.s32 $0xFFFFD800  }
0x34: {  	[bflag:$0x0] =	sbarrier.arrive $0xFFFF  }
0x35: {  	s25 =	rddreg [dreg:$0x1b]  }
0x36: {  	[tilespmem:s4], [sflag:$0x5] =	stream.linear.gather [hbm4b:s25+s4], $0x80, $0x38;
	[tilespmem:$0x1CC00] =	vst v63  }
0x37: {  	s28 =	rddreg [dreg:$0x1c]  }
0x38: {  	[tilespmem:s1], [sflag:$0x8] =	stream.linear.gather [hbm4b:s28+s4], $0x80, $0x38;
	[tilespmem:$0x1CC00] =	vst v63  }
0x39: {  	_ =	swait.ge [sflag:s7], $0x80  }
0x3a: {  	[sflag:s7] =	ssyncset.done $0x0  }
0x3b: {  	[sflag:s7] =	ssyncadd.s32 $0xFFFFFF80  }
0x3c: {  	_ =	swait.ge [sflag:s8], $0x80  }
0x3d: {  	[sflag:s8] =	ssyncset.done $0x0  }
0x3e: {  	[sflag:s8] =	ssyncadd.s32 $0xFFFFFF80  }
0x3f: {  	[tilespmem:s11], [sflag:$0x1] =	stream.indirect.gather [hbm4b:s2+s10], $0x80, s4, s10, $0xb8;
	[tilespmem:$0x1CC00] =	vst v63  }
0x40: {  	s25 =	rddreg [dreg:$0xf]  }
0x41: {  	[tilespmem:s10], [sflag:$0x6] =	stream.linear.gather [hbm4b:s25+s4], $0x80, $0x38;
	[tilespmem:$0x1CC00] =	vst v63  }
0x42: {  	s28 =	rddreg [dreg:$0x10]  }
0x43: {  	[tilespmem:s12], [sflag:$0x9] =	stream.linear.gather [hbm4b:s28+s4], $0x80, $0x38;
	[tilespmem:$0x1CC00] =	vst v63  }
0x44: {  	_ =	swait.ge [sflag:s13], $0x4000  }
0x45: {  	[sflag:s13] =	ssyncset.done $0x0  }
0x46: {  	[sflag:s13] =	ssyncadd.s32 $0xFFFFC000  }
0x47: {  	[spmem:s3] =	stream.indirect.scatter.add.f32 [tilespmem:s11], [sflag:$0x3], $0x80, s1, s10, $0xb8;
	[tilespmem:$0x1CC00] =	vst v63  }
0x48: {  	_ =	swait.ge [sflag:s14], $0x80  }
0x49: {  	[sflag:s14] =	ssyncset.done $0x0  }
0x4a: {  	[sflag:s14] =	ssyncadd.s32 $0xFFFFFF80  }
0x4b: {  	_ =	swait.ge [sflag:s15], $0x80  }
0x4c: {  	[sflag:s15] =	ssyncset.done $0x0  }
0x4d: {  	[sflag:s15] =	ssyncadd.s32 $0xFFFFFF80  }
0x4e: {  	[tilespmem:s16], [sflag:$0x2] =	stream.indirect.gather [hbm4b:s2+s10], $0x80, s10, s10, $0xb8;
	[tilespmem:$0x1CC00] =	vst v63  }
0x4f: {  	s25 =	rddreg [dreg:$0x11]  }
0x50: {  	[tilespmem:s17], [sflag:$0x7] =	stream.linear.gather [hbm4b:s25+s4], $0x80, $0x38;
	[tilespmem:$0x1CC00] =	vst v63  }
0x51: {  	s28 =	rddreg [dreg:$0x12]  }
0x52: {  	[tilespmem:s18], [sflag:$0xA] =	stream.linear.gather [hbm4b:s28+s4], $0x80, $0x38;
	[tilespmem:$0x1CC00] =	vst v63  }
0x53: {  	_ =	swait.ge [sflag:s19], $0x4000  }
0x54: {  	[sflag:s19] =	ssyncset.done $0x0  }
0x55: {  	[sflag:s19] =	ssyncadd.s32 $0xFFFFC000  }
0x56: {  	[spmem:s3] =	stream.indirect.scatter.add.f32 [tilespmem:s16], [sflag:$0x4], $0x80, s12, s10, $0xb8;
	[tilespmem:$0x1CC00] =	vst v63  }
0x57: {  	_ =	swait.ge [sflag:s20], $0x4000  }
0x58: {  	[sflag:s20] =	ssyncset.done $0x0  }
0x59: {  	[sflag:s20] =	ssyncadd.s32 $0xFFFFC000  }
0x5a: {  	_ =	swait.ge [sflag:s21], $0x80  }
0x5b: {  	[sflag:s21] =	ssyncset.done $0x0  }
0x5c: {  	[sflag:s21] =	ssyncadd.s32 $0xFFFFFF80  }
0x5d: {  	_ =	swait.ge [sflag:s22], $0x80  }
0x5e: {  	[sflag:s22] =	ssyncset.done $0x0  }
0x5f: {  	[sflag:s22] =	ssyncadd.s32 $0xFFFFFF80  }
0x60: {  	[tilespmem:s11], [sflag:$0x1] =	stream.indirect.gather [hbm4b:s2+s10], $0x80, s17, s10, $0xb8;
	[tilespmem:$0x1CC00] =	vst v63  }
0x61: {  	s25 =	rddreg [dreg:$0x13]  }
0x62: {  	[tilespmem:s4], [sflag:$0x5] =	stream.linear.gather [hbm4b:s25+s4], $0x80, $0x38;
	[tilespmem:$0x1CC00] =	vst v63  }
0x63: {  	s28 =	rddreg [dreg:$0x14]  }
0x64: {  	[tilespmem:s1], [sflag:$0x8] =	stream.linear.gather [hbm4b:s28+s4], $0x80, $0x38;
	[tilespmem:$0x1CC00] =	vst v63  }
0x65: {  	_ =	swait.ge [sflag:s13], $0x4000  }
0x66: {  	[sflag:s13] =	ssyncset.done $0x0  }
0x67: {  	[sflag:s13] =	ssyncadd.s32 $0xFFFFC000  }
0x68: {  	[spmem:s3] =	stream.indirect.scatter.add.f32 [tilespmem:s11], [sflag:$0x3], $0x80, s18, s10, $0xb8;
	[tilespmem:$0x1CC00] =	vst v63  }
0x69: {  	_ =	swait.ge [sflag:s23], $0x4000  }
0x6a: {  	[sflag:s23] =	ssyncset.done $0x0  }
0x6b: {  	[sflag:s23] =	ssyncadd.s32 $0xFFFFC000  }
0x6c: {  	_ =	swait.ge [sflag:s7], $0x80  }
0x6d: {  	[sflag:s7] =	ssyncset.done $0x0  }
0x6e: {  	[sflag:s7] =	ssyncadd.s32 $0xFFFFFF80  }
0x6f: {  	_ =	swait.ge [sflag:s8], $0x80  }
0x70: {  	[sflag:s8] =	ssyncset.done $0x0  }
0x71: {  	[sflag:s8] =	ssyncadd.s32 $0xFFFFFF80  }
0x72: {  	[tilespmem:s16], [sflag:$0x2] =	stream.indirect.gather [hbm4b:s2+s10], $0x80, s4, s10, $0xb8;
	[tilespmem:$0x1CC00] =	vst v63  }
0x73: {  	s25 =	rddreg [dreg:$0x15]  }
0x74: {  	[tilespmem:s10], [sflag:$0x6] =	stream.linear.gather [hbm4b:s25+s4], $0x80, $0x38;
	[tilespmem:$0x1CC00] =	vst v63  }
0x75: {  	s28 =	rddreg [dreg:$0x16]  }
0x76: {  	[tilespmem:s12], [sflag:$0x9] =	stream.linear.gather [hbm4b:s28+s4], $0x80, $0x38;
	[tilespmem:$0x1CC00] =	vst v63  }
0x77: {  	_ =	swait.ge [sflag:s19], $0x4000  }
0x78: {  	[sflag:s19] =	ssyncset.done $0x0  }
0x79: {  	[sflag:s19] =	ssyncadd.s32 $0xFFFFC000  }
0x7a: {  	[spmem:s3] =	stream.indirect.scatter.add.f32 [tilespmem:s16], [sflag:$0x4], $0x80, s1, s10, $0xb8;
	[tilespmem:$0x1CC00] =	vst v63  }
0x7b: {  	_ =	swait.ge [sflag:s20], $0x4000  }
0x7c: {  	[sflag:s20] =	ssyncset.done $0x0  }
0x7d: {  	[sflag:s20] =	ssyncadd.s32 $0xFFFFC000  }
0x7e: {  	_ =	swait.ge [sflag:s14], $0x80  }
0x7f: {  	[sflag:s14] =	ssyncset.done $0x0  }
0x80: {  	[sflag:s14] =	ssyncadd.s32 $0xFFFFFF80  }
0x81: {  	_ =	swait.ge [sflag:s15], $0x80  }
0x82: {  	[sflag:s15] =	ssyncset.done $0x0  }
0x83: {  	[sflag:s15] =	ssyncadd.s32 $0xFFFFFF80  }
0x84: {  	[tilespmem:s11], [sflag:$0x1] =	stream.indirect.gather [hbm4b:s2+s10], $0x80, s10, s10, $0xb8;
	[tilespmem:$0x1CC00] =	vst v63  }
0x85: {  	s25 =	rddreg [dreg:$0x17]  }
0x86: {  	[tilespmem:s17], [sflag:$0x7] =	stream.linear.gather [hbm4b:s25+s4], $0x80, $0x38;
	[tilespmem:$0x1CC00] =	vst v63  }
0x87: {  	s28 =	rddreg [dreg:$0x18]  }
0x88: {  	[tilespmem:s18], [sflag:$0xA] =	stream.linear.gather [hbm4b:s28+s4], $0x80, $0x38;
	[tilespmem:$0x1CC00] =	vst v63  }
0x89: {  	_ =	swait.ge [sflag:s13], $0x4000  }
0x8a: {  	[sflag:s13] =	ssyncset.done $0x0  }
0x8b: {  	[sflag:s13] =	ssyncadd.s32 $0xFFFFC000  }
0x8c: {  	[spmem:s3] =	stream.indirect.scatter.add.f32 [tilespmem:s11], [sflag:$0x3], $0x80, s12, s10, $0xb8;
	[tilespmem:$0x1CC00] =	vst v63  }
0x8d: {  	_ =	swait.ge [sflag:s23], $0x4000  }
0x8e: {  	[sflag:s23] =	ssyncset.done $0x0  }
0x8f: {  	[sflag:s23] =	ssyncadd.s32 $0xFFFFC000  }
0x90: {  	_ =	swait.ge [sflag:s21], $0x80  }
0x91: {  	[sflag:s21] =	ssyncset.done $0x0  }
0x92: {  	[sflag:s21] =	ssyncadd.s32 $0xFFFFFF80  }
0x93: {  	_ =	swait.ge [sflag:s22], $0x80  }
0x94: {  	[sflag:s22] =	ssyncset.done $0x0  }
0x95: {  	[sflag:s22] =	ssyncadd.s32 $0xFFFFFF80  }
0x96: {  	[tilespmem:s16], [sflag:$0x2] =	stream.indirect.gather [hbm4b:s2+s10], $0x80, s17, s10, $0xb8;
	[tilespmem:$0x1CC00] =	vst v63  }
0x97: {  	s25 =	rddreg [dreg:$0x19]  }
0x98: {  	[tilespmem:s4], [sflag:$0x5] =	stream.linear.gather [hbm4b:s25+s4], $0x80, $0x38;
	[tilespmem:$0x1CC00] =	vst v63  }
0x99: {  	s28 =	rddreg [dreg:$0x1a]  }
0x9a: {  	[tilespmem:s1], [sflag:$0x8] =	stream.linear.gather [hbm4b:s28+s4], $0x80, $0x38;
	[tilespmem:$0x1CC00] =	vst v63  }
0x9b: {  	_ =	swait.ge [sflag:s19], $0x4000  }
0x9c: {  	[sflag:s19] =	ssyncset.done $0x0  }
0x9d: {  	[sflag:s19] =	ssyncadd.s32 $0xFFFFC000  }
0x9e: {  	[spmem:s3] =	stream.indirect.scatter.add.f32 [tilespmem:s16], [sflag:$0x4], $0x80, s18, s10, $0xb8;
	[tilespmem:$0x1CC00] =	vst v63  }
0x9f: {  	_ =	swait.ge [sflag:s20], $0x4000  }
0xa0: {  	[sflag:s20] =	ssyncset.done $0x0  }
0xa1: {  	[sflag:s20] =	ssyncadd.s32 $0xFFFFC000  }
0xa2: {  	_ =	swait.ge [sflag:s7], $0x80  }
0xa3: {  	[sflag:s7] =	ssyncset.done $0x0  }
0xa4: {  	[sflag:s7] =	ssyncadd.s32 $0xFFFFFF80  }
0xa5: {  	_ =	swait.ge [sflag:s8], $0x80  }
0xa6: {  	[sflag:s8] =	ssyncset.done $0x0  }
0xa7: {  	[sflag:s8] =	ssyncadd.s32 $0xFFFFFF80  }
0xa8: {  	[tilespmem:s11], [sflag:$0x1] =	stream.indirect.gather [hbm4b:s2+s10], $0x80, s4, s10, $0xb8;
	[tilespmem:$0x1CC00] =	vst v63  }
0xa9: {  	s25 =	rddreg [dreg:$0x1d]  }
0xaa: {  	[tilespmem:s10], [sflag:$0x6] =	stream.linear.gather [hbm4b:s25+s4], $0x80, $0x38;
	[tilespmem:$0x1CC00] =	vst v63  }
0xab: {  	s28 =	rddreg [dreg:$0x1e]  }
0xac: {  	[tilespmem:s12], [sflag:$0x9] =	stream.linear.gather [hbm4b:s28+s4], $0x80, $0x38;
	[tilespmem:$0x1CC00] =	vst v63  }
0xad: {  	_ =	swait.ge [sflag:s13], $0x4000  }
0xae: {  	[sflag:s13] =	ssyncset.done $0x0  }
0xaf: {  	[sflag:s13] =	ssyncadd.s32 $0xFFFFC000  }
0xb0: {  	[spmem:s3] =	stream.indirect.scatter.add.f32 [tilespmem:s11], [sflag:$0x3], $0x80, s1, s10, $0xb8;
	[tilespmem:$0x1CC00] =	vst v63  }
0xb1: {  	_ =	swait.ge [sflag:s23], $0x4000  }
0xb2: {  	[sflag:s23] =	ssyncset.done $0x0  }
0xb3: {  	[sflag:s23] =	ssyncadd.s32 $0xFFFFC000  }
0xb4: {  	_ =	swait.ge [sflag:s14], $0x80  }
0xb5: {  	[sflag:s14] =	ssyncset.done $0x0  }
0xb6: {  	[sflag:s14] =	ssyncadd.s32 $0xFFFFFF80  }
0xb7: {  	_ =	swait.ge [sflag:s15], $0x80  }
0xb8: {  	[sflag:s15] =	ssyncset.done $0x0  }
0xb9: {  	s9 =	rddreg [dreg:$0xb];
	[sflag:s15] =	ssyncadd.s32 $0xFFFFFF80  }
0xba: {  	[tilespmem:s16], [sflag:$0x2] =	stream.indirect.gather [hbm4b:s2+s10], $0x80, s10, s10, $0xb8;
	[tilespmem:$0x1CC00] =	vst v63  }
0xbb: {  	s28 =	rddreg [dreg:$0xa];
	s25 =	sadd.s32 $0x0, s9  }
0xbc: {  	[tilespmem:s17], [sflag:$0x7] =	stream.linear.gather [hbm4b:s25+s4], $0x80, $0x38;
	[tilespmem:$0x1CC00] =	vst v63  }
0xbd: {  	s28 =	sadd.s32 $0x0, s28  }
0xbe: {  	[tilespmem:s18], [sflag:$0xA] =	stream.linear.gather [hbm4b:s28+s4], $0x80, $0x38;
	[tilespmem:$0x1CC00] =	vst v63  }
0xbf: {  	_ =	swait.ge [sflag:s19], $0x4000  }
0xc0: {  	[sflag:s19] =	ssyncset.done $0x0  }
0xc1: {  	[sflag:s19] =	ssyncadd.s32 $0xFFFFC000  }
0xc2: {  	[spmem:s3] =	stream.indirect.scatter.add.f32 [tilespmem:s16], [sflag:$0x4], $0x80, s12, s10, $0xb8;
	[tilespmem:$0x1CC00] =	vst v63  }
0xc3: {  	_ =	swait.ge [sflag:s20], $0x4000  }
0xc4: {  	[sflag:s20] =	ssyncset.done $0x0  }
0xc5: {  	[sflag:s20] =	ssyncadd.s32 $0xFFFFC000  }
0xc6: {  	_ =	swait.ge [sflag:s21], $0x80  }
0xc7: {  	[sflag:s21] =	ssyncset.done $0x0  }
0xc8: {  	[sflag:s21] =	ssyncadd.s32 $0xFFFFFF80  }
0xc9: {  	_ =	swait.ge [sflag:s22], $0x80  }
0xca: {  	[sflag:s22] =	ssyncset.done $0x0  }
0xcb: {  	s25 =	rddreg [dreg:$0x9];
	[sflag:s22] =	ssyncadd.s32 $0xFFFFFF80  }
0xcc: {  	[tilespmem:s11], [sflag:$0x1] =	stream.indirect.gather [hbm4b:s2+s10], $0x80, s17, s10, $0xb8;
	[tilespmem:$0x1CC00] =	vst v63  }
0xcd: {  	s9 =	rddreg [dreg:$0x8];
	s25 =	sadd.s32 $0x0, s25  }
0xce: {  	[tilespmem:s4], [sflag:$0x5] =	stream.linear.gather [hbm4b:s25+s4], $0x80, $0x38;
	[tilespmem:$0x1CC00] =	vst v63  }
0xcf: {  	s28 =	sadd.s32 $0x0, s9  }
0xd0: {  	[tilespmem:s1], [sflag:$0x8] =	stream.linear.gather [hbm4b:s28+s4], $0x80, $0x38;
	[tilespmem:$0x1CC00] =	vst v63  }
0xd1: {  	_ =	swait.ge [sflag:s13], $0x4000  }
0xd2: {  	[sflag:s13] =	ssyncset.done $0x0  }
0xd3: {  	[sflag:s13] =	ssyncadd.s32 $0xFFFFC000  }
0xd4: {  	[spmem:s3] =	stream.indirect.scatter.add.f32 [tilespmem:s11], [sflag:$0x3], $0x80, s18, s10, $0xb8;
	[tilespmem:$0x1CC00] =	vst v63  }
0xd5: {  	_ =	swait.ge [sflag:s23], $0x4000  }
0xd6: {  	[sflag:s23] =	ssyncset.done $0x0  }
0xd7: {  	[sflag:s23] =	ssyncadd.s32 $0xFFFFC000  }
0xd8: {  	_ =	swait.ge [sflag:s7], $0x80  }
0xd9: {  	[sflag:s7] =	ssyncset.done $0x0  }
0xda: {  	[sflag:s7] =	ssyncadd.s32 $0xFFFFFF80  }
0xdb: {  	_ =	swait.ge [sflag:s8], $0x80  }
0xdc: {  	[sflag:s8] =	ssyncset.done $0x0  }
0xdd: {  	s25 =	rddreg [dreg:$0x7];
	[sflag:s8] =	ssyncadd.s32 $0xFFFFFF80  }
0xde: {  	[tilespmem:s16], [sflag:$0x2] =	stream.indirect.gather [hbm4b:s2+s10], $0x80, s4, s10, $0xb8;
	[tilespmem:$0x1CC00] =	vst v63  }
0xdf: {  	s9 =	rddreg [dreg:$0x6];
	s25 =	sadd.s32 $0x0, s25  }
0xe0: {  	[tilespmem:s10], [sflag:$0x6] =	stream.linear.gather [hbm4b:s25+s4], $0x80, $0x38;
	[tilespmem:$0x1CC00] =	vst v63  }
0xe1: {  	s28 =	sadd.s32 $0x0, s9  }
0xe2: {  	[tilespmem:s12], [sflag:$0x9] =	stream.linear.gather [hbm4b:s28+s4], $0x80, $0x38;
	[tilespmem:$0x1CC00] =	vst v63  }
0xe3: {  	_ =	swait.ge [sflag:s19], $0x4000  }
0xe4: {  	[sflag:s19] =	ssyncset.done $0x0  }
0xe5: {  	[sflag:s19] =	ssyncadd.s32 $0xFFFFC000  }
0xe6: {  	[spmem:s3] =	stream.indirect.scatter.add.f32 [tilespmem:s16], [sflag:$0x4], $0x80, s1, s10, $0xb8;
	[tilespmem:$0x1CC00] =	vst v63  }
0xe7: {  	_ =	swait.ge [sflag:s20], $0x4000  }
0xe8: {  	[sflag:s20] =	ssyncset.done $0x0  }
0xe9: {  	[sflag:s20] =	ssyncadd.s32 $0xFFFFC000  }
0xea: {  	_ =	swait.ge [sflag:s14], $0x80  }
0xeb: {  	[sflag:s14] =	ssyncset.done $0x0  }
0xec: {  	[sflag:s14] =	ssyncadd.s32 $0xFFFFFF80  }
0xed: {  	_ =	swait.ge [sflag:s15], $0x80  }
0xee: {  	[sflag:s15] =	ssyncset.done $0x0  }
0xef: {  	s25 =	rddreg [dreg:$0x5];
	[sflag:s15] =	ssyncadd.s32 $0xFFFFFF80  }
0xf0: {  	[tilespmem:s11], [sflag:$0x1] =	stream.indirect.gather [hbm4b:s2+s10], $0x80, s10, s10, $0xb8;
	[tilespmem:$0x1CC00] =	vst v63  }
0xf1: {  	s9 =	rddreg [dreg:$0x4];
	s25 =	sadd.s32 $0x0, s25  }
0xf2: {  	[tilespmem:s17], [sflag:$0x7] =	stream.linear.gather [hbm4b:s25+s4], $0x80, $0x38;
	[tilespmem:$0x1CC00] =	vst v63  }
0xf3: {  	s28 =	sadd.s32 $0x0, s9  }
0xf4: {  	[tilespmem:s18], [sflag:$0xA] =	stream.linear.gather [hbm4b:s28+s4], $0x80, $0x38;
	[tilespmem:$0x1CC00] =	vst v63  }
0xf5: {  	_ =	swait.ge [sflag:s13], $0x4000  }
0xf6: {  	[sflag:s13] =	ssyncset.done $0x0  }
0xf7: {  	[sflag:s13] =	ssyncadd.s32 $0xFFFFC000  }
0xf8: {  	[spmem:s3] =	stream.indirect.scatter.add.f32 [tilespmem:s11], [sflag:$0x3], $0x80, s12, s10, $0xb8;
	[tilespmem:$0x1CC00] =	vst v63  }
0xf9: {  	_ =	swait.ge [sflag:s23], $0x4000  }
0xfa: {  	[sflag:s23] =	ssyncset.done $0x0  }
0xfb: {  	[sflag:s23] =	ssyncadd.s32 $0xFFFFC000  }
0xfc: {  	_ =	swait.ge [sflag:s21], $0x80  }
0xfd: {  	[sflag:s21] =	ssyncset.done $0x0  }
0xfe: {  	s25 =	sadd.s32 $0xFFFFFF80, s26;
	[sflag:s21] =	ssyncadd.s32 $0xFFFFFF80  }
0xff: {  	p0 =	slt.s32 s25, $0x4E180;
	_ =	swait.ge [sflag:s22], $0x80  }
0x100: {  	s25 =	simm.s32 @!p0 $0x4E180;
	[sflag:s22] =	ssyncset.done $0x0  }
0x101: {  	s25 =	sshrl.u32 s25, $0x3;
	[sflag:s22] =	ssyncadd.s32 $0xFFFFFF80  }
0x102: {  	[tilespmem:s16], [sflag:$0x2] =	stream.indirect.gather [hbm4b:s2+s10], $0x80, s17, s10, $0xb8;
	[tilespmem:$0x1CC00] =	vst v63  }
0x103: {  	s9 =	sadd.s32 s5, s25  }
0x104: {  	[tilespmem:s4], [sflag:$0x5] =	stream.linear.gather [hbm4b:s9+s4], $0x80, $0x38;
	[tilespmem:$0x1CC00] =	vst v63  }
0x105: {  	s25 =	sadd.s32 s6, s25  }
0x106: {  	[tilespmem:s1], [sflag:$0x8] =	stream.linear.gather [hbm4b:s25+s4], $0x80, $0x38;
	[tilespmem:$0x1CC00] =	vst v63  }
0x107: {  	_ =	swait.ge [sflag:s19], $0x4000  }
0x108: {  	[sflag:s19] =	ssyncset.done $0x0  }
0x109: {  	[sflag:s19] =	ssyncadd.s32 $0xFFFFC000  }
0x10a: {  	[spmem:s3] =	stream.indirect.scatter.add.f32 [tilespmem:s16], [sflag:$0x4], $0x80, s18, s10, $0xb8;
	[tilespmem:$0x1CC00] =	vst v63  }
0x10b: {  	_ =	swait.ge [sflag:s20], $0x4000  }
0x10c: {  	[sflag:s20] =	ssyncset.done $0x0  }
0x10d: {  	[sflag:s20] =	ssyncadd.s32 $0xFFFFC000  }
0x10e: {  	_ =	swait.ge [sflag:s7], $0x80  }
0x10f: {  	[sflag:s7] =	ssyncset.done $0x0  }
0x110: {  	[sflag:s7] =	ssyncadd.s32 $0xFFFFFF80  }
0x111: {  	p0 =	slt.s32 s26, $0x4E180;
	s25 =	smov.u32 s26;
	_ =	swait.ge [sflag:s8], $0x80  }
0x112: {  	s25 =	simm.s32 @!p0 $0x4E180;
	[sflag:s8] =	ssyncset.done $0x0  }
0x113: {  	s9 =	sshrl.u32 s25, $0x3;
	[sflag:s8] =	ssyncadd.s32 $0xFFFFFF80  }
0x114: {  	[tilespmem:s11], [sflag:$0x1] =	stream.indirect.gather [hbm4b:s2+s10], $0x80, s4, s10, $0xb8;
	[tilespmem:$0x1CC00] =	vst v63  }
0x115: {  	s25 =	sadd.s32 s5, s9  }
0x116: {  	[tilespmem:s10], [sflag:$0x6] =	stream.linear.gather [hbm4b:s25+s4], $0x80, $0x38;
	[tilespmem:$0x1CC00] =	vst v63  }
0x117: {  	s31 =	smov.u32 s26;
	s29 =	sadd.s32 s6, s9;
	s25 =	simm.s32 $0x60  }
.LBB2_2:
0x118: {  	[tilespmem:s12], [sflag:$0x9] =	stream.linear.gather [hbm4b:s29+s4], $0x80, $0x38;
	[tilespmem:$0x1CC00] =	vst v63  }
0x119: {  	_ =	swait.ge [sflag:s13], $0x4000  }
0x11a: {  	[sflag:s13] =	ssyncset.done $0x0  }
0x11b: {  	[sflag:s13] =	ssyncadd.s32 $0xFFFFC000  }
0x11c: {  	[spmem:s3] =	stream.indirect.scatter.add.f32 [tilespmem:s11], [sflag:$0x3], $0x80, s1, s10, $0xb8;
	[tilespmem:$0x1CC00] =	vst v63  }
0x11d: {  	_ =	swait.ge [sflag:s23], $0x4000  }
0x11e: {  	[sflag:s23] =	ssyncset.done $0x0  }
0x11f: {  	[sflag:s23] =	ssyncadd.s32 $0xFFFFC000  }
0x120: {  	_ =	swait.ge [sflag:s14], $0x80  }
0x121: {  	[sflag:s14] =	ssyncset.done $0x0  }
0x122: {  	[sflag:s14] =	ssyncadd.s32 $0xFFFFFF80  }
0x123: {  	_ =	swait.ge [sflag:s15], $0x80  }
0x124: {  	[sflag:s15] =	ssyncset.done $0x0  }
0x125: {  	s28 =	smov.u32 s25;
	s29 =	rddreg [dreg:$0xb];
	[sflag:s15] =	ssyncadd.s32 $0xFFFFFF80  }
0x126: {  	[tilespmem:s16], [sflag:$0x2] =	stream.indirect.gather [hbm4b:s2+s10], $0x80, s10, s10, $0xb8;
	[tilespmem:$0x1CC00] =	vst v63  }
0x127: {  	s9 =	rddreg [dreg:$0xa];
	s29 =	sadd.s32 s28, s29  }
0x128: {  	[tilespmem:s17], [sflag:$0x7] =	stream.linear.gather [hbm4b:s29+s4], $0x80, $0x38;
	[tilespmem:$0x1CC00] =	vst v63  }
0x129: {  	s9 =	sadd.s32 s28, s9  }
0x12a: {  	[tilespmem:s18], [sflag:$0xA] =	stream.linear.gather [hbm4b:s9+s4], $0x80, $0x38;
	[tilespmem:$0x1CC00] =	vst v63  }
0x12b: {  	_ =	swait.ge [sflag:s19], $0x4000  }
0x12c: {  	[sflag:s19] =	ssyncset.done $0x0  }
0x12d: {  	[sflag:s19] =	ssyncadd.s32 $0xFFFFC000  }
0x12e: {  	[spmem:s3] =	stream.indirect.scatter.add.f32 [tilespmem:s16], [sflag:$0x4], $0x80, s12, s10, $0xb8;
	[tilespmem:$0x1CC00] =	vst v63  }
0x12f: {  	_ =	swait.ge [sflag:s20], $0x4000  }
0x130: {  	[sflag:s20] =	ssyncset.done $0x0  }
0x131: {  	[sflag:s20] =	ssyncadd.s32 $0xFFFFC000  }
0x132: {  	_ =	swait.ge [sflag:s21], $0x80  }
0x133: {  	[sflag:s21] =	ssyncset.done $0x0  }
0x134: {  	[sflag:s21] =	ssyncadd.s32 $0xFFFFFF80  }
0x135: {  	_ =	swait.ge [sflag:s22], $0x80  }
0x136: {  	[sflag:s22] =	ssyncset.done $0x0  }
0x137: {  	s9 =	rddreg [dreg:$0x9];
	[sflag:s22] =	ssyncadd.s32 $0xFFFFFF80  }
0x138: {  	[tilespmem:s11], [sflag:$0x1] =	stream.indirect.gather [hbm4b:s2+s10], $0x80, s17, s10, $0xb8;
	[tilespmem:$0x1CC00] =	vst v63  }
0x139: {  	s29 =	rddreg [dreg:$0x8];
	s9 =	sadd.s32 s28, s9  }
0x13a: {  	[tilespmem:s4], [sflag:$0x5] =	stream.linear.gather [hbm4b:s9+s4], $0x80, $0x38;
	[tilespmem:$0x1CC00] =	vst v63  }
0x13b: {  	s9 =	sadd.s32 s28, s29  }
0x13c: {  	[tilespmem:s1], [sflag:$0x8] =	stream.linear.gather [hbm4b:s9+s4], $0x80, $0x38;
	[tilespmem:$0x1CC00] =	vst v63  }
0x13d: {  	_ =	swait.ge [sflag:s13], $0x4000  }
0x13e: {  	[sflag:s13] =	ssyncset.done $0x0  }
0x13f: {  	[sflag:s13] =	ssyncadd.s32 $0xFFFFC000  }
0x140: {  	[spmem:s3] =	stream.indirect.scatter.add.f32 [tilespmem:s11], [sflag:$0x3], $0x80, s18, s10, $0xb8;
	[tilespmem:$0x1CC00] =	vst v63  }
0x141: {  	_ =	swait.ge [sflag:s23], $0x4000  }
0x142: {  	[sflag:s23] =	ssyncset.done $0x0  }
0x143: {  	[sflag:s23] =	ssyncadd.s32 $0xFFFFC000  }
0x144: {  	_ =	swait.ge [sflag:s7], $0x80  }
0x145: {  	[sflag:s7] =	ssyncset.done $0x0  }
0x146: {  	[sflag:s7] =	ssyncadd.s32 $0xFFFFFF80  }
0x147: {  	_ =	swait.ge [sflag:s8], $0x80  }
0x148: {  	[sflag:s8] =	ssyncset.done $0x0  }
0x149: {  	s9 =	rddreg [dreg:$0x7];
	[sflag:s8] =	ssyncadd.s32 $0xFFFFFF80  }
0x14a: {  	[tilespmem:s16], [sflag:$0x2] =	stream.indirect.gather [hbm4b:s2+s10], $0x80, s4, s10, $0xb8;
	[tilespmem:$0x1CC00] =	vst v63  }
0x14b: {  	s29 =	rddreg [dreg:$0x6];
	s9 =	sadd.s32 s28, s9  }
0x14c: {  	[tilespmem:s10], [sflag:$0x6] =	stream.linear.gather [hbm4b:s9+s4], $0x80, $0x38;
	[tilespmem:$0x1CC00] =	vst v63  }
0x14d: {  	s9 =	sadd.s32 s28, s29  }
0x14e: {  	[tilespmem:s12], [sflag:$0x9] =	stream.linear.gather [hbm4b:s9+s4], $0x80, $0x38;
	[tilespmem:$0x1CC00] =	vst v63  }
0x14f: {  	_ =	swait.ge [sflag:s19], $0x4000  }
0x150: {  	[sflag:s19] =	ssyncset.done $0x0  }
0x151: {  	[sflag:s19] =	ssyncadd.s32 $0xFFFFC000  }
0x152: {  	[spmem:s3] =	stream.indirect.scatter.add.f32 [tilespmem:s16], [sflag:$0x4], $0x80, s1, s10, $0xb8;
	[tilespmem:$0x1CC00] =	vst v63  }
0x153: {  	_ =	swait.ge [sflag:s20], $0x4000  }
0x154: {  	[sflag:s20] =	ssyncset.done $0x0  }
0x155: {  	[sflag:s20] =	ssyncadd.s32 $0xFFFFC000  }
0x156: {  	_ =	swait.ge [sflag:s14], $0x80  }
0x157: {  	[sflag:s14] =	ssyncset.done $0x0  }
0x158: {  	[sflag:s14] =	ssyncadd.s32 $0xFFFFFF80  }
0x159: {  	_ =	swait.ge [sflag:s15], $0x80  }
0x15a: {  	[sflag:s15] =	ssyncset.done $0x0  }
0x15b: {  	s9 =	rddreg [dreg:$0x5];
	[sflag:s15] =	ssyncadd.s32 $0xFFFFFF80  }
0x15c: {  	[tilespmem:s11], [sflag:$0x1] =	stream.indirect.gather [hbm4b:s2+s10], $0x80, s10, s10, $0xb8;
	[tilespmem:$0x1CC00] =	vst v63  }
0x15d: {  	s29 =	rddreg [dreg:$0x4];
	s9 =	sadd.s32 s28, s9  }
0x15e: {  	[tilespmem:s17], [sflag:$0x7] =	stream.linear.gather [hbm4b:s9+s4], $0x80, $0x38;
	[tilespmem:$0x1CC00] =	vst v63  }
0x15f: {  	s28 =	sadd.s32 s28, s29  }
0x160: {  	[tilespmem:s18], [sflag:$0xA] =	stream.linear.gather [hbm4b:s28+s4], $0x80, $0x38;
	[tilespmem:$0x1CC00] =	vst v63  }
0x161: {  	_ =	swait.ge [sflag:s13], $0x4000  }
0x162: {  	[sflag:s13] =	ssyncset.done $0x0  }
0x163: {  	[sflag:s13] =	ssyncadd.s32 $0xFFFFC000  }
0x164: {  	[spmem:s3] =	stream.indirect.scatter.add.f32 [tilespmem:s11], [sflag:$0x3], $0x80, s12, s10, $0xb8;
	[tilespmem:$0x1CC00] =	vst v63  }
0x165: {  	_ =	swait.ge [sflag:s23], $0x4000  }
0x166: {  	[sflag:s23] =	ssyncset.done $0x0  }
0x167: {  	[sflag:s23] =	ssyncadd.s32 $0xFFFFC000  }
0x168: {  	_ =	swait.ge [sflag:s21], $0x80  }
0x169: {  	s31 =	sadd.s32 $0x300, s31;
	[sflag:s21] =	ssyncset.done $0x0  }
0x16a: {  	s9 =	sadd.s32 $0xFFFFFF80, s31;
	[sflag:s21] =	ssyncadd.s32 $0xFFFFFF80  }
0x16b: {  	p1 =	slt.s32 s9, $0x4E180;
	_ =	swait.ge [sflag:s22], $0x80  }
0x16c: {  	s9 =	simm.s32 @!p1 $0x4E180;
	[sflag:s22] =	ssyncset.done $0x0  }
0x16d: {  	s9 =	sshrl.u32 s9, $0x3;
	[sflag:s22] =	ssyncadd.s32 $0xFFFFFF80  }
0x16e: {  	[tilespmem:s16], [sflag:$0x2] =	stream.indirect.gather [hbm4b:s2+s10], $0x80, s17, s10, $0xb8;
	[tilespmem:$0x1CC00] =	vst v63  }
0x16f: {  	s28 =	sadd.s32 s5, s9  }
0x170: {  	[tilespmem:s4], [sflag:$0x5] =	stream.linear.gather [hbm4b:s28+s4], $0x80, $0x38;
	[tilespmem:$0x1CC00] =	vst v63  }
0x171: {  	s9 =	sadd.s32 s6, s9  }
0x172: {  	[tilespmem:s1], [sflag:$0x8] =	stream.linear.gather [hbm4b:s9+s4], $0x80, $0x38;
	[tilespmem:$0x1CC00] =	vst v63  }
0x173: {  	_ =	swait.ge [sflag:s19], $0x4000  }
0x174: {  	[sflag:s19] =	ssyncset.done $0x0  }
0x175: {  	[sflag:s19] =	ssyncadd.s32 $0xFFFFC000  }
0x176: {  	[spmem:s3] =	stream.indirect.scatter.add.f32 [tilespmem:s16], [sflag:$0x4], $0x80, s18, s10, $0xb8;
	[tilespmem:$0x1CC00] =	vst v63  }
0x177: {  	_ =	swait.ge [sflag:s20], $0x4000  }
0x178: {  	[sflag:s20] =	ssyncset.done $0x0  }
0x179: {  	[sflag:s20] =	ssyncadd.s32 $0xFFFFC000  }
0x17a: {  	_ =	swait.ge [sflag:s7], $0x80  }
0x17b: {  	[sflag:s7] =	ssyncset.done $0x0  }
0x17c: {  	p0 =	sne.s32 s25, $0x420;
	[sflag:s7] =	ssyncadd.s32 $0xFFFFFF80  }
0x17d: {  	p1 =	slt.s32 s31, $0x4E180;
	s9 =	smov.u32 s31;
	_ =	swait.ge [sflag:s8], $0x80  }
.Ltmp0:
0x17e: {  	s9 =	simm.s32 @!p1 $0x4E180;
	[sflag:s8] =	ssyncset.done $0x0;
	(pc) =	sbr.rel @p0 .LBB2_2-.Ltmp0, $4  }
0x17f: {  	s9 =	sshrl.u32 s9, $0x3;
	[sflag:s8] =	ssyncadd.s32 $0xFFFFFF80  }
0x180: {  	[tilespmem:s11], [sflag:$0x1] =	stream.indirect.gather [hbm4b:s2+s10], $0x80, s4, s10, $0xb8;
	[tilespmem:$0x1CC00] =	vst v63  }
0x181: {  	s25 =	sadd.s32 $0x60, s25;
	s28 =	sadd.s32 s5, s9;
	s29 =	sadd.s32 s6, s9  }
0x182: {  	[tilespmem:s10], [sflag:$0x6] =	stream.linear.gather [hbm4b:s28+s4], $0x80, $0x38;
	[tilespmem:$0x1CC00] =	vst v63  }
0x183: {  	[tilespmem:s12], [sflag:$0x9] =	stream.linear.gather [hbm4b:s29+s4], $0x80, $0x38;
	[tilespmem:$0x1CC00] =	vst v63  }
0x184: {  	_ =	swait.ge [sflag:s13], $0x4000  }
0x185: {  	[sflag:s13] =	ssyncset.done $0x0  }
0x186: {  	[sflag:s13] =	ssyncadd.s32 $0xFFFFC000  }
0x187: {  	_ =	swait.ge [sflag:s23], $0x4000  }
0x188: {  	[sflag:s23] =	ssyncset.done $0x0  }
0x189: {  	[sflag:s23] =	ssyncadd.s32 $0xFFFFC000  }
0x18a: {  	_ =	swait.ge [sflag:s14], $0x80  }
0x18b: {  	[sflag:s14] =	ssyncset.done $0x0  }
0x18c: {  	[sflag:s14] =	ssyncadd.s32 $0xFFFFFF80  }
0x18d: {  	_ =	swait.ge [sflag:s15], $0x80  }
0x18e: {  	[sflag:s15] =	ssyncset.done $0x0  }
0x18f: {  	s25 =	simm.s32 $0x8300;
	s9 =	rddreg [dreg:$0x1f];
	[sflag:s15] =	ssyncadd.s32 $0xFFFFFF80  }
0x190: {  	[tilespmem:s25], [sflag:$0xC] =	stream.linear.gather [hbm4b:s9+s4], $0x10, $0x38;
	[tilespmem:$0x1CC00] =	vst v63  }
0x191: {  	_ =	swait.ge [sflag:s0], $0x10  }
0x192: {  	s29 =	sld [smem:$0x7FB]  }
0x193: {  	[sflag:s0] =	ssyncset.done $0x0  }
0x194: {  	s28 =	simm.s32 $0x8380;
	[sflag:s0] =	ssyncadd.s32 $0xFFFFFFF0  }
0x195: {  	[tilespmem:s28], [sflag:$0xC] =	stream.linear.gather [hbm4b:s29+s4], $0x10, $0x38;
	[tilespmem:$0x1CC00] =	vst v63  }
0x196: {  	_ =	swait.ge [sflag:s0], $0x10  }
0x197: {  	s31 =	simm.s32 $0xB;
	[sflag:s0] =	ssyncset.done $0x0  }
0x198: {  	s9 =	simm.s32 $0x10;
	s29 =	simm.s32 $0x8400;
	[sflag:s0] =	ssyncadd.s32 $0xFFFFFFF0  }
0x199: {  	[tilespmem:s29], [sflag:$0xB] =	stream.indirect.gather [hbm4b:s2+s9], $0x80, s25, s9, $0xb8;
	[tilespmem:$0x1CC00] =	vst v63  }
0x19a: {  	_ =	swait.ge [sflag:s31], $0x800  }
0x19b: {  	[sflag:s31] =	ssyncset.done $0x0  }
0x19c: {  	[sflag:s31] =	ssyncadd.s32 $0xFFFFF800  }
0x19d: {  	[spmem:s3] =	stream.indirect.scatter.add.f32 [tilespmem:s29], [sflag:$0xC], $0x80, s28, s9, $0xb8;
	[tilespmem:$0x1CC00] =	vst v63  }
0x19e: {  	_ =	swait.ge [sflag:s0], $0x800  }
0x19f: {  	[sflag:s0] =	ssyncset.done $0x0  }
0x1a0: {  	[sflag:s0] =	ssyncadd.s32 $0xFFFFF800  }
0x1a1: {  	[bflag:$0x0] =	sbarrier.arrive $0xFFFF  }
0x1a2: {  	s29 =	sld [smem:$0x7FC];
	_ =	sdelay $0x1  }
0x1a3: {  	s25 =	rddreg [dreg:$0xe]  }
0x1a4: {  	[hbm:s29], [sflag:s25] =	dma.local [spmem:s24], $0x2800  }
0x1a5: {  	_ =	swait.ge [sflag:s0], $0x2800  }
0x1a6: {  	s31 =	sld [smem:$0x7FD];
	_ =	sdelay $0x1  }
0x1a7: {  	s30 =	sadd.s32 $0x1, s30  }
0x1a8: {  	p0 =	sne.s32 s30, s31  }
.Ltmp1:
0x1a9: {  	_ = 	snop;
	(pc) =	sbr.rel @p0 .LBB2_1-.Ltmp1, $3  }
0x1aa: {  	_ =	sdelay $0x1  }
0x1ab: {  	[sflag:s0] =	ssyncset.done $0x0  }
0x1ac: {  	[sflag:s0] =	ssyncadd.s32 $0xFFFFD800  }
0x1ad: {  	_ =	sfence.sel $0x180000  }
0x1ae: {  	[bflag:$0x0] =	sbarrier.arrive $0xFFFF  }
0x1af: {  	_ =	strace $0x9000004A  }
0x1b0: {  	s0 =	stileid.u32;
	[bflag:$0x2] =	sbarrier.arrive $0xFFFF  }
0x1b1: {  	p0 =	sne.s32 s0, $0x0;
	s0 =	rddreg [dreg:$0x3]  }
0x1b2: {  	s0 =	sadd.s32 @!p0 $0x100000, s0  }
0x1b3: {  	[sflag:s0] =	ssyncadd.tile.s32 @!p0 $0x1;
	_ =	shalt  }
.Lfunc_end2:
_tile_overlayer_lowered:
.L_overlay_start_2:
0x1b4: {  	(tag) =	ssettag $0x2  }
0x1b5: {  	s0 =	rddreg [dreg:$0x0];
	s2 =	stileid.u32  }
0x1b6: {  	s1 =	rddreg [dreg:$0x1];
	p0 =	sne.s32 s2, $0x0  }
0x1b7: {  	s3 =	rddreg [dreg:$0x2];
	[bflag:$0x3] =	sbarrier.arrive $0xFFFF;
	s2 =	simm.s32 @!p0 $0x1C0C  }
0x1b8: {  	[timem:s3], [sflag:s2] =	dma.local @!p0 [hbm:s0], s1  }
0x1b9: {  	s0 =	simm.s32 @!p0 $0xC  }
0x1ba: {  	_ =	swait.ge @!p0 [sflag:s0], s1  }
0x1bb: {  	s1 =	ssub.s32 @!p0 $0x0, s1;
	[sflag:s0] =	ssyncset.done @!p0 $0x0  }
0x1bc: {  	[sflag:s0] =	ssyncadd.s32 @!p0 s1  }
0x1bd: {  	[bflag:$0x3] =	sbarrier.arrive $0xFFFF  }
0x1be: {  	_ =	shalt  }

// kernel: kernel.8.cloned.1.call-start
scs
__scs_entry_jumppad:
0x0: {  	(pc) =	sbr.rel $0x88, $3  }
0x1: {  	(tag) =	ssettag $0x0;
	lr =	simm.s32 $0x1  }
0x2: {  	[smem:$0x3F99] =	sst lr;
	_ =	strace $0xD0000000  }
0x3: {  	_ = 	snop  }
0x4: {  	_ = 	snop  }
0x5: {  	_ = 	snop  }
0x6: {  	_ = 	snop  }
0x7: {  	_ = 	snop  }
__scs_overlays_trampoline_lowered:
0x8: {  	[smem:$0x3FA8] =	sst s0  }
0x9: {  	[smem:$0x3FA9] =	sst s1  }
0xa: {  	[smem:$0x3FAA] =	sst s2  }
0xb: {  	[smem:$0x3FAB] =	sst s3  }
0xc: {  	[smem:$0x3FAC] =	sst s4  }
0xd: {  	[smem:$0x3FAD] =	sst s5  }
0xe: {  	[smem:$0x3FAE] =	sst s6  }
0xf: {  	[smem:$0x3FAF] =	sst s7  }
0x10: {  	[smem:$0x3FB0] =	sst s8  }
0x11: {  	[smem:$0x3FB1] =	sst s9;
	s0 =	simm.s32 @!p0 $0x0  }
0x12: {  	s1 =	sld [smem:$0x3F97];
	s0 =	simm.s32 @p0 $0x1  }
0x13: {  	[smem:$0x3FB2] =	sst s0;
	s0 =	simm.s32 @!p1 $0x0  }
0x14: {  	s2 =	sld [smem:$0x3F96];
	s0 =	simm.s32 @p1 $0x1  }
0x15: {  	[smem:$0x3FB3] =	sst s0;
	s0 =	simm.s32 @!p2 $0x0  }
0x16: {  	s3 =	sld [smem:$0x3FDB];
	s0 =	simm.s32 @p2 $0x1  }
0x17: {  	s4 =	simm.s32 $0x1BF5;
	[smem:$0x3FB5] =	sst s0  }
0x18: {  	s0 =	sld [smem:$0x3F98];
	_ =	swait.ge [sflag:s4], $0x0  }
0x19: {  	s7 =	sld [smem:$0x3F99]  }
0x1a: {  	s8 =	sadd.s32 $0xFFFFE003, lr  }
0x1b: {  	s9 =	sadd.s32 $0xFFFFFEF7, lr;
	s5 =	simm.s32 $0xFFFFFFFF;
	p2 =	slt.u32 s8, $0xFFFFF086  }
0x1c: {  	p1 =	slt.u32 s9, $0xF7A;
	s5 =	simm.s32 @!p2 $0x0  }
0x1d: {  	s5 =	simm.s32 @p1 $0x1;
	p0 =	seq.s32 s7, s2  }
0x1e: {  	s7 =	smul.u32 @!p0 $0xF7A, s2;
	p2 =	seq.s32 @!p0 s5, $0x0  }
0x1f: {  	s9 =	smul.u32 $0xF7A, s1;
	s8 =	simm.s32 @!p0 $0x1BF5;
	p2 =	por !p2, p0  }
0x20: {  	[sflag:s8] =	ssyncset.s32 @!p0 $0xFFFFF086;
	s6 =	sadd.s32 @!p0 s3, s7;
	s7 =	simm.s32 @!p0 $0x108  }
0x21: {  	s3 =	sadd.s32 s3, s9;
	s6 =	sadd.s32 @!p0 $0x88, s6;
	s7 =	simm.s32 @p2 $0x1082  }
0x22: {  	[simem:s7], [sflag:s8] =	dma.local @!p0 [hbm:s6], $0xF7A  }
0x23: {  	s9 =	sor.u32 $0xD0000000, s2;
	s6 =	simm.s32 $0x108;
	_ =	swait.ge @!p0 [sflag:s8], $0x0  }
0x24: {  	s3 =	sadd.s32 $0x88, s3;
	s6 =	simm.s32 @!p1 $0x1082;
	[sflag:s4] =	ssyncset.s32 $0xFFFFF086  }
0x25: {  	[simem:s6], [sflag:s4] =	dma.local [hbm:s3], $0xF7A  }
0x26: {  	[smem:$0x3F99] =	sst s1;
	(tag) =	ssettag s2;
	_ =	strace s9  }
0x27: {  	s1 =	sld [smem:$0x3FA9]  }
0x28: {  	s2 =	sld [smem:$0x3FAA]  }
0x29: {  	s4 =	sld [smem:$0x3FAC]  }
0x2a: {  	p0 =	seq.s32 s5, $0x0;
	s5 =	sld [smem:$0x3FAD]  }
0x2b: {  	s6 =	sld [smem:$0x3FAE]  }
0x2c: {  	s7 =	sld [smem:$0x3FAF]  }
0x2d: {  	s3 =	simm.s32 $0x108;
	s8 =	sld [smem:$0x3FB0]  }
0x2e: {  	s3 =	simm.s32 @!p0 $0x1082;
	s9 =	sld [smem:$0x3FB1]  }
0x2f: {  	lr =	sadd.s32 s0, s3;
	s0 =	sld [smem:$0x3FA8]  }
0x30: {  	s3 =	sld [smem:$0x3FAB]  }
0x31: {  	[smem:$0x3FB4] =	sst s10  }
0x32: {  	s10 =	sld [smem:$0x3FB2];
	_ =	sdelay $0x3  }
0x33: {  	p0 =	seq.s32 s10, $0x1;
	s10 =	sld [smem:$0x3FB4];
	_ =	sdelay $0x3  }
0x34: {  	[smem:$0x3FB4] =	sst s10  }
0x35: {  	s10 =	sld [smem:$0x3FB3];
	_ =	sdelay $0x3  }
0x36: {  	p1 =	seq.s32 s10, $0x1;
	s10 =	sld [smem:$0x3FB4];
	_ =	sdelay $0x3  }
0x37: {  	[smem:$0x3FB4] =	sst s10  }
0x38: {  	s10 =	sld [smem:$0x3FB5]  }
0x39: {  	_ = 	snop;
	(pc) =	sbr.ind lr, $3  }
0x3a: {  	_ = 	snop  }
0x3b: {  	_ = 	snop  }
0x3c: {  	p2 =	seq.s32 s10, $0x1;
	s10 =	sld [smem:$0x3FB4]  }
0x3d: {  	_ =	shalt  }
0x3e: {  	_ =	shalt  }
0x3f: {  	_ =	shalt  }
0x40: {  	_ =	shalt  }
0x41: {  	_ =	shalt  }
0x42: {  	_ =	shalt  }
0x43: {  	_ =	shalt  }
0x44: {  	_ =	shalt  }
0x45: {  	_ =	shalt  }
0x46: {  	_ =	shalt  }
0x47: {  	_ =	shalt  }
0x48: {  	_ =	shalt  }
0x49: {  	_ =	shalt  }
0x4a: {  	_ =	shalt  }
0x4b: {  	_ =	shalt  }
0x4c: {  	_ =	shalt  }
0x4d: {  	_ =	shalt  }
0x4e: {  	_ =	shalt  }
0x4f: {  	_ =	shalt  }
0x50: {  	_ =	shalt  }
0x51: {  	_ =	shalt  }
0x52: {  	_ =	shalt  }
0x53: {  	_ =	shalt  }
0x54: {  	_ =	shalt  }
0x55: {  	_ =	shalt  }
0x56: {  	_ =	shalt  }
0x57: {  	_ =	shalt  }
0x58: {  	_ =	shalt  }
0x59: {  	_ =	shalt  }
0x5a: {  	_ =	shalt  }
0x5b: {  	_ =	shalt  }
0x5c: {  	_ =	shalt  }
0x5d: {  	_ =	shalt  }
0x5e: {  	_ =	shalt  }
0x5f: {  	_ =	shalt  }
0x60: {  	_ =	shalt  }
0x61: {  	_ =	shalt  }
0x62: {  	_ =	shalt  }
0x63: {  	_ =	shalt  }
0x64: {  	_ =	shalt  }
0x65: {  	_ =	shalt  }
0x66: {  	_ =	shalt  }
0x67: {  	_ =	shalt  }
0x68: {  	_ =	shalt  }
0x69: {  	_ =	shalt  }
0x6a: {  	_ =	shalt  }
0x6b: {  	_ =	shalt  }
0x6c: {  	_ =	shalt  }
0x6d: {  	_ =	shalt  }
0x6e: {  	_ =	shalt  }
0x6f: {  	_ =	shalt  }
0x70: {  	_ =	shalt  }
0x71: {  	_ =	shalt  }
0x72: {  	_ =	shalt  }
0x73: {  	_ =	shalt  }
0x74: {  	_ =	shalt  }
0x75: {  	_ =	shalt  }
0x76: {  	_ =	shalt  }
0x77: {  	_ =	shalt  }
0x78: {  	_ =	shalt  }
0x79: {  	_ =	shalt  }
0x7a: {  	_ =	shalt  }
0x7b: {  	_ =	shalt  }
0x7c: {  	_ =	shalt  }
0x7d: {  	_ =	shalt  }
0x7e: {  	_ =	shalt  }
0x7f: {  	_ =	shalt  }
0x80: {  	_ =	shalt  }
0x81: {  	_ =	shalt  }
0x82: {  	_ =	shalt  }
0x83: {  	_ =	shalt  }
0x84: {  	_ =	shalt  }
0x85: {  	_ =	shalt  }
0x86: {  	_ =	shalt  }
0x87: {  	_ =	shalt  }
.Lfunc_end0:
.L_simem_size_0:
called_computation_lowered:
.L_overlay_start_0:
0x88: {  	s2 =	sld [smem:$0x3FD9]  }
0x89: {  	s3 =	sld [smem:$0x3FFE];
	_ =	sdelay $0x1  }
0x8a: {  	s1 =	srdreg.scid  }
0x8b: {  	s0 =	sand.u32 $0x1, s1  }
0x8c: {  	s17 =	sshll.u32 s0, $0xA;
	s2 =	sadd.s32 s3, s2  }
0x8d: {  	s2 =	sadd.s32 s2, s17  }
0x8e: {  	[smem:$0x3FC0] =	sst s2  }
0x8f: {  	_ = 	snop  }
0x90: {  	s2 =	sld [smem:$0x3FC9];
	(tm) =	ssettm $0x1  }
0x91: {  	s18 =	sld [smem:$0x3FFB];
	_ =	sdelay $0x3  }
0x92: {  	_ =	strace s18  }
0x93: {  	s3 =	sld [smem:$0x3FFC];
	_ =	sdelay $0x3  }
0x94: {  	_ =	strace s3  }
0x95: {  	s3 =	sld [smem:$0x3FFD];
	_ =	sdelay $0x3  }
0x96: {  	_ =	strace s3  }
0x97: {  	_ =	strace $0x8FFFFFFF  }
0x98: {  	s19 =	sld [smem:$0x3FDB];
	_ =	sdelay $0x1  }
0x99: {  	s4 =	simm.s32 $_scs_section_size  }
0x9a: {  	s5 =	simm.s32 $_size__tile_overlayer_lowered;
	s6 =	simm.s32 $_tile_overlayer_lowered  }
0x9b: {  	s22 =	simm.s32 $0x1BFF;
	s21 =	sshll.u32 s6, $0x1;
	s3 =	sadd.s32 s4, s19  }
0x9c: {  	s7 =	simm.s32 $0x0;
	s20 =	sshll.u32 s5, $0x1;
	s5 =	sadd.s32 s21, s3  }
0x9d: {  	[timem:s7], [sflag:s22] =	dma.local [hbm:s5], s20  }
0x9e: {  	_ =	swait.ge [sflag:s22], s20  }
0x9f: {  	s4 =	ssub.s32 $0x0, s20;
	[sflag:s22] =	ssyncset.done $0x0  }
0xa0: {  	[sflag:s22] =	ssyncadd.s32 s4;
	_ =	sdelay $0x1  }
0xa1: {  	s23 =	simm.s32 $0x1B8B  }
0xa2: {  	_ =	swait.ge [sflag:s23], $0x1  }
0xa3: {  	[sflag:s23] =	ssyncset.done $0x0  }
0xa4: {  	s25 =	simm.s32 $0x1B8E;
	s24 =	sld [smem:$0x3FFE];
	[sflag:s23] =	ssyncadd.s32 $0xFFFFFFFF  }
0xa5: {  	s26 =	simm.s32 $execute0_lowered;
	[smem:$0x3FD2] =	sst s25  }
0xa6: {  	s5 =	sshll.u32 s26, $0x1;
	_ =	strace $0x80000046;
	[dreg:$0x1] =	wrdreg $0xFFFFFFFF  }
0xa7: {  	s28 =	simm.s32 $_size_execute0_lowered;
	s3 =	sadd.s32 s3, s5;
	[dreg:$0x0] =	wrdreg $0x0  }
0xa8: {  	s5 =	sshll.u32 s28, $0x1;
	[dreg:$0x2] =	wrdreg s3  }
0xa9: {  	[dreg:$0x3] =	wrdreg s5  }
0xaa: {  	[dreg:$0x4] =	wrdreg $0xC0  }
0xab: {  	_ =	task [dreg:s7], $0x5FFFF  }
0xac: {  	[dreg:$0x1] =	wrdreg $0xFFFFFFFF  }
0xad: {  	[dreg:$0x0] =	wrdreg $0x60  }
0xae: {  	[dreg:$0x2] =	wrdreg s2  }
0xaf: {  	[dreg:$0x3] =	wrdreg s24  }
0xb0: {  	[dreg:$0x4] =	wrdreg $0x8C000  }
0xb1: {  	[dreg:$0x5] =	wrdreg $0x9  }
0xb2: {  	_ =	task.clear_ibuf [dreg:s7], $0x6FFFF;
	_ =	strace $0x90000046  }
0xb3: {  	s29 =	simm.s32 $0x9;
	_ =	strace $0x80000048  }
0xb4: {  	_ =	swait.ge [sflag:s29], $0x1  }
0xb5: {  	[sflag:s29] =	ssyncadd.s32 $0xFFFFFFFF  }
0xb6: {  	_ =	strace $0x90000048  }
0xb7: {  	_ =	sfence  }
0xb8: {  	s30 =	sld [smem:$0x0];
	_ =	sdelay $0x2  }
0xb9: {  	s31 =	sshll.u32 s1, $0xD;
	s1 =	sshrl.u32 s1, $0x2  }
0xba: {  	s3 =	sand.u32 $0x4000, s31;
	s1 =	sadd.s32 s1, s30  }
0xbb: {  	s0 =	sor.u32 s3, s0;
	s1 =	sshll.u32 s1, $0x11  }
0xbc: {  	s0 =	sor.u32 s1, s0  }
0xbd: {  	s0 =	sadd.s32 $0x8F2B, s0  }
0xbe: {  	[sflag:s0] =	ssyncadd.remote.s32 $0x1  }
0xbf: {  	_ =	sfence.sel $0xFFFF  }
0xc0: {  	[dreg:$0x0] =	wrdreg $0xFFFFFFFF;
	(pc) =	sbr.abs _section_cstart, $3  }
0xc1: {  	[dreg:$0x1] =	wrdreg $0xFFFFFFFF  }
0xc2: {  	_ =	task.clear_ibuf [dreg:s7], $0x2FFFF;
	_ =	strace $0x9FFFFFFF  }
0xc3: {  	(tm) =	ssettm $0x7FFFFFFF  }
tec
execute0_lowered:
.L_overlay_start_1:
0x0: {  	(tag) =	ssettag $0x1  }
0x1: {  	s1 =	rddreg [dreg:$0x0]  }
0x2: {  	s4 =	rddreg [dreg:$0x1]  }
0x3: {  	s2 =	rddreg [dreg:$0x2];
	s14 =	stileid.u32  }
0x4: {  	s3 =	simm.s32 $0x0;
	s0 =	srdreg.scid;
	s7 =	smul.u32 $0x14000, s14  }
0x5: {  	[smem:$0x7FF] =	sst s3;
	s5 =	sadd.s32 $0xC200, s4;
	s20 =	smul.u32 $0x50000, s14  }
0x6: {  	s6 =	sadd.s32 $0x2400, s4;
	s8 =	sand.u32 $0x1, s0;
	s25 =	smul.u32 $0x4E20, s14  }
0x7: {  	s17 =	sshll.u32 s14, $0x1;
	s18 =	sshrl.u32 s14, $0x2;
	s9 =	smul.u32 $0x140000, s8  }
0x8: {  	s26 =	sshll.u32 s14, $0x6;
	_ =	strace $0x80000047;
	s0 =	smul.u32 $0x14000, s18  }
0x9: {  	s10 =	sor.u32 s8, s17;
	s22 =	ssub.s32 $0x2, s8;
	s8 =	smul.u32 $0x2710, s8  }
0xa: {  	s11 =	sshrl.u32 s7, $0x3;
	s12 =	sshll.u32 s10, $0x7;
	s13 =	sshrl.u32 s22, $0x1  }
0xb: {  	s10 =	smul.u32 $0x2710, s10;
	s11 =	sadd.s32 s11, s4;
	s7 =	sadd.s32 s7, s9  }
0xc: {  	s19 =	sand.u32 $0x380, s12;
	s12 =	sshrl.u32 s20, $0x2;
	s8 =	sadd.s32 s8, s25  }
0xd: {  	s7 =	sshrl.u32 s7, $0x3;
	s9 =	sor.u32 s0, s19;
	s23 =	sadd.s32 s12, s2  }
0xe: {  	s24 =	sadd.s32 $0x16000, s11;
	s10 =	sshrl.u32 s10, $0x3;
	s15 =	sadd.s32 $0x580, s8  }
0xf: {  	s20 =	sadd.s32 $0x500, s8;
	s0 =	sadd.s32 s7, s4;
	[dreg:$0xc] =	wrdreg s23  }
0x10: {  	s21 =	sshrl.u32 s9, $0x3;
	s7 =	ssub.s32 s22, s13;
	[dreg:$0xd] =	wrdreg s24  }
0x11: {  	s28 =	sadd.s32 $0x10, s10;
	s9 =	sor.u32 $0x1C0C, s26;
	s30 =	sadd.s32 $0x20, s10  }
0x12: {  	s14 =	sadd.s32 $0x30, s10;
	s17 =	sshrl.u32 s15, $0x3;
	s29 =	sadd.s32 s5, s28  }
0x13: {  	s18 =	sadd.s32 $0x40, s10;
	s12 =	sadd.s32 s6, s28;
	[dreg:$0xe] =	wrdreg s29  }
0x14: {  	s23 =	sadd.s32 $0x480, s8;
	s31 =	sadd.s32 s5, s30;
	[dreg:$0xf] =	wrdreg s12  }
0x15: {  	s4 =	sadd.s32 s21, s4;
	s13 =	sadd.s32 s6, s30;
	[dreg:$0x10] =	wrdreg s31  }
0x16: {  	s16 =	sadd.s32 s5, s14;
	s11 =	sadd.s32 s6, s14;
	[dreg:$0x11] =	wrdreg s13  }
0x17: {  	s19 =	sadd.s32 s17, s6;
	s21 =	sshrl.u32 s20, $0x3;
	[dreg:$0x12] =	wrdreg s16  }
0x18: {  	s25 =	sshrl.u32 s23, $0x3;
	s28 =	sadd.s32 $0x400, s8;
	[dreg:$0x13] =	wrdreg s11  }
0x19: {  	s23 =	sadd.s32 s5, s10;
	s0 =	sadd.s32 $0x3E000, s0;
	[dreg:$0x4] =	wrdreg s19  }
0x1a: {  	s14 =	simm.s32 $0x1;
	s11 =	sadd.s32 s17, s5;
	[dreg:$0x1a] =	wrdreg s23  }
0x1b: {  	s22 =	sadd.s32 s21, s6;
	s24 =	sadd.s32 s21, s5;
	[smem:$0x7FA] =	sst s0  }
0x1c: {  	s26 =	sadd.s32 s25, s6;
	s29 =	sadd.s32 s25, s5;
	[dreg:$0x5] =	wrdreg s11  }
0x1d: {  	s30 =	sshrl.u32 s28, $0x3;
	s31 =	sadd.s32 s5, s18;
	[dreg:$0x6] =	wrdreg s22  }
0x1e: {  	s12 =	sadd.s32 s6, s18;
	s17 =	sadd.s32 $0x50, s10;
	[dreg:$0x7] =	wrdreg s24  }
0x1f: {  	s18 =	sadd.s32 $0x60, s10;
	s25 =	sadd.s32 s6, s10;
	[dreg:$0x8] =	wrdreg s26  }
0x20: {  	s13 =	simm.s32 $0x200;
	s23 =	simm.s32 $0x7;
	[dreg:$0x14] =	wrdreg s31  }
0x21: {  	s0 =	simm.s32 $0x0;
	[dreg:$0x9] =	wrdreg s29;
	s15 =	sadd.s32 s30, s6  }
0x22: {  	[dreg:$0x15] =	wrdreg s12;
	s16 =	sadd.s32 s30, s5;
	s19 =	sadd.s32 s5, s17  }
0x23: {  	s20 =	sadd.s32 s6, s17;
	s21 =	sadd.s32 s5, s18;
	[dreg:$0x1b] =	wrdreg s25  }
0x24: {  	s22 =	sadd.s32 s6, s18;
	s24 =	sadd.s32 $0x70, s10;
	[dreg:$0xa] =	wrdreg s15  }
0x25: {  	s10 =	sadd.s32 $0x4E0, s10;
	s29 =	sadd.s32 $0x8E000, s4;
	[dreg:$0xb] =	wrdreg s16  }
0x26: {  	s30 =	smax.u32 s7, $0x1;
	s31 =	sadd.s32 $0x680, s8;
	[dreg:$0x16] =	wrdreg s19  }
0x27: {  	s4 =	simm.s32 $0xC;
	s7 =	simm.s32 $0x180;
	[dreg:$0x17] =	wrdreg s20  }
0x28: {  	s8 =	simm.s32 $0x5;
	s12 =	simm.s32 $0x300;
	[dreg:$0x18] =	wrdreg s21  }
0x29: {  	s17 =	simm.s32 $0x4300;
	s18 =	simm.s32 $0x1CC00;
	[dreg:$0x19] =	wrdreg s22  }
0x2a: {  	s25 =	simm.s32 $0x4;
	s26 =	sadd.s32 s5, s24;
	[smem:$0x7FB] =	sst s29  }
0x2b: {  	s11 =	sadd.s32 s6, s24;
	s28 =	sadd.s32 s5, s10;
	[smem:$0x7FC] =	sst s30  }
0x2c: {  	s10 =	sadd.s32 s6, s10;
	[smem:$0x7FD] =	sst s31;
	s15 =	simm.s32 $0x6  }
0x2d: {  	s16 =	simm.s32 $0x9;
	s19 =	simm.s32 $0x100;
	[dreg:$0x1c] =	wrdreg s26  }
0x2e: {  	s20 =	simm.s32 $0x280;
	s21 =	simm.s32 $0x2;
	[dreg:$0x1d] =	wrdreg s11  }
0x2f: {  	s22 =	simm.s32 $0x3;
	s24 =	simm.s32 $0xA;
	[dreg:$0x1e] =	wrdreg s28  }
0x30: {  	v0 =	vimm.f32 $0.0e+00;
	v1 =	vimm.f32 $1.000000000e+00;
	[dreg:$0x1f] =	wrdreg s10;
	s10 =	simm.s32 $0x8;
	s11 =	simm.s32 $0x80  }
.LBB2_1:
0x31: {  	s26 =	rddreg [dreg:$0xc]  }
0x32: {  	s28 =	rddreg [dreg:$0xd];
	s26 =	sshrl.u32 s26, $0x3  }
0x33: {  	[spmem:s26], [sflag:s9] =	dma.local [hbm:s28], $0x2800  }
0x34: {  	_ =	swait.ge [sflag:s4], $0x2800  }
0x35: {  	[sflag:s4] =	ssyncset.done $0x0  }
0x36: {  	s29 =	simm.s32 $0x0;
	s28 =	simm.s32 $0x40;
	[sflag:s4] =	ssyncadd.s32 $0xFFFFD800  }
.LBB2_2:
0x37: {  	p0 =	sne.s32 s28, $0x9FC0;
	[tilespmem:s29+$0x1CC00] =	vst v0;
	s29 =	smov.u32 s28;
	s28 =	sadd.s32 $0x40, s28  }
.Ltmp0:
0x38: {  	(pc) =	sbr.rel @p0 .LBB2_2-.Ltmp0, $2  }
0x39: {  	_ =	sdelay $0x2  }
0x3a: {  	s29 =	sshra.s32 s29, $0x2  }
0x3b: {  	[tilespmem:s29+$0x1CC00] =	vst v0  }
0x3c: {  	[bflag:$0x0] =	sbarrier.arrive $0xFFFF  }
0x3d: {  	s28 =	simm.s32 $0x0;
	s29 =	rddreg [dreg:$0x1a]  }
0x3e: {  	[tilespmem:s28], [sflag:$0x5] =	stream.linear.gather [hbm4b:s29+s28], $0x80, $0x38;
	[tilespmem:$0x1F400] =	vst v63  }
0x3f: {  	s29 =	rddreg [dreg:$0x1b]  }
0x40: {  	[tilespmem:s7], [sflag:$0x8] =	stream.linear.gather [hbm4b:s29+s28], $0x80, $0x38;
	[tilespmem:$0x1F400] =	vst v63  }
0x41: {  	_ =	swait.ge [sflag:s8], $0x80  }
0x42: {  	[sflag:s8] =	ssyncset.done $0x0  }
0x43: {  	[sflag:s8] =	ssyncadd.s32 $0xFFFFFF80  }
0x44: {  	_ =	swait.ge [sflag:s10], $0x80  }
0x45: {  	[sflag:s10] =	ssyncset.done $0x0  }
0x46: {  	[sflag:s10] =	ssyncadd.s32 $0xFFFFFF80  }
0x47: {  	[tilespmem:s12], [sflag:$0x1] =	stream.indirect.gather [hbm4b:s1+s11], $0x80, s28, s11, $0xb8;
	[tilespmem:$0x1F400] =	vst v63  }
0x48: {  	s29 =	rddreg [dreg:$0xe]  }
0x49: {  	[tilespmem:s11], [sflag:$0x6] =	stream.linear.gather [hbm4b:s29+s28], $0x80, $0x38;
	[tilespmem:$0x1F400] =	vst v63  }
0x4a: {  	s29 =	rddreg [dreg:$0xf]  }
0x4b: {  	[tilespmem:s13], [sflag:$0x9] =	stream.linear.gather [hbm4b:s29+s28], $0x80, $0x38;
	[tilespmem:$0x1F400] =	vst v63  }
0x4c: {  	_ =	swait.ge [sflag:s14], $0x4000  }
0x4d: {  	[sflag:s14] =	ssyncset.done $0x0  }
0x4e: {  	[sflag:s14] =	ssyncadd.s32 $0xFFFFC000  }
0x4f: {  	[spmem:s2] =	stream.indirect.scatter.add.f32 [tilespmem:s12], [sflag:$0x3], $0x80, s7, s11, $0xb8;
	[tilespmem:$0x1F400] =	vst v63  }
0x50: {  	_ =	swait.ge [sflag:s15], $0x80  }
0x51: {  	[sflag:s15] =	ssyncset.done $0x0  }
0x52: {  	[sflag:s15] =	ssyncadd.s32 $0xFFFFFF80  }
0x53: {  	_ =	swait.ge [sflag:s16], $0x80  }
0x54: {  	[sflag:s16] =	ssyncset.done $0x0  }
0x55: {  	[sflag:s16] =	ssyncadd.s32 $0xFFFFFF80  }
0x56: {  	[tilespmem:s17], [sflag:$0x2] =	stream.indirect.gather [hbm4b:s1+s11], $0x80, s11, s11, $0xb8;
	[tilespmem:$0x1F400] =	vst v63  }
0x57: {  	v2 =	vld [tilespmem:$0x180];
	_ =	sdelay $0x7  }
0x58: {  	[tilespmem:v2+s18+$0x0] =	vst.idx.add.f32.msk $0xffff, v1  }
0x59: {  	v2 =	vld [tilespmem:$0x190];
	_ =	sdelay $0x7  }
0x5a: {  	[tilespmem:v2+s18+$0x0] =	vst.idx.add.f32.msk $0xffff, v1  }
0x5b: {  	v2 =	vld [tilespmem:$0x1A0];
	_ =	sdelay $0x7  }
0x5c: {  	[tilespmem:v2+s18+$0x0] =	vst.idx.add.f32.msk $0xffff, v1  }
0x5d: {  	v2 =	vld [tilespmem:$0x1B0];
	_ =	sdelay $0x7  }
0x5e: {  	[tilespmem:v2+s18+$0x0] =	vst.idx.add.f32.msk $0xffff, v1  }
0x5f: {  	v2 =	vld [tilespmem:$0x1C0];
	_ =	sdelay $0x7  }
0x60: {  	[tilespmem:v2+s18+$0x0] =	vst.idx.add.f32.msk $0xffff, v1  }
0x61: {  	v2 =	vld [tilespmem:$0x1D0];
	_ =	sdelay $0x7  }
0x62: {  	[tilespmem:v2+s18+$0x0] =	vst.idx.add.f32.msk $0xffff, v1  }
0x63: {  	v2 =	vld [tilespmem:$0x1E0];
	_ =	sdelay $0x7  }
0x64: {  	[tilespmem:v2+s18+$0x0] =	vst.idx.add.f32.msk $0xffff, v1  }
0x65: {  	v2 =	vld [tilespmem:$0x1F0];
	_ =	sdelay $0x7  }
0x66: {  	s29 =	rddreg [dreg:$0x10];
	[tilespmem:v2+s18+$0x0] =	vst.idx.add.f32.msk $0xffff, v1  }
0x67: {  	[tilespmem:s19], [sflag:$0x7] =	stream.linear.gather [hbm4b:s29+s28], $0x80, $0x38;
	[tilespmem:$0x1F400] =	vst v63  }
0x68: {  	s29 =	rddreg [dreg:$0x11]  }
0x69: {  	[tilespmem:s20], [sflag:$0xA] =	stream.linear.gather [hbm4b:s29+s28], $0x80, $0x38;
	[tilespmem:$0x1F400] =	vst v63  }
0x6a: {  	_ =	swait.ge [sflag:s21], $0x4000  }
0x6b: {  	[sflag:s21] =	ssyncset.done $0x0  }
0x6c: {  	[sflag:s21] =	ssyncadd.s32 $0xFFFFC000  }
0x6d: {  	[spmem:s2] =	stream.indirect.scatter.add.f32 [tilespmem:s17], [sflag:$0x4], $0x80, s13, s11, $0xb8;
	[tilespmem:$0x1F400] =	vst v63  }
0x6e: {  	_ =	swait.ge [sflag:s22], $0x4000  }
0x6f: {  	[sflag:s22] =	ssyncset.done $0x0  }
0x70: {  	[sflag:s22] =	ssyncadd.s32 $0xFFFFC000  }
0x71: {  	_ =	swait.ge [sflag:s23], $0x80  }
0x72: {  	[sflag:s23] =	ssyncset.done $0x0  }
0x73: {  	[sflag:s23] =	ssyncadd.s32 $0xFFFFFF80  }
0x74: {  	_ =	swait.ge [sflag:s24], $0x80  }
0x75: {  	[sflag:s24] =	ssyncset.done $0x0  }
0x76: {  	[sflag:s24] =	ssyncadd.s32 $0xFFFFFF80  }
0x77: {  	[tilespmem:s12], [sflag:$0x1] =	stream.indirect.gather [hbm4b:s1+s11], $0x80, s19, s11, $0xb8;
	[tilespmem:$0x1F400] =	vst v63  }
0x78: {  	v2 =	vld [tilespmem:$0x200];
	_ =	sdelay $0x7  }
0x79: {  	[tilespmem:v2+s18+$0x0] =	vst.idx.add.f32.msk $0xffff, v1  }
0x7a: {  	v2 =	vld [tilespmem:$0x210];
	_ =	sdelay $0x7  }
0x7b: {  	[tilespmem:v2+s18+$0x0] =	vst.idx.add.f32.msk $0xffff, v1  }
0x7c: {  	v2 =	vld [tilespmem:$0x220];
	_ =	sdelay $0x7  }
0x7d: {  	[tilespmem:v2+s18+$0x0] =	vst.idx.add.f32.msk $0xffff, v1  }
0x7e: {  	v2 =	vld [tilespmem:$0x230];
	_ =	sdelay $0x7  }
0x7f: {  	[tilespmem:v2+s18+$0x0] =	vst.idx.add.f32.msk $0xffff, v1  }
0x80: {  	v2 =	vld [tilespmem:$0x240];
	_ =	sdelay $0x7  }
0x81: {  	[tilespmem:v2+s18+$0x0] =	vst.idx.add.f32.msk $0xffff, v1  }
0x82: {  	v2 =	vld [tilespmem:$0x250];
	_ =	sdelay $0x7  }
0x83: {  	[tilespmem:v2+s18+$0x0] =	vst.idx.add.f32.msk $0xffff, v1  }
0x84: {  	v2 =	vld [tilespmem:$0x260];
	_ =	sdelay $0x7  }
0x85: {  	[tilespmem:v2+s18+$0x0] =	vst.idx.add.f32.msk $0xffff, v1  }
0x86: {  	v2 =	vld [tilespmem:$0x270];
	_ =	sdelay $0x7  }
0x87: {  	s29 =	rddreg [dreg:$0x12];
	[tilespmem:v2+s18+$0x0] =	vst.idx.add.f32.msk $0xffff, v1  }
0x88: {  	[tilespmem:s28], [sflag:$0x5] =	stream.linear.gather [hbm4b:s29+s28], $0x80, $0x38;
	[tilespmem:$0x1F400] =	vst v63  }
0x89: {  	s29 =	rddreg [dreg:$0x13]  }
0x8a: {  	[tilespmem:s7], [sflag:$0x8] =	stream.linear.gather [hbm4b:s29+s28], $0x80, $0x38;
	[tilespmem:$0x1F400] =	vst v63  }
0x8b: {  	_ =	swait.ge [sflag:s14], $0x4000  }
0x8c: {  	[sflag:s14] =	ssyncset.done $0x0  }
0x8d: {  	[sflag:s14] =	ssyncadd.s32 $0xFFFFC000  }
0x8e: {  	[spmem:s2] =	stream.indirect.scatter.add.f32 [tilespmem:s12], [sflag:$0x3], $0x80, s20, s11, $0xb8;
	[tilespmem:$0x1F400] =	vst v63  }
0x8f: {  	_ =	swait.ge [sflag:s25], $0x4000  }
0x90: {  	[sflag:s25] =	ssyncset.done $0x0  }
0x91: {  	[sflag:s25] =	ssyncadd.s32 $0xFFFFC000  }
0x92: {  	_ =	swait.ge [sflag:s8], $0x80  }
0x93: {  	[sflag:s8] =	ssyncset.done $0x0  }
0x94: {  	[sflag:s8] =	ssyncadd.s32 $0xFFFFFF80  }
0x95: {  	_ =	swait.ge [sflag:s10], $0x80  }
0x96: {  	[sflag:s10] =	ssyncset.done $0x0  }
0x97: {  	[sflag:s10] =	ssyncadd.s32 $0xFFFFFF80  }
0x98: {  	[tilespmem:s17], [sflag:$0x2] =	stream.indirect.gather [hbm4b:s1+s11], $0x80, s28, s11, $0xb8;
	[tilespmem:$0x1F400] =	vst v63  }
0x99: {  	v2 =	vld [tilespmem:$0x280];
	_ =	sdelay $0x7  }
0x9a: {  	[tilespmem:v2+s18+$0x0] =	vst.idx.add.f32.msk $0xffff, v1  }
0x9b: {  	v2 =	vld [tilespmem:$0x290];
	_ =	sdelay $0x7  }
0x9c: {  	[tilespmem:v2+s18+$0x0] =	vst.idx.add.f32.msk $0xffff, v1  }
0x9d: {  	v2 =	vld [tilespmem:$0x2A0];
	_ =	sdelay $0x7  }
0x9e: {  	[tilespmem:v2+s18+$0x0] =	vst.idx.add.f32.msk $0xffff, v1  }
0x9f: {  	v2 =	vld [tilespmem:$0x2B0];
	_ =	sdelay $0x7  }
0xa0: {  	[tilespmem:v2+s18+$0x0] =	vst.idx.add.f32.msk $0xffff, v1  }
0xa1: {  	v2 =	vld [tilespmem:$0x2C0];
	_ =	sdelay $0x7  }
0xa2: {  	[tilespmem:v2+s18+$0x0] =	vst.idx.add.f32.msk $0xffff, v1  }
0xa3: {  	v2 =	vld [tilespmem:$0x2D0];
	_ =	sdelay $0x7  }
0xa4: {  	[tilespmem:v2+s18+$0x0] =	vst.idx.add.f32.msk $0xffff, v1  }
0xa5: {  	v2 =	vld [tilespmem:$0x2E0];
	_ =	sdelay $0x7  }
0xa6: {  	[tilespmem:v2+s18+$0x0] =	vst.idx.add.f32.msk $0xffff, v1  }
0xa7: {  	v2 =	vld [tilespmem:$0x2F0];
	_ =	sdelay $0x7  }
0xa8: {  	s29 =	rddreg [dreg:$0x14];
	[tilespmem:v2+s18+$0x0] =	vst.idx.add.f32.msk $0xffff, v1  }
0xa9: {  	[tilespmem:s11], [sflag:$0x6] =	stream.linear.gather [hbm4b:s29+s28], $0x80, $0x38;
	[tilespmem:$0x1F400] =	vst v63  }
0xaa: {  	s29 =	rddreg [dreg:$0x15]  }
0xab: {  	[tilespmem:s13], [sflag:$0x9] =	stream.linear.gather [hbm4b:s29+s28], $0x80, $0x38;
	[tilespmem:$0x1F400] =	vst v63  }
0xac: {  	_ =	swait.ge [sflag:s21], $0x4000  }
0xad: {  	[sflag:s21] =	ssyncset.done $0x0  }
0xae: {  	[sflag:s21] =	ssyncadd.s32 $0xFFFFC000  }
0xaf: {  	[spmem:s2] =	stream.indirect.scatter.add.f32 [tilespmem:s17], [sflag:$0x4], $0x80, s7, s11, $0xb8;
	[tilespmem:$0x1F400] =	vst v63  }
0xb0: {  	_ =	swait.ge [sflag:s22], $0x4000  }
0xb1: {  	[sflag:s22] =	ssyncset.done $0x0  }
0xb2: {  	[sflag:s22] =	ssyncadd.s32 $0xFFFFC000  }
0xb3: {  	_ =	swait.ge [sflag:s15], $0x80  }
0xb4: {  	[sflag:s15] =	ssyncset.done $0x0  }
0xb5: {  	[sflag:s15] =	ssyncadd.s32 $0xFFFFFF80  }
0xb6: {  	_ =	swait.ge [sflag:s16], $0x80  }
0xb7: {  	[sflag:s16] =	ssyncset.done $0x0  }
0xb8: {  	[sflag:s16] =	ssyncadd.s32 $0xFFFFFF80  }
0xb9: {  	[tilespmem:s12], [sflag:$0x1] =	stream.indirect.gather [hbm4b:s1+s11], $0x80, s11, s11, $0xb8;
	[tilespmem:$0x1F400] =	vst v63  }
0xba: {  	v2 =	vld [tilespmem:$0x180];
	_ =	sdelay $0x7  }
0xbb: {  	[tilespmem:v2+s18+$0x0] =	vst.idx.add.f32.msk $0xffff, v1  }
0xbc: {  	v2 =	vld [tilespmem:$0x190];
	_ =	sdelay $0x7  }
0xbd: {  	[tilespmem:v2+s18+$0x0] =	vst.idx.add.f32.msk $0xffff, v1  }
0xbe: {  	v2 =	vld [tilespmem:$0x1A0];
	_ =	sdelay $0x7  }
0xbf: {  	[tilespmem:v2+s18+$0x0] =	vst.idx.add.f32.msk $0xffff, v1  }
0xc0: {  	v2 =	vld [tilespmem:$0x1B0];
	_ =	sdelay $0x7  }
0xc1: {  	[tilespmem:v2+s18+$0x0] =	vst.idx.add.f32.msk $0xffff, v1  }
0xc2: {  	v2 =	vld [tilespmem:$0x1C0];
	_ =	sdelay $0x7  }
0xc3: {  	[tilespmem:v2+s18+$0x0] =	vst.idx.add.f32.msk $0xffff, v1  }
0xc4: {  	v2 =	vld [tilespmem:$0x1D0];
	_ =	sdelay $0x7  }
0xc5: {  	[tilespmem:v2+s18+$0x0] =	vst.idx.add.f32.msk $0xffff, v1  }
0xc6: {  	v2 =	vld [tilespmem:$0x1E0];
	_ =	sdelay $0x7  }
0xc7: {  	[tilespmem:v2+s18+$0x0] =	vst.idx.add.f32.msk $0xffff, v1  }
0xc8: {  	v2 =	vld [tilespmem:$0x1F0];
	_ =	sdelay $0x7  }
0xc9: {  	s29 =	rddreg [dreg:$0x16];
	[tilespmem:v2+s18+$0x0] =	vst.idx.add.f32.msk $0xffff, v1  }
0xca: {  	[tilespmem:s19], [sflag:$0x7] =	stream.linear.gather [hbm4b:s29+s28], $0x80, $0x38;
	[tilespmem:$0x1F400] =	vst v63  }
0xcb: {  	s29 =	rddreg [dreg:$0x17]  }
0xcc: {  	[tilespmem:s20], [sflag:$0xA] =	stream.linear.gather [hbm4b:s29+s28], $0x80, $0x38;
	[tilespmem:$0x1F400] =	vst v63  }
0xcd: {  	_ =	swait.ge [sflag:s14], $0x4000  }
0xce: {  	[sflag:s14] =	ssyncset.done $0x0  }
0xcf: {  	[sflag:s14] =	ssyncadd.s32 $0xFFFFC000  }
0xd0: {  	[spmem:s2] =	stream.indirect.scatter.add.f32 [tilespmem:s12], [sflag:$0x3], $0x80, s13, s11, $0xb8;
	[tilespmem:$0x1F400] =	vst v63  }
0xd1: {  	_ =	swait.ge [sflag:s25], $0x4000  }
0xd2: {  	[sflag:s25] =	ssyncset.done $0x0  }
0xd3: {  	[sflag:s25] =	ssyncadd.s32 $0xFFFFC000  }
0xd4: {  	_ =	swait.ge [sflag:s23], $0x80  }
0xd5: {  	[sflag:s23] =	ssyncset.done $0x0  }
0xd6: {  	[sflag:s23] =	ssyncadd.s32 $0xFFFFFF80  }
0xd7: {  	_ =	swait.ge [sflag:s24], $0x80  }
0xd8: {  	[sflag:s24] =	ssyncset.done $0x0  }
0xd9: {  	[sflag:s24] =	ssyncadd.s32 $0xFFFFFF80  }
0xda: {  	[tilespmem:s17], [sflag:$0x2] =	stream.indirect.gather [hbm4b:s1+s11], $0x80, s19, s11, $0xb8;
	[tilespmem:$0x1F400] =	vst v63  }
0xdb: {  	v2 =	vld [tilespmem:$0x200];
	_ =	sdelay $0x7  }
0xdc: {  	[tilespmem:v2+s18+$0x0] =	vst.idx.add.f32.msk $0xffff, v1  }
0xdd: {  	v2 =	vld [tilespmem:$0x210];
	_ =	sdelay $0x7  }
0xde: {  	[tilespmem:v2+s18+$0x0] =	vst.idx.add.f32.msk $0xffff, v1  }
0xdf: {  	v2 =	vld [tilespmem:$0x220];
	_ =	sdelay $0x7  }
0xe0: {  	[tilespmem:v2+s18+$0x0] =	vst.idx.add.f32.msk $0xffff, v1  }
0xe1: {  	v2 =	vld [tilespmem:$0x230];
	_ =	sdelay $0x7  }
0xe2: {  	[tilespmem:v2+s18+$0x0] =	vst.idx.add.f32.msk $0xffff, v1  }
0xe3: {  	v2 =	vld [tilespmem:$0x240];
	_ =	sdelay $0x7  }
0xe4: {  	[tilespmem:v2+s18+$0x0] =	vst.idx.add.f32.msk $0xffff, v1  }
0xe5: {  	v2 =	vld [tilespmem:$0x250];
	_ =	sdelay $0x7  }
0xe6: {  	[tilespmem:v2+s18+$0x0] =	vst.idx.add.f32.msk $0xffff, v1  }
0xe7: {  	v2 =	vld [tilespmem:$0x260];
	_ =	sdelay $0x7  }
0xe8: {  	[tilespmem:v2+s18+$0x0] =	vst.idx.add.f32.msk $0xffff, v1  }
0xe9: {  	v2 =	vld [tilespmem:$0x270];
	_ =	sdelay $0x7  }
0xea: {  	s29 =	rddreg [dreg:$0x18];
	[tilespmem:v2+s18+$0x0] =	vst.idx.add.f32.msk $0xffff, v1  }
0xeb: {  	[tilespmem:s28], [sflag:$0x5] =	stream.linear.gather [hbm4b:s29+s28], $0x80, $0x38;
	[tilespmem:$0x1F400] =	vst v63  }
0xec: {  	s29 =	rddreg [dreg:$0x19]  }
0xed: {  	[tilespmem:s7], [sflag:$0x8] =	stream.linear.gather [hbm4b:s29+s28], $0x80, $0x38;
	[tilespmem:$0x1F400] =	vst v63  }
0xee: {  	_ =	swait.ge [sflag:s21], $0x4000  }
0xef: {  	[sflag:s21] =	ssyncset.done $0x0  }
0xf0: {  	[sflag:s21] =	ssyncadd.s32 $0xFFFFC000  }
0xf1: {  	[spmem:s2] =	stream.indirect.scatter.add.f32 [tilespmem:s17], [sflag:$0x4], $0x80, s20, s11, $0xb8;
	[tilespmem:$0x1F400] =	vst v63  }
0xf2: {  	_ =	swait.ge [sflag:s22], $0x4000  }
0xf3: {  	[sflag:s22] =	ssyncset.done $0x0  }
0xf4: {  	[sflag:s22] =	ssyncadd.s32 $0xFFFFC000  }
0xf5: {  	_ =	swait.ge [sflag:s8], $0x80  }
0xf6: {  	[sflag:s8] =	ssyncset.done $0x0  }
0xf7: {  	[sflag:s8] =	ssyncadd.s32 $0xFFFFFF80  }
0xf8: {  	_ =	swait.ge [sflag:s10], $0x80  }
0xf9: {  	[sflag:s10] =	ssyncset.done $0x0  }
0xfa: {  	[sflag:s10] =	ssyncadd.s32 $0xFFFFFF80  }
0xfb: {  	[tilespmem:s12], [sflag:$0x1] =	stream.indirect.gather [hbm4b:s1+s11], $0x80, s28, s11, $0xb8;
	[tilespmem:$0x1F400] =	vst v63  }
0xfc: {  	v2 =	vld [tilespmem:$0x280];
	_ =	sdelay $0x7  }
0xfd: {  	[tilespmem:v2+s18+$0x0] =	vst.idx.add.f32.msk $0xffff, v1  }
0xfe: {  	v2 =	vld [tilespmem:$0x290];
	_ =	sdelay $0x7  }
0xff: {  	[tilespmem:v2+s18+$0x0] =	vst.idx.add.f32.msk $0xffff, v1  }
0x100: {  	v2 =	vld [tilespmem:$0x2A0];
	_ =	sdelay $0x7  }
0x101: {  	[tilespmem:v2+s18+$0x0] =	vst.idx.add.f32.msk $0xffff, v1  }
0x102: {  	v2 =	vld [tilespmem:$0x2B0];
	_ =	sdelay $0x7  }
0x103: {  	[tilespmem:v2+s18+$0x0] =	vst.idx.add.f32.msk $0xffff, v1  }
0x104: {  	v2 =	vld [tilespmem:$0x2C0];
	_ =	sdelay $0x7  }
0x105: {  	[tilespmem:v2+s18+$0x0] =	vst.idx.add.f32.msk $0xffff, v1  }
0x106: {  	v2 =	vld [tilespmem:$0x2D0];
	_ =	sdelay $0x7  }
0x107: {  	[tilespmem:v2+s18+$0x0] =	vst.idx.add.f32.msk $0xffff, v1  }
0x108: {  	v2 =	vld [tilespmem:$0x2E0];
	_ =	sdelay $0x7  }
0x109: {  	[tilespmem:v2+s18+$0x0] =	vst.idx.add.f32.msk $0xffff, v1  }
0x10a: {  	v2 =	vld [tilespmem:$0x2F0];
	_ =	sdelay $0x7  }
0x10b: {  	s29 =	rddreg [dreg:$0x1c];
	[tilespmem:v2+s18+$0x0] =	vst.idx.add.f32.msk $0xffff, v1  }
0x10c: {  	[tilespmem:s11], [sflag:$0x6] =	stream.linear.gather [hbm4b:s29+s28], $0x80, $0x38;
	[tilespmem:$0x1F400] =	vst v63  }
0x10d: {  	s29 =	rddreg [dreg:$0x1d]  }
0x10e: {  	[tilespmem:s13], [sflag:$0x9] =	stream.linear.gather [hbm4b:s29+s28], $0x80, $0x38;
	[tilespmem:$0x1F400] =	vst v63  }
0x10f: {  	s29 =	sld [smem:$0x7FD]  }
.LBB2_4:
0x110: {  	_ =	swait.ge [sflag:s14], $0x4000  }
0x111: {  	[sflag:s14] =	ssyncset.done $0x0  }
0x112: {  	[sflag:s14] =	ssyncadd.s32 $0xFFFFC000  }
0x113: {  	[spmem:s2] =	stream.indirect.scatter.add.f32 [tilespmem:s12], [sflag:$0x3], $0x80, s7, s11, $0xb8;
	[tilespmem:$0x1F400] =	vst v63  }
0x114: {  	_ =	swait.ge [sflag:s25], $0x4000  }
0x115: {  	[sflag:s25] =	ssyncset.done $0x0  }
0x116: {  	[sflag:s25] =	ssyncadd.s32 $0xFFFFC000  }
0x117: {  	_ =	swait.ge [sflag:s15], $0x80  }
0x118: {  	[sflag:s15] =	ssyncset.done $0x0  }
0x119: {  	[sflag:s15] =	ssyncadd.s32 $0xFFFFFF80  }
0x11a: {  	_ =	swait.ge [sflag:s16], $0x80  }
0x11b: {  	[sflag:s16] =	ssyncset.done $0x0  }
0x11c: {  	[sflag:s16] =	ssyncadd.s32 $0xFFFFFF80  }
0x11d: {  	[tilespmem:s17], [sflag:$0x2] =	stream.indirect.gather [hbm4b:s1+s11], $0x80, s11, s11, $0xb8;
	[tilespmem:$0x1F400] =	vst v63  }
0x11e: {  	v2 =	vld [tilespmem:$0x180];
	_ =	sdelay $0x7  }
0x11f: {  	[tilespmem:v2+s18+$0x0] =	vst.idx.add.f32.msk $0xffff, v1  }
0x120: {  	v2 =	vld [tilespmem:$0x190];
	_ =	sdelay $0x7  }
0x121: {  	[tilespmem:v2+s18+$0x0] =	vst.idx.add.f32.msk $0xffff, v1  }
0x122: {  	v2 =	vld [tilespmem:$0x1A0];
	_ =	sdelay $0x7  }
0x123: {  	[tilespmem:v2+s18+$0x0] =	vst.idx.add.f32.msk $0xffff, v1  }
0x124: {  	v2 =	vld [tilespmem:$0x1B0];
	_ =	sdelay $0x7  }
0x125: {  	[tilespmem:v2+s18+$0x0] =	vst.idx.add.f32.msk $0xffff, v1  }
0x126: {  	v2 =	vld [tilespmem:$0x1C0];
	_ =	sdelay $0x7  }
0x127: {  	[tilespmem:v2+s18+$0x0] =	vst.idx.add.f32.msk $0xffff, v1  }
0x128: {  	v2 =	vld [tilespmem:$0x1D0];
	_ =	sdelay $0x7  }
0x129: {  	[tilespmem:v2+s18+$0x0] =	vst.idx.add.f32.msk $0xffff, v1  }
0x12a: {  	v2 =	vld [tilespmem:$0x1E0];
	_ =	sdelay $0x7  }
0x12b: {  	[tilespmem:v2+s18+$0x0] =	vst.idx.add.f32.msk $0xffff, v1  }
0x12c: {  	v2 =	vld [tilespmem:$0x1F0];
	_ =	sdelay $0x6  }
0x12d: {  	s30 =	rddreg [dreg:$0xb]  }
0x12e: {  	s31 =	rddreg [dreg:$0xa];
	s30 =	sadd.s32 s28, s30;
	[tilespmem:v2+s18+$0x0] =	vst.idx.add.f32.msk $0xffff, v1  }
0x12f: {  	[tilespmem:s19], [sflag:$0x7] =	stream.linear.gather [hbm4b:s30+s3], $0x80, $0x38;
	[tilespmem:$0x1F400] =	vst v63  }
0x130: {  	s31 =	sadd.s32 s28, s31  }
0x131: {  	[tilespmem:s20], [sflag:$0xA] =	stream.linear.gather [hbm4b:s31+s3], $0x80, $0x38;
	[tilespmem:$0x1F400] =	vst v63  }
0x132: {  	_ =	swait.ge [sflag:s21], $0x4000  }
0x133: {  	[sflag:s21] =	ssyncset.done $0x0  }
0x134: {  	[sflag:s21] =	ssyncadd.s32 $0xFFFFC000  }
0x135: {  	[spmem:s2] =	stream.indirect.scatter.add.f32 [tilespmem:s17], [sflag:$0x4], $0x80, s13, s11, $0xb8;
	[tilespmem:$0x1F400] =	vst v63  }
0x136: {  	_ =	swait.ge [sflag:s22], $0x4000  }
0x137: {  	[sflag:s22] =	ssyncset.done $0x0  }
0x138: {  	[sflag:s22] =	ssyncadd.s32 $0xFFFFC000  }
0x139: {  	_ =	swait.ge [sflag:s23], $0x80  }
0x13a: {  	[sflag:s23] =	ssyncset.done $0x0  }
0x13b: {  	[sflag:s23] =	ssyncadd.s32 $0xFFFFFF80  }
0x13c: {  	_ =	swait.ge [sflag:s24], $0x80  }
0x13d: {  	[sflag:s24] =	ssyncset.done $0x0  }
0x13e: {  	[sflag:s24] =	ssyncadd.s32 $0xFFFFFF80  }
0x13f: {  	[tilespmem:s12], [sflag:$0x1] =	stream.indirect.gather [hbm4b:s1+s11], $0x80, s19, s11, $0xb8;
	[tilespmem:$0x1F400] =	vst v63  }
0x140: {  	v2 =	vld [tilespmem:$0x200];
	_ =	sdelay $0x7  }
0x141: {  	[tilespmem:v2+s18+$0x0] =	vst.idx.add.f32.msk $0xffff, v1  }
0x142: {  	v2 =	vld [tilespmem:$0x210];
	_ =	sdelay $0x7  }
0x143: {  	[tilespmem:v2+s18+$0x0] =	vst.idx.add.f32.msk $0xffff, v1  }
0x144: {  	v2 =	vld [tilespmem:$0x220];
	_ =	sdelay $0x7  }
0x145: {  	[tilespmem:v2+s18+$0x0] =	vst.idx.add.f32.msk $0xffff, v1  }
0x146: {  	v2 =	vld [tilespmem:$0x230];
	_ =	sdelay $0x7  }
0x147: {  	[tilespmem:v2+s18+$0x0] =	vst.idx.add.f32.msk $0xffff, v1  }
0x148: {  	v2 =	vld [tilespmem:$0x240];
	_ =	sdelay $0x7  }
0x149: {  	[tilespmem:v2+s18+$0x0] =	vst.idx.add.f32.msk $0xffff, v1  }
0x14a: {  	v2 =	vld [tilespmem:$0x250];
	_ =	sdelay $0x7  }
0x14b: {  	[tilespmem:v2+s18+$0x0] =	vst.idx.add.f32.msk $0xffff, v1  }
0x14c: {  	v2 =	vld [tilespmem:$0x260];
	_ =	sdelay $0x7  }
0x14d: {  	[tilespmem:v2+s18+$0x0] =	vst.idx.add.f32.msk $0xffff, v1  }
0x14e: {  	v2 =	vld [tilespmem:$0x270];
	_ =	sdelay $0x6  }
0x14f: {  	s30 =	rddreg [dreg:$0x9]  }
0x150: {  	s31 =	rddreg [dreg:$0x8];
	s30 =	sadd.s32 s28, s30;
	[tilespmem:v2+s18+$0x0] =	vst.idx.add.f32.msk $0xffff, v1  }
0x151: {  	[tilespmem:s3], [sflag:$0x5] =	stream.linear.gather [hbm4b:s30+s3], $0x80, $0x38;
	[tilespmem:$0x1F400] =	vst v63  }
0x152: {  	s31 =	sadd.s32 s28, s31  }
0x153: {  	[tilespmem:s7], [sflag:$0x8] =	stream.linear.gather [hbm4b:s31+s3], $0x80, $0x38;
	[tilespmem:$0x1F400] =	vst v63  }
0x154: {  	_ =	swait.ge [sflag:s14], $0x4000  }
0x155: {  	[sflag:s14] =	ssyncset.done $0x0  }
0x156: {  	[sflag:s14] =	ssyncadd.s32 $0xFFFFC000  }
0x157: {  	[spmem:s2] =	stream.indirect.scatter.add.f32 [tilespmem:s12], [sflag:$0x3], $0x80, s20, s11, $0xb8;
	[tilespmem:$0x1F400] =	vst v63  }
0x158: {  	_ =	swait.ge [sflag:s25], $0x4000  }
0x159: {  	[sflag:s25] =	ssyncset.done $0x0  }
0x15a: {  	[sflag:s25] =	ssyncadd.s32 $0xFFFFC000  }
0x15b: {  	_ =	swait.ge [sflag:s8], $0x80  }
0x15c: {  	[sflag:s8] =	ssyncset.done $0x0  }
0x15d: {  	[sflag:s8] =	ssyncadd.s32 $0xFFFFFF80  }
0x15e: {  	_ =	swait.ge [sflag:s10], $0x80  }
0x15f: {  	[sflag:s10] =	ssyncset.done $0x0  }
0x160: {  	[sflag:s10] =	ssyncadd.s32 $0xFFFFFF80  }
0x161: {  	[tilespmem:s17], [sflag:$0x2] =	stream.indirect.gather [hbm4b:s1+s11], $0x80, s3, s11, $0xb8;
	[tilespmem:$0x1F400] =	vst v63  }
0x162: {  	v2 =	vld [tilespmem:$0x280];
	_ =	sdelay $0x7  }
0x163: {  	[tilespmem:v2+s18+$0x0] =	vst.idx.add.f32.msk $0xffff, v1  }
0x164: {  	v2 =	vld [tilespmem:$0x290];
	_ =	sdelay $0x7  }
0x165: {  	[tilespmem:v2+s18+$0x0] =	vst.idx.add.f32.msk $0xffff, v1  }
0x166: {  	v2 =	vld [tilespmem:$0x2A0];
	_ =	sdelay $0x7  }
0x167: {  	[tilespmem:v2+s18+$0x0] =	vst.idx.add.f32.msk $0xffff, v1  }
0x168: {  	v2 =	vld [tilespmem:$0x2B0];
	_ =	sdelay $0x7  }
0x169: {  	[tilespmem:v2+s18+$0x0] =	vst.idx.add.f32.msk $0xffff, v1  }
0x16a: {  	v2 =	vld [tilespmem:$0x2C0];
	_ =	sdelay $0x7  }
0x16b: {  	[tilespmem:v2+s18+$0x0] =	vst.idx.add.f32.msk $0xffff, v1  }
0x16c: {  	v2 =	vld [tilespmem:$0x2D0];
	_ =	sdelay $0x7  }
0x16d: {  	[tilespmem:v2+s18+$0x0] =	vst.idx.add.f32.msk $0xffff, v1  }
0x16e: {  	v2 =	vld [tilespmem:$0x2E0];
	_ =	sdelay $0x7  }
0x16f: {  	[tilespmem:v2+s18+$0x0] =	vst.idx.add.f32.msk $0xffff, v1  }
0x170: {  	v2 =	vld [tilespmem:$0x2F0];
	_ =	sdelay $0x6  }
0x171: {  	s30 =	rddreg [dreg:$0x7]  }
0x172: {  	s31 =	rddreg [dreg:$0x6];
	s30 =	sadd.s32 s28, s30;
	[tilespmem:v2+s18+$0x0] =	vst.idx.add.f32.msk $0xffff, v1  }
0x173: {  	[tilespmem:s11], [sflag:$0x6] =	stream.linear.gather [hbm4b:s30+s3], $0x80, $0x38;
	[tilespmem:$0x1F400] =	vst v63  }
0x174: {  	s31 =	sadd.s32 s28, s31  }
0x175: {  	[tilespmem:s13], [sflag:$0x9] =	stream.linear.gather [hbm4b:s31+s3], $0x80, $0x38;
	[tilespmem:$0x1F400] =	vst v63  }
0x176: {  	_ =	swait.ge [sflag:s21], $0x4000  }
0x177: {  	[sflag:s21] =	ssyncset.done $0x0  }
0x178: {  	[sflag:s21] =	ssyncadd.s32 $0xFFFFC000  }
0x179: {  	[spmem:s2] =	stream.indirect.scatter.add.f32 [tilespmem:s17], [sflag:$0x4], $0x80, s7, s11, $0xb8;
	[tilespmem:$0x1F400] =	vst v63  }
0x17a: {  	_ =	swait.ge [sflag:s22], $0x4000  }
0x17b: {  	[sflag:s22] =	ssyncset.done $0x0  }
0x17c: {  	[sflag:s22] =	ssyncadd.s32 $0xFFFFC000  }
0x17d: {  	_ =	swait.ge [sflag:s15], $0x80  }
0x17e: {  	[sflag:s15] =	ssyncset.done $0x0  }
0x17f: {  	[sflag:s15] =	ssyncadd.s32 $0xFFFFFF80  }
0x180: {  	_ =	swait.ge [sflag:s16], $0x80  }
0x181: {  	[sflag:s16] =	ssyncset.done $0x0  }
0x182: {  	[sflag:s16] =	ssyncadd.s32 $0xFFFFFF80  }
0x183: {  	[tilespmem:s12], [sflag:$0x1] =	stream.indirect.gather [hbm4b:s1+s11], $0x80, s11, s11, $0xb8;
	[tilespmem:$0x1F400] =	vst v63  }
0x184: {  	v2 =	vld [tilespmem:$0x180];
	_ =	sdelay $0x7  }
0x185: {  	[tilespmem:v2+s18+$0x0] =	vst.idx.add.f32.msk $0xffff, v1  }
0x186: {  	v2 =	vld [tilespmem:$0x190];
	_ =	sdelay $0x7  }
0x187: {  	[tilespmem:v2+s18+$0x0] =	vst.idx.add.f32.msk $0xffff, v1  }
0x188: {  	v2 =	vld [tilespmem:$0x1A0];
	_ =	sdelay $0x7  }
0x189: {  	[tilespmem:v2+s18+$0x0] =	vst.idx.add.f32.msk $0xffff, v1  }
0x18a: {  	v2 =	vld [tilespmem:$0x1B0];
	_ =	sdelay $0x7  }
0x18b: {  	[tilespmem:v2+s18+$0x0] =	vst.idx.add.f32.msk $0xffff, v1  }
0x18c: {  	v2 =	vld [tilespmem:$0x1C0];
	_ =	sdelay $0x7  }
0x18d: {  	[tilespmem:v2+s18+$0x0] =	vst.idx.add.f32.msk $0xffff, v1  }
0x18e: {  	v2 =	vld [tilespmem:$0x1D0];
	_ =	sdelay $0x7  }
0x18f: {  	[tilespmem:v2+s18+$0x0] =	vst.idx.add.f32.msk $0xffff, v1  }
0x190: {  	v2 =	vld [tilespmem:$0x1E0];
	_ =	sdelay $0x7  }
0x191: {  	[tilespmem:v2+s18+$0x0] =	vst.idx.add.f32.msk $0xffff, v1  }
0x192: {  	v2 =	vld [tilespmem:$0x1F0];
	_ =	sdelay $0x6  }
0x193: {  	s30 =	rddreg [dreg:$0x5]  }
0x194: {  	s31 =	rddreg [dreg:$0x4];
	s30 =	sadd.s32 s28, s30;
	[tilespmem:v2+s18+$0x0] =	vst.idx.add.f32.msk $0xffff, v1  }
0x195: {  	[tilespmem:s19], [sflag:$0x7] =	stream.linear.gather [hbm4b:s30+s3], $0x80, $0x38;
	[tilespmem:$0x1F400] =	vst v63  }
0x196: {  	s31 =	sadd.s32 s28, s31  }
0x197: {  	[tilespmem:s20], [sflag:$0xA] =	stream.linear.gather [hbm4b:s31+s3], $0x80, $0x38;
	[tilespmem:$0x1F400] =	vst v63  }
0x198: {  	_ =	swait.ge [sflag:s14], $0x4000  }
0x199: {  	[sflag:s14] =	ssyncset.done $0x0  }
0x19a: {  	[sflag:s14] =	ssyncadd.s32 $0xFFFFC000  }
0x19b: {  	[spmem:s2] =	stream.indirect.scatter.add.f32 [tilespmem:s12], [sflag:$0x3], $0x80, s13, s11, $0xb8;
	[tilespmem:$0x1F400] =	vst v63  }
0x19c: {  	_ =	swait.ge [sflag:s25], $0x4000  }
0x19d: {  	[sflag:s25] =	ssyncset.done $0x0  }
0x19e: {  	[sflag:s25] =	ssyncadd.s32 $0xFFFFC000  }
0x19f: {  	_ =	swait.ge [sflag:s23], $0x80  }
0x1a0: {  	[sflag:s23] =	ssyncset.done $0x0  }
0x1a1: {  	[sflag:s23] =	ssyncadd.s32 $0xFFFFFF80  }
0x1a2: {  	_ =	swait.ge [sflag:s24], $0x80  }
0x1a3: {  	[sflag:s24] =	ssyncset.done $0x0  }
0x1a4: {  	[sflag:s24] =	ssyncadd.s32 $0xFFFFFF80  }
0x1a5: {  	[tilespmem:s17], [sflag:$0x2] =	stream.indirect.gather [hbm4b:s1+s11], $0x80, s19, s11, $0xb8;
	[tilespmem:$0x1F400] =	vst v63  }
0x1a6: {  	v2 =	vld [tilespmem:$0x200];
	_ =	sdelay $0x7  }
0x1a7: {  	[tilespmem:v2+s18+$0x0] =	vst.idx.add.f32.msk $0xffff, v1  }
0x1a8: {  	v2 =	vld [tilespmem:$0x210];
	_ =	sdelay $0x7  }
0x1a9: {  	[tilespmem:v2+s18+$0x0] =	vst.idx.add.f32.msk $0xffff, v1  }
0x1aa: {  	v2 =	vld [tilespmem:$0x220];
	_ =	sdelay $0x7  }
0x1ab: {  	[tilespmem:v2+s18+$0x0] =	vst.idx.add.f32.msk $0xffff, v1  }
0x1ac: {  	v2 =	vld [tilespmem:$0x230];
	_ =	sdelay $0x7  }
0x1ad: {  	[tilespmem:v2+s18+$0x0] =	vst.idx.add.f32.msk $0xffff, v1  }
0x1ae: {  	v2 =	vld [tilespmem:$0x240];
	_ =	sdelay $0x7  }
0x1af: {  	[tilespmem:v2+s18+$0x0] =	vst.idx.add.f32.msk $0xffff, v1  }
0x1b0: {  	v2 =	vld [tilespmem:$0x250];
	_ =	sdelay $0x7  }
0x1b1: {  	[tilespmem:v2+s18+$0x0] =	vst.idx.add.f32.msk $0xffff, v1  }
0x1b2: {  	v2 =	vld [tilespmem:$0x260];
	_ =	sdelay $0x7  }
0x1b3: {  	[tilespmem:v2+s18+$0x0] =	vst.idx.add.f32.msk $0xffff, v1  }
0x1b4: {  	v2 =	vld [tilespmem:$0x270];
	_ =	sdelay $0x3  }
0x1b5: {  	s30 =	sadd.s32 $0xFFFFFF80, s29  }
0x1b6: {  	p0 =	slt.s32 s30, $0x4E180  }
0x1b7: {  	s30 =	simm.s32 @!p0 $0x4E180  }
0x1b8: {  	s30 =	sshrl.u32 s30, $0x3  }
0x1b9: {  	s31 =	sadd.s32 s5, s30;
	[tilespmem:v2+s18+$0x0] =	vst.idx.add.f32.msk $0xffff, v1  }
0x1ba: {  	[tilespmem:s3], [sflag:$0x5] =	stream.linear.gather [hbm4b:s31+s3], $0x80, $0x38;
	[tilespmem:$0x1F400] =	vst v63  }
0x1bb: {  	s30 =	sadd.s32 s6, s30  }
0x1bc: {  	[tilespmem:s7], [sflag:$0x8] =	stream.linear.gather [hbm4b:s30+s3], $0x80, $0x38;
	[tilespmem:$0x1F400] =	vst v63  }
0x1bd: {  	_ =	swait.ge [sflag:s21], $0x4000  }
0x1be: {  	[sflag:s21] =	ssyncset.done $0x0  }
0x1bf: {  	[sflag:s21] =	ssyncadd.s32 $0xFFFFC000  }
0x1c0: {  	[spmem:s2] =	stream.indirect.scatter.add.f32 [tilespmem:s17], [sflag:$0x4], $0x80, s20, s11, $0xb8;
	[tilespmem:$0x1F400] =	vst v63  }
0x1c1: {  	_ =	swait.ge [sflag:s22], $0x4000  }
0x1c2: {  	[sflag:s22] =	ssyncset.done $0x0  }
0x1c3: {  	[sflag:s22] =	ssyncadd.s32 $0xFFFFC000  }
0x1c4: {  	_ =	swait.ge [sflag:s8], $0x80  }
0x1c5: {  	[sflag:s8] =	ssyncset.done $0x0  }
0x1c6: {  	[sflag:s8] =	ssyncadd.s32 $0xFFFFFF80  }
0x1c7: {  	_ =	swait.ge [sflag:s10], $0x80  }
0x1c8: {  	[sflag:s10] =	ssyncset.done $0x0  }
0x1c9: {  	[sflag:s10] =	ssyncadd.s32 $0xFFFFFF80  }
0x1ca: {  	[tilespmem:s12], [sflag:$0x1] =	stream.indirect.gather [hbm4b:s1+s11], $0x80, s3, s11, $0xb8;
	[tilespmem:$0x1F400] =	vst v63  }
0x1cb: {  	v2 =	vld [tilespmem:$0x280];
	_ =	sdelay $0x7  }
0x1cc: {  	[tilespmem:v2+s18+$0x0] =	vst.idx.add.f32.msk $0xffff, v1  }
0x1cd: {  	v2 =	vld [tilespmem:$0x290];
	_ =	sdelay $0x7  }
0x1ce: {  	[tilespmem:v2+s18+$0x0] =	vst.idx.add.f32.msk $0xffff, v1  }
0x1cf: {  	v2 =	vld [tilespmem:$0x2A0];
	_ =	sdelay $0x7  }
0x1d0: {  	[tilespmem:v2+s18+$0x0] =	vst.idx.add.f32.msk $0xffff, v1  }
0x1d1: {  	v2 =	vld [tilespmem:$0x2B0];
	_ =	sdelay $0x7  }
0x1d2: {  	[tilespmem:v2+s18+$0x0] =	vst.idx.add.f32.msk $0xffff, v1  }
0x1d3: {  	v2 =	vld [tilespmem:$0x2C0];
	_ =	sdelay $0x7  }
0x1d4: {  	[tilespmem:v2+s18+$0x0] =	vst.idx.add.f32.msk $0xffff, v1  }
0x1d5: {  	v2 =	vld [tilespmem:$0x2D0];
	_ =	sdelay $0x7  }
0x1d6: {  	[tilespmem:v2+s18+$0x0] =	vst.idx.add.f32.msk $0xffff, v1  }
0x1d7: {  	v2 =	vld [tilespmem:$0x2E0];
	_ =	sdelay $0x7  }
0x1d8: {  	[tilespmem:v2+s18+$0x0] =	vst.idx.add.f32.msk $0xffff, v1  }
0x1d9: {  	v2 =	vld [tilespmem:$0x2F0];
	_ =	sdelay $0x4  }
0x1da: {  	p0 =	slt.s32 s29, $0x4E180  }
0x1db: {  	s30 =	sadd.s32 $0x300, s29;
	s29 =	simm.s32 @!p0 $0x4E180  }
0x1dc: {  	p0 =	sne.s32 s28, $0x420;
	s29 =	sshrl.u32 s29, $0x3  }
.Ltmp1:
0x1dd: {  	s31 =	sadd.s32 s5, s29;
	[tilespmem:v2+s18+$0x0] =	vst.idx.add.f32.msk $0xffff, v1;
	(pc) =	sbr.rel @p0 .LBB2_4-.Ltmp1, $4  }
0x1de: {  	[tilespmem:s11], [sflag:$0x6] =	stream.linear.gather [hbm4b:s31+s3], $0x80, $0x38;
	[tilespmem:$0x1F400] =	vst v63  }
0x1df: {  	s29 =	sadd.s32 s6, s29  }
0x1e0: {  	[tilespmem:s13], [sflag:$0x9] =	stream.linear.gather [hbm4b:s29+s3], $0x80, $0x38;
	[tilespmem:$0x1F400] =	vst v63  }
0x1e1: {  	s28 =	sadd.s32 $0x60, s28;
	s29 =	smov.u32 s30  }
0x1e2: {  	_ =	swait.ge [sflag:s14], $0x4000  }
0x1e3: {  	[sflag:s14] =	ssyncset.done $0x0  }
0x1e4: {  	[sflag:s14] =	ssyncadd.s32 $0xFFFFC000  }
0x1e5: {  	_ =	swait.ge [sflag:s25], $0x4000  }
0x1e6: {  	[sflag:s25] =	ssyncset.done $0x0  }
0x1e7: {  	[sflag:s25] =	ssyncadd.s32 $0xFFFFC000  }
0x1e8: {  	_ =	swait.ge [sflag:s15], $0x80  }
0x1e9: {  	[sflag:s15] =	ssyncset.done $0x0  }
0x1ea: {  	[sflag:s15] =	ssyncadd.s32 $0xFFFFFF80  }
0x1eb: {  	_ =	swait.ge [sflag:s16], $0x80  }
0x1ec: {  	[sflag:s16] =	ssyncset.done $0x0  }
0x1ed: {  	s29 =	simm.s32 $0x8300;
	s28 =	rddreg [dreg:$0x1e];
	[sflag:s16] =	ssyncadd.s32 $0xFFFFFF80  }
0x1ee: {  	[tilespmem:s29], [sflag:$0xC] =	stream.linear.gather [hbm4b:s28+s3], $0x10, $0x38;
	[tilespmem:$0x1F400] =	vst v63  }
0x1ef: {  	_ =	swait.ge [sflag:s4], $0x10  }
0x1f0: {  	[sflag:s4] =	ssyncset.done $0x0  }
0x1f1: {  	s30 =	simm.s32 $0x8380;
	s31 =	rddreg [dreg:$0x1f];
	[sflag:s4] =	ssyncadd.s32 $0xFFFFFFF0  }
0x1f2: {  	[tilespmem:s30], [sflag:$0xC] =	stream.linear.gather [hbm4b:s31+s3], $0x10, $0x38;
	[tilespmem:$0x1F400] =	vst v63  }
0x1f3: {  	_ =	swait.ge [sflag:s4], $0x10  }
0x1f4: {  	[sflag:s4] =	ssyncset.done $0x0  }
0x1f5: {  	s28 =	simm.s32 $0x10;
	s31 =	simm.s32 $0x8400;
	[sflag:s4] =	ssyncadd.s32 $0xFFFFFFF0  }
0x1f6: {  	[tilespmem:s31], [sflag:$0xB] =	stream.indirect.gather [hbm4b:s1+s28], $0x80, s29, s28, $0xb8;
	[tilespmem:$0x1F400] =	vst v63  }
0x1f7: {  	s29 =	simm.s32 $0xB  }
0x1f8: {  	_ =	swait.ge [sflag:s29], $0x800  }
0x1f9: {  	[sflag:s29] =	ssyncset.done $0x0  }
0x1fa: {  	[sflag:s29] =	ssyncadd.s32 $0xFFFFF800  }
0x1fb: {  	[spmem:s2] =	stream.indirect.scatter.add.f32 [tilespmem:s31], [sflag:$0xC], $0x80, s30, s28, $0xb8;
	[tilespmem:$0x1F400] =	vst v63  }
0x1fc: {  	_ =	swait.ge [sflag:s4], $0x800  }
0x1fd: {  	[sflag:s4] =	ssyncset.done $0x0  }
0x1fe: {  	[sflag:s4] =	ssyncadd.s32 $0xFFFFF800  }
0x1ff: {  	v2 =	vld [tilespmem:$0x8380];
	_ =	sdelay $0x7  }
0x200: {  	[tilespmem:v2+s18+$0x0] =	vst.idx.add.f32.msk $0xffff, v1  }
0x201: {  	[bflag:$0x0] =	sbarrier.arrive $0xFFFF  }
0x202: {  	s31 =	sld [smem:$0x7FA];
	_ =	sdelay $0x2  }
0x203: {  	[hbm:s31], [sflag:s9] =	dma.local [spmem:s26], $0x2800  }
0x204: {  	_ =	swait.ge [sflag:s4], $0x2800  }
0x205: {  	s29 =	sld [smem:$0x7FB]  }
0x206: {  	[sflag:s4] =	ssyncset.done $0x0  }
0x207: {  	s30 =	simm.s32 $0x400;
	[sflag:s4] =	ssyncadd.s32 $0xFFFFD800  }
0x208: {  	[hbm4b:s29+s11] =	stream.strided.scatter [tilespmem:s18], [sflag:$0xC], $0x2800, s30, s11, $0x38;
	[tilespmem:$0x1F400] =	vst v63  }
0x209: {  	_ =	swait.ge [sflag:s4], $0x2800  }
0x20a: {  	s31 =	sld [smem:$0x7FC];
	_ =	sdelay $0x1  }
0x20b: {  	s0 =	sadd.s32 $0x1, s0  }
0x20c: {  	p0 =	sne.s32 s0, s31  }
.Ltmp2:
0x20d: {  	_ = 	snop;
	(pc) =	sbr.rel @p0 .LBB2_1-.Ltmp2, $3  }
0x20e: {  	_ =	sdelay $0x1  }
0x20f: {  	[sflag:s4] =	ssyncset.done $0x0  }
0x210: {  	[sflag:s4] =	ssyncadd.s32 $0xFFFFD800  }
0x211: {  	_ =	sfence.sel $0x180000  }
0x212: {  	[bflag:$0x0] =	sbarrier.arrive $0xFFFF  }
0x213: {  	_ =	strace $0x90000047  }
0x214: {  	s0 =	stileid.u32;
	[bflag:$0x2] =	sbarrier.arrive $0xFFFF  }
0x215: {  	p0 =	sne.s32 s0, $0x0;
	s0 =	rddreg [dreg:$0x3]  }
0x216: {  	s0 =	sadd.s32 @!p0 $0x100000, s0  }
0x217: {  	[sflag:s0] =	ssyncadd.tile.s32 @!p0 $0x1;
	_ =	shalt  }
.Lfunc_end2:
_tile_overlayer_lowered:
.L_overlay_start_2:
0x218: {  	(tag) =	ssettag $0x2  }
0x219: {  	s0 =	rddreg [dreg:$0x0];
	s2 =	stileid.u32  }
0x21a: {  	s1 =	rddreg [dreg:$0x1];
	p0 =	sne.s32 s2, $0x0  }
0x21b: {  	s3 =	rddreg [dreg:$0x2];
	[bflag:$0x3] =	sbarrier.arrive $0xFFFF;
	s2 =	simm.s32 @!p0 $0x1C0C  }
0x21c: {  	[timem:s3], [sflag:s2] =	dma.local @!p0 [hbm:s0], s1  }
0x21d: {  	s0 =	simm.s32 @!p0 $0xC  }
0x21e: {  	_ =	swait.ge @!p0 [sflag:s0], s1  }
0x21f: {  	s1 =	ssub.s32 @!p0 $0x0, s1;
	[sflag:s0] =	ssyncset.done @!p0 $0x0  }
0x220: {  	[sflag:s0] =	ssyncadd.s32 @!p0 s1  }
0x221: {  	[bflag:$0x3] =	sbarrier.arrive $0xFFFF  }
0x222: {  	_ =	shalt  }

</sc_bundles>
